<compile_context>
chip_gen: v7x
topology: tpu7x:2x2x1
jax: 0.10.2.dev20260603
libtpu: 0.0.44.dev20260713+nightly
codegen_flags: <defaults>
</compile_context>

<pallas_src>
import functools

import jax
import jax.numpy as jnp
from jax import lax
from jax.experimental import pallas as pl
from jax.experimental.pallas import tpu as pltpu
from jax.experimental.pallas import tpu_sc as plsc

B = 128
D = 128
NS = 16
RPW = B // NS
NCH = D // 16
MARGIN_ = 1.0

_mesh = plsc.VectorSubcoreMesh(core_axis_name="c", subcore_axis_name="s",
                               num_cores=1)


@functools.partial(
    pl.kernel,
    out_type=jax.ShapeDtypeStruct((16,), jnp.float32),
    mesh=_mesh,
    compiler_params=pltpu.CompilerParams(needs_layout_passes=False,
                                         use_tc_tiling_on_sc=False,
                                         disable_bounds_checks=True,
                                         disable_semaphore_checks=True),
    scratch_types=[
        pltpu.VMEM((B,), jnp.int32),
        pltpu.VMEM((B,), jnp.int32),
        pltpu.VMEM((B,), jnp.int32),
        pltpu.VMEM((B,), jnp.int32),
        pltpu.VMEM((B,), jnp.int32),
        pltpu.VMEM((3 * RPW, D), jnp.float32),
        pltpu.VMEM((2 * RPW, D), jnp.float32),
        pltpu.VMEM((32,), jnp.int32),
        pltpu.VMEM((16,), jnp.int32),
        pltpu.VMEM((RPW * NCH, 16), jnp.float32),
        pltpu.VMEM((RPW * NCH, 16), jnp.float32),
        pltpu.VMEM((B, 16), jnp.float32),
        pltpu.VMEM((B, 16), jnp.float32),
        pltpu.VMEM((B,), jnp.int32),
        pltpu.VMEM((B,), jnp.int32),
        pltpu.VMEM((RPW * NCH,), jnp.int32),
        pltpu.VMEM((RPW * NCH,), jnp.int32),
        pltpu.VMEM((2, 16), jnp.float32),
        pltpu.VMEM((NS, 2, 16), jnp.float32),
        pltpu.VMEM((16,), jnp.float32),
        pltpu.VMEM_SHARED((NS, 2, 16), jnp.float32),
        pltpu.SemaphoreType.DMA,
    ],
)
def _transh_sc(ph_hbm, prl_hbm, pt_hbm, nrl_hbm, nt_hbm,
               ent_tab, rel_tab, nrm_sub, out_hbm,
               idx_phf, idx_ptf, idx_ntf, idx_prf, idx_nrf,
               ent_rows, rel_rows, ent_idx, rel_idx,
               pnr, nnr, pnc, nnc, sub_p, sub_n,
               rsub_p, rsub_n, part_v, all_v, out_v, shared, sem):
    c = lax.axis_index("c")
    s = lax.axis_index("s")
    base = s * RPW
    blk = s // 2
    i_off = (s % 2) * RPW

    icps = [
        pltpu.async_copy(ph_hbm, idx_phf, sem),
        pltpu.async_copy(pt_hbm, idx_ptf, sem),
        pltpu.async_copy(nt_hbm, idx_ntf, sem),
        pltpu.async_copy(prl_hbm, idx_prf, sem),
        pltpu.async_copy(nrl_hbm, idx_nrf, sem),
    ]
    for cp in icps:
        cp.wait()

    iota16 = lax.iota(jnp.int32, 16)
    m8 = base + iota16 % RPW
    lo8 = iota16 < RPW
    ent_idx[pl.ds(0, 16)] = jnp.where(lo8, plsc.load_gather(idx_phf, [m8]),
                                      plsc.load_gather(idx_ptf, [m8]))
    ent_idx[pl.ds(16, 16)] = plsc.load_gather(idx_ntf, [m8])
    rel_idx[...] = jnp.where(lo8, plsc.load_gather(idx_prf, [m8]),
                             plsc.load_gather(idx_nrf, [m8]))
    cps = [
        pltpu.async_copy(ent_tab.at[ent_idx.at[pl.ds(0, 3 * RPW)]], ent_rows, sem),
        pltpu.async_copy(rel_tab.at[rel_idx], rel_rows, sem),
    ]

    for ch in range(NCH):
        sub_p[pl.ds(ch * 16, 16)] = idx_prf[pl.ds(ch * 16, 16)] * NCH + blk
        sub_n[pl.ds(ch * 16, 16)] = idx_nrf[pl.ds(ch * 16, 16)] * NCH + blk
    for q in range(RPW * NCH // 16):
        r_vec = base + (q * 16 + iota16) // NCH
        k_vec = (q * 16 + iota16) % NCH
        rsub_p[pl.ds(q * 16, 16)] = plsc.load_gather(idx_prf, [r_vec]) * NCH + k_vec
        rsub_n[pl.ds(q * 16, 16)] = plsc.load_gather(idx_nrf, [r_vec]) * NCH + k_vec

    cps += [
        pltpu.async_copy(nrm_sub.at[sub_p], pnc, sem),
        pltpu.async_copy(nrm_sub.at[sub_n], nnc, sem),
        pltpu.async_copy(nrm_sub.at[rsub_p], pnr, sem),
        pltpu.async_copy(nrm_sub.at[rsub_n], nnr, sem),
    ]
    for cp in cps:
        cp.wait()

    zero = jnp.zeros((16,), jnp.float32)
    accp = zero
    accn = zero
    for i_loc in range(RPW):
        i_vec = jnp.full((16,), i_off + i_loc, jnp.int32)
        for ch in range(NCH):
            col = ch * 16
            j_vec = col + iota16
            eh_v = ent_rows[i_loc, pl.ds(col, 16)]
            et_v = ent_rows[RPW + i_loc, pl.ds(col, 16)]
            ent_v = ent_rows[2 * RPW + i_loc, pl.ds(col, 16)]
            pr_v = rel_rows[i_loc, pl.ds(col, 16)]
            nr_v = rel_rows[RPW + i_loc, pl.ds(col, 16)]
            pn_row = pnr[i_loc * NCH + ch, :]
            nn_row = nnr[i_loc * NCH + ch, :]
            pnT = plsc.load_gather(pnc, [j_vec, i_vec])
            nnT = plsc.load_gather(nnc, [j_vec, i_vec])
            fp = 1.0 - pnT * pn_row
            fn = 1.0 - nnT * nn_row
            a_pos = (eh_v - et_v) * fp + pr_v
            a_neg = eh_v * fp - ent_v * fn + nr_v
            accp = accp + jnp.abs(a_pos)
            accn = accn + jnp.abs(a_neg)

    part_v[0, :] = accp
    part_v[1, :] = accn
    pltpu.sync_copy(part_v, shared.at[s])

    plsc.subcore_barrier()

    @pl.when(jnp.logical_and(c == 0, s == 0))
    def _():
        pltpu.sync_copy(shared, all_v)
        sp = zero
        sn = zero
        for w in range(NS):
            sp = sp + all_v[w, 0, :]
            sn = sn + all_v[w, 1, :]
        s_pos = jnp.sum(sp)
        s_neg = jnp.sum(sn)
        loss = jnp.maximum(0.0, s_neg * s_neg - s_pos * s_pos + MARGIN_)
        out_v[...] = jnp.full((16,), loss, jnp.float32)
        pltpu.sync_copy(out_v, out_hbm)


def kernel(pos_head, pos_rel, pos_tail, neg_head, neg_rel, neg_tail,
           entity_table, relation_table, normal_table):
    del neg_head
    out = _transh_sc(
        pos_head.astype(jnp.int32),
        pos_rel.astype(jnp.int32),
        pos_tail.astype(jnp.int32),
        neg_rel.astype(jnp.int32),
        neg_tail.astype(jnp.int32),
        entity_table,
        relation_table,
        normal_table.reshape(-1, 16),
    )
    return out[0]

# --- scband reference (transcript-rebuilt; emitter-appended) ---
"""Pipeline reference for scband-trans-h-52424370815677 (READ-ONLY COPY).

The authoritative reference and input builder live on the scoring server;
editing this copy changes nothing except your own understanding.
"""

import jax, jax.numpy as jnp
import numpy as np

NUM_ENTITIES = 100000
NUM_RELATIONS = 1000
EMBED_DIM = 128
BATCH = 128
MARGIN = 1.0


def setup_inputs(seed: int = 0) -> dict:
    key = jax.random.key(seed)
    ks = jax.random.split(key, 9)
    return {
        "pos_head": jax.random.randint(ks[0], (BATCH,), 0, NUM_ENTITIES),
        "pos_rel": jax.random.randint(ks[1], (BATCH,), 0, NUM_RELATIONS),
        "pos_tail": jax.random.randint(ks[2], (BATCH,), 0, NUM_ENTITIES),
        "neg_head": jax.random.randint(ks[3], (BATCH,), 0, NUM_ENTITIES),
        "neg_rel": jax.random.randint(ks[4], (BATCH,), 0, NUM_RELATIONS),
        "neg_tail": jax.random.randint(ks[5], (BATCH,), 0, NUM_ENTITIES),
        "entity_table": jax.random.normal(ks[6], (NUM_ENTITIES, EMBED_DIM), dtype=jnp.float32),
        "relation_table": jax.random.normal(ks[7], (NUM_RELATIONS, EMBED_DIM), dtype=jnp.float32),
        "normal_table": jax.random.normal(ks[8], (NUM_RELATIONS, EMBED_DIM), dtype=jnp.float32),
    }


def _project(entity_emb, normal_vec_emb):
    # faithful to the torch code, including the .T (works because BATCH == EMBED_DIM)
    return entity_emb - normal_vec_emb.T * entity_emb * normal_vec_emb


def _score(h_emb, r_emb, t_emb):
    # torch: -torch.sum(torch.abs(h + r - t)) ** 2  -> -(sum ** 2)
    return -jnp.sum(jnp.abs(h_emb + r_emb - t_emb)) ** 2


def reference(pos_head, pos_rel, pos_tail, neg_head, neg_rel, neg_tail,
              entity_table, relation_table, normal_table):
    pos_head_emb = jnp.take(entity_table, pos_head, axis=0)
    pos_rel_emb = jnp.take(relation_table, pos_rel, axis=0)
    pos_tail_emb = jnp.take(entity_table, pos_tail, axis=0)
    pos_normal_emb = jnp.take(normal_table, pos_rel, axis=0)
    neg_head_emb = jnp.take(entity_table, neg_head, axis=0)
    neg_rel_emb = jnp.take(relation_table, neg_rel, axis=0)
    neg_tail_emb = jnp.take(entity_table, neg_tail, axis=0)
    neg_normal_emb = jnp.take(normal_table, neg_rel, axis=0)

    proj_head_pos = _project(pos_head_emb, pos_normal_emb)
    proj_tail_pos = _project(pos_tail_emb, pos_normal_emb)
    proj_head_neg = _project(neg_head_emb, neg_normal_emb)
    proj_tail_neg = _project(neg_tail_emb, neg_normal_emb)

    # faithful to the original forward: neg_score reuses projected_head_pos
    pos_score = _score(proj_head_pos, pos_rel_emb, proj_tail_pos)
    neg_score = _score(proj_head_pos, neg_rel_emb, proj_tail_neg)

    # MarginRankingLoss(margin, size_average=False) with y = -1:
    # loss = sum(max(0, -y*(pos - neg) + margin)) = max(0, (pos - neg) + margin)
    loss = jnp.maximum(0.0, (pos_score - neg_score) + MARGIN)
    return loss

if __name__ == "__main__":
    import jax
    _d = setup_inputs()
    print(jax.jit(kernel)(*tuple(_d.values())))

</pallas_src>

<mosaic_0001>
#map = affine_map<(d0, d1) -> (0)>
#map1 = affine_map<(d0, d1) -> (0, 0)>
module attributes {stable_mosaic.version = 14 : i64} {
  func.func @_transh_sc(%arg0: i32, %arg1: i32, %arg2: memref<128xi32, #tpu.memory_space<hbm>>, %arg3: memref<128xi32, #tpu.memory_space<hbm>>, %arg4: memref<128xi32, #tpu.memory_space<hbm>>, %arg5: memref<128xi32, #tpu.memory_space<hbm>>, %arg6: memref<128xi32, #tpu.memory_space<hbm>>, %arg7: memref<100000x128xf32, #tpu.memory_space<hbm>>, %arg8: memref<1000x128xf32, #tpu.memory_space<hbm>>, %arg9: memref<8000x16xf32, #tpu.memory_space<hbm>>, %arg10: memref<16xf32, #tpu.memory_space<hbm>>, %arg11: memref<128xi32, #tpu.memory_space<vmem>>, %arg12: memref<128xi32, #tpu.memory_space<vmem>>, %arg13: memref<128xi32, #tpu.memory_space<vmem>>, %arg14: memref<128xi32, #tpu.memory_space<vmem>>, %arg15: memref<128xi32, #tpu.memory_space<vmem>>, %arg16: memref<24x128xf32, #tpu.memory_space<vmem>>, %arg17: memref<16x128xf32, #tpu.memory_space<vmem>>, %arg18: memref<32xi32, #tpu.memory_space<vmem>>, %arg19: memref<16xi32, #tpu.memory_space<vmem>>, %arg20: memref<64x16xf32, #tpu.memory_space<vmem>>, %arg21: memref<64x16xf32, #tpu.memory_space<vmem>>, %arg22: memref<128x16xf32, #tpu.memory_space<vmem>>, %arg23: memref<128x16xf32, #tpu.memory_space<vmem>>, %arg24: memref<128xi32, #tpu.memory_space<vmem>>, %arg25: memref<128xi32, #tpu.memory_space<vmem>>, %arg26: memref<64xi32, #tpu.memory_space<vmem>>, %arg27: memref<64xi32, #tpu.memory_space<vmem>>, %arg28: memref<2x16xf32, #tpu.memory_space<vmem>>, %arg29: memref<16x2x16xf32, #tpu.memory_space<vmem>>, %arg30: memref<16xf32, #tpu.memory_space<vmem>>, %arg31: memref<16x2x16xf32, #tpu.memory_space<vmem_shared>>, %arg32: memref<!tpu.dma_semaphore, #tpu.memory_space<semaphore_mem>>) attributes {dimension_semantics = [#tpu.dimension_semantics<core_parallel>, #tpu.dimension_semantics<subcore_parallel>], iteration_bounds = array<i64: 1, 16>, scalar_prefetch = 0 : i64, scratch_operands = 22 : i64, tpu.core_type = #tpu.core_type<sc_vector_subcore>, window_params = [{transform_indices = #map}, {transform_indices = #map}, {transform_indices = #map}, {transform_indices = #map}, {transform_indices = #map}, {transform_indices = #map1}, {transform_indices = #map1}, {transform_indices = #map1}, {transform_indices = #map}]} {
    %mul3A = arith.constant 8 : i32
    %mul3A_0 = arith.muli %arg1, %mul3A : i32
    %jit3A = arith.constant 2 : i32
    %div3A = arith.divsi %arg1, %jit3A : i32
    %sign3A = arith.constant 0 : i32
    %sign3A_1 = arith.cmpi sgt, %arg1, %sign3A : i32
    %sign3A_2 = arith.extui %sign3A_1 : i1 to i32
    %sign3A_3 = arith.constant 0 : i32
    %sign3A_4 = arith.cmpi slt, %arg1, %sign3A_3 : i32
    %sign3A_5 = arith.extui %sign3A_4 : i1 to i32
    %sign3A_6 = arith.subi %sign3A_2, %sign3A_5 : i32
    %sign3A_7 = arith.constant 0 : i32
    %sign3A_8 = arith.cmpi sgt, %jit3A, %sign3A_7 : i32
    %sign3A_9 = arith.extui %sign3A_8 : i1 to i32
    %sign3A_10 = arith.constant 0 : i32
    %sign3A_11 = arith.cmpi slt, %jit3A, %sign3A_10 : i32
    %sign3A_12 = arith.extui %sign3A_11 : i1 to i32
    %sign3A_13 = arith.subi %sign3A_9, %sign3A_12 : i32
    %ne3A = arith.cmpi ne, %sign3A_6, %sign3A_13 : i32
    %rem3A = arith.remsi %arg1, %jit3A : i32
    %ne3A_14 = arith.constant 0 : i32
    %ne3A_15 = arith.cmpi ne, %rem3A, %ne3A_14 : i32
    %and3A = arith.andi %ne3A, %ne3A_15 : i1
    %sub3A = arith.constant 1 : i32
    %sub3A_16 = arith.subi %div3A, %sub3A : i32
    %select_n3A = arith.select %and3A, %sub3A_16, %div3A : i32
    %jit3A_17 = arith.constant 2 : i32
    %eq3A = arith.constant 0 : i32
    %eq3A_18 = arith.cmpi eq, %jit3A_17, %eq3A : i32
    %jit3A_19 = arith.constant 1 : i32
    %select_n3A_20 = arith.select %eq3A_18, %jit3A_19, %jit3A_17 : i32
    %rem3A_21 = arith.remsi %arg1, %select_n3A_20 : i32
    %ne3A_22 = arith.constant 0 : i32
    %ne3A_23 = arith.cmpi ne, %rem3A_21, %ne3A_22 : i32
    %lt3A = arith.constant 0 : i32
    %lt3A_24 = arith.cmpi slt, %rem3A_21, %lt3A : i32
    %lt3A_25 = arith.constant 0 : i32
    %lt3A_26 = arith.cmpi slt, %select_n3A_20, %lt3A_25 : i32
    %ne3A_27 = arith.xori %lt3A_24, %lt3A_26 : i1
    %and3A_28 = arith.andi %ne3A_27, %ne3A_23 : i1
    %add3A = arith.addi %rem3A_21, %select_n3A_20 : i32
    %select_n3A_29 = arith.select %and3A_28, %add3A, %rem3A_21 : i32
    %mul3A_30 = arith.constant 8 : i32
    %mul3A_31 = arith.muli %select_n3A_29, %mul3A_30 : i32
    tpu.enqueue_dma source(%arg2 : memref<128xi32, #tpu.memory_space<hbm>>) target(%arg11 : memref<128xi32, #tpu.memory_space<vmem>>) target_semaphore(%arg32 : memref<!tpu.dma_semaphore, #tpu.memory_space<semaphore_mem>>)
    tpu.enqueue_dma source(%arg4 : memref<128xi32, #tpu.memory_space<hbm>>) target(%arg12 : memref<128xi32, #tpu.memory_space<vmem>>) target_semaphore(%arg32 : memref<!tpu.dma_semaphore, #tpu.memory_space<semaphore_mem>>)
    tpu.enqueue_dma source(%arg6 : memref<128xi32, #tpu.memory_space<hbm>>) target(%arg13 : memref<128xi32, #tpu.memory_space<vmem>>) target_semaphore(%arg32 : memref<!tpu.dma_semaphore, #tpu.memory_space<semaphore_mem>>)
    tpu.enqueue_dma source(%arg3 : memref<128xi32, #tpu.memory_space<hbm>>) target(%arg14 : memref<128xi32, #tpu.memory_space<vmem>>) target_semaphore(%arg32 : memref<!tpu.dma_semaphore, #tpu.memory_space<semaphore_mem>>)
    tpu.enqueue_dma source(%arg5 : memref<128xi32, #tpu.memory_space<hbm>>) target(%arg15 : memref<128xi32, #tpu.memory_space<vmem>>) target_semaphore(%arg32 : memref<!tpu.dma_semaphore, #tpu.memory_space<semaphore_mem>>)
    tpu.wait_dma2 semaphore(%arg32 : memref<!tpu.dma_semaphore, #tpu.memory_space<semaphore_mem>>) src(%arg2 : memref<128xi32, #tpu.memory_space<hbm>>) dst(%arg11 : memref<128xi32, #tpu.memory_space<vmem>>)
    tpu.wait_dma2 semaphore(%arg32 : memref<!tpu.dma_semaphore, #tpu.memory_space<semaphore_mem>>) src(%arg4 : memref<128xi32, #tpu.memory_space<hbm>>) dst(%arg12 : memref<128xi32, #tpu.memory_space<vmem>>)
    tpu.wait_dma2 semaphore(%arg32 : memref<!tpu.dma_semaphore, #tpu.memory_space<semaphore_mem>>) src(%arg6 : memref<128xi32, #tpu.memory_space<hbm>>) dst(%arg13 : memref<128xi32, #tpu.memory_space<vmem>>)
    tpu.wait_dma2 semaphore(%arg32 : memref<!tpu.dma_semaphore, #tpu.memory_space<semaphore_mem>>) src(%arg3 : memref<128xi32, #tpu.memory_space<hbm>>) dst(%arg14 : memref<128xi32, #tpu.memory_space<vmem>>)
    tpu.wait_dma2 semaphore(%arg32 : memref<!tpu.dma_semaphore, #tpu.memory_space<semaphore_mem>>) src(%arg5 : memref<128xi32, #tpu.memory_space<hbm>>) dst(%arg15 : memref<128xi32, #tpu.memory_space<vmem>>)
    %iota3A = tpu.iota {dimensions = array<i32: 0>} : vector<16xi32>
    %jit3A_32 = arith.constant 8 : i32
    %eq3A_33 = arith.constant 0 : i32
    %eq3A_34 = arith.cmpi eq, %jit3A_32, %eq3A_33 : i32
    %jit3A_35 = arith.constant 1 : i32
    %select_n3A_36 = arith.select %eq3A_34, %jit3A_35, %jit3A_32 : i32
    %rem3A_37 = vector.broadcast %select_n3A_36 : i32 to vector<16xi32>
    %rem3A_38 = arith.remsi %iota3A, %rem3A_37 : vector<16xi32>
    %ne3A_39 = arith.constant 0 : i32
    %ne3A_40 = vector.broadcast %ne3A_39 : i32 to vector<16xi32>
    %ne3A_41 = arith.cmpi ne, %rem3A_38, %ne3A_40 : vector<16xi32>
    %lt3A_42 = arith.constant 0 : i32
    %lt3A_43 = vector.broadcast %lt3A_42 : i32 to vector<16xi32>
    %lt3A_44 = arith.cmpi slt, %rem3A_38, %lt3A_43 : vector<16xi32>
    %lt3A_45 = arith.constant 0 : i32
    %lt3A_46 = arith.cmpi slt, %select_n3A_36, %lt3A_45 : i32
    %ne3A_47 = vector.broadcast %lt3A_46 : i1 to vector<16xi1>
    %ne3A_48 = vector.broadcast %ne3A_47 : vector<16xi1> to vector<16xi1>
    %ne3A_49 = arith.xori %lt3A_44, %ne3A_48 : vector<16xi1>
    %and3A_50 = arith.andi %ne3A_49, %ne3A_41 : vector<16xi1>
    %add3A_51 = vector.broadcast %select_n3A_36 : i32 to vector<16xi32>
    %add3A_52 = arith.addi %rem3A_38, %add3A_51 : vector<16xi32>
    %select_n3A_53 = arith.select %and3A_50, %add3A_52, %rem3A_38 : vector<16xi1>, vector<16xi32>
    %add3A_54 = vector.broadcast %mul3A_0 : i32 to vector<16xi32>
    %add3A_55 = arith.addi %add3A_54, %select_n3A_53 : vector<16xi32>
    %lt3A_56 = arith.constant 8 : i32
    %lt3A_57 = vector.broadcast %lt3A_56 : i32 to vector<16xi32>
    %lt3A_58 = arith.cmpi slt, %iota3A, %lt3A_57 : vector<16xi32>
    %gather3A = tpu.vector_load_idx %arg11[%add3A_55] : memref<128xi32, #tpu.memory_space<vmem>>[vector<16xi32>], vector<16xi32>,
    %gather3A_59 = tpu.vector_load_idx %arg12[%add3A_55] : memref<128xi32, #tpu.memory_space<vmem>>[vector<16xi32>], vector<16xi32>,
    %select_n3A_60 = arith.select %lt3A_58, %gather3A, %gather3A_59 : vector<16xi1>, vector<16xi32>
    %swap3A = arith.constant 0 : index
    %swap3A_61 = tpu.vector_load %arg18[%swap3A] {strides = array<i32>} : memref<32xi32, #tpu.memory_space<vmem>>, vector<16xi32>,
    tpu.vector_store %arg18[%swap3A], %select_n3A_60 {strides = array<i32>} : memref<32xi32, #tpu.memory_space<vmem>>, vector<16xi32>,
    %gather3A_62 = tpu.vector_load_idx %arg13[%add3A_55] : memref<128xi32, #tpu.memory_space<vmem>>[vector<16xi32>], vector<16xi32>,
    %swap3A_63 = arith.constant 16 : index
    %swap3A_64 = tpu.vector_load %arg18[%swap3A_63] {strides = array<i32>} : memref<32xi32, #tpu.memory_space<vmem>>, vector<16xi32>,
    tpu.vector_store %arg18[%swap3A_63], %gather3A_62 {strides = array<i32>} : memref<32xi32, #tpu.memory_space<vmem>>, vector<16xi32>,
    %gather3A_65 = tpu.vector_load_idx %arg14[%add3A_55] : memref<128xi32, #tpu.memory_space<vmem>>[vector<16xi32>], vector<16xi32>,
    %gather3A_66 = tpu.vector_load_idx %arg15[%add3A_55] : memref<128xi32, #tpu.memory_space<vmem>>[vector<16xi32>], vector<16xi32>,
    %select_n3A_67 = arith.select %lt3A_58, %gather3A_65, %gather3A_66 : vector<16xi1>, vector<16xi32>
    %swap3A_68 = arith.constant 0 : index
    %swap3A_69 = tpu.vector_load %arg19[%swap3A_68] {strides = array<i32>} : memref<16xi32, #tpu.memory_space<vmem>>, vector<16xi32>,
    tpu.vector_store %arg19[%swap3A_68], %select_n3A_67 {strides = array<i32>} : memref<16xi32, #tpu.memory_space<vmem>>, vector<16xi32>,
    %dma_start3A = arith.constant 0 : i32
    %dma_start3A_70 = tpu.memref_slice %arg18[%dma_start3A] : memref<32xi32, #tpu.memory_space<vmem>> -> memref<24xi32, #tpu.memory_space<vmem>>
    %dma_start3A_71 = arith.constant 0 : i32
    %dma_start3A_72 = arith.constant 0 : i32
    %dma_start3A_73 = tpu.memref_slice %arg7[%dma_start3A_71, %dma_start3A_72] : memref<100000x128xf32, #tpu.memory_space<hbm>> -> memref<100000x128xf32, #tpu.memory_space<hbm>>
    tpu.enqueue_indirect_dma source(%dma_start3A_73 : memref<100000x128xf32, #tpu.memory_space<hbm>>) target(%arg16 : memref<24x128xf32, #tpu.memory_space<vmem>>) offsets(%dma_start3A_70 : memref<24xi32, #tpu.memory_space<vmem>>) semaphore(%arg32 : memref<!tpu.dma_semaphore, #tpu.memory_space<semaphore_mem>>)
    %dma_start3A_74 = arith.constant 0 : i32
    %dma_start3A_75 = arith.constant 0 : i32
    %dma_start3A_76 = tpu.memref_slice %arg8[%dma_start3A_74, %dma_start3A_75] : memref<1000x128xf32, #tpu.memory_space<hbm>> -> memref<1000x128xf32, #tpu.memory_space<hbm>>
    tpu.enqueue_indirect_dma source(%dma_start3A_76 : memref<1000x128xf32, #tpu.memory_space<hbm>>) target(%arg17 : memref<16x128xf32, #tpu.memory_space<vmem>>) offsets(%arg19 : memref<16xi32, #tpu.memory_space<vmem>>) semaphore(%arg32 : memref<!tpu.dma_semaphore, #tpu.memory_space<semaphore_mem>>)
    %get3A = arith.constant 0 : index
    %get3A_77 = tpu.vector_load %arg14[%get3A] {strides = array<i32>} : memref<128xi32, #tpu.memory_space<vmem>>, vector<16xi32>,
    %mul3A_78 = arith.constant 8 : i32
    %mul3A_79 = vector.broadcast %mul3A_78 : i32 to vector<16xi32>
    %mul3A_80 = arith.muli %get3A_77, %mul3A_79 : vector<16xi32>
    %add3A_81 = vector.broadcast %select_n3A : i32 to vector<16xi32>
    %add3A_82 = arith.addi %mul3A_80, %add3A_81 : vector<16xi32>
    %swap3A_83 = arith.constant 0 : index
    %swap3A_84 = tpu.vector_load %arg24[%swap3A_83] {strides = array<i32>} : memref<128xi32, #tpu.memory_space<vmem>>, vector<16xi32>,
    tpu.vector_store %arg24[%swap3A_83], %add3A_82 {strides = array<i32>} : memref<128xi32, #tpu.memory_space<vmem>>, vector<16xi32>,
    %get3A_85 = arith.constant 0 : index
    %get3A_86 = tpu.vector_load %arg15[%get3A_85] {strides = array<i32>} : memref<128xi32, #tpu.memory_space<vmem>>, vector<16xi32>,
    %mul3A_87 = arith.constant 8 : i32
    %mul3A_88 = vector.broadcast %mul3A_87 : i32 to vector<16xi32>
    %mul3A_89 = arith.muli %get3A_86, %mul3A_88 : vector<16xi32>
    %add3A_90 = vector.broadcast %select_n3A : i32 to vector<16xi32>
    %add3A_91 = arith.addi %mul3A_89, %add3A_90 : vector<16xi32>
    %swap3A_92 = arith.constant 0 : index
    %swap3A_93 = tpu.vector_load %arg25[%swap3A_92] {strides = array<i32>} : memref<128xi32, #tpu.memory_space<vmem>>, vector<16xi32>,
    tpu.vector_store %arg25[%swap3A_92], %add3A_91 {strides = array<i32>} : memref<128xi32, #tpu.memory_space<vmem>>, vector<16xi32>,
    %get3A_94 = arith.constant 16 : index
    %get3A_95 = tpu.vector_load %arg14[%get3A_94] {strides = array<i32>} : memref<128xi32, #tpu.memory_space<vmem>>, vector<16xi32>,
    %mul3A_96 = arith.constant 8 : i32
    %mul3A_97 = vector.broadcast %mul3A_96 : i32 to vector<16xi32>
    %mul3A_98 = arith.muli %get3A_95, %mul3A_97 : vector<16xi32>
    %add3A_99 = vector.broadcast %select_n3A : i32 to vector<16xi32>
    %add3A_100 = arith.addi %mul3A_98, %add3A_99 : vector<16xi32>
    %swap3A_101 = arith.constant 16 : index
    %swap3A_102 = tpu.vector_load %arg24[%swap3A_101] {strides = array<i32>} : memref<128xi32, #tpu.memory_space<vmem>>, vector<16xi32>,
    tpu.vector_store %arg24[%swap3A_101], %add3A_100 {strides = array<i32>} : memref<128xi32, #tpu.memory_space<vmem>>, vector<16xi32>,
    %get3A_103 = arith.constant 16 : index
    %get3A_104 = tpu.vector_load %arg15[%get3A_103] {strides = array<i32>} : memref<128xi32, #tpu.memory_space<vmem>>, vector<16xi32>,
    %mul3A_105 = arith.constant 8 : i32
    %mul3A_106 = vector.broadcast %mul3A_105 : i32 to vector<16xi32>
    %mul3A_107 = arith.muli %get3A_104, %mul3A_106 : vector<16xi32>
    %add3A_108 = vector.broadcast %select_n3A : i32 to vector<16xi32>
    %add3A_109 = arith.addi %mul3A_107, %add3A_108 : vector<16xi32>
    %swap3A_110 = arith.constant 16 : index
    %swap3A_111 = tpu.vector_load %arg25[%swap3A_110] {strides = array<i32>} : memref<128xi32, #tpu.memory_space<vmem>>, vector<16xi32>,
    tpu.vector_store %arg25[%swap3A_110], %add3A_109 {strides = array<i32>} : memref<128xi32, #tpu.memory_space<vmem>>, vector<16xi32>,
    %get3A_112 = arith.constant 32 : index
    %get3A_113 = tpu.vector_load %arg14[%get3A_112] {strides = array<i32>} : memref<128xi32, #tpu.memory_space<vmem>>, vector<16xi32>,
    %mul3A_114 = arith.constant 8 : i32
    %mul3A_115 = vector.broadcast %mul3A_114 : i32 to vector<16xi32>
    %mul3A_116 = arith.muli %get3A_113, %mul3A_115 : vector<16xi32>
    %add3A_117 = vector.broadcast %select_n3A : i32 to vector<16xi32>
    %add3A_118 = arith.addi %mul3A_116, %add3A_117 : vector<16xi32>
    %swap3A_119 = arith.constant 32 : index
    %swap3A_120 = tpu.vector_load %arg24[%swap3A_119] {strides = array<i32>} : memref<128xi32, #tpu.memory_space<vmem>>, vector<16xi32>,
    tpu.vector_store %arg24[%swap3A_119], %add3A_118 {strides = array<i32>} : memref<128xi32, #tpu.memory_space<vmem>>, vector<16xi32>,
    %get3A_121 = arith.constant 32 : index
    %get3A_122 = tpu.vector_load %arg15[%get3A_121] {strides = array<i32>} : memref<128xi32, #tpu.memory_space<vmem>>, vector<16xi32>,
    %mul3A_123 = arith.constant 8 : i32
    %mul3A_124 = vector.broadcast %mul3A_123 : i32 to vector<16xi32>
    %mul3A_125 = arith.muli %get3A_122, %mul3A_124 : vector<16xi32>
    %add3A_126 = vector.broadcast %select_n3A : i32 to vector<16xi32>
    %add3A_127 = arith.addi %mul3A_125, %add3A_126 : vector<16xi32>
    %swap3A_128 = arith.constant 32 : index
    %swap3A_129 = tpu.vector_load %arg25[%swap3A_128] {strides = array<i32>} : memref<128xi32, #tpu.memory_space<vmem>>, vector<16xi32>,
    tpu.vector_store %arg25[%swap3A_128], %add3A_127 {strides = array<i32>} : memref<128xi32, #tpu.memory_space<vmem>>, vector<16xi32>,
    %get3A_130 = arith.constant 48 : index
    %get3A_131 = tpu.vector_load %arg14[%get3A_130] {strides = array<i32>} : memref<128xi32, #tpu.memory_space<vmem>>, vector<16xi32>,
    %mul3A_132 = arith.constant 8 : i32
    %mul3A_133 = vector.broadcast %mul3A_132 : i32 to vector<16xi32>
    %mul3A_134 = arith.muli %get3A_131, %mul3A_133 : vector<16xi32>
    %add3A_135 = vector.broadcast %select_n3A : i32 to vector<16xi32>
    %add3A_136 = arith.addi %mul3A_134, %add3A_135 : vector<16xi32>
    %swap3A_137 = arith.constant 48 : index
    %swap3A_138 = tpu.vector_load %arg24[%swap3A_137] {strides = array<i32>} : memref<128xi32, #tpu.memory_space<vmem>>, vector<16xi32>,
    tpu.vector_store %arg24[%swap3A_137], %add3A_136 {strides = array<i32>} : memref<128xi32, #tpu.memory_space<vmem>>, vector<16xi32>,
    %get3A_139 = arith.constant 48 : index
    %get3A_140 = tpu.vector_load %arg15[%get3A_139] {strides = array<i32>} : memref<128xi32, #tpu.memory_space<vmem>>, vector<16xi32>,
    %mul3A_141 = arith.constant 8 : i32
    %mul3A_142 = vector.broadcast %mul3A_141 : i32 to vector<16xi32>
    %mul3A_143 = arith.muli %get3A_140, %mul3A_142 : vector<16xi32>
    %add3A_144 = vector.broadcast %select_n3A : i32 to vector<16xi32>
    %add3A_145 = arith.addi %mul3A_143, %add3A_144 : vector<16xi32>
    %swap3A_146 = arith.constant 48 : index
    %swap3A_147 = tpu.vector_load %arg25[%swap3A_146] {strides = array<i32>} : memref<128xi32, #tpu.memory_space<vmem>>, vector<16xi32>,
    tpu.vector_store %arg25[%swap3A_146], %add3A_145 {strides = array<i32>} : memref<128xi32, #tpu.memory_space<vmem>>, vector<16xi32>,
    %get3A_148 = arith.constant 64 : index
    %get3A_149 = tpu.vector_load %arg14[%get3A_148] {strides = array<i32>} : memref<128xi32, #tpu.memory_space<vmem>>, vector<16xi32>,
    %mul3A_150 = arith.constant 8 : i32
    %mul3A_151 = vector.broadcast %mul3A_150 : i32 to vector<16xi32>
    %mul3A_152 = arith.muli %get3A_149, %mul3A_151 : vector<16xi32>
    %add3A_153 = vector.broadcast %select_n3A : i32 to vector<16xi32>
    %add3A_154 = arith.addi %mul3A_152, %add3A_153 : vector<16xi32>
    %swap3A_155 = arith.constant 64 : index
    %swap3A_156 = tpu.vector_load %arg24[%swap3A_155] {strides = array<i32>} : memref<128xi32, #tpu.memory_space<vmem>>, vector<16xi32>,
    tpu.vector_store %arg24[%swap3A_155], %add3A_154 {strides = array<i32>} : memref<128xi32, #tpu.memory_space<vmem>>, vector<16xi32>,
    %get3A_157 = arith.constant 64 : index
    %get3A_158 = tpu.vector_load %arg15[%get3A_157] {strides = array<i32>} : memref<128xi32, #tpu.memory_space<vmem>>, vector<16xi32>,
    %mul3A_159 = arith.constant 8 : i32
    %mul3A_160 = vector.broadcast %mul3A_159 : i32 to vector<16xi32>
    %mul3A_161 = arith.muli %get3A_158, %mul3A_160 : vector<16xi32>
    %add3A_162 = vector.broadcast %select_n3A : i32 to vector<16xi32>
    %add3A_163 = arith.addi %mul3A_161, %add3A_162 : vector<16xi32>
    %swap3A_164 = arith.constant 64 : index
    %swap3A_165 = tpu.vector_load %arg25[%swap3A_164] {strides = array<i32>} : memref<128xi32, #tpu.memory_space<vmem>>, vector<16xi32>,
    tpu.vector_store %arg25[%swap3A_164], %add3A_163 {strides = array<i32>} : memref<128xi32, #tpu.memory_space<vmem>>, vector<16xi32>,
    %get3A_166 = arith.constant 80 : index
    %get3A_167 = tpu.vector_load %arg14[%get3A_166] {strides = array<i32>} : memref<128xi32, #tpu.memory_space<vmem>>, vector<16xi32>,
    %mul3A_168 = arith.constant 8 : i32
    %mul3A_169 = vector.broadcast %mul3A_168 : i32 to vector<16xi32>
    %mul3A_170 = arith.muli %get3A_167, %mul3A_169 : vector<16xi32>
    %add3A_171 = vector.broadcast %select_n3A : i32 to vector<16xi32>
    %add3A_172 = arith.addi %mul3A_170, %add3A_171 : vector<16xi32>
    %swap3A_173 = arith.constant 80 : index
    %swap3A_174 = tpu.vector_load %arg24[%swap3A_173] {strides = array<i32>} : memref<128xi32, #tpu.memory_space<vmem>>, vector<16xi32>,
    tpu.vector_store %arg24[%swap3A_173], %add3A_172 {strides = array<i32>} : memref<128xi32, #tpu.memory_space<vmem>>, vector<16xi32>,
    %get3A_175 = arith.constant 80 : index
    %get3A_176 = tpu.vector_load %arg15[%get3A_175] {strides = array<i32>} : memref<128xi32, #tpu.memory_space<vmem>>, vector<16xi32>,
    %mul3A_177 = arith.constant 8 : i32
    %mul3A_178 = vector.broadcast %mul3A_177 : i32 to vector<16xi32>
    %mul3A_179 = arith.muli %get3A_176, %mul3A_178 : vector<16xi32>
    %add3A_180 = vector.broadcast %select_n3A : i32 to vector<16xi32>
    %add3A_181 = arith.addi %mul3A_179, %add3A_180 : vector<16xi32>
    %swap3A_182 = arith.constant 80 : index
    %swap3A_183 = tpu.vector_load %arg25[%swap3A_182] {strides = array<i32>} : memref<128xi32, #tpu.memory_space<vmem>>, vector<16xi32>,
    tpu.vector_store %arg25[%swap3A_182], %add3A_181 {strides = array<i32>} : memref<128xi32, #tpu.memory_space<vmem>>, vector<16xi32>,
    %get3A_184 = arith.constant 96 : index
    %get3A_185 = tpu.vector_load %arg14[%get3A_184] {strides = array<i32>} : memref<128xi32, #tpu.memory_space<vmem>>, vector<16xi32>,
    %mul3A_186 = arith.constant 8 : i32
    %mul3A_187 = vector.broadcast %mul3A_186 : i32 to vector<16xi32>
    %mul3A_188 = arith.muli %get3A_185, %mul3A_187 : vector<16xi32>
    %add3A_189 = vector.broadcast %select_n3A : i32 to vector<16xi32>
    %add3A_190 = arith.addi %mul3A_188, %add3A_189 : vector<16xi32>
    %swap3A_191 = arith.constant 96 : index
    %swap3A_192 = tpu.vector_load %arg24[%swap3A_191] {strides = array<i32>} : memref<128xi32, #tpu.memory_space<vmem>>, vector<16xi32>,
    tpu.vector_store %arg24[%swap3A_191], %add3A_190 {strides = array<i32>} : memref<128xi32, #tpu.memory_space<vmem>>, vector<16xi32>,
    %get3A_193 = arith.constant 96 : index
    %get3A_194 = tpu.vector_load %arg15[%get3A_193] {strides = array<i32>} : memref<128xi32, #tpu.memory_space<vmem>>, vector<16xi32>,
    %mul3A_195 = arith.constant 8 : i32
    %mul3A_196 = vector.broadcast %mul3A_195 : i32 to vector<16xi32>
    %mul3A_197 = arith.muli %get3A_194, %mul3A_196 : vector<16xi32>
    %add3A_198 = vector.broadcast %select_n3A : i32 to vector<16xi32>
    %add3A_199 = arith.addi %mul3A_197, %add3A_198 : vector<16xi32>
    %swap3A_200 = arith.constant 96 : index
    %swap3A_201 = tpu.vector_load %arg25[%swap3A_200] {strides = array<i32>} : memref<128xi32, #tpu.memory_space<vmem>>, vector<16xi32>,
    tpu.vector_store %arg25[%swap3A_200], %add3A_199 {strides = array<i32>} : memref<128xi32, #tpu.memory_space<vmem>>, vector<16xi32>,
    %get3A_202 = arith.constant 112 : index
    %get3A_203 = tpu.vector_load %arg14[%get3A_202] {strides = array<i32>} : memref<128xi32, #tpu.memory_space<vmem>>, vector<16xi32>,
    %mul3A_204 = arith.constant 8 : i32
    %mul3A_205 = vector.broadcast %mul3A_204 : i32 to vector<16xi32>
    %mul3A_206 = arith.muli %get3A_203, %mul3A_205 : vector<16xi32>
    %add3A_207 = vector.broadcast %select_n3A : i32 to vector<16xi32>
    %add3A_208 = arith.addi %mul3A_206, %add3A_207 : vector<16xi32>
    %swap3A_209 = arith.constant 112 : index
    %swap3A_210 = tpu.vector_load %arg24[%swap3A_209] {strides = array<i32>} : memref<128xi32, #tpu.memory_space<vmem>>, vector<16xi32>,
    tpu.vector_store %arg24[%swap3A_209], %add3A_208 {strides = array<i32>} : memref<128xi32, #tpu.memory_space<vmem>>, vector<16xi32>,
    %get3A_211 = arith.constant 112 : index
    %get3A_212 = tpu.vector_load %arg15[%get3A_211] {strides = array<i32>} : memref<128xi32, #tpu.memory_space<vmem>>, vector<16xi32>,
    %mul3A_213 = arith.constant 8 : i32
    %mul3A_214 = vector.broadcast %mul3A_213 : i32 to vector<16xi32>
    %mul3A_215 = arith.muli %get3A_212, %mul3A_214 : vector<16xi32>
    %add3A_216 = vector.broadcast %select_n3A : i32 to vector<16xi32>
    %add3A_217 = arith.addi %mul3A_215, %add3A_216 : vector<16xi32>
    %swap3A_218 = arith.constant 112 : index
    %swap3A_219 = tpu.vector_load %arg25[%swap3A_218] {strides = array<i32>} : memref<128xi32, #tpu.memory_space<vmem>>, vector<16xi32>,
    tpu.vector_store %arg25[%swap3A_218], %add3A_217 {strides = array<i32>} : memref<128xi32, #tpu.memory_space<vmem>>, vector<16xi32>,
    %add3A_220 = arith.constant 0 : i32
    %add3A_221 = vector.broadcast %add3A_220 : i32 to vector<16xi32>
    %add3A_222 = arith.addi %add3A_221, %iota3A : vector<16xi32>
    %jit3A_223 = arith.constant 8 : i32
    %div3A_224 = vector.broadcast %jit3A_223 : i32 to vector<16xi32>
    %div3A_225 = arith.divsi %add3A_222, %div3A_224 : vector<16xi32>
    %sign3A_226 = arith.constant 0 : i32
    %sign3A_227 = vector.broadcast %sign3A_226 : i32 to vector<16xi32>
    %sign3A_228 = arith.cmpi sgt, %add3A_222, %sign3A_227 : vector<16xi32>
    %sign3A_229 = arith.extui %sign3A_228 : vector<16xi1> to vector<16xi32>
    %sign3A_230 = arith.constant 0 : i32
    %sign3A_231 = vector.broadcast %sign3A_230 : i32 to vector<16xi32>
    %sign3A_232 = arith.cmpi slt, %add3A_222, %sign3A_231 : vector<16xi32>
    %sign3A_233 = arith.extui %sign3A_232 : vector<16xi1> to vector<16xi32>
    %sign3A_234 = arith.subi %sign3A_229, %sign3A_233 : vector<16xi32>
    %sign3A_235 = arith.constant 0 : i32
    %sign3A_236 = arith.cmpi sgt, %jit3A_223, %sign3A_235 : i32
    %sign3A_237 = arith.extui %sign3A_236 : i1 to i32
    %sign3A_238 = arith.constant 0 : i32
    %sign3A_239 = arith.cmpi slt, %jit3A_223, %sign3A_238 : i32
    %sign3A_240 = arith.extui %sign3A_239 : i1 to i32
    %sign3A_241 = arith.subi %sign3A_237, %sign3A_240 : i32
    %ne3A_242 = vector.broadcast %sign3A_241 : i32 to vector<16xi32>
    %ne3A_243 = arith.cmpi ne, %sign3A_234, %ne3A_242 : vector<16xi32>
    %rem3A_244 = vector.broadcast %jit3A_223 : i32 to vector<16xi32>
    %rem3A_245 = arith.remsi %add3A_222, %rem3A_244 : vector<16xi32>
    %ne3A_246 = arith.constant 0 : i32
    %ne3A_247 = vector.broadcast %ne3A_246 : i32 to vector<16xi32>
    %ne3A_248 = arith.cmpi ne, %rem3A_245, %ne3A_247 : vector<16xi32>
    %and3A_249 = arith.andi %ne3A_243, %ne3A_248 : vector<16xi1>
    %sub3A_250 = arith.constant 1 : i32
    %sub3A_251 = vector.broadcast %sub3A_250 : i32 to vector<16xi32>
    %sub3A_252 = arith.subi %div3A_225, %sub3A_251 : vector<16xi32>
    %select_n3A_253 = arith.select %and3A_249, %sub3A_252, %div3A_225 : vector<16xi1>, vector<16xi32>
    %add3A_254 = vector.broadcast %mul3A_0 : i32 to vector<16xi32>
    %add3A_255 = arith.addi %add3A_254, %select_n3A_253 : vector<16xi32>
    %add3A_256 = arith.constant 0 : i32
    %add3A_257 = vector.broadcast %add3A_256 : i32 to vector<16xi32>
    %add3A_258 = arith.addi %add3A_257, %iota3A : vector<16xi32>
    %jit3A_259 = arith.constant 8 : i32
    %eq3A_260 = arith.constant 0 : i32
    %eq3A_261 = arith.cmpi eq, %jit3A_259, %eq3A_260 : i32
    %jit3A_262 = arith.constant 1 : i32
    %select_n3A_263 = arith.select %eq3A_261, %jit3A_262, %jit3A_259 : i32
    %rem3A_264 = vector.broadcast %select_n3A_263 : i32 to vector<16xi32>
    %rem3A_265 = arith.remsi %add3A_258, %rem3A_264 : vector<16xi32>
    %ne3A_266 = arith.constant 0 : i32
    %ne3A_267 = vector.broadcast %ne3A_266 : i32 to vector<16xi32>
    %ne3A_268 = arith.cmpi ne, %rem3A_265, %ne3A_267 : vector<16xi32>
    %lt3A_269 = arith.constant 0 : i32
    %lt3A_270 = vector.broadcast %lt3A_269 : i32 to vector<16xi32>
    %lt3A_271 = arith.cmpi slt, %rem3A_265, %lt3A_270 : vector<16xi32>
    %lt3A_272 = arith.constant 0 : i32
    %lt3A_273 = arith.cmpi slt, %select_n3A_263, %lt3A_272 : i32
    %ne3A_274 = vector.broadcast %lt3A_273 : i1 to vector<16xi1>
    %ne3A_275 = vector.broadcast %ne3A_274 : vector<16xi1> to vector<16xi1>
    %ne3A_276 = arith.xori %lt3A_271, %ne3A_275 : vector<16xi1>
    %and3A_277 = arith.andi %ne3A_276, %ne3A_268 : vector<16xi1>
    %add3A_278 = vector.broadcast %select_n3A_263 : i32 to vector<16xi32>
    %add3A_279 = arith.addi %rem3A_265, %add3A_278 : vector<16xi32>
    %select_n3A_280 = arith.select %and3A_277, %add3A_279, %rem3A_265 : vector<16xi1>, vector<16xi32>
    %gather3A_281 = tpu.vector_load_idx %arg14[%add3A_255] : memref<128xi32, #tpu.memory_space<vmem>>[vector<16xi32>], vector<16xi32>,
    %mul3A_282 = arith.constant 8 : i32
    %mul3A_283 = vector.broadcast %mul3A_282 : i32 to vector<16xi32>
    %mul3A_284 = arith.muli %gather3A_281, %mul3A_283 : vector<16xi32>
    %add3A_285 = arith.addi %mul3A_284, %select_n3A_280 : vector<16xi32>
    %swap3A_286 = arith.constant 0 : index
    %swap3A_287 = tpu.vector_load %arg26[%swap3A_286] {strides = array<i32>} : memref<64xi32, #tpu.memory_space<vmem>>, vector<16xi32>,
    tpu.vector_store %arg26[%swap3A_286], %add3A_285 {strides = array<i32>} : memref<64xi32, #tpu.memory_space<vmem>>, vector<16xi32>,
    %gather3A_288 = tpu.vector_load_idx %arg15[%add3A_255] : memref<128xi32, #tpu.memory_space<vmem>>[vector<16xi32>], vector<16xi32>,
    %mul3A_289 = arith.constant 8 : i32
    %mul3A_290 = vector.broadcast %mul3A_289 : i32 to vector<16xi32>
    %mul3A_291 = arith.muli %gather3A_288, %mul3A_290 : vector<16xi32>
    %add3A_292 = arith.addi %mul3A_291, %select_n3A_280 : vector<16xi32>
    %swap3A_293 = arith.constant 0 : index
    %swap3A_294 = tpu.vector_load %arg27[%swap3A_293] {strides = array<i32>} : memref<64xi32, #tpu.memory_space<vmem>>, vector<16xi32>,
    tpu.vector_store %arg27[%swap3A_293], %add3A_292 {strides = array<i32>} : memref<64xi32, #tpu.memory_space<vmem>>, vector<16xi32>,
    %add3A_295 = arith.constant 16 : i32
    %add3A_296 = vector.broadcast %add3A_295 : i32 to vector<16xi32>
    %add3A_297 = arith.addi %add3A_296, %iota3A : vector<16xi32>
    %jit3A_298 = arith.constant 8 : i32
    %div3A_299 = vector.broadcast %jit3A_298 : i32 to vector<16xi32>
    %div3A_300 = arith.divsi %add3A_297, %div3A_299 : vector<16xi32>
    %sign3A_301 = arith.constant 0 : i32
    %sign3A_302 = vector.broadcast %sign3A_301 : i32 to vector<16xi32>
    %sign3A_303 = arith.cmpi sgt, %add3A_297, %sign3A_302 : vector<16xi32>
    %sign3A_304 = arith.extui %sign3A_303 : vector<16xi1> to vector<16xi32>
    %sign3A_305 = arith.constant 0 : i32
    %sign3A_306 = vector.broadcast %sign3A_305 : i32 to vector<16xi32>
    %sign3A_307 = arith.cmpi slt, %add3A_297, %sign3A_306 : vector<16xi32>
    %sign3A_308 = arith.extui %sign3A_307 : vector<16xi1> to vector<16xi32>
    %sign3A_309 = arith.subi %sign3A_304, %sign3A_308 : vector<16xi32>
    %sign3A_310 = arith.constant 0 : i32
    %sign3A_311 = arith.cmpi sgt, %jit3A_298, %sign3A_310 : i32
    %sign3A_312 = arith.extui %sign3A_311 : i1 to i32
    %sign3A_313 = arith.constant 0 : i32
    %sign3A_314 = arith.cmpi slt, %jit3A_298, %sign3A_313 : i32
    %sign3A_315 = arith.extui %sign3A_314 : i1 to i32
    %sign3A_316 = arith.subi %sign3A_312, %sign3A_315 : i32
    %ne3A_317 = vector.broadcast %sign3A_316 : i32 to vector<16xi32>
    %ne3A_318 = arith.cmpi ne, %sign3A_309, %ne3A_317 : vector<16xi32>
    %rem3A_319 = vector.broadcast %jit3A_298 : i32 to vector<16xi32>
    %rem3A_320 = arith.remsi %add3A_297, %rem3A_319 : vector<16xi32>
    %ne3A_321 = arith.constant 0 : i32
    %ne3A_322 = vector.broadcast %ne3A_321 : i32 to vector<16xi32>
    %ne3A_323 = arith.cmpi ne, %rem3A_320, %ne3A_322 : vector<16xi32>
    %and3A_324 = arith.andi %ne3A_318, %ne3A_323 : vector<16xi1>
    %sub3A_325 = arith.constant 1 : i32
    %sub3A_326 = vector.broadcast %sub3A_325 : i32 to vector<16xi32>
    %sub3A_327 = arith.subi %div3A_300, %sub3A_326 : vector<16xi32>
    %select_n3A_328 = arith.select %and3A_324, %sub3A_327, %div3A_300 : vector<16xi1>, vector<16xi32>
    %add3A_329 = vector.broadcast %mul3A_0 : i32 to vector<16xi32>
    %add3A_330 = arith.addi %add3A_329, %select_n3A_328 : vector<16xi32>
    %add3A_331 = arith.constant 16 : i32
    %add3A_332 = vector.broadcast %add3A_331 : i32 to vector<16xi32>
    %add3A_333 = arith.addi %add3A_332, %iota3A : vector<16xi32>
    %jit3A_334 = arith.constant 8 : i32
    %eq3A_335 = arith.constant 0 : i32
    %eq3A_336 = arith.cmpi eq, %jit3A_334, %eq3A_335 : i32
    %jit3A_337 = arith.constant 1 : i32
    %select_n3A_338 = arith.select %eq3A_336, %jit3A_337, %jit3A_334 : i32
    %rem3A_339 = vector.broadcast %select_n3A_338 : i32 to vector<16xi32>
    %rem3A_340 = arith.remsi %add3A_333, %rem3A_339 : vector<16xi32>
    %ne3A_341 = arith.constant 0 : i32
    %ne3A_342 = vector.broadcast %ne3A_341 : i32 to vector<16xi32>
    %ne3A_343 = arith.cmpi ne, %rem3A_340, %ne3A_342 : vector<16xi32>
    %lt3A_344 = arith.constant 0 : i32
    %lt3A_345 = vector.broadcast %lt3A_344 : i32 to vector<16xi32>
    %lt3A_346 = arith.cmpi slt, %rem3A_340, %lt3A_345 : vector<16xi32>
    %lt3A_347 = arith.constant 0 : i32
    %lt3A_348 = arith.cmpi slt, %select_n3A_338, %lt3A_347 : i32
    %ne3A_349 = vector.broadcast %lt3A_348 : i1 to vector<16xi1>
    %ne3A_350 = vector.broadcast %ne3A_349 : vector<16xi1> to vector<16xi1>
    %ne3A_351 = arith.xori %lt3A_346, %ne3A_350 : vector<16xi1>
    %and3A_352 = arith.andi %ne3A_351, %ne3A_343 : vector<16xi1>
    %add3A_353 = vector.broadcast %select_n3A_338 : i32 to vector<16xi32>
    %add3A_354 = arith.addi %rem3A_340, %add3A_353 : vector<16xi32>
    %select_n3A_355 = arith.select %and3A_352, %add3A_354, %rem3A_340 : vector<16xi1>, vector<16xi32>
    %gather3A_356 = tpu.vector_load_idx %arg14[%add3A_330] : memref<128xi32, #tpu.memory_space<vmem>>[vector<16xi32>], vector<16xi32>,
    %mul3A_357 = arith.constant 8 : i32
    %mul3A_358 = vector.broadcast %mul3A_357 : i32 to vector<16xi32>
    %mul3A_359 = arith.muli %gather3A_356, %mul3A_358 : vector<16xi32>
    %add3A_360 = arith.addi %mul3A_359, %select_n3A_355 : vector<16xi32>
    %swap3A_361 = arith.constant 16 : index
    %swap3A_362 = tpu.vector_load %arg26[%swap3A_361] {strides = array<i32>} : memref<64xi32, #tpu.memory_space<vmem>>, vector<16xi32>,
    tpu.vector_store %arg26[%swap3A_361], %add3A_360 {strides = array<i32>} : memref<64xi32, #tpu.memory_space<vmem>>, vector<16xi32>,
    %gather3A_363 = tpu.vector_load_idx %arg15[%add3A_330] : memref<128xi32, #tpu.memory_space<vmem>>[vector<16xi32>], vector<16xi32>,
    %mul3A_364 = arith.constant 8 : i32
    %mul3A_365 = vector.broadcast %mul3A_364 : i32 to vector<16xi32>
    %mul3A_366 = arith.muli %gather3A_363, %mul3A_365 : vector<16xi32>
    %add3A_367 = arith.addi %mul3A_366, %select_n3A_355 : vector<16xi32>
    %swap3A_368 = arith.constant 16 : index
    %swap3A_369 = tpu.vector_load %arg27[%swap3A_368] {strides = array<i32>} : memref<64xi32, #tpu.memory_space<vmem>>, vector<16xi32>,
    tpu.vector_store %arg27[%swap3A_368], %add3A_367 {strides = array<i32>} : memref<64xi32, #tpu.memory_space<vmem>>, vector<16xi32>,
    %add3A_370 = arith.constant 32 : i32
    %add3A_371 = vector.broadcast %add3A_370 : i32 to vector<16xi32>
    %add3A_372 = arith.addi %add3A_371, %iota3A : vector<16xi32>
    %jit3A_373 = arith.constant 8 : i32
    %div3A_374 = vector.broadcast %jit3A_373 : i32 to vector<16xi32>
    %div3A_375 = arith.divsi %add3A_372, %div3A_374 : vector<16xi32>
    %sign3A_376 = arith.constant 0 : i32
    %sign3A_377 = vector.broadcast %sign3A_376 : i32 to vector<16xi32>
    %sign3A_378 = arith.cmpi sgt, %add3A_372, %sign3A_377 : vector<16xi32>
    %sign3A_379 = arith.extui %sign3A_378 : vector<16xi1> to vector<16xi32>
    %sign3A_380 = arith.constant 0 : i32
    %sign3A_381 = vector.broadcast %sign3A_380 : i32 to vector<16xi32>
    %sign3A_382 = arith.cmpi slt, %add3A_372, %sign3A_381 : vector<16xi32>
    %sign3A_383 = arith.extui %sign3A_382 : vector<16xi1> to vector<16xi32>
    %sign3A_384 = arith.subi %sign3A_379, %sign3A_383 : vector<16xi32>
    %sign3A_385 = arith.constant 0 : i32
    %sign3A_386 = arith.cmpi sgt, %jit3A_373, %sign3A_385 : i32
    %sign3A_387 = arith.extui %sign3A_386 : i1 to i32
    %sign3A_388 = arith.constant 0 : i32
    %sign3A_389 = arith.cmpi slt, %jit3A_373, %sign3A_388 : i32
    %sign3A_390 = arith.extui %sign3A_389 : i1 to i32
    %sign3A_391 = arith.subi %sign3A_387, %sign3A_390 : i32
    %ne3A_392 = vector.broadcast %sign3A_391 : i32 to vector<16xi32>
    %ne3A_393 = arith.cmpi ne, %sign3A_384, %ne3A_392 : vector<16xi32>
    %rem3A_394 = vector.broadcast %jit3A_373 : i32 to vector<16xi32>
    %rem3A_395 = arith.remsi %add3A_372, %rem3A_394 : vector<16xi32>
    %ne3A_396 = arith.constant 0 : i32
    %ne3A_397 = vector.broadcast %ne3A_396 : i32 to vector<16xi32>
    %ne3A_398 = arith.cmpi ne, %rem3A_395, %ne3A_397 : vector<16xi32>
    %and3A_399 = arith.andi %ne3A_393, %ne3A_398 : vector<16xi1>
    %sub3A_400 = arith.constant 1 : i32
    %sub3A_401 = vector.broadcast %sub3A_400 : i32 to vector<16xi32>
    %sub3A_402 = arith.subi %div3A_375, %sub3A_401 : vector<16xi32>
    %select_n3A_403 = arith.select %and3A_399, %sub3A_402, %div3A_375 : vector<16xi1>, vector<16xi32>
    %add3A_404 = vector.broadcast %mul3A_0 : i32 to vector<16xi32>
    %add3A_405 = arith.addi %add3A_404, %select_n3A_403 : vector<16xi32>
    %add3A_406 = arith.constant 32 : i32
    %add3A_407 = vector.broadcast %add3A_406 : i32 to vector<16xi32>
    %add3A_408 = arith.addi %add3A_407, %iota3A : vector<16xi32>
    %jit3A_409 = arith.constant 8 : i32
    %eq3A_410 = arith.constant 0 : i32
    %eq3A_411 = arith.cmpi eq, %jit3A_409, %eq3A_410 : i32
    %jit3A_412 = arith.constant 1 : i32
    %select_n3A_413 = arith.select %eq3A_411, %jit3A_412, %jit3A_409 : i32
    %rem3A_414 = vector.broadcast %select_n3A_413 : i32 to vector<16xi32>
    %rem3A_415 = arith.remsi %add3A_408, %rem3A_414 : vector<16xi32>
    %ne3A_416 = arith.constant 0 : i32
    %ne3A_417 = vector.broadcast %ne3A_416 : i32 to vector<16xi32>
    %ne3A_418 = arith.cmpi ne, %rem3A_415, %ne3A_417 : vector<16xi32>
    %lt3A_419 = arith.constant 0 : i32
    %lt3A_420 = vector.broadcast %lt3A_419 : i32 to vector<16xi32>
    %lt3A_421 = arith.cmpi slt, %rem3A_415, %lt3A_420 : vector<16xi32>
    %lt3A_422 = arith.constant 0 : i32
    %lt3A_423 = arith.cmpi slt, %select_n3A_413, %lt3A_422 : i32
    %ne3A_424 = vector.broadcast %lt3A_423 : i1 to vector<16xi1>
    %ne3A_425 = vector.broadcast %ne3A_424 : vector<16xi1> to vector<16xi1>
    %ne3A_426 = arith.xori %lt3A_421, %ne3A_425 : vector<16xi1>
    %and3A_427 = arith.andi %ne3A_426, %ne3A_418 : vector<16xi1>
    %add3A_428 = vector.broadcast %select_n3A_413 : i32 to vector<16xi32>
    %add3A_429 = arith.addi %rem3A_415, %add3A_428 : vector<16xi32>
    %select_n3A_430 = arith.select %and3A_427, %add3A_429, %rem3A_415 : vector<16xi1>, vector<16xi32>
    %gather3A_431 = tpu.vector_load_idx %arg14[%add3A_405] : memref<128xi32, #tpu.memory_space<vmem>>[vector<16xi32>], vector<16xi32>,
    %mul3A_432 = arith.constant 8 : i32
    %mul3A_433 = vector.broadcast %mul3A_432 : i32 to vector<16xi32>
    %mul3A_434 = arith.muli %gather3A_431, %mul3A_433 : vector<16xi32>
    %add3A_435 = arith.addi %mul3A_434, %select_n3A_430 : vector<16xi32>
    %swap3A_436 = arith.constant 32 : index
    %swap3A_437 = tpu.vector_load %arg26[%swap3A_436] {strides = array<i32>} : memref<64xi32, #tpu.memory_space<vmem>>, vector<16xi32>,
    tpu.vector_store %arg26[%swap3A_436], %add3A_435 {strides = array<i32>} : memref<64xi32, #tpu.memory_space<vmem>>, vector<16xi32>,
    %gather3A_438 = tpu.vector_load_idx %arg15[%add3A_405] : memref<128xi32, #tpu.memory_space<vmem>>[vector<16xi32>], vector<16xi32>,
    %mul3A_439 = arith.constant 8 : i32
    %mul3A_440 = vector.broadcast %mul3A_439 : i32 to vector<16xi32>
    %mul3A_441 = arith.muli %gather3A_438, %mul3A_440 : vector<16xi32>
    %add3A_442 = arith.addi %mul3A_441, %select_n3A_430 : vector<16xi32>
    %swap3A_443 = arith.constant 32 : index
    %swap3A_444 = tpu.vector_load %arg27[%swap3A_443] {strides = array<i32>} : memref<64xi32, #tpu.memory_space<vmem>>, vector<16xi32>,
    tpu.vector_store %arg27[%swap3A_443], %add3A_442 {strides = array<i32>} : memref<64xi32, #tpu.memory_space<vmem>>, vector<16xi32>,
    %add3A_445 = arith.constant 48 : i32
    %add3A_446 = vector.broadcast %add3A_445 : i32 to vector<16xi32>
    %add3A_447 = arith.addi %add3A_446, %iota3A : vector<16xi32>
    %jit3A_448 = arith.constant 8 : i32
    %div3A_449 = vector.broadcast %jit3A_448 : i32 to vector<16xi32>
    %div3A_450 = arith.divsi %add3A_447, %div3A_449 : vector<16xi32>
    %sign3A_451 = arith.constant 0 : i32
    %sign3A_452 = vector.broadcast %sign3A_451 : i32 to vector<16xi32>
    %sign3A_453 = arith.cmpi sgt, %add3A_447, %sign3A_452 : vector<16xi32>
    %sign3A_454 = arith.extui %sign3A_453 : vector<16xi1> to vector<16xi32>
    %sign3A_455 = arith.constant 0 : i32
    %sign3A_456 = vector.broadcast %sign3A_455 : i32 to vector<16xi32>
    %sign3A_457 = arith.cmpi slt, %add3A_447, %sign3A_456 : vector<16xi32>
    %sign3A_458 = arith.extui %sign3A_457 : vector<16xi1> to vector<16xi32>
    %sign3A_459 = arith.subi %sign3A_454, %sign3A_458 : vector<16xi32>
    %sign3A_460 = arith.constant 0 : i32
    %sign3A_461 = arith.cmpi sgt, %jit3A_448, %sign3A_460 : i32
    %sign3A_462 = arith.extui %sign3A_461 : i1 to i32
    %sign3A_463 = arith.constant 0 : i32
    %sign3A_464 = arith.cmpi slt, %jit3A_448, %sign3A_463 : i32
    %sign3A_465 = arith.extui %sign3A_464 : i1 to i32
    %sign3A_466 = arith.subi %sign3A_462, %sign3A_465 : i32
    %ne3A_467 = vector.broadcast %sign3A_466 : i32 to vector<16xi32>
    %ne3A_468 = arith.cmpi ne, %sign3A_459, %ne3A_467 : vector<16xi32>
    %rem3A_469 = vector.broadcast %jit3A_448 : i32 to vector<16xi32>
    %rem3A_470 = arith.remsi %add3A_447, %rem3A_469 : vector<16xi32>
    %ne3A_471 = arith.constant 0 : i32
    %ne3A_472 = vector.broadcast %ne3A_471 : i32 to vector<16xi32>
    %ne3A_473 = arith.cmpi ne, %rem3A_470, %ne3A_472 : vector<16xi32>
    %and3A_474 = arith.andi %ne3A_468, %ne3A_473 : vector<16xi1>
    %sub3A_475 = arith.constant 1 : i32
    %sub3A_476 = vector.broadcast %sub3A_475 : i32 to vector<16xi32>
    %sub3A_477 = arith.subi %div3A_450, %sub3A_476 : vector<16xi32>
    %select_n3A_478 = arith.select %and3A_474, %sub3A_477, %div3A_450 : vector<16xi1>, vector<16xi32>
    %add3A_479 = vector.broadcast %mul3A_0 : i32 to vector<16xi32>
    %add3A_480 = arith.addi %add3A_479, %select_n3A_478 : vector<16xi32>
    %add3A_481 = arith.constant 48 : i32
    %add3A_482 = vector.broadcast %add3A_481 : i32 to vector<16xi32>
    %add3A_483 = arith.addi %add3A_482, %iota3A : vector<16xi32>
    %jit3A_484 = arith.constant 8 : i32
    %eq3A_485 = arith.constant 0 : i32
    %eq3A_486 = arith.cmpi eq, %jit3A_484, %eq3A_485 : i32
    %jit3A_487 = arith.constant 1 : i32
    %select_n3A_488 = arith.select %eq3A_486, %jit3A_487, %jit3A_484 : i32
    %rem3A_489 = vector.broadcast %select_n3A_488 : i32 to vector<16xi32>
    %rem3A_490 = arith.remsi %add3A_483, %rem3A_489 : vector<16xi32>
    %ne3A_491 = arith.constant 0 : i32
    %ne3A_492 = vector.broadcast %ne3A_491 : i32 to vector<16xi32>
    %ne3A_493 = arith.cmpi ne, %rem3A_490, %ne3A_492 : vector<16xi32>
    %lt3A_494 = arith.constant 0 : i32
    %lt3A_495 = vector.broadcast %lt3A_494 : i32 to vector<16xi32>
    %lt3A_496 = arith.cmpi slt, %rem3A_490, %lt3A_495 : vector<16xi32>
    %lt3A_497 = arith.constant 0 : i32
    %lt3A_498 = arith.cmpi slt, %select_n3A_488, %lt3A_497 : i32
    %ne3A_499 = vector.broadcast %lt3A_498 : i1 to vector<16xi1>
    %ne3A_500 = vector.broadcast %ne3A_499 : vector<16xi1> to vector<16xi1>
    %ne3A_501 = arith.xori %lt3A_496, %ne3A_500 : vector<16xi1>
    %and3A_502 = arith.andi %ne3A_501, %ne3A_493 : vector<16xi1>
    %add3A_503 = vector.broadcast %select_n3A_488 : i32 to vector<16xi32>
    %add3A_504 = arith.addi %rem3A_490, %add3A_503 : vector<16xi32>
    %select_n3A_505 = arith.select %and3A_502, %add3A_504, %rem3A_490 : vector<16xi1>, vector<16xi32>
    %gather3A_506 = tpu.vector_load_idx %arg14[%add3A_480] : memref<128xi32, #tpu.memory_space<vmem>>[vector<16xi32>], vector<16xi32>,
    %mul3A_507 = arith.constant 8 : i32
    %mul3A_508 = vector.broadcast %mul3A_507 : i32 to vector<16xi32>
    %mul3A_509 = arith.muli %gather3A_506, %mul3A_508 : vector<16xi32>
    %add3A_510 = arith.addi %mul3A_509, %select_n3A_505 : vector<16xi32>
    %swap3A_511 = arith.constant 48 : index
    %swap3A_512 = tpu.vector_load %arg26[%swap3A_511] {strides = array<i32>} : memref<64xi32, #tpu.memory_space<vmem>>, vector<16xi32>,
    tpu.vector_store %arg26[%swap3A_511], %add3A_510 {strides = array<i32>} : memref<64xi32, #tpu.memory_space<vmem>>, vector<16xi32>,
    %gather3A_513 = tpu.vector_load_idx %arg15[%add3A_480] : memref<128xi32, #tpu.memory_space<vmem>>[vector<16xi32>], vector<16xi32>,
    %mul3A_514 = arith.constant 8 : i32
    %mul3A_515 = vector.broadcast %mul3A_514 : i32 to vector<16xi32>
    %mul3A_516 = arith.muli %gather3A_513, %mul3A_515 : vector<16xi32>
    %add3A_517 = arith.addi %mul3A_516, %select_n3A_505 : vector<16xi32>
    %swap3A_518 = arith.constant 48 : index
    %swap3A_519 = tpu.vector_load %arg27[%swap3A_518] {strides = array<i32>} : memref<64xi32, #tpu.memory_space<vmem>>, vector<16xi32>,
    tpu.vector_store %arg27[%swap3A_518], %add3A_517 {strides = array<i32>} : memref<64xi32, #tpu.memory_space<vmem>>, vector<16xi32>,
    %dma_start3A_520 = arith.constant 0 : i32
    %dma_start3A_521 = arith.constant 0 : i32
    %dma_start3A_522 = tpu.memref_slice %arg9[%dma_start3A_520, %dma_start3A_521] : memref<8000x16xf32, #tpu.memory_space<hbm>> -> memref<8000x16xf32, #tpu.memory_space<hbm>>
    tpu.enqueue_indirect_dma source(%dma_start3A_522 : memref<8000x16xf32, #tpu.memory_space<hbm>>) target(%arg22 : memref<128x16xf32, #tpu.memory_space<vmem>>) offsets(%arg24 : memref<128xi32, #tpu.memory_space<vmem>>) semaphore(%arg32 : memref<!tpu.dma_semaphore, #tpu.memory_space<semaphore_mem>>)
    %dma_start3A_523 = arith.constant 0 : i32
    %dma_start3A_524 = arith.constant 0 : i32
    %dma_start3A_525 = tpu.memref_slice %arg9[%dma_start3A_523, %dma_start3A_524] : memref<8000x16xf32, #tpu.memory_space<hbm>> -> memref<8000x16xf32, #tpu.memory_space<hbm>>
    tpu.enqueue_indirect_dma source(%dma_start3A_525 : memref<8000x16xf32, #tpu.memory_space<hbm>>) target(%arg23 : memref<128x16xf32, #tpu.memory_space<vmem>>) offsets(%arg25 : memref<128xi32, #tpu.memory_space<vmem>>) semaphore(%arg32 : memref<!tpu.dma_semaphore, #tpu.memory_space<semaphore_mem>>)
    %dma_start3A_526 = arith.constant 0 : i32
    %dma_start3A_527 = arith.constant 0 : i32
    %dma_start3A_528 = tpu.memref_slice %arg9[%dma_start3A_526, %dma_start3A_527] : memref<8000x16xf32, #tpu.memory_space<hbm>> -> memref<8000x16xf32, #tpu.memory_space<hbm>>
    tpu.enqueue_indirect_dma source(%dma_start3A_528 : memref<8000x16xf32, #tpu.memory_space<hbm>>) target(%arg20 : memref<64x16xf32, #tpu.memory_space<vmem>>) offsets(%arg26 : memref<64xi32, #tpu.memory_space<vmem>>) semaphore(%arg32 : memref<!tpu.dma_semaphore, #tpu.memory_space<semaphore_mem>>)
    %dma_start3A_529 = arith.constant 0 : i32
    %dma_start3A_530 = arith.constant 0 : i32
    %dma_start3A_531 = tpu.memref_slice %arg9[%dma_start3A_529, %dma_start3A_530] : memref<8000x16xf32, #tpu.memory_space<hbm>> -> memref<8000x16xf32, #tpu.memory_space<hbm>>
    tpu.enqueue_indirect_dma source(%dma_start3A_531 : memref<8000x16xf32, #tpu.memory_space<hbm>>) target(%arg21 : memref<64x16xf32, #tpu.memory_space<vmem>>) offsets(%arg27 : memref<64xi32, #tpu.memory_space<vmem>>) semaphore(%arg32 : memref<!tpu.dma_semaphore, #tpu.memory_space<semaphore_mem>>)
    %dma_wait3A = arith.constant 0 : i32
    %dma_wait3A_532 = tpu.memref_slice %arg18[%dma_wait3A] : memref<32xi32, #tpu.memory_space<vmem>> -> memref<24xi32, #tpu.memory_space<vmem>>
    %dma_wait3A_533 = arith.constant 0 : i32
    %dma_wait3A_534 = arith.constant 0 : i32
    %dma_wait3A_535 = tpu.memref_slice %arg7[%dma_wait3A_533, %dma_wait3A_534] : memref<100000x128xf32, #tpu.memory_space<hbm>> -> memref<100000x128xf32, #tpu.memory_space<hbm>>
    tpu.wait_indirect_dma semaphore(%arg32 : memref<!tpu.dma_semaphore, #tpu.memory_space<semaphore_mem>>) src(%dma_wait3A_535 : memref<100000x128xf32, #tpu.memory_space<hbm>>) dst(%arg16 : memref<24x128xf32, #tpu.memory_space<vmem>>)
    %dma_wait3A_536 = arith.constant 0 : i32
    %dma_wait3A_537 = arith.constant 0 : i32
    %dma_wait3A_538 = tpu.memref_slice %arg8[%dma_wait3A_536, %dma_wait3A_537] : memref<1000x128xf32, #tpu.memory_space<hbm>> -> memref<1000x128xf32, #tpu.memory_space<hbm>>
    tpu.wait_indirect_dma semaphore(%arg32 : memref<!tpu.dma_semaphore, #tpu.memory_space<semaphore_mem>>) src(%dma_wait3A_538 : memref<1000x128xf32, #tpu.memory_space<hbm>>) dst(%arg17 : memref<16x128xf32, #tpu.memory_space<vmem>>)
    %dma_wait3A_539 = arith.constant 0 : i32
    %dma_wait3A_540 = arith.constant 0 : i32
    %dma_wait3A_541 = tpu.memref_slice %arg9[%dma_wait3A_539, %dma_wait3A_540] : memref<8000x16xf32, #tpu.memory_space<hbm>> -> memref<8000x16xf32, #tpu.memory_space<hbm>>
    tpu.wait_indirect_dma semaphore(%arg32 : memref<!tpu.dma_semaphore, #tpu.memory_space<semaphore_mem>>) src(%dma_wait3A_541 : memref<8000x16xf32, #tpu.memory_space<hbm>>) dst(%arg22 : memref<128x16xf32, #tpu.memory_space<vmem>>)
    %dma_wait3A_542 = arith.constant 0 : i32
    %dma_wait3A_543 = arith.constant 0 : i32
    %dma_wait3A_544 = tpu.memref_slice %arg9[%dma_wait3A_542, %dma_wait3A_543] : memref<8000x16xf32, #tpu.memory_space<hbm>> -> memref<8000x16xf32, #tpu.memory_space<hbm>>
    tpu.wait_indirect_dma semaphore(%arg32 : memref<!tpu.dma_semaphore, #tpu.memory_space<semaphore_mem>>) src(%dma_wait3A_544 : memref<8000x16xf32, #tpu.memory_space<hbm>>) dst(%arg23 : memref<128x16xf32, #tpu.memory_space<vmem>>)
    %dma_wait3A_545 = arith.constant 0 : i32
    %dma_wait3A_546 = arith.constant 0 : i32
    %dma_wait3A_547 = tpu.memref_slice %arg9[%dma_wait3A_545, %dma_wait3A_546] : memref<8000x16xf32, #tpu.memory_space<hbm>> -> memref<8000x16xf32, #tpu.memory_space<hbm>>
    tpu.wait_indirect_dma semaphore(%arg32 : memref<!tpu.dma_semaphore, #tpu.memory_space<semaphore_mem>>) src(%dma_wait3A_547 : memref<8000x16xf32, #tpu.memory_space<hbm>>) dst(%arg20 : memref<64x16xf32, #tpu.memory_space<vmem>>)
    %dma_wait3A_548 = arith.constant 0 : i32
    %dma_wait3A_549 = arith.constant 0 : i32
    %dma_wait3A_550 = tpu.memref_slice %arg9[%dma_wait3A_548, %dma_wait3A_549] : memref<8000x16xf32, #tpu.memory_space<hbm>> -> memref<8000x16xf32, #tpu.memory_space<hbm>>
    tpu.wait_indirect_dma semaphore(%arg32 : memref<!tpu.dma_semaphore, #tpu.memory_space<semaphore_mem>>) src(%dma_wait3A_550 : memref<8000x16xf32, #tpu.memory_space<hbm>>) dst(%arg21 : memref<64x16xf32, #tpu.memory_space<vmem>>)
    %broadcast_in_dim3A = arith.constant 0.000000e+00 : f32
    %broadcast_in_dim3A_551 = vector.broadcast %broadcast_in_dim3A : f32 to vector<16xf32>
    %add3A_552 = arith.constant 0 : i32
    %add3A_553 = arith.addi %mul3A_31, %add3A_552 : i32
    %broadcast_in_dim3A_554 = vector.broadcast %add3A_553 : i32 to vector<16xi32>
    %add3A_555 = arith.constant 0 : i32
    %add3A_556 = vector.broadcast %add3A_555 : i32 to vector<16xi32>
    %add3A_557 = arith.addi %add3A_556, %iota3A : vector<16xi32>
    %get3A_558 = arith.constant 0 : i32
    %get3A_559 = arith.index_cast %get3A_558 : i32 to index
    %get3A_560 = arith.constant 0 : index
    %get3A_561 = tpu.vector_load %arg16[%get3A_559, %get3A_560] {strides = array<i32>} : memref<24x128xf32, #tpu.memory_space<vmem>>, vector<16xf32>,
    %get3A_562 = arith.constant 8 : i32
    %get3A_563 = arith.index_cast %get3A_562 : i32 to index
    %get3A_564 = arith.constant 0 : index
    %get3A_565 = tpu.vector_load %arg16[%get3A_563, %get3A_564] {strides = array<i32>} : memref<24x128xf32, #tpu.memory_space<vmem>>, vector<16xf32>,
    %get3A_566 = arith.constant 16 : i32
    %get3A_567 = arith.index_cast %get3A_566 : i32 to index
    %get3A_568 = arith.constant 0 : index
    %get3A_569 = tpu.vector_load %arg16[%get3A_567, %get3A_568] {strides = array<i32>} : memref<24x128xf32, #tpu.memory_space<vmem>>, vector<16xf32>,
    %get3A_570 = arith.constant 0 : i32
    %get3A_571 = arith.index_cast %get3A_570 : i32 to index
    %get3A_572 = arith.constant 0 : index
    %get3A_573 = tpu.vector_load %arg17[%get3A_571, %get3A_572] {strides = array<i32>} : memref<16x128xf32, #tpu.memory_space<vmem>>, vector<16xf32>,
    %get3A_574 = arith.constant 8 : i32
    %get3A_575 = arith.index_cast %get3A_574 : i32 to index
    %get3A_576 = arith.constant 0 : index
    %get3A_577 = tpu.vector_load %arg17[%get3A_575, %get3A_576] {strides = array<i32>} : memref<16x128xf32, #tpu.memory_space<vmem>>, vector<16xf32>,
    %get3A_578 = arith.constant 0 : i32
    %get3A_579 = arith.index_cast %get3A_578 : i32 to index
    %get3A_580 = arith.constant 0 : index
    %get3A_581 = tpu.vector_load %arg20[%get3A_579, %get3A_580] {strides = array<i32>} : memref<64x16xf32, #tpu.memory_space<vmem>>, vector<16xf32>,
    %get3A_582 = arith.constant 0 : i32
    %get3A_583 = arith.index_cast %get3A_582 : i32 to index
    %get3A_584 = arith.constant 0 : index
    %get3A_585 = tpu.vector_load %arg21[%get3A_583, %get3A_584] {strides = array<i32>} : memref<64x16xf32, #tpu.memory_space<vmem>>, vector<16xf32>,
    %gather3A_586 = tpu.vector_load_idx %arg22[%add3A_557, %broadcast_in_dim3A_554] : memref<128x16xf32, #tpu.memory_space<vmem>>[vector<16xi32>, vector<16xi32>], vector<16xf32>,
    %gather3A_587 = tpu.vector_load_idx %arg23[%add3A_557, %broadcast_in_dim3A_554] : memref<128x16xf32, #tpu.memory_space<vmem>>[vector<16xi32>, vector<16xi32>], vector<16xf32>,
    %mul3A_588 = arith.mulf %gather3A_586, %get3A_581 : vector<16xf32>
    %sub3A_589 = arith.constant 1.000000e+00 : f32
    %sub3A_590 = vector.broadcast %sub3A_589 : f32 to vector<16xf32>
    %sub3A_591 = arith.subf %sub3A_590, %mul3A_588 : vector<16xf32>
    %mul3A_592 = arith.mulf %gather3A_587, %get3A_585 : vector<16xf32>
    %sub3A_593 = arith.constant 1.000000e+00 : f32
    %sub3A_594 = vector.broadcast %sub3A_593 : f32 to vector<16xf32>
    %sub3A_595 = arith.subf %sub3A_594, %mul3A_592 : vector<16xf32>
    %sub3A_596 = arith.subf %get3A_561, %get3A_565 : vector<16xf32>
    %mul3A_597 = arith.mulf %sub3A_596, %sub3A_591 : vector<16xf32>
    %add3A_598 = arith.addf %mul3A_597, %get3A_573 : vector<16xf32>
    %mul3A_599 = arith.mulf %get3A_561, %sub3A_591 : vector<16xf32>
    %mul3A_600 = arith.mulf %get3A_569, %sub3A_595 : vector<16xf32>
    %sub3A_601 = arith.subf %mul3A_599, %mul3A_600 : vector<16xf32>
    %add3A_602 = arith.addf %sub3A_601, %get3A_577 : vector<16xf32>
    %abs3A = math.absf %add3A_598 : vector<16xf32>
    %add3A_603 = arith.addf %broadcast_in_dim3A_551, %abs3A : vector<16xf32>
    %abs3A_604 = math.absf %add3A_602 : vector<16xf32>
    %add3A_605 = arith.addf %broadcast_in_dim3A_551, %abs3A_604 : vector<16xf32>
    %add3A_606 = arith.constant 16 : i32
    %add3A_607 = vector.broadcast %add3A_606 : i32 to vector<16xi32>
    %add3A_608 = arith.addi %add3A_607, %iota3A : vector<16xi32>
    %get3A_609 = arith.constant 0 : i32
    %get3A_610 = arith.index_cast %get3A_609 : i32 to index
    %get3A_611 = arith.constant 16 : index
    %get3A_612 = tpu.vector_load %arg16[%get3A_610, %get3A_611] {strides = array<i32>} : memref<24x128xf32, #tpu.memory_space<vmem>>, vector<16xf32>,
    %get3A_613 = arith.constant 8 : i32
    %get3A_614 = arith.index_cast %get3A_613 : i32 to index
    %get3A_615 = arith.constant 16 : index
    %get3A_616 = tpu.vector_load %arg16[%get3A_614, %get3A_615] {strides = array<i32>} : memref<24x128xf32, #tpu.memory_space<vmem>>, vector<16xf32>,
    %get3A_617 = arith.constant 16 : i32
    %get3A_618 = arith.index_cast %get3A_617 : i32 to index
    %get3A_619 = arith.constant 16 : index
    %get3A_620 = tpu.vector_load %arg16[%get3A_618, %get3A_619] {strides = array<i32>} : memref<24x128xf32, #tpu.memory_space<vmem>>, vector<16xf32>,
    %get3A_621 = arith.constant 0 : i32
    %get3A_622 = arith.index_cast %get3A_621 : i32 to index
    %get3A_623 = arith.constant 16 : index
    %get3A_624 = tpu.vector_load %arg17[%get3A_622, %get3A_623] {strides = array<i32>} : memref<16x128xf32, #tpu.memory_space<vmem>>, vector<16xf32>,
    %get3A_625 = arith.constant 8 : i32
    %get3A_626 = arith.index_cast %get3A_625 : i32 to index
    %get3A_627 = arith.constant 16 : index
    %get3A_628 = tpu.vector_load %arg17[%get3A_626, %get3A_627] {strides = array<i32>} : memref<16x128xf32, #tpu.memory_space<vmem>>, vector<16xf32>,
    %get3A_629 = arith.constant 1 : i32
    %get3A_630 = arith.index_cast %get3A_629 : i32 to index
    %get3A_631 = arith.constant 0 : index
    %get3A_632 = tpu.vector_load %arg20[%get3A_630, %get3A_631] {strides = array<i32>} : memref<64x16xf32, #tpu.memory_space<vmem>>, vector<16xf32>,
    %get3A_633 = arith.constant 1 : i32
    %get3A_634 = arith.index_cast %get3A_633 : i32 to index
    %get3A_635 = arith.constant 0 : index
    %get3A_636 = tpu.vector_load %arg21[%get3A_634, %get3A_635] {strides = array<i32>} : memref<64x16xf32, #tpu.memory_space<vmem>>, vector<16xf32>,
    %gather3A_637 = tpu.vector_load_idx %arg22[%add3A_608, %broadcast_in_dim3A_554] : memref<128x16xf32, #tpu.memory_space<vmem>>[vector<16xi32>, vector<16xi32>], vector<16xf32>,
    %gather3A_638 = tpu.vector_load_idx %arg23[%add3A_608, %broadcast_in_dim3A_554] : memref<128x16xf32, #tpu.memory_space<vmem>>[vector<16xi32>, vector<16xi32>], vector<16xf32>,
    %mul3A_639 = arith.mulf %gather3A_637, %get3A_632 : vector<16xf32>
    %sub3A_640 = arith.constant 1.000000e+00 : f32
    %sub3A_641 = vector.broadcast %sub3A_640 : f32 to vector<16xf32>
    %sub3A_642 = arith.subf %sub3A_641, %mul3A_639 : vector<16xf32>
    %mul3A_643 = arith.mulf %gather3A_638, %get3A_636 : vector<16xf32>
    %sub3A_644 = arith.constant 1.000000e+00 : f32
    %sub3A_645 = vector.broadcast %sub3A_644 : f32 to vector<16xf32>
    %sub3A_646 = arith.subf %sub3A_645, %mul3A_643 : vector<16xf32>
    %sub3A_647 = arith.subf %get3A_612, %get3A_616 : vector<16xf32>
    %mul3A_648 = arith.mulf %sub3A_647, %sub3A_642 : vector<16xf32>
    %add3A_649 = arith.addf %mul3A_648, %get3A_624 : vector<16xf32>
    %mul3A_650 = arith.mulf %get3A_612, %sub3A_642 : vector<16xf32>
    %mul3A_651 = arith.mulf %get3A_620, %sub3A_646 : vector<16xf32>
    %sub3A_652 = arith.subf %mul3A_650, %mul3A_651 : vector<16xf32>
    %add3A_653 = arith.addf %sub3A_652, %get3A_628 : vector<16xf32>
    %abs3A_654 = math.absf %add3A_649 : vector<16xf32>
    %add3A_655 = arith.addf %add3A_603, %abs3A_654 : vector<16xf32>
    %abs3A_656 = math.absf %add3A_653 : vector<16xf32>
    %add3A_657 = arith.addf %add3A_605, %abs3A_656 : vector<16xf32>
    %add3A_658 = arith.constant 32 : i32
    %add3A_659 = vector.broadcast %add3A_658 : i32 to vector<16xi32>
    %add3A_660 = arith.addi %add3A_659, %iota3A : vector<16xi32>
    %get3A_661 = arith.constant 0 : i32
    %get3A_662 = arith.index_cast %get3A_661 : i32 to index
    %get3A_663 = arith.constant 32 : index
    %get3A_664 = tpu.vector_load %arg16[%get3A_662, %get3A_663] {strides = array<i32>} : memref<24x128xf32, #tpu.memory_space<vmem>>, vector<16xf32>,
    %get3A_665 = arith.constant 8 : i32
    %get3A_666 = arith.index_cast %get3A_665 : i32 to index
    %get3A_667 = arith.constant 32 : index
    %get3A_668 = tpu.vector_load %arg16[%get3A_666, %get3A_667] {strides = array<i32>} : memref<24x128xf32, #tpu.memory_space<vmem>>, vector<16xf32>,
    %get3A_669 = arith.constant 16 : i32
    %get3A_670 = arith.index_cast %get3A_669 : i32 to index
    %get3A_671 = arith.constant 32 : index
    %get3A_672 = tpu.vector_load %arg16[%get3A_670, %get3A_671] {strides = array<i32>} : memref<24x128xf32, #tpu.memory_space<vmem>>, vector<16xf32>,
    %get3A_673 = arith.constant 0 : i32
    %get3A_674 = arith.index_cast %get3A_673 : i32 to index
    %get3A_675 = arith.constant 32 : index
    %get3A_676 = tpu.vector_load %arg17[%get3A_674, %get3A_675] {strides = array<i32>} : memref<16x128xf32, #tpu.memory_space<vmem>>, vector<16xf32>,
    %get3A_677 = arith.constant 8 : i32
    %get3A_678 = arith.index_cast %get3A_677 : i32 to index
    %get3A_679 = arith.constant 32 : index
    %get3A_680 = tpu.vector_load %arg17[%get3A_678, %get3A_679] {strides = array<i32>} : memref<16x128xf32, #tpu.memory_space<vmem>>, vector<16xf32>,
    %get3A_681 = arith.constant 2 : i32
    %get3A_682 = arith.index_cast %get3A_681 : i32 to index
    %get3A_683 = arith.constant 0 : index
    %get3A_684 = tpu.vector_load %arg20[%get3A_682, %get3A_683] {strides = array<i32>} : memref<64x16xf32, #tpu.memory_space<vmem>>, vector<16xf32>,
    %get3A_685 = arith.constant 2 : i32
    %get3A_686 = arith.index_cast %get3A_685 : i32 to index
    %get3A_687 = arith.constant 0 : index
    %get3A_688 = tpu.vector_load %arg21[%get3A_686, %get3A_687] {strides = array<i32>} : memref<64x16xf32, #tpu.memory_space<vmem>>, vector<16xf32>,
    %gather3A_689 = tpu.vector_load_idx %arg22[%add3A_660, %broadcast_in_dim3A_554] : memref<128x16xf32, #tpu.memory_space<vmem>>[vector<16xi32>, vector<16xi32>], vector<16xf32>,
    %gather3A_690 = tpu.vector_load_idx %arg23[%add3A_660, %broadcast_in_dim3A_554] : memref<128x16xf32, #tpu.memory_space<vmem>>[vector<16xi32>, vector<16xi32>], vector<16xf32>,
    %mul3A_691 = arith.mulf %gather3A_689, %get3A_684 : vector<16xf32>
    %sub3A_692 = arith.constant 1.000000e+00 : f32
    %sub3A_693 = vector.broadcast %sub3A_692 : f32 to vector<16xf32>
    %sub3A_694 = arith.subf %sub3A_693, %mul3A_691 : vector<16xf32>
    %mul3A_695 = arith.mulf %gather3A_690, %get3A_688 : vector<16xf32>
    %sub3A_696 = arith.constant 1.000000e+00 : f32
    %sub3A_697 = vector.broadcast %sub3A_696 : f32 to vector<16xf32>
    %sub3A_698 = arith.subf %sub3A_697, %mul3A_695 : vector<16xf32>
    %sub3A_699 = arith.subf %get3A_664, %get3A_668 : vector<16xf32>
    %mul3A_700 = arith.mulf %sub3A_699, %sub3A_694 : vector<16xf32>
    %add3A_701 = arith.addf %mul3A_700, %get3A_676 : vector<16xf32>
    %mul3A_702 = arith.mulf %get3A_664, %sub3A_694 : vector<16xf32>
    %mul3A_703 = arith.mulf %get3A_672, %sub3A_698 : vector<16xf32>
    %sub3A_704 = arith.subf %mul3A_702, %mul3A_703 : vector<16xf32>
    %add3A_705 = arith.addf %sub3A_704, %get3A_680 : vector<16xf32>
    %abs3A_706 = math.absf %add3A_701 : vector<16xf32>
    %add3A_707 = arith.addf %add3A_655, %abs3A_706 : vector<16xf32>
    %abs3A_708 = math.absf %add3A_705 : vector<16xf32>
    %add3A_709 = arith.addf %add3A_657, %abs3A_708 : vector<16xf32>
    %add3A_710 = arith.constant 48 : i32
    %add3A_711 = vector.broadcast %add3A_710 : i32 to vector<16xi32>
    %add3A_712 = arith.addi %add3A_711, %iota3A : vector<16xi32>
    %get3A_713 = arith.constant 0 : i32
    %get3A_714 = arith.index_cast %get3A_713 : i32 to index
    %get3A_715 = arith.constant 48 : index
    %get3A_716 = tpu.vector_load %arg16[%get3A_714, %get3A_715] {strides = array<i32>} : memref<24x128xf32, #tpu.memory_space<vmem>>, vector<16xf32>,
    %get3A_717 = arith.constant 8 : i32
    %get3A_718 = arith.index_cast %get3A_717 : i32 to index
    %get3A_719 = arith.constant 48 : index
    %get3A_720 = tpu.vector_load %arg16[%get3A_718, %get3A_719] {strides = array<i32>} : memref<24x128xf32, #tpu.memory_space<vmem>>, vector<16xf32>,
    %get3A_721 = arith.constant 16 : i32
    %get3A_722 = arith.index_cast %get3A_721 : i32 to index
    %get3A_723 = arith.constant 48 : index
    %get3A_724 = tpu.vector_load %arg16[%get3A_722, %get3A_723] {strides = array<i32>} : memref<24x128xf32, #tpu.memory_space<vmem>>, vector<16xf32>,
    %get3A_725 = arith.constant 0 : i32
    %get3A_726 = arith.index_cast %get3A_725 : i32 to index
    %get3A_727 = arith.constant 48 : index
    %get3A_728 = tpu.vector_load %arg17[%get3A_726, %get3A_727] {strides = array<i32>} : memref<16x128xf32, #tpu.memory_space<vmem>>, vector<16xf32>,
    %get3A_729 = arith.constant 8 : i32
    %get3A_730 = arith.index_cast %get3A_729 : i32 to index
    %get3A_731 = arith.constant 48 : index
    %get3A_732 = tpu.vector_load %arg17[%get3A_730, %get3A_731] {strides = array<i32>} : memref<16x128xf32, #tpu.memory_space<vmem>>, vector<16xf32>,
    %get3A_733 = arith.constant 3 : i32
    %get3A_734 = arith.index_cast %get3A_733 : i32 to index
    %get3A_735 = arith.constant 0 : index
    %get3A_736 = tpu.vector_load %arg20[%get3A_734, %get3A_735] {strides = array<i32>} : memref<64x16xf32, #tpu.memory_space<vmem>>, vector<16xf32>,
    %get3A_737 = arith.constant 3 : i32
    %get3A_738 = arith.index_cast %get3A_737 : i32 to index
    %get3A_739 = arith.constant 0 : index
    %get3A_740 = tpu.vector_load %arg21[%get3A_738, %get3A_739] {strides = array<i32>} : memref<64x16xf32, #tpu.memory_space<vmem>>, vector<16xf32>,
    %gather3A_741 = tpu.vector_load_idx %arg22[%add3A_712, %broadcast_in_dim3A_554] : memref<128x16xf32, #tpu.memory_space<vmem>>[vector<16xi32>, vector<16xi32>], vector<16xf32>,
    %gather3A_742 = tpu.vector_load_idx %arg23[%add3A_712, %broadcast_in_dim3A_554] : memref<128x16xf32, #tpu.memory_space<vmem>>[vector<16xi32>, vector<16xi32>], vector<16xf32>,
    %mul3A_743 = arith.mulf %gather3A_741, %get3A_736 : vector<16xf32>
    %sub3A_744 = arith.constant 1.000000e+00 : f32
    %sub3A_745 = vector.broadcast %sub3A_744 : f32 to vector<16xf32>
    %sub3A_746 = arith.subf %sub3A_745, %mul3A_743 : vector<16xf32>
    %mul3A_747 = arith.mulf %gather3A_742, %get3A_740 : vector<16xf32>
    %sub3A_748 = arith.constant 1.000000e+00 : f32
    %sub3A_749 = vector.broadcast %sub3A_748 : f32 to vector<16xf32>
    %sub3A_750 = arith.subf %sub3A_749, %mul3A_747 : vector<16xf32>
    %sub3A_751 = arith.subf %get3A_716, %get3A_720 : vector<16xf32>
    %mul3A_752 = arith.mulf %sub3A_751, %sub3A_746 : vector<16xf32>
    %add3A_753 = arith.addf %mul3A_752, %get3A_728 : vector<16xf32>
    %mul3A_754 = arith.mulf %get3A_716, %sub3A_746 : vector<16xf32>
    %mul3A_755 = arith.mulf %get3A_724, %sub3A_750 : vector<16xf32>
    %sub3A_756 = arith.subf %mul3A_754, %mul3A_755 : vector<16xf32>
    %add3A_757 = arith.addf %sub3A_756, %get3A_732 : vector<16xf32>
    %abs3A_758 = math.absf %add3A_753 : vector<16xf32>
    %add3A_759 = arith.addf %add3A_707, %abs3A_758 : vector<16xf32>
    %abs3A_760 = math.absf %add3A_757 : vector<16xf32>
    %add3A_761 = arith.addf %add3A_709, %abs3A_760 : vector<16xf32>
    %add3A_762 = arith.constant 64 : i32
    %add3A_763 = vector.broadcast %add3A_762 : i32 to vector<16xi32>
    %add3A_764 = arith.addi %add3A_763, %iota3A : vector<16xi32>
    %get3A_765 = arith.constant 0 : i32
    %get3A_766 = arith.index_cast %get3A_765 : i32 to index
    %get3A_767 = arith.constant 64 : index
    %get3A_768 = tpu.vector_load %arg16[%get3A_766, %get3A_767] {strides = array<i32>} : memref<24x128xf32, #tpu.memory_space<vmem>>, vector<16xf32>,
    %get3A_769 = arith.constant 8 : i32
    %get3A_770 = arith.index_cast %get3A_769 : i32 to index
    %get3A_771 = arith.constant 64 : index
    %get3A_772 = tpu.vector_load %arg16[%get3A_770, %get3A_771] {strides = array<i32>} : memref<24x128xf32, #tpu.memory_space<vmem>>, vector<16xf32>,
    %get3A_773 = arith.constant 16 : i32
    %get3A_774 = arith.index_cast %get3A_773 : i32 to index
    %get3A_775 = arith.constant 64 : index
    %get3A_776 = tpu.vector_load %arg16[%get3A_774, %get3A_775] {strides = array<i32>} : memref<24x128xf32, #tpu.memory_space<vmem>>, vector<16xf32>,
    %get3A_777 = arith.constant 0 : i32
    %get3A_778 = arith.index_cast %get3A_777 : i32 to index
    %get3A_779 = arith.constant 64 : index
    %get3A_780 = tpu.vector_load %arg17[%get3A_778, %get3A_779] {strides = array<i32>} : memref<16x128xf32, #tpu.memory_space<vmem>>, vector<16xf32>,
    %get3A_781 = arith.constant 8 : i32
    %get3A_782 = arith.index_cast %get3A_781 : i32 to index
    %get3A_783 = arith.constant 64 : index
    %get3A_784 = tpu.vector_load %arg17[%get3A_782, %get3A_783] {strides = array<i32>} : memref<16x128xf32, #tpu.memory_space<vmem>>, vector<16xf32>,
    %get3A_785 = arith.constant 4 : i32
    %get3A_786 = arith.index_cast %get3A_785 : i32 to index
    %get3A_787 = arith.constant 0 : index
    %get3A_788 = tpu.vector_load %arg20[%get3A_786, %get3A_787] {strides = array<i32>} : memref<64x16xf32, #tpu.memory_space<vmem>>, vector<16xf32>,
    %get3A_789 = arith.constant 4 : i32
    %get3A_790 = arith.index_cast %get3A_789 : i32 to index
    %get3A_791 = arith.constant 0 : index
    %get3A_792 = tpu.vector_load %arg21[%get3A_790, %get3A_791] {strides = array<i32>} : memref<64x16xf32, #tpu.memory_space<vmem>>, vector<16xf32>,
    %gather3A_793 = tpu.vector_load_idx %arg22[%add3A_764, %broadcast_in_dim3A_554] : memref<128x16xf32, #tpu.memory_space<vmem>>[vector<16xi32>, vector<16xi32>], vector<16xf32>,
    %gather3A_794 = tpu.vector_load_idx %arg23[%add3A_764, %broadcast_in_dim3A_554] : memref<128x16xf32, #tpu.memory_space<vmem>>[vector<16xi32>, vector<16xi32>], vector<16xf32>,
    %mul3A_795 = arith.mulf %gather3A_793, %get3A_788 : vector<16xf32>
    %sub3A_796 = arith.constant 1.000000e+00 : f32
    %sub3A_797 = vector.broadcast %sub3A_796 : f32 to vector<16xf32>
    %sub3A_798 = arith.subf %sub3A_797, %mul3A_795 : vector<16xf32>
    %mul3A_799 = arith.mulf %gather3A_794, %get3A_792 : vector<16xf32>
    %sub3A_800 = arith.constant 1.000000e+00 : f32
    %sub3A_801 = vector.broadcast %sub3A_800 : f32 to vector<16xf32>
    %sub3A_802 = arith.subf %sub3A_801, %mul3A_799 : vector<16xf32>
    %sub3A_803 = arith.subf %get3A_768, %get3A_772 : vector<16xf32>
    %mul3A_804 = arith.mulf %sub3A_803, %sub3A_798 : vector<16xf32>
    %add3A_805 = arith.addf %mul3A_804, %get3A_780 : vector<16xf32>
    %mul3A_806 = arith.mulf %get3A_768, %sub3A_798 : vector<16xf32>
    %mul3A_807 = arith.mulf %get3A_776, %sub3A_802 : vector<16xf32>
    %sub3A_808 = arith.subf %mul3A_806, %mul3A_807 : vector<16xf32>
    %add3A_809 = arith.addf %sub3A_808, %get3A_784 : vector<16xf32>
    %abs3A_810 = math.absf %add3A_805 : vector<16xf32>
    %add3A_811 = arith.addf %add3A_759, %abs3A_810 : vector<16xf32>
    %abs3A_812 = math.absf %add3A_809 : vector<16xf32>
    %add3A_813 = arith.addf %add3A_761, %abs3A_812 : vector<16xf32>
    %add3A_814 = arith.constant 80 : i32
    %add3A_815 = vector.broadcast %add3A_814 : i32 to vector<16xi32>
    %add3A_816 = arith.addi %add3A_815, %iota3A : vector<16xi32>
    %get3A_817 = arith.constant 0 : i32
    %get3A_818 = arith.index_cast %get3A_817 : i32 to index
    %get3A_819 = arith.constant 80 : index
    %get3A_820 = tpu.vector_load %arg16[%get3A_818, %get3A_819] {strides = array<i32>} : memref<24x128xf32, #tpu.memory_space<vmem>>, vector<16xf32>,
    %get3A_821 = arith.constant 8 : i32
    %get3A_822 = arith.index_cast %get3A_821 : i32 to index
    %get3A_823 = arith.constant 80 : index
    %get3A_824 = tpu.vector_load %arg16[%get3A_822, %get3A_823] {strides = array<i32>} : memref<24x128xf32, #tpu.memory_space<vmem>>, vector<16xf32>,
    %get3A_825 = arith.constant 16 : i32
    %get3A_826 = arith.index_cast %get3A_825 : i32 to index
    %get3A_827 = arith.constant 80 : index
    %get3A_828 = tpu.vector_load %arg16[%get3A_826, %get3A_827] {strides = array<i32>} : memref<24x128xf32, #tpu.memory_space<vmem>>, vector<16xf32>,
    %get3A_829 = arith.constant 0 : i32
    %get3A_830 = arith.index_cast %get3A_829 : i32 to index
    %get3A_831 = arith.constant 80 : index
    %get3A_832 = tpu.vector_load %arg17[%get3A_830, %get3A_831] {strides = array<i32>} : memref<16x128xf32, #tpu.memory_space<vmem>>, vector<16xf32>,
    %get3A_833 = arith.constant 8 : i32
    %get3A_834 = arith.index_cast %get3A_833 : i32 to index
    %get3A_835 = arith.constant 80 : index
    %get3A_836 = tpu.vector_load %arg17[%get3A_834, %get3A_835] {strides = array<i32>} : memref<16x128xf32, #tpu.memory_space<vmem>>, vector<16xf32>,
    %get3A_837 = arith.constant 5 : i32
    %get3A_838 = arith.index_cast %get3A_837 : i32 to index
    %get3A_839 = arith.constant 0 : index
    %get3A_840 = tpu.vector_load %arg20[%get3A_838, %get3A_839] {strides = array<i32>} : memref<64x16xf32, #tpu.memory_space<vmem>>, vector<16xf32>,
    %get3A_841 = arith.constant 5 : i32
    %get3A_842 = arith.index_cast %get3A_841 : i32 to index
    %get3A_843 = arith.constant 0 : index
    %get3A_844 = tpu.vector_load %arg21[%get3A_842, %get3A_843] {strides = array<i32>} : memref<64x16xf32, #tpu.memory_space<vmem>>, vector<16xf32>,
    %gather3A_845 = tpu.vector_load_idx %arg22[%add3A_816, %broadcast_in_dim3A_554] : memref<128x16xf32, #tpu.memory_space<vmem>>[vector<16xi32>, vector<16xi32>], vector<16xf32>,
    %gather3A_846 = tpu.vector_load_idx %arg23[%add3A_816, %broadcast_in_dim3A_554] : memref<128x16xf32, #tpu.memory_space<vmem>>[vector<16xi32>, vector<16xi32>], vector<16xf32>,
    %mul3A_847 = arith.mulf %gather3A_845, %get3A_840 : vector<16xf32>
    %sub3A_848 = arith.constant 1.000000e+00 : f32
    %sub3A_849 = vector.broadcast %sub3A_848 : f32 to vector<16xf32>
    %sub3A_850 = arith.subf %sub3A_849, %mul3A_847 : vector<16xf32>
    %mul3A_851 = arith.mulf %gather3A_846, %get3A_844 : vector<16xf32>
    %sub3A_852 = arith.constant 1.000000e+00 : f32
    %sub3A_853 = vector.broadcast %sub3A_852 : f32 to vector<16xf32>
    %sub3A_854 = arith.subf %sub3A_853, %mul3A_851 : vector<16xf32>
    %sub3A_855 = arith.subf %get3A_820, %get3A_824 : vector<16xf32>
    %mul3A_856 = arith.mulf %sub3A_855, %sub3A_850 : vector<16xf32>
    %add3A_857 = arith.addf %mul3A_856, %get3A_832 : vector<16xf32>
    %mul3A_858 = arith.mulf %get3A_820, %sub3A_850 : vector<16xf32>
    %mul3A_859 = arith.mulf %get3A_828, %sub3A_854 : vector<16xf32>
    %sub3A_860 = arith.subf %mul3A_858, %mul3A_859 : vector<16xf32>
    %add3A_861 = arith.addf %sub3A_860, %get3A_836 : vector<16xf32>
    %abs3A_862 = math.absf %add3A_857 : vector<16xf32>
    %add3A_863 = arith.addf %add3A_811, %abs3A_862 : vector<16xf32>
    %abs3A_864 = math.absf %add3A_861 : vector<16xf32>
    %add3A_865 = arith.addf %add3A_813, %abs3A_864 : vector<16xf32>
    %add3A_866 = arith.constant 96 : i32
    %add3A_867 = vector.broadcast %add3A_866 : i32 to vector<16xi32>
    %add3A_868 = arith.addi %add3A_867, %iota3A : vector<16xi32>
    %get3A_869 = arith.constant 0 : i32
    %get3A_870 = arith.index_cast %get3A_869 : i32 to index
    %get3A_871 = arith.constant 96 : index
    %get3A_872 = tpu.vector_load %arg16[%get3A_870, %get3A_871] {strides = array<i32>} : memref<24x128xf32, #tpu.memory_space<vmem>>, vector<16xf32>,
    %get3A_873 = arith.constant 8 : i32
    %get3A_874 = arith.index_cast %get3A_873 : i32 to index
    %get3A_875 = arith.constant 96 : index
    %get3A_876 = tpu.vector_load %arg16[%get3A_874, %get3A_875] {strides = array<i32>} : memref<24x128xf32, #tpu.memory_space<vmem>>, vector<16xf32>,
    %get3A_877 = arith.constant 16 : i32
    %get3A_878 = arith.index_cast %get3A_877 : i32 to index
    %get3A_879 = arith.constant 96 : index
    %get3A_880 = tpu.vector_load %arg16[%get3A_878, %get3A_879] {strides = array<i32>} : memref<24x128xf32, #tpu.memory_space<vmem>>, vector<16xf32>,
    %get3A_881 = arith.constant 0 : i32
    %get3A_882 = arith.index_cast %get3A_881 : i32 to index
    %get3A_883 = arith.constant 96 : index
    %get3A_884 = tpu.vector_load %arg17[%get3A_882, %get3A_883] {strides = array<i32>} : memref<16x128xf32, #tpu.memory_space<vmem>>, vector<16xf32>,
    %get3A_885 = arith.constant 8 : i32
    %get3A_886 = arith.index_cast %get3A_885 : i32 to index
    %get3A_887 = arith.constant 96 : index
    %get3A_888 = tpu.vector_load %arg17[%get3A_886, %get3A_887] {strides = array<i32>} : memref<16x128xf32, #tpu.memory_space<vmem>>, vector<16xf32>,
    %get3A_889 = arith.constant 6 : i32
    %get3A_890 = arith.index_cast %get3A_889 : i32 to index
    %get3A_891 = arith.constant 0 : index
    %get3A_892 = tpu.vector_load %arg20[%get3A_890, %get3A_891] {strides = array<i32>} : memref<64x16xf32, #tpu.memory_space<vmem>>, vector<16xf32>,
    %get3A_893 = arith.constant 6 : i32
    %get3A_894 = arith.index_cast %get3A_893 : i32 to index
    %get3A_895 = arith.constant 0 : index
    %get3A_896 = tpu.vector_load %arg21[%get3A_894, %get3A_895] {strides = array<i32>} : memref<64x16xf32, #tpu.memory_space<vmem>>, vector<16xf32>,
    %gather3A_897 = tpu.vector_load_idx %arg22[%add3A_868, %broadcast_in_dim3A_554] : memref<128x16xf32, #tpu.memory_space<vmem>>[vector<16xi32>, vector<16xi32>], vector<16xf32>,
    %gather3A_898 = tpu.vector_load_idx %arg23[%add3A_868, %broadcast_in_dim3A_554] : memref<128x16xf32, #tpu.memory_space<vmem>>[vector<16xi32>, vector<16xi32>], vector<16xf32>,
    %mul3A_899 = arith.mulf %gather3A_897, %get3A_892 : vector<16xf32>
    %sub3A_900 = arith.constant 1.000000e+00 : f32
    %sub3A_901 = vector.broadcast %sub3A_900 : f32 to vector<16xf32>
    %sub3A_902 = arith.subf %sub3A_901, %mul3A_899 : vector<16xf32>
    %mul3A_903 = arith.mulf %gather3A_898, %get3A_896 : vector<16xf32>
    %sub3A_904 = arith.constant 1.000000e+00 : f32
    %sub3A_905 = vector.broadcast %sub3A_904 : f32 to vector<16xf32>
    %sub3A_906 = arith.subf %sub3A_905, %mul3A_903 : vector<16xf32>
    %sub3A_907 = arith.subf %get3A_872, %get3A_876 : vector<16xf32>
    %mul3A_908 = arith.mulf %sub3A_907, %sub3A_902 : vector<16xf32>
    %add3A_909 = arith.addf %mul3A_908, %get3A_884 : vector<16xf32>
    %mul3A_910 = arith.mulf %get3A_872, %sub3A_902 : vector<16xf32>
    %mul3A_911 = arith.mulf %get3A_880, %sub3A_906 : vector<16xf32>
    %sub3A_912 = arith.subf %mul3A_910, %mul3A_911 : vector<16xf32>
    %add3A_913 = arith.addf %sub3A_912, %get3A_888 : vector<16xf32>
    %abs3A_914 = math.absf %add3A_909 : vector<16xf32>
    %add3A_915 = arith.addf %add3A_863, %abs3A_914 : vector<16xf32>
    %abs3A_916 = math.absf %add3A_913 : vector<16xf32>
    %add3A_917 = arith.addf %add3A_865, %abs3A_916 : vector<16xf32>
    %add3A_918 = arith.constant 112 : i32
    %add3A_919 = vector.broadcast %add3A_918 : i32 to vector<16xi32>
    %add3A_920 = arith.addi %add3A_919, %iota3A : vector<16xi32>
    %get3A_921 = arith.constant 0 : i32
    %get3A_922 = arith.index_cast %get3A_921 : i32 to index
    %get3A_923 = arith.constant 112 : index
    %get3A_924 = tpu.vector_load %arg16[%get3A_922, %get3A_923] {strides = array<i32>} : memref<24x128xf32, #tpu.memory_space<vmem>>, vector<16xf32>,
    %get3A_925 = arith.constant 8 : i32
    %get3A_926 = arith.index_cast %get3A_925 : i32 to index
    %get3A_927 = arith.constant 112 : index
    %get3A_928 = tpu.vector_load %arg16[%get3A_926, %get3A_927] {strides = array<i32>} : memref<24x128xf32, #tpu.memory_space<vmem>>, vector<16xf32>,
    %get3A_929 = arith.constant 16 : i32
    %get3A_930 = arith.index_cast %get3A_929 : i32 to index
    %get3A_931 = arith.constant 112 : index
    %get3A_932 = tpu.vector_load %arg16[%get3A_930, %get3A_931] {strides = array<i32>} : memref<24x128xf32, #tpu.memory_space<vmem>>, vector<16xf32>,
    %get3A_933 = arith.constant 0 : i32
    %get3A_934 = arith.index_cast %get3A_933 : i32 to index
    %get3A_935 = arith.constant 112 : index
    %get3A_936 = tpu.vector_load %arg17[%get3A_934, %get3A_935] {strides = array<i32>} : memref<16x128xf32, #tpu.memory_space<vmem>>, vector<16xf32>,
    %get3A_937 = arith.constant 8 : i32
    %get3A_938 = arith.index_cast %get3A_937 : i32 to index
    %get3A_939 = arith.constant 112 : index
    %get3A_940 = tpu.vector_load %arg17[%get3A_938, %get3A_939] {strides = array<i32>} : memref<16x128xf32, #tpu.memory_space<vmem>>, vector<16xf32>,
    %get3A_941 = arith.constant 7 : i32
    %get3A_942 = arith.index_cast %get3A_941 : i32 to index
    %get3A_943 = arith.constant 0 : index
    %get3A_944 = tpu.vector_load %arg20[%get3A_942, %get3A_943] {strides = array<i32>} : memref<64x16xf32, #tpu.memory_space<vmem>>, vector<16xf32>,
    %get3A_945 = arith.constant 7 : i32
    %get3A_946 = arith.index_cast %get3A_945 : i32 to index
    %get3A_947 = arith.constant 0 : index
    %get3A_948 = tpu.vector_load %arg21[%get3A_946, %get3A_947] {strides = array<i32>} : memref<64x16xf32, #tpu.memory_space<vmem>>, vector<16xf32>,
    %gather3A_949 = tpu.vector_load_idx %arg22[%add3A_920, %broadcast_in_dim3A_554] : memref<128x16xf32, #tpu.memory_space<vmem>>[vector<16xi32>, vector<16xi32>], vector<16xf32>,
    %gather3A_950 = tpu.vector_load_idx %arg23[%add3A_920, %broadcast_in_dim3A_554] : memref<128x16xf32, #tpu.memory_space<vmem>>[vector<16xi32>, vector<16xi32>], vector<16xf32>,
    %mul3A_951 = arith.mulf %gather3A_949, %get3A_944 : vector<16xf32>
    %sub3A_952 = arith.constant 1.000000e+00 : f32
    %sub3A_953 = vector.broadcast %sub3A_952 : f32 to vector<16xf32>
    %sub3A_954 = arith.subf %sub3A_953, %mul3A_951 : vector<16xf32>
    %mul3A_955 = arith.mulf %gather3A_950, %get3A_948 : vector<16xf32>
    %sub3A_956 = arith.constant 1.000000e+00 : f32
    %sub3A_957 = vector.broadcast %sub3A_956 : f32 to vector<16xf32>
    %sub3A_958 = arith.subf %sub3A_957, %mul3A_955 : vector<16xf32>
    %sub3A_959 = arith.subf %get3A_924, %get3A_928 : vector<16xf32>
    %mul3A_960 = arith.mulf %sub3A_959, %sub3A_954 : vector<16xf32>
    %add3A_961 = arith.addf %mul3A_960, %get3A_936 : vector<16xf32>
    %mul3A_962 = arith.mulf %get3A_924, %sub3A_954 : vector<16xf32>
    %mul3A_963 = arith.mulf %get3A_932, %sub3A_958 : vector<16xf32>
    %sub3A_964 = arith.subf %mul3A_962, %mul3A_963 : vector<16xf32>
    %add3A_965 = arith.addf %sub3A_964, %get3A_940 : vector<16xf32>
    %abs3A_966 = math.absf %add3A_961 : vector<16xf32>
    %add3A_967 = arith.addf %add3A_915, %abs3A_966 : vector<16xf32>
    %abs3A_968 = math.absf %add3A_965 : vector<16xf32>
    %add3A_969 = arith.addf %add3A_917, %abs3A_968 : vector<16xf32>
    %add3A_970 = arith.constant 1 : i32
    %add3A_971 = arith.addi %mul3A_31, %add3A_970 : i32
    %broadcast_in_dim3A_972 = vector.broadcast %add3A_971 : i32 to vector<16xi32>
    %add3A_973 = arith.constant 0 : i32
    %add3A_974 = vector.broadcast %add3A_973 : i32 to vector<16xi32>
    %add3A_975 = arith.addi %add3A_974, %iota3A : vector<16xi32>
    %get3A_976 = arith.constant 1 : i32
    %get3A_977 = arith.index_cast %get3A_976 : i32 to index
    %get3A_978 = arith.constant 0 : index
    %get3A_979 = tpu.vector_load %arg16[%get3A_977, %get3A_978] {strides = array<i32>} : memref<24x128xf32, #tpu.memory_space<vmem>>, vector<16xf32>,
    %get3A_980 = arith.constant 9 : i32
    %get3A_981 = arith.index_cast %get3A_980 : i32 to index
    %get3A_982 = arith.constant 0 : index
    %get3A_983 = tpu.vector_load %arg16[%get3A_981, %get3A_982] {strides = array<i32>} : memref<24x128xf32, #tpu.memory_space<vmem>>, vector<16xf32>,
    %get3A_984 = arith.constant 17 : i32
    %get3A_985 = arith.index_cast %get3A_984 : i32 to index
    %get3A_986 = arith.constant 0 : index
    %get3A_987 = tpu.vector_load %arg16[%get3A_985, %get3A_986] {strides = array<i32>} : memref<24x128xf32, #tpu.memory_space<vmem>>, vector<16xf32>,
    %get3A_988 = arith.constant 1 : i32
    %get3A_989 = arith.index_cast %get3A_988 : i32 to index
    %get3A_990 = arith.constant 0 : index
    %get3A_991 = tpu.vector_load %arg17[%get3A_989, %get3A_990] {strides = array<i32>} : memref<16x128xf32, #tpu.memory_space<vmem>>, vector<16xf32>,
    %get3A_992 = arith.constant 9 : i32
    %get3A_993 = arith.index_cast %get3A_992 : i32 to index
    %get3A_994 = arith.constant 0 : index
    %get3A_995 = tpu.vector_load %arg17[%get3A_993, %get3A_994] {strides = array<i32>} : memref<16x128xf32, #tpu.memory_space<vmem>>, vector<16xf32>,
    %get3A_996 = arith.constant 8 : i32
    %get3A_997 = arith.index_cast %get3A_996 : i32 to index
    %get3A_998 = arith.constant 0 : index
    %get3A_999 = tpu.vector_load %arg20[%get3A_997, %get3A_998] {strides = array<i32>} : memref<64x16xf32, #tpu.memory_space<vmem>>, vector<16xf32>,
    %get3A_1000 = arith.constant 8 : i32
    %get3A_1001 = arith.index_cast %get3A_1000 : i32 to index
    %get3A_1002 = arith.constant 0 : index
    %get3A_1003 = tpu.vector_load %arg21[%get3A_1001, %get3A_1002] {strides = array<i32>} : memref<64x16xf32, #tpu.memory_space<vmem>>, vector<16xf32>,
    %gather3A_1004 = tpu.vector_load_idx %arg22[%add3A_975, %broadcast_in_dim3A_972] : memref<128x16xf32, #tpu.memory_space<vmem>>[vector<16xi32>, vector<16xi32>], vector<16xf32>,
    %gather3A_1005 = tpu.vector_load_idx %arg23[%add3A_975, %broadcast_in_dim3A_972] : memref<128x16xf32, #tpu.memory_space<vmem>>[vector<16xi32>, vector<16xi32>], vector<16xf32>,
    %mul3A_1006 = arith.mulf %gather3A_1004, %get3A_999 : vector<16xf32>
    %sub3A_1007 = arith.constant 1.000000e+00 : f32
    %sub3A_1008 = vector.broadcast %sub3A_1007 : f32 to vector<16xf32>
    %sub3A_1009 = arith.subf %sub3A_1008, %mul3A_1006 : vector<16xf32>
    %mul3A_1010 = arith.mulf %gather3A_1005, %get3A_1003 : vector<16xf32>
    %sub3A_1011 = arith.constant 1.000000e+00 : f32
    %sub3A_1012 = vector.broadcast %sub3A_1011 : f32 to vector<16xf32>
    %sub3A_1013 = arith.subf %sub3A_1012, %mul3A_1010 : vector<16xf32>
    %sub3A_1014 = arith.subf %get3A_979, %get3A_983 : vector<16xf32>
    %mul3A_1015 = arith.mulf %sub3A_1014, %sub3A_1009 : vector<16xf32>
    %add3A_1016 = arith.addf %mul3A_1015, %get3A_991 : vector<16xf32>
    %mul3A_1017 = arith.mulf %get3A_979, %sub3A_1009 : vector<16xf32>
    %mul3A_1018 = arith.mulf %get3A_987, %sub3A_1013 : vector<16xf32>
    %sub3A_1019 = arith.subf %mul3A_1017, %mul3A_1018 : vector<16xf32>
    %add3A_1020 = arith.addf %sub3A_1019, %get3A_995 : vector<16xf32>
    %abs3A_1021 = math.absf %add3A_1016 : vector<16xf32>
    %add3A_1022 = arith.addf %add3A_967, %abs3A_1021 : vector<16xf32>
    %abs3A_1023 = math.absf %add3A_1020 : vector<16xf32>
    %add3A_1024 = arith.addf %add3A_969, %abs3A_1023 : vector<16xf32>
    %add3A_1025 = arith.constant 16 : i32
    %add3A_1026 = vector.broadcast %add3A_1025 : i32 to vector<16xi32>
    %add3A_1027 = arith.addi %add3A_1026, %iota3A : vector<16xi32>
    %get3A_1028 = arith.constant 1 : i32
    %get3A_1029 = arith.index_cast %get3A_1028 : i32 to index
    %get3A_1030 = arith.constant 16 : index
    %get3A_1031 = tpu.vector_load %arg16[%get3A_1029, %get3A_1030] {strides = array<i32>} : memref<24x128xf32, #tpu.memory_space<vmem>>, vector<16xf32>,
    %get3A_1032 = arith.constant 9 : i32
    %get3A_1033 = arith.index_cast %get3A_1032 : i32 to index
    %get3A_1034 = arith.constant 16 : index
    %get3A_1035 = tpu.vector_load %arg16[%get3A_1033, %get3A_1034] {strides = array<i32>} : memref<24x128xf32, #tpu.memory_space<vmem>>, vector<16xf32>,
    %get3A_1036 = arith.constant 17 : i32
    %get3A_1037 = arith.index_cast %get3A_1036 : i32 to index
    %get3A_1038 = arith.constant 16 : index
    %get3A_1039 = tpu.vector_load %arg16[%get3A_1037, %get3A_1038] {strides = array<i32>} : memref<24x128xf32, #tpu.memory_space<vmem>>, vector<16xf32>,
    %get3A_1040 = arith.constant 1 : i32
    %get3A_1041 = arith.index_cast %get3A_1040 : i32 to index
    %get3A_1042 = arith.constant 16 : index
    %get3A_1043 = tpu.vector_load %arg17[%get3A_1041, %get3A_1042] {strides = array<i32>} : memref<16x128xf32, #tpu.memory_space<vmem>>, vector<16xf32>,
    %get3A_1044 = arith.constant 9 : i32
    %get3A_1045 = arith.index_cast %get3A_1044 : i32 to index
    %get3A_1046 = arith.constant 16 : index
    %get3A_1047 = tpu.vector_load %arg17[%get3A_1045, %get3A_1046] {strides = array<i32>} : memref<16x128xf32, #tpu.memory_space<vmem>>, vector<16xf32>,
    %get3A_1048 = arith.constant 9 : i32
    %get3A_1049 = arith.index_cast %get3A_1048 : i32 to index
    %get3A_1050 = arith.constant 0 : index
    %get3A_1051 = tpu.vector_load %arg20[%get3A_1049, %get3A_1050] {strides = array<i32>} : memref<64x16xf32, #tpu.memory_space<vmem>>, vector<16xf32>,
    %get3A_1052 = arith.constant 9 : i32
    %get3A_1053 = arith.index_cast %get3A_1052 : i32 to index
    %get3A_1054 = arith.constant 0 : index
    %get3A_1055 = tpu.vector_load %arg21[%get3A_1053, %get3A_1054] {strides = array<i32>} : memref<64x16xf32, #tpu.memory_space<vmem>>, vector<16xf32>,
    %gather3A_1056 = tpu.vector_load_idx %arg22[%add3A_1027, %broadcast_in_dim3A_972] : memref<128x16xf32, #tpu.memory_space<vmem>>[vector<16xi32>, vector<16xi32>], vector<16xf32>,
    %gather3A_1057 = tpu.vector_load_idx %arg23[%add3A_1027, %broadcast_in_dim3A_972] : memref<128x16xf32, #tpu.memory_space<vmem>>[vector<16xi32>, vector<16xi32>], vector<16xf32>,
    %mul3A_1058 = arith.mulf %gather3A_1056, %get3A_1051 : vector<16xf32>
    %sub3A_1059 = arith.constant 1.000000e+00 : f32
    %sub3A_1060 = vector.broadcast %sub3A_1059 : f32 to vector<16xf32>
    %sub3A_1061 = arith.subf %sub3A_1060, %mul3A_1058 : vector<16xf32>
    %mul3A_1062 = arith.mulf %gather3A_1057, %get3A_1055 : vector<16xf32>
    %sub3A_1063 = arith.constant 1.000000e+00 : f32
    %sub3A_1064 = vector.broadcast %sub3A_1063 : f32 to vector<16xf32>
    %sub3A_1065 = arith.subf %sub3A_1064, %mul3A_1062 : vector<16xf32>
    %sub3A_1066 = arith.subf %get3A_1031, %get3A_1035 : vector<16xf32>
    %mul3A_1067 = arith.mulf %sub3A_1066, %sub3A_1061 : vector<16xf32>
    %add3A_1068 = arith.addf %mul3A_1067, %get3A_1043 : vector<16xf32>
    %mul3A_1069 = arith.mulf %get3A_1031, %sub3A_1061 : vector<16xf32>
    %mul3A_1070 = arith.mulf %get3A_1039, %sub3A_1065 : vector<16xf32>
    %sub3A_1071 = arith.subf %mul3A_1069, %mul3A_1070 : vector<16xf32>
    %add3A_1072 = arith.addf %sub3A_1071, %get3A_1047 : vector<16xf32>
    %abs3A_1073 = math.absf %add3A_1068 : vector<16xf32>
    %add3A_1074 = arith.addf %add3A_1022, %abs3A_1073 : vector<16xf32>
    %abs3A_1075 = math.absf %add3A_1072 : vector<16xf32>
    %add3A_1076 = arith.addf %add3A_1024, %abs3A_1075 : vector<16xf32>
    %add3A_1077 = arith.constant 32 : i32
    %add3A_1078 = vector.broadcast %add3A_1077 : i32 to vector<16xi32>
    %add3A_1079 = arith.addi %add3A_1078, %iota3A : vector<16xi32>
    %get3A_1080 = arith.constant 1 : i32
    %get3A_1081 = arith.index_cast %get3A_1080 : i32 to index
    %get3A_1082 = arith.constant 32 : index
    %get3A_1083 = tpu.vector_load %arg16[%get3A_1081, %get3A_1082] {strides = array<i32>} : memref<24x128xf32, #tpu.memory_space<vmem>>, vector<16xf32>,
    %get3A_1084 = arith.constant 9 : i32
    %get3A_1085 = arith.index_cast %get3A_1084 : i32 to index
    %get3A_1086 = arith.constant 32 : index
    %get3A_1087 = tpu.vector_load %arg16[%get3A_1085, %get3A_1086] {strides = array<i32>} : memref<24x128xf32, #tpu.memory_space<vmem>>, vector<16xf32>,
    %get3A_1088 = arith.constant 17 : i32
    %get3A_1089 = arith.index_cast %get3A_1088 : i32 to index
    %get3A_1090 = arith.constant 32 : index
    %get3A_1091 = tpu.vector_load %arg16[%get3A_1089, %get3A_1090] {strides = array<i32>} : memref<24x128xf32, #tpu.memory_space<vmem>>, vector<16xf32>,
    %get3A_1092 = arith.constant 1 : i32
    %get3A_1093 = arith.index_cast %get3A_1092 : i32 to index
    %get3A_1094 = arith.constant 32 : index
    %get3A_1095 = tpu.vector_load %arg17[%get3A_1093, %get3A_1094] {strides = array<i32>} : memref<16x128xf32, #tpu.memory_space<vmem>>, vector<16xf32>,
    %get3A_1096 = arith.constant 9 : i32
    %get3A_1097 = arith.index_cast %get3A_1096 : i32 to index
    %get3A_1098 = arith.constant 32 : index
    %get3A_1099 = tpu.vector_load %arg17[%get3A_1097, %get3A_1098] {strides = array<i32>} : memref<16x128xf32, #tpu.memory_space<vmem>>, vector<16xf32>,
    %get3A_1100 = arith.constant 10 : i32
    %get3A_1101 = arith.index_cast %get3A_1100 : i32 to index
    %get3A_1102 = arith.constant 0 : index
    %get3A_1103 = tpu.vector_load %arg20[%get3A_1101, %get3A_1102] {strides = array<i32>} : memref<64x16xf32, #tpu.memory_space<vmem>>, vector<16xf32>,
    %get3A_1104 = arith.constant 10 : i32
    %get3A_1105 = arith.index_cast %get3A_1104 : i32 to index
    %get3A_1106 = arith.constant 0 : index
    %get3A_1107 = tpu.vector_load %arg21[%get3A_1105, %get3A_1106] {strides = array<i32>} : memref<64x16xf32, #tpu.memory_space<vmem>>, vector<16xf32>,
    %gather3A_1108 = tpu.vector_load_idx %arg22[%add3A_1079, %broadcast_in_dim3A_972] : memref<128x16xf32, #tpu.memory_space<vmem>>[vector<16xi32>, vector<16xi32>], vector<16xf32>,
    %gather3A_1109 = tpu.vector_load_idx %arg23[%add3A_1079, %broadcast_in_dim3A_972] : memref<128x16xf32, #tpu.memory_space<vmem>>[vector<16xi32>, vector<16xi32>], vector<16xf32>,
    %mul3A_1110 = arith.mulf %gather3A_1108, %get3A_1103 : vector<16xf32>
    %sub3A_1111 = arith.constant 1.000000e+00 : f32
    %sub3A_1112 = vector.broadcast %sub3A_1111 : f32 to vector<16xf32>
    %sub3A_1113 = arith.subf %sub3A_1112, %mul3A_1110 : vector<16xf32>
    %mul3A_1114 = arith.mulf %gather3A_1109, %get3A_1107 : vector<16xf32>
    %sub3A_1115 = arith.constant 1.000000e+00 : f32
    %sub3A_1116 = vector.broadcast %sub3A_1115 : f32 to vector<16xf32>
    %sub3A_1117 = arith.subf %sub3A_1116, %mul3A_1114 : vector<16xf32>
    %sub3A_1118 = arith.subf %get3A_1083, %get3A_1087 : vector<16xf32>
    %mul3A_1119 = arith.mulf %sub3A_1118, %sub3A_1113 : vector<16xf32>
    %add3A_1120 = arith.addf %mul3A_1119, %get3A_1095 : vector<16xf32>
    %mul3A_1121 = arith.mulf %get3A_1083, %sub3A_1113 : vector<16xf32>
    %mul3A_1122 = arith.mulf %get3A_1091, %sub3A_1117 : vector<16xf32>
    %sub3A_1123 = arith.subf %mul3A_1121, %mul3A_1122 : vector<16xf32>
    %add3A_1124 = arith.addf %sub3A_1123, %get3A_1099 : vector<16xf32>
    %abs3A_1125 = math.absf %add3A_1120 : vector<16xf32>
    %add3A_1126 = arith.addf %add3A_1074, %abs3A_1125 : vector<16xf32>
    %abs3A_1127 = math.absf %add3A_1124 : vector<16xf32>
    %add3A_1128 = arith.addf %add3A_1076, %abs3A_1127 : vector<16xf32>
    %add3A_1129 = arith.constant 48 : i32
    %add3A_1130 = vector.broadcast %add3A_1129 : i32 to vector<16xi32>
    %add3A_1131 = arith.addi %add3A_1130, %iota3A : vector<16xi32>
    %get3A_1132 = arith.constant 1 : i32
    %get3A_1133 = arith.index_cast %get3A_1132 : i32 to index
    %get3A_1134 = arith.constant 48 : index
    %get3A_1135 = tpu.vector_load %arg16[%get3A_1133, %get3A_1134] {strides = array<i32>} : memref<24x128xf32, #tpu.memory_space<vmem>>, vector<16xf32>,
    %get3A_1136 = arith.constant 9 : i32
    %get3A_1137 = arith.index_cast %get3A_1136 : i32 to index
    %get3A_1138 = arith.constant 48 : index
    %get3A_1139 = tpu.vector_load %arg16[%get3A_1137, %get3A_1138] {strides = array<i32>} : memref<24x128xf32, #tpu.memory_space<vmem>>, vector<16xf32>,
    %get3A_1140 = arith.constant 17 : i32
    %get3A_1141 = arith.index_cast %get3A_1140 : i32 to index
    %get3A_1142 = arith.constant 48 : index
    %get3A_1143 = tpu.vector_load %arg16[%get3A_1141, %get3A_1142] {strides = array<i32>} : memref<24x128xf32, #tpu.memory_space<vmem>>, vector<16xf32>,
    %get3A_1144 = arith.constant 1 : i32
    %get3A_1145 = arith.index_cast %get3A_1144 : i32 to index
    %get3A_1146 = arith.constant 48 : index
    %get3A_1147 = tpu.vector_load %arg17[%get3A_1145, %get3A_1146] {strides = array<i32>} : memref<16x128xf32, #tpu.memory_space<vmem>>, vector<16xf32>,
    %get3A_1148 = arith.constant 9 : i32
    %get3A_1149 = arith.index_cast %get3A_1148 : i32 to index
    %get3A_1150 = arith.constant 48 : index
    %get3A_1151 = tpu.vector_load %arg17[%get3A_1149, %get3A_1150] {strides = array<i32>} : memref<16x128xf32, #tpu.memory_space<vmem>>, vector<16xf32>,
    %get3A_1152 = arith.constant 11 : i32
    %get3A_1153 = arith.index_cast %get3A_1152 : i32 to index
    %get3A_1154 = arith.constant 0 : index
    %get3A_1155 = tpu.vector_load %arg20[%get3A_1153, %get3A_1154] {strides = array<i32>} : memref<64x16xf32, #tpu.memory_space<vmem>>, vector<16xf32>,
    %get3A_1156 = arith.constant 11 : i32
    %get3A_1157 = arith.index_cast %get3A_1156 : i32 to index
    %get3A_1158 = arith.constant 0 : index
    %get3A_1159 = tpu.vector_load %arg21[%get3A_1157, %get3A_1158] {strides = array<i32>} : memref<64x16xf32, #tpu.memory_space<vmem>>, vector<16xf32>,
    %gather3A_1160 = tpu.vector_load_idx %arg22[%add3A_1131, %broadcast_in_dim3A_972] : memref<128x16xf32, #tpu.memory_space<vmem>>[vector<16xi32>, vector<16xi32>], vector<16xf32>,
    %gather3A_1161 = tpu.vector_load_idx %arg23[%add3A_1131, %broadcast_in_dim3A_972] : memref<128x16xf32, #tpu.memory_space<vmem>>[vector<16xi32>, vector<16xi32>], vector<16xf32>,
    %mul3A_1162 = arith.mulf %gather3A_1160, %get3A_1155 : vector<16xf32>
    %sub3A_1163 = arith.constant 1.000000e+00 : f32
    %sub3A_1164 = vector.broadcast %sub3A_1163 : f32 to vector<16xf32>
    %sub3A_1165 = arith.subf %sub3A_1164, %mul3A_1162 : vector<16xf32>
    %mul3A_1166 = arith.mulf %gather3A_1161, %get3A_1159 : vector<16xf32>
    %sub3A_1167 = arith.constant 1.000000e+00 : f32
    %sub3A_1168 = vector.broadcast %sub3A_1167 : f32 to vector<16xf32>
    %sub3A_1169 = arith.subf %sub3A_1168, %mul3A_1166 : vector<16xf32>
    %sub3A_1170 = arith.subf %get3A_1135, %get3A_1139 : vector<16xf32>
    %mul3A_1171 = arith.mulf %sub3A_1170, %sub3A_1165 : vector<16xf32>
    %add3A_1172 = arith.addf %mul3A_1171, %get3A_1147 : vector<16xf32>
    %mul3A_1173 = arith.mulf %get3A_1135, %sub3A_1165 : vector<16xf32>
    %mul3A_1174 = arith.mulf %get3A_1143, %sub3A_1169 : vector<16xf32>
    %sub3A_1175 = arith.subf %mul3A_1173, %mul3A_1174 : vector<16xf32>
    %add3A_1176 = arith.addf %sub3A_1175, %get3A_1151 : vector<16xf32>
    %abs3A_1177 = math.absf %add3A_1172 : vector<16xf32>
    %add3A_1178 = arith.addf %add3A_1126, %abs3A_1177 : vector<16xf32>
    %abs3A_1179 = math.absf %add3A_1176 : vector<16xf32>
    %add3A_1180 = arith.addf %add3A_1128, %abs3A_1179 : vector<16xf32>
    %add3A_1181 = arith.constant 64 : i32
    %add3A_1182 = vector.broadcast %add3A_1181 : i32 to vector<16xi32>
    %add3A_1183 = arith.addi %add3A_1182, %iota3A : vector<16xi32>
    %get3A_1184 = arith.constant 1 : i32
    %get3A_1185 = arith.index_cast %get3A_1184 : i32 to index
    %get3A_1186 = arith.constant 64 : index
    %get3A_1187 = tpu.vector_load %arg16[%get3A_1185, %get3A_1186] {strides = array<i32>} : memref<24x128xf32, #tpu.memory_space<vmem>>, vector<16xf32>,
    %get3A_1188 = arith.constant 9 : i32
    %get3A_1189 = arith.index_cast %get3A_1188 : i32 to index
    %get3A_1190 = arith.constant 64 : index
    %get3A_1191 = tpu.vector_load %arg16[%get3A_1189, %get3A_1190] {strides = array<i32>} : memref<24x128xf32, #tpu.memory_space<vmem>>, vector<16xf32>,
    %get3A_1192 = arith.constant 17 : i32
    %get3A_1193 = arith.index_cast %get3A_1192 : i32 to index
    %get3A_1194 = arith.constant 64 : index
    %get3A_1195 = tpu.vector_load %arg16[%get3A_1193, %get3A_1194] {strides = array<i32>} : memref<24x128xf32, #tpu.memory_space<vmem>>, vector<16xf32>,
    %get3A_1196 = arith.constant 1 : i32
    %get3A_1197 = arith.index_cast %get3A_1196 : i32 to index
    %get3A_1198 = arith.constant 64 : index
    %get3A_1199 = tpu.vector_load %arg17[%get3A_1197, %get3A_1198] {strides = array<i32>} : memref<16x128xf32, #tpu.memory_space<vmem>>, vector<16xf32>,
    %get3A_1200 = arith.constant 9 : i32
    %get3A_1201 = arith.index_cast %get3A_1200 : i32 to index
    %get3A_1202 = arith.constant 64 : index
    %get3A_1203 = tpu.vector_load %arg17[%get3A_1201, %get3A_1202] {strides = array<i32>} : memref<16x128xf32, #tpu.memory_space<vmem>>, vector<16xf32>,
    %get3A_1204 = arith.constant 12 : i32
    %get3A_1205 = arith.index_cast %get3A_1204 : i32 to index
    %get3A_1206 = arith.constant 0 : index
    %get3A_1207 = tpu.vector_load %arg20[%get3A_1205, %get3A_1206] {strides = array<i32>} : memref<64x16xf32, #tpu.memory_space<vmem>>, vector<16xf32>,
    %get3A_1208 = arith.constant 12 : i32
    %get3A_1209 = arith.index_cast %get3A_1208 : i32 to index
    %get3A_1210 = arith.constant 0 : index
    %get3A_1211 = tpu.vector_load %arg21[%get3A_1209, %get3A_1210] {strides = array<i32>} : memref<64x16xf32, #tpu.memory_space<vmem>>, vector<16xf32>,
    %gather3A_1212 = tpu.vector_load_idx %arg22[%add3A_1183, %broadcast_in_dim3A_972] : memref<128x16xf32, #tpu.memory_space<vmem>>[vector<16xi32>, vector<16xi32>], vector<16xf32>,
    %gather3A_1213 = tpu.vector_load_idx %arg23[%add3A_1183, %broadcast_in_dim3A_972] : memref<128x16xf32, #tpu.memory_space<vmem>>[vector<16xi32>, vector<16xi32>], vector<16xf32>,
    %mul3A_1214 = arith.mulf %gather3A_1212, %get3A_1207 : vector<16xf32>
    %sub3A_1215 = arith.constant 1.000000e+00 : f32
    %sub3A_1216 = vector.broadcast %sub3A_1215 : f32 to vector<16xf32>
    %sub3A_1217 = arith.subf %sub3A_1216, %mul3A_1214 : vector<16xf32>
    %mul3A_1218 = arith.mulf %gather3A_1213, %get3A_1211 : vector<16xf32>
    %sub3A_1219 = arith.constant 1.000000e+00 : f32
    %sub3A_1220 = vector.broadcast %sub3A_1219 : f32 to vector<16xf32>
    %sub3A_1221 = arith.subf %sub3A_1220, %mul3A_1218 : vector<16xf32>
    %sub3A_1222 = arith.subf %get3A_1187, %get3A_1191 : vector<16xf32>
    %mul3A_1223 = arith.mulf %sub3A_1222, %sub3A_1217 : vector<16xf32>
    %add3A_1224 = arith.addf %mul3A_1223, %get3A_1199 : vector<16xf32>
    %mul3A_1225 = arith.mulf %get3A_1187, %sub3A_1217 : vector<16xf32>
    %mul3A_1226 = arith.mulf %get3A_1195, %sub3A_1221 : vector<16xf32>
    %sub3A_1227 = arith.subf %mul3A_1225, %mul3A_1226 : vector<16xf32>
    %add3A_1228 = arith.addf %sub3A_1227, %get3A_1203 : vector<16xf32>
    %abs3A_1229 = math.absf %add3A_1224 : vector<16xf32>
    %add3A_1230 = arith.addf %add3A_1178, %abs3A_1229 : vector<16xf32>
    %abs3A_1231 = math.absf %add3A_1228 : vector<16xf32>
    %add3A_1232 = arith.addf %add3A_1180, %abs3A_1231 : vector<16xf32>
    %add3A_1233 = arith.constant 80 : i32
    %add3A_1234 = vector.broadcast %add3A_1233 : i32 to vector<16xi32>
    %add3A_1235 = arith.addi %add3A_1234, %iota3A : vector<16xi32>
    %get3A_1236 = arith.constant 1 : i32
    %get3A_1237 = arith.index_cast %get3A_1236 : i32 to index
    %get3A_1238 = arith.constant 80 : index
    %get3A_1239 = tpu.vector_load %arg16[%get3A_1237, %get3A_1238] {strides = array<i32>} : memref<24x128xf32, #tpu.memory_space<vmem>>, vector<16xf32>,
    %get3A_1240 = arith.constant 9 : i32
    %get3A_1241 = arith.index_cast %get3A_1240 : i32 to index
    %get3A_1242 = arith.constant 80 : index
    %get3A_1243 = tpu.vector_load %arg16[%get3A_1241, %get3A_1242] {strides = array<i32>} : memref<24x128xf32, #tpu.memory_space<vmem>>, vector<16xf32>,
    %get3A_1244 = arith.constant 17 : i32
    %get3A_1245 = arith.index_cast %get3A_1244 : i32 to index
    %get3A_1246 = arith.constant 80 : index
    %get3A_1247 = tpu.vector_load %arg16[%get3A_1245, %get3A_1246] {strides = array<i32>} : memref<24x128xf32, #tpu.memory_space<vmem>>, vector<16xf32>,
    %get3A_1248 = arith.constant 1 : i32
    %get3A_1249 = arith.index_cast %get3A_1248 : i32 to index
    %get3A_1250 = arith.constant 80 : index
    %get3A_1251 = tpu.vector_load %arg17[%get3A_1249, %get3A_1250] {strides = array<i32>} : memref<16x128xf32, #tpu.memory_space<vmem>>, vector<16xf32>,
    %get3A_1252 = arith.constant 9 : i32
    %get3A_1253 = arith.index_cast %get3A_1252 : i32 to index
    %get3A_1254 = arith.constant 80 : index
    %get3A_1255 = tpu.vector_load %arg17[%get3A_1253, %get3A_1254] {strides = array<i32>} : memref<16x128xf32, #tpu.memory_space<vmem>>, vector<16xf32>,
    %get3A_1256 = arith.constant 13 : i32
    %get3A_1257 = arith.index_cast %get3A_1256 : i32 to index
    %get3A_1258 = arith.constant 0 : index
    %get3A_1259 = tpu.vector_load %arg20[%get3A_1257, %get3A_1258] {strides = array<i32>} : memref<64x16xf32, #tpu.memory_space<vmem>>, vector<16xf32>,
    %get3A_1260 = arith.constant 13 : i32
    %get3A_1261 = arith.index_cast %get3A_1260 : i32 to index
    %get3A_1262 = arith.constant 0 : index
    %get3A_1263 = tpu.vector_load %arg21[%get3A_1261, %get3A_1262] {strides = array<i32>} : memref<64x16xf32, #tpu.memory_space<vmem>>, vector<16xf32>,
    %gather3A_1264 = tpu.vector_load_idx %arg22[%add3A_1235, %broadcast_in_dim3A_972] : memref<128x16xf32, #tpu.memory_space<vmem>>[vector<16xi32>, vector<16xi32>], vector<16xf32>,
    %gather3A_1265 = tpu.vector_load_idx %arg23[%add3A_1235, %broadcast_in_dim3A_972] : memref<128x16xf32, #tpu.memory_space<vmem>>[vector<16xi32>, vector<16xi32>], vector<16xf32>,
    %mul3A_1266 = arith.mulf %gather3A_1264, %get3A_1259 : vector<16xf32>
    %sub3A_1267 = arith.constant 1.000000e+00 : f32
    %sub3A_1268 = vector.broadcast %sub3A_1267 : f32 to vector<16xf32>
    %sub3A_1269 = arith.subf %sub3A_1268, %mul3A_1266 : vector<16xf32>
    %mul3A_1270 = arith.mulf %gather3A_1265, %get3A_1263 : vector<16xf32>
    %sub3A_1271 = arith.constant 1.000000e+00 : f32
    %sub3A_1272 = vector.broadcast %sub3A_1271 : f32 to vector<16xf32>
    %sub3A_1273 = arith.subf %sub3A_1272, %mul3A_1270 : vector<16xf32>
    %sub3A_1274 = arith.subf %get3A_1239, %get3A_1243 : vector<16xf32>
    %mul3A_1275 = arith.mulf %sub3A_1274, %sub3A_1269 : vector<16xf32>
    %add3A_1276 = arith.addf %mul3A_1275, %get3A_1251 : vector<16xf32>
    %mul3A_1277 = arith.mulf %get3A_1239, %sub3A_1269 : vector<16xf32>
    %mul3A_1278 = arith.mulf %get3A_1247, %sub3A_1273 : vector<16xf32>
    %sub3A_1279 = arith.subf %mul3A_1277, %mul3A_1278 : vector<16xf32>
    %add3A_1280 = arith.addf %sub3A_1279, %get3A_1255 : vector<16xf32>
    %abs3A_1281 = math.absf %add3A_1276 : vector<16xf32>
    %add3A_1282 = arith.addf %add3A_1230, %abs3A_1281 : vector<16xf32>
    %abs3A_1283 = math.absf %add3A_1280 : vector<16xf32>
    %add3A_1284 = arith.addf %add3A_1232, %abs3A_1283 : vector<16xf32>
    %add3A_1285 = arith.constant 96 : i32
    %add3A_1286 = vector.broadcast %add3A_1285 : i32 to vector<16xi32>
    %add3A_1287 = arith.addi %add3A_1286, %iota3A : vector<16xi32>
    %get3A_1288 = arith.constant 1 : i32
    %get3A_1289 = arith.index_cast %get3A_1288 : i32 to index
    %get3A_1290 = arith.constant 96 : index
    %get3A_1291 = tpu.vector_load %arg16[%get3A_1289, %get3A_1290] {strides = array<i32>} : memref<24x128xf32, #tpu.memory_space<vmem>>, vector<16xf32>,
    %get3A_1292 = arith.constant 9 : i32
    %get3A_1293 = arith.index_cast %get3A_1292 : i32 to index
    %get3A_1294 = arith.constant 96 : index
    %get3A_1295 = tpu.vector_load %arg16[%get3A_1293, %get3A_1294] {strides = array<i32>} : memref<24x128xf32, #tpu.memory_space<vmem>>, vector<16xf32>,
    %get3A_1296 = arith.constant 17 : i32
    %get3A_1297 = arith.index_cast %get3A_1296 : i32 to index
    %get3A_1298 = arith.constant 96 : index
    %get3A_1299 = tpu.vector_load %arg16[%get3A_1297, %get3A_1298] {strides = array<i32>} : memref<24x128xf32, #tpu.memory_space<vmem>>, vector<16xf32>,
    %get3A_1300 = arith.constant 1 : i32
    %get3A_1301 = arith.index_cast %get3A_1300 : i32 to index
    %get3A_1302 = arith.constant 96 : index
    %get3A_1303 = tpu.vector_load %arg17[%get3A_1301, %get3A_1302] {strides = array<i32>} : memref<16x128xf32, #tpu.memory_space<vmem>>, vector<16xf32>,
    %get3A_1304 = arith.constant 9 : i32
    %get3A_1305 = arith.index_cast %get3A_1304 : i32 to index
    %get3A_1306 = arith.constant 96 : index
    %get3A_1307 = tpu.vector_load %arg17[%get3A_1305, %get3A_1306] {strides = array<i32>} : memref<16x128xf32, #tpu.memory_space<vmem>>, vector<16xf32>,
    %get3A_1308 = arith.constant 14 : i32
    %get3A_1309 = arith.index_cast %get3A_1308 : i32 to index
    %get3A_1310 = arith.constant 0 : index
    %get3A_1311 = tpu.vector_load %arg20[%get3A_1309, %get3A_1310] {strides = array<i32>} : memref<64x16xf32, #tpu.memory_space<vmem>>, vector<16xf32>,
    %get3A_1312 = arith.constant 14 : i32
    %get3A_1313 = arith.index_cast %get3A_1312 : i32 to index
    %get3A_1314 = arith.constant 0 : index
    %get3A_1315 = tpu.vector_load %arg21[%get3A_1313, %get3A_1314] {strides = array<i32>} : memref<64x16xf32, #tpu.memory_space<vmem>>, vector<16xf32>,
    %gather3A_1316 = tpu.vector_load_idx %arg22[%add3A_1287, %broadcast_in_dim3A_972] : memref<128x16xf32, #tpu.memory_space<vmem>>[vector<16xi32>, vector<16xi32>], vector<16xf32>,
    %gather3A_1317 = tpu.vector_load_idx %arg23[%add3A_1287, %broadcast_in_dim3A_972] : memref<128x16xf32, #tpu.memory_space<vmem>>[vector<16xi32>, vector<16xi32>], vector<16xf32>,
    %mul3A_1318 = arith.mulf %gather3A_1316, %get3A_1311 : vector<16xf32>
    %sub3A_1319 = arith.constant 1.000000e+00 : f32
    %sub3A_1320 = vector.broadcast %sub3A_1319 : f32 to vector<16xf32>
    %sub3A_1321 = arith.subf %sub3A_1320, %mul3A_1318 : vector<16xf32>
    %mul3A_1322 = arith.mulf %gather3A_1317, %get3A_1315 : vector<16xf32>
    %sub3A_1323 = arith.constant 1.000000e+00 : f32
    %sub3A_1324 = vector.broadcast %sub3A_1323 : f32 to vector<16xf32>
    %sub3A_1325 = arith.subf %sub3A_1324, %mul3A_1322 : vector<16xf32>
    %sub3A_1326 = arith.subf %get3A_1291, %get3A_1295 : vector<16xf32>
    %mul3A_1327 = arith.mulf %sub3A_1326, %sub3A_1321 : vector<16xf32>
    %add3A_1328 = arith.addf %mul3A_1327, %get3A_1303 : vector<16xf32>
    %mul3A_1329 = arith.mulf %get3A_1291, %sub3A_1321 : vector<16xf32>
    %mul3A_1330 = arith.mulf %get3A_1299, %sub3A_1325 : vector<16xf32>
    %sub3A_1331 = arith.subf %mul3A_1329, %mul3A_1330 : vector<16xf32>
    %add3A_1332 = arith.addf %sub3A_1331, %get3A_1307 : vector<16xf32>
    %abs3A_1333 = math.absf %add3A_1328 : vector<16xf32>
    %add3A_1334 = arith.addf %add3A_1282, %abs3A_1333 : vector<16xf32>
    %abs3A_1335 = math.absf %add3A_1332 : vector<16xf32>
    %add3A_1336 = arith.addf %add3A_1284, %abs3A_1335 : vector<16xf32>
    %add3A_1337 = arith.constant 112 : i32
    %add3A_1338 = vector.broadcast %add3A_1337 : i32 to vector<16xi32>
    %add3A_1339 = arith.addi %add3A_1338, %iota3A : vector<16xi32>
    %get3A_1340 = arith.constant 1 : i32
    %get3A_1341 = arith.index_cast %get3A_1340 : i32 to index
    %get3A_1342 = arith.constant 112 : index
    %get3A_1343 = tpu.vector_load %arg16[%get3A_1341, %get3A_1342] {strides = array<i32>} : memref<24x128xf32, #tpu.memory_space<vmem>>, vector<16xf32>,
    %get3A_1344 = arith.constant 9 : i32
    %get3A_1345 = arith.index_cast %get3A_1344 : i32 to index
    %get3A_1346 = arith.constant 112 : index
    %get3A_1347 = tpu.vector_load %arg16[%get3A_1345, %get3A_1346] {strides = array<i32>} : memref<24x128xf32, #tpu.memory_space<vmem>>, vector<16xf32>,
    %get3A_1348 = arith.constant 17 : i32
    %get3A_1349 = arith.index_cast %get3A_1348 : i32 to index
    %get3A_1350 = arith.constant 112 : index
    %get3A_1351 = tpu.vector_load %arg16[%get3A_1349, %get3A_1350] {strides = array<i32>} : memref<24x128xf32, #tpu.memory_space<vmem>>, vector<16xf32>,
    %get3A_1352 = arith.constant 1 : i32
    %get3A_1353 = arith.index_cast %get3A_1352 : i32 to index
    %get3A_1354 = arith.constant 112 : index
    %get3A_1355 = tpu.vector_load %arg17[%get3A_1353, %get3A_1354] {strides = array<i32>} : memref<16x128xf32, #tpu.memory_space<vmem>>, vector<16xf32>,
    %get3A_1356 = arith.constant 9 : i32
    %get3A_1357 = arith.index_cast %get3A_1356 : i32 to index
    %get3A_1358 = arith.constant 112 : index
    %get3A_1359 = tpu.vector_load %arg17[%get3A_1357, %get3A_1358] {strides = array<i32>} : memref<16x128xf32, #tpu.memory_space<vmem>>, vector<16xf32>,
    %get3A_1360 = arith.constant 15 : i32
    %get3A_1361 = arith.index_cast %get3A_1360 : i32 to index
    %get3A_1362 = arith.constant 0 : index
    %get3A_1363 = tpu.vector_load %arg20[%get3A_1361, %get3A_1362] {strides = array<i32>} : memref<64x16xf32, #tpu.memory_space<vmem>>, vector<16xf32>,
    %get3A_1364 = arith.constant 15 : i32
    %get3A_1365 = arith.index_cast %get3A_1364 : i32 to index
    %get3A_1366 = arith.constant 0 : index
    %get3A_1367 = tpu.vector_load %arg21[%get3A_1365, %get3A_1366] {strides = array<i32>} : memref<64x16xf32, #tpu.memory_space<vmem>>, vector<16xf32>,
    %gather3A_1368 = tpu.vector_load_idx %arg22[%add3A_1339, %broadcast_in_dim3A_972] : memref<128x16xf32, #tpu.memory_space<vmem>>[vector<16xi32>, vector<16xi32>], vector<16xf32>,
    %gather3A_1369 = tpu.vector_load_idx %arg23[%add3A_1339, %broadcast_in_dim3A_972] : memref<128x16xf32, #tpu.memory_space<vmem>>[vector<16xi32>, vector<16xi32>], vector<16xf32>,
    %mul3A_1370 = arith.mulf %gather3A_1368, %get3A_1363 : vector<16xf32>
    %sub3A_1371 = arith.constant 1.000000e+00 : f32
    %sub3A_1372 = vector.broadcast %sub3A_1371 : f32 to vector<16xf32>
    %sub3A_1373 = arith.subf %sub3A_1372, %mul3A_1370 : vector<16xf32>
    %mul3A_1374 = arith.mulf %gather3A_1369, %get3A_1367 : vector<16xf32>
    %sub3A_1375 = arith.constant 1.000000e+00 : f32
    %sub3A_1376 = vector.broadcast %sub3A_1375 : f32 to vector<16xf32>
    %sub3A_1377 = arith.subf %sub3A_1376, %mul3A_1374 : vector<16xf32>
    %sub3A_1378 = arith.subf %get3A_1343, %get3A_1347 : vector<16xf32>
    %mul3A_1379 = arith.mulf %sub3A_1378, %sub3A_1373 : vector<16xf32>
    %add3A_1380 = arith.addf %mul3A_1379, %get3A_1355 : vector<16xf32>
    %mul3A_1381 = arith.mulf %get3A_1343, %sub3A_1373 : vector<16xf32>
    %mul3A_1382 = arith.mulf %get3A_1351, %sub3A_1377 : vector<16xf32>
    %sub3A_1383 = arith.subf %mul3A_1381, %mul3A_1382 : vector<16xf32>
    %add3A_1384 = arith.addf %sub3A_1383, %get3A_1359 : vector<16xf32>
    %abs3A_1385 = math.absf %add3A_1380 : vector<16xf32>
    %add3A_1386 = arith.addf %add3A_1334, %abs3A_1385 : vector<16xf32>
    %abs3A_1387 = math.absf %add3A_1384 : vector<16xf32>
    %add3A_1388 = arith.addf %add3A_1336, %abs3A_1387 : vector<16xf32>
    %add3A_1389 = arith.constant 2 : i32
    %add3A_1390 = arith.addi %mul3A_31, %add3A_1389 : i32
    %broadcast_in_dim3A_1391 = vector.broadcast %add3A_1390 : i32 to vector<16xi32>
    %add3A_1392 = arith.constant 0 : i32
    %add3A_1393 = vector.broadcast %add3A_1392 : i32 to vector<16xi32>
    %add3A_1394 = arith.addi %add3A_1393, %iota3A : vector<16xi32>
    %get3A_1395 = arith.constant 2 : i32
    %get3A_1396 = arith.index_cast %get3A_1395 : i32 to index
    %get3A_1397 = arith.constant 0 : index
    %get3A_1398 = tpu.vector_load %arg16[%get3A_1396, %get3A_1397] {strides = array<i32>} : memref<24x128xf32, #tpu.memory_space<vmem>>, vector<16xf32>,
    %get3A_1399 = arith.constant 10 : i32
    %get3A_1400 = arith.index_cast %get3A_1399 : i32 to index
    %get3A_1401 = arith.constant 0 : index
    %get3A_1402 = tpu.vector_load %arg16[%get3A_1400, %get3A_1401] {strides = array<i32>} : memref<24x128xf32, #tpu.memory_space<vmem>>, vector<16xf32>,
    %get3A_1403 = arith.constant 18 : i32
    %get3A_1404 = arith.index_cast %get3A_1403 : i32 to index
    %get3A_1405 = arith.constant 0 : index
    %get3A_1406 = tpu.vector_load %arg16[%get3A_1404, %get3A_1405] {strides = array<i32>} : memref<24x128xf32, #tpu.memory_space<vmem>>, vector<16xf32>,
    %get3A_1407 = arith.constant 2 : i32
    %get3A_1408 = arith.index_cast %get3A_1407 : i32 to index
    %get3A_1409 = arith.constant 0 : index
    %get3A_1410 = tpu.vector_load %arg17[%get3A_1408, %get3A_1409] {strides = array<i32>} : memref<16x128xf32, #tpu.memory_space<vmem>>, vector<16xf32>,
    %get3A_1411 = arith.constant 10 : i32
    %get3A_1412 = arith.index_cast %get3A_1411 : i32 to index
    %get3A_1413 = arith.constant 0 : index
    %get3A_1414 = tpu.vector_load %arg17[%get3A_1412, %get3A_1413] {strides = array<i32>} : memref<16x128xf32, #tpu.memory_space<vmem>>, vector<16xf32>,
    %get3A_1415 = arith.constant 16 : i32
    %get3A_1416 = arith.index_cast %get3A_1415 : i32 to index
    %get3A_1417 = arith.constant 0 : index
    %get3A_1418 = tpu.vector_load %arg20[%get3A_1416, %get3A_1417] {strides = array<i32>} : memref<64x16xf32, #tpu.memory_space<vmem>>, vector<16xf32>,
    %get3A_1419 = arith.constant 16 : i32
    %get3A_1420 = arith.index_cast %get3A_1419 : i32 to index
    %get3A_1421 = arith.constant 0 : index
    %get3A_1422 = tpu.vector_load %arg21[%get3A_1420, %get3A_1421] {strides = array<i32>} : memref<64x16xf32, #tpu.memory_space<vmem>>, vector<16xf32>,
    %gather3A_1423 = tpu.vector_load_idx %arg22[%add3A_1394, %broadcast_in_dim3A_1391] : memref<128x16xf32, #tpu.memory_space<vmem>>[vector<16xi32>, vector<16xi32>], vector<16xf32>,
    %gather3A_1424 = tpu.vector_load_idx %arg23[%add3A_1394, %broadcast_in_dim3A_1391] : memref<128x16xf32, #tpu.memory_space<vmem>>[vector<16xi32>, vector<16xi32>], vector<16xf32>,
    %mul3A_1425 = arith.mulf %gather3A_1423, %get3A_1418 : vector<16xf32>
    %sub3A_1426 = arith.constant 1.000000e+00 : f32
    %sub3A_1427 = vector.broadcast %sub3A_1426 : f32 to vector<16xf32>
    %sub3A_1428 = arith.subf %sub3A_1427, %mul3A_1425 : vector<16xf32>
    %mul3A_1429 = arith.mulf %gather3A_1424, %get3A_1422 : vector<16xf32>
    %sub3A_1430 = arith.constant 1.000000e+00 : f32
    %sub3A_1431 = vector.broadcast %sub3A_1430 : f32 to vector<16xf32>
    %sub3A_1432 = arith.subf %sub3A_1431, %mul3A_1429 : vector<16xf32>
    %sub3A_1433 = arith.subf %get3A_1398, %get3A_1402 : vector<16xf32>
    %mul3A_1434 = arith.mulf %sub3A_1433, %sub3A_1428 : vector<16xf32>
    %add3A_1435 = arith.addf %mul3A_1434, %get3A_1410 : vector<16xf32>
    %mul3A_1436 = arith.mulf %get3A_1398, %sub3A_1428 : vector<16xf32>
    %mul3A_1437 = arith.mulf %get3A_1406, %sub3A_1432 : vector<16xf32>
    %sub3A_1438 = arith.subf %mul3A_1436, %mul3A_1437 : vector<16xf32>
    %add3A_1439 = arith.addf %sub3A_1438, %get3A_1414 : vector<16xf32>
    %abs3A_1440 = math.absf %add3A_1435 : vector<16xf32>
    %add3A_1441 = arith.addf %add3A_1386, %abs3A_1440 : vector<16xf32>
    %abs3A_1442 = math.absf %add3A_1439 : vector<16xf32>
    %add3A_1443 = arith.addf %add3A_1388, %abs3A_1442 : vector<16xf32>
    %add3A_1444 = arith.constant 16 : i32
    %add3A_1445 = vector.broadcast %add3A_1444 : i32 to vector<16xi32>
    %add3A_1446 = arith.addi %add3A_1445, %iota3A : vector<16xi32>
    %get3A_1447 = arith.constant 2 : i32
    %get3A_1448 = arith.index_cast %get3A_1447 : i32 to index
    %get3A_1449 = arith.constant 16 : index
    %get3A_1450 = tpu.vector_load %arg16[%get3A_1448, %get3A_1449] {strides = array<i32>} : memref<24x128xf32, #tpu.memory_space<vmem>>, vector<16xf32>,
    %get3A_1451 = arith.constant 10 : i32
    %get3A_1452 = arith.index_cast %get3A_1451 : i32 to index
    %get3A_1453 = arith.constant 16 : index
    %get3A_1454 = tpu.vector_load %arg16[%get3A_1452, %get3A_1453] {strides = array<i32>} : memref<24x128xf32, #tpu.memory_space<vmem>>, vector<16xf32>,
    %get3A_1455 = arith.constant 18 : i32
    %get3A_1456 = arith.index_cast %get3A_1455 : i32 to index
    %get3A_1457 = arith.constant 16 : index
    %get3A_1458 = tpu.vector_load %arg16[%get3A_1456, %get3A_1457] {strides = array<i32>} : memref<24x128xf32, #tpu.memory_space<vmem>>, vector<16xf32>,
    %get3A_1459 = arith.constant 2 : i32
    %get3A_1460 = arith.index_cast %get3A_1459 : i32 to index
    %get3A_1461 = arith.constant 16 : index
    %get3A_1462 = tpu.vector_load %arg17[%get3A_1460, %get3A_1461] {strides = array<i32>} : memref<16x128xf32, #tpu.memory_space<vmem>>, vector<16xf32>,
    %get3A_1463 = arith.constant 10 : i32
    %get3A_1464 = arith.index_cast %get3A_1463 : i32 to index
    %get3A_1465 = arith.constant 16 : index
    %get3A_1466 = tpu.vector_load %arg17[%get3A_1464, %get3A_1465] {strides = array<i32>} : memref<16x128xf32, #tpu.memory_space<vmem>>, vector<16xf32>,
    %get3A_1467 = arith.constant 17 : i32
    %get3A_1468 = arith.index_cast %get3A_1467 : i32 to index
    %get3A_1469 = arith.constant 0 : index
    %get3A_1470 = tpu.vector_load %arg20[%get3A_1468, %get3A_1469] {strides = array<i32>} : memref<64x16xf32, #tpu.memory_space<vmem>>, vector<16xf32>,
    %get3A_1471 = arith.constant 17 : i32
    %get3A_1472 = arith.index_cast %get3A_1471 : i32 to index
    %get3A_1473 = arith.constant 0 : index
    %get3A_1474 = tpu.vector_load %arg21[%get3A_1472, %get3A_1473] {strides = array<i32>} : memref<64x16xf32, #tpu.memory_space<vmem>>, vector<16xf32>,
    %gather3A_1475 = tpu.vector_load_idx %arg22[%add3A_1446, %broadcast_in_dim3A_1391] : memref<128x16xf32, #tpu.memory_space<vmem>>[vector<16xi32>, vector<16xi32>], vector<16xf32>,
    %gather3A_1476 = tpu.vector_load_idx %arg23[%add3A_1446, %broadcast_in_dim3A_1391] : memref<128x16xf32, #tpu.memory_space<vmem>>[vector<16xi32>, vector<16xi32>], vector<16xf32>,
    %mul3A_1477 = arith.mulf %gather3A_1475, %get3A_1470 : vector<16xf32>
    %sub3A_1478 = arith.constant 1.000000e+00 : f32
    %sub3A_1479 = vector.broadcast %sub3A_1478 : f32 to vector<16xf32>
    %sub3A_1480 = arith.subf %sub3A_1479, %mul3A_1477 : vector<16xf32>
    %mul3A_1481 = arith.mulf %gather3A_1476, %get3A_1474 : vector<16xf32>
    %sub3A_1482 = arith.constant 1.000000e+00 : f32
    %sub3A_1483 = vector.broadcast %sub3A_1482 : f32 to vector<16xf32>
    %sub3A_1484 = arith.subf %sub3A_1483, %mul3A_1481 : vector<16xf32>
    %sub3A_1485 = arith.subf %get3A_1450, %get3A_1454 : vector<16xf32>
    %mul3A_1486 = arith.mulf %sub3A_1485, %sub3A_1480 : vector<16xf32>
    %add3A_1487 = arith.addf %mul3A_1486, %get3A_1462 : vector<16xf32>
    %mul3A_1488 = arith.mulf %get3A_1450, %sub3A_1480 : vector<16xf32>
    %mul3A_1489 = arith.mulf %get3A_1458, %sub3A_1484 : vector<16xf32>
    %sub3A_1490 = arith.subf %mul3A_1488, %mul3A_1489 : vector<16xf32>
    %add3A_1491 = arith.addf %sub3A_1490, %get3A_1466 : vector<16xf32>
    %abs3A_1492 = math.absf %add3A_1487 : vector<16xf32>
    %add3A_1493 = arith.addf %add3A_1441, %abs3A_1492 : vector<16xf32>
    %abs3A_1494 = math.absf %add3A_1491 : vector<16xf32>
    %add3A_1495 = arith.addf %add3A_1443, %abs3A_1494 : vector<16xf32>
    %add3A_1496 = arith.constant 32 : i32
    %add3A_1497 = vector.broadcast %add3A_1496 : i32 to vector<16xi32>
    %add3A_1498 = arith.addi %add3A_1497, %iota3A : vector<16xi32>
    %get3A_1499 = arith.constant 2 : i32
    %get3A_1500 = arith.index_cast %get3A_1499 : i32 to index
    %get3A_1501 = arith.constant 32 : index
    %get3A_1502 = tpu.vector_load %arg16[%get3A_1500, %get3A_1501] {strides = array<i32>} : memref<24x128xf32, #tpu.memory_space<vmem>>, vector<16xf32>,
    %get3A_1503 = arith.constant 10 : i32
    %get3A_1504 = arith.index_cast %get3A_1503 : i32 to index
    %get3A_1505 = arith.constant 32 : index
    %get3A_1506 = tpu.vector_load %arg16[%get3A_1504, %get3A_1505] {strides = array<i32>} : memref<24x128xf32, #tpu.memory_space<vmem>>, vector<16xf32>,
    %get3A_1507 = arith.constant 18 : i32
    %get3A_1508 = arith.index_cast %get3A_1507 : i32 to index
    %get3A_1509 = arith.constant 32 : index
    %get3A_1510 = tpu.vector_load %arg16[%get3A_1508, %get3A_1509] {strides = array<i32>} : memref<24x128xf32, #tpu.memory_space<vmem>>, vector<16xf32>,
    %get3A_1511 = arith.constant 2 : i32
    %get3A_1512 = arith.index_cast %get3A_1511 : i32 to index
    %get3A_1513 = arith.constant 32 : index
    %get3A_1514 = tpu.vector_load %arg17[%get3A_1512, %get3A_1513] {strides = array<i32>} : memref<16x128xf32, #tpu.memory_space<vmem>>, vector<16xf32>,
    %get3A_1515 = arith.constant 10 : i32
    %get3A_1516 = arith.index_cast %get3A_1515 : i32 to index
    %get3A_1517 = arith.constant 32 : index
    %get3A_1518 = tpu.vector_load %arg17[%get3A_1516, %get3A_1517] {strides = array<i32>} : memref<16x128xf32, #tpu.memory_space<vmem>>, vector<16xf32>,
    %get3A_1519 = arith.constant 18 : i32
    %get3A_1520 = arith.index_cast %get3A_1519 : i32 to index
    %get3A_1521 = arith.constant 0 : index
    %get3A_1522 = tpu.vector_load %arg20[%get3A_1520, %get3A_1521] {strides = array<i32>} : memref<64x16xf32, #tpu.memory_space<vmem>>, vector<16xf32>,
    %get3A_1523 = arith.constant 18 : i32
    %get3A_1524 = arith.index_cast %get3A_1523 : i32 to index
    %get3A_1525 = arith.constant 0 : index
    %get3A_1526 = tpu.vector_load %arg21[%get3A_1524, %get3A_1525] {strides = array<i32>} : memref<64x16xf32, #tpu.memory_space<vmem>>, vector<16xf32>,
    %gather3A_1527 = tpu.vector_load_idx %arg22[%add3A_1498, %broadcast_in_dim3A_1391] : memref<128x16xf32, #tpu.memory_space<vmem>>[vector<16xi32>, vector<16xi32>], vector<16xf32>,
    %gather3A_1528 = tpu.vector_load_idx %arg23[%add3A_1498, %broadcast_in_dim3A_1391] : memref<128x16xf32, #tpu.memory_space<vmem>>[vector<16xi32>, vector<16xi32>], vector<16xf32>,
    %mul3A_1529 = arith.mulf %gather3A_1527, %get3A_1522 : vector<16xf32>
    %sub3A_1530 = arith.constant 1.000000e+00 : f32
    %sub3A_1531 = vector.broadcast %sub3A_1530 : f32 to vector<16xf32>
    %sub3A_1532 = arith.subf %sub3A_1531, %mul3A_1529 : vector<16xf32>
    %mul3A_1533 = arith.mulf %gather3A_1528, %get3A_1526 : vector<16xf32>
    %sub3A_1534 = arith.constant 1.000000e+00 : f32
    %sub3A_1535 = vector.broadcast %sub3A_1534 : f32 to vector<16xf32>
    %sub3A_1536 = arith.subf %sub3A_1535, %mul3A_1533 : vector<16xf32>
    %sub3A_1537 = arith.subf %get3A_1502, %get3A_1506 : vector<16xf32>
    %mul3A_1538 = arith.mulf %sub3A_1537, %sub3A_1532 : vector<16xf32>
    %add3A_1539 = arith.addf %mul3A_1538, %get3A_1514 : vector<16xf32>
    %mul3A_1540 = arith.mulf %get3A_1502, %sub3A_1532 : vector<16xf32>
    %mul3A_1541 = arith.mulf %get3A_1510, %sub3A_1536 : vector<16xf32>
    %sub3A_1542 = arith.subf %mul3A_1540, %mul3A_1541 : vector<16xf32>
    %add3A_1543 = arith.addf %sub3A_1542, %get3A_1518 : vector<16xf32>
    %abs3A_1544 = math.absf %add3A_1539 : vector<16xf32>
    %add3A_1545 = arith.addf %add3A_1493, %abs3A_1544 : vector<16xf32>
    %abs3A_1546 = math.absf %add3A_1543 : vector<16xf32>
    %add3A_1547 = arith.addf %add3A_1495, %abs3A_1546 : vector<16xf32>
    %add3A_1548 = arith.constant 48 : i32
    %add3A_1549 = vector.broadcast %add3A_1548 : i32 to vector<16xi32>
    %add3A_1550 = arith.addi %add3A_1549, %iota3A : vector<16xi32>
    %get3A_1551 = arith.constant 2 : i32
    %get3A_1552 = arith.index_cast %get3A_1551 : i32 to index
    %get3A_1553 = arith.constant 48 : index
    %get3A_1554 = tpu.vector_load %arg16[%get3A_1552, %get3A_1553] {strides = array<i32>} : memref<24x128xf32, #tpu.memory_space<vmem>>, vector<16xf32>,
    %get3A_1555 = arith.constant 10 : i32
    %get3A_1556 = arith.index_cast %get3A_1555 : i32 to index
    %get3A_1557 = arith.constant 48 : index
    %get3A_1558 = tpu.vector_load %arg16[%get3A_1556, %get3A_1557] {strides = array<i32>} : memref<24x128xf32, #tpu.memory_space<vmem>>, vector<16xf32>,
    %get3A_1559 = arith.constant 18 : i32
    %get3A_1560 = arith.index_cast %get3A_1559 : i32 to index
    %get3A_1561 = arith.constant 48 : index
    %get3A_1562 = tpu.vector_load %arg16[%get3A_1560, %get3A_1561] {strides = array<i32>} : memref<24x128xf32, #tpu.memory_space<vmem>>, vector<16xf32>,
    %get3A_1563 = arith.constant 2 : i32
    %get3A_1564 = arith.index_cast %get3A_1563 : i32 to index
    %get3A_1565 = arith.constant 48 : index
    %get3A_1566 = tpu.vector_load %arg17[%get3A_1564, %get3A_1565] {strides = array<i32>} : memref<16x128xf32, #tpu.memory_space<vmem>>, vector<16xf32>,
    %get3A_1567 = arith.constant 10 : i32
    %get3A_1568 = arith.index_cast %get3A_1567 : i32 to index
    %get3A_1569 = arith.constant 48 : index
    %get3A_1570 = tpu.vector_load %arg17[%get3A_1568, %get3A_1569] {strides = array<i32>} : memref<16x128xf32, #tpu.memory_space<vmem>>, vector<16xf32>,
    %get3A_1571 = arith.constant 19 : i32
    %get3A_1572 = arith.index_cast %get3A_1571 : i32 to index
    %get3A_1573 = arith.constant 0 : index
    %get3A_1574 = tpu.vector_load %arg20[%get3A_1572, %get3A_1573] {strides = array<i32>} : memref<64x16xf32, #tpu.memory_space<vmem>>, vector<16xf32>,
    %get3A_1575 = arith.constant 19 : i32
    %get3A_1576 = arith.index_cast %get3A_1575 : i32 to index
    %get3A_1577 = arith.constant 0 : index
    %get3A_1578 = tpu.vector_load %arg21[%get3A_1576, %get3A_1577] {strides = array<i32>} : memref<64x16xf32, #tpu.memory_space<vmem>>, vector<16xf32>,
    %gather3A_1579 = tpu.vector_load_idx %arg22[%add3A_1550, %broadcast_in_dim3A_1391] : memref<128x16xf32, #tpu.memory_space<vmem>>[vector<16xi32>, vector<16xi32>], vector<16xf32>,
    %gather3A_1580 = tpu.vector_load_idx %arg23[%add3A_1550, %broadcast_in_dim3A_1391] : memref<128x16xf32, #tpu.memory_space<vmem>>[vector<16xi32>, vector<16xi32>], vector<16xf32>,
    %mul3A_1581 = arith.mulf %gather3A_1579, %get3A_1574 : vector<16xf32>
    %sub3A_1582 = arith.constant 1.000000e+00 : f32
    %sub3A_1583 = vector.broadcast %sub3A_1582 : f32 to vector<16xf32>
    %sub3A_1584 = arith.subf %sub3A_1583, %mul3A_1581 : vector<16xf32>
    %mul3A_1585 = arith.mulf %gather3A_1580, %get3A_1578 : vector<16xf32>
    %sub3A_1586 = arith.constant 1.000000e+00 : f32
    %sub3A_1587 = vector.broadcast %sub3A_1586 : f32 to vector<16xf32>
    %sub3A_1588 = arith.subf %sub3A_1587, %mul3A_1585 : vector<16xf32>
    %sub3A_1589 = arith.subf %get3A_1554, %get3A_1558 : vector<16xf32>
    %mul3A_1590 = arith.mulf %sub3A_1589, %sub3A_1584 : vector<16xf32>
    %add3A_1591 = arith.addf %mul3A_1590, %get3A_1566 : vector<16xf32>
    %mul3A_1592 = arith.mulf %get3A_1554, %sub3A_1584 : vector<16xf32>
    %mul3A_1593 = arith.mulf %get3A_1562, %sub3A_1588 : vector<16xf32>
    %sub3A_1594 = arith.subf %mul3A_1592, %mul3A_1593 : vector<16xf32>
    %add3A_1595 = arith.addf %sub3A_1594, %get3A_1570 : vector<16xf32>
    %abs3A_1596 = math.absf %add3A_1591 : vector<16xf32>
    %add3A_1597 = arith.addf %add3A_1545, %abs3A_1596 : vector<16xf32>
    %abs3A_1598 = math.absf %add3A_1595 : vector<16xf32>
    %add3A_1599 = arith.addf %add3A_1547, %abs3A_1598 : vector<16xf32>
    %add3A_1600 = arith.constant 64 : i32
    %add3A_1601 = vector.broadcast %add3A_1600 : i32 to vector<16xi32>
    %add3A_1602 = arith.addi %add3A_1601, %iota3A : vector<16xi32>
    %get3A_1603 = arith.constant 2 : i32
    %get3A_1604 = arith.index_cast %get3A_1603 : i32 to index
    %get3A_1605 = arith.constant 64 : index
    %get3A_1606 = tpu.vector_load %arg16[%get3A_1604, %get3A_1605] {strides = array<i32>} : memref<24x128xf32, #tpu.memory_space<vmem>>, vector<16xf32>,
    %get3A_1607 = arith.constant 10 : i32
    %get3A_1608 = arith.index_cast %get3A_1607 : i32 to index
    %get3A_1609 = arith.constant 64 : index
    %get3A_1610 = tpu.vector_load %arg16[%get3A_1608, %get3A_1609] {strides = array<i32>} : memref<24x128xf32, #tpu.memory_space<vmem>>, vector<16xf32>,
    %get3A_1611 = arith.constant 18 : i32
    %get3A_1612 = arith.index_cast %get3A_1611 : i32 to index
    %get3A_1613 = arith.constant 64 : index
    %get3A_1614 = tpu.vector_load %arg16[%get3A_1612, %get3A_1613] {strides = array<i32>} : memref<24x128xf32, #tpu.memory_space<vmem>>, vector<16xf32>,
    %get3A_1615 = arith.constant 2 : i32
    %get3A_1616 = arith.index_cast %get3A_1615 : i32 to index
    %get3A_1617 = arith.constant 64 : index
    %get3A_1618 = tpu.vector_load %arg17[%get3A_1616, %get3A_1617] {strides = array<i32>} : memref<16x128xf32, #tpu.memory_space<vmem>>, vector<16xf32>,
    %get3A_1619 = arith.constant 10 : i32
    %get3A_1620 = arith.index_cast %get3A_1619 : i32 to index
    %get3A_1621 = arith.constant 64 : index
    %get3A_1622 = tpu.vector_load %arg17[%get3A_1620, %get3A_1621] {strides = array<i32>} : memref<16x128xf32, #tpu.memory_space<vmem>>, vector<16xf32>,
    %get3A_1623 = arith.constant 20 : i32
    %get3A_1624 = arith.index_cast %get3A_1623 : i32 to index
    %get3A_1625 = arith.constant 0 : index
    %get3A_1626 = tpu.vector_load %arg20[%get3A_1624, %get3A_1625] {strides = array<i32>} : memref<64x16xf32, #tpu.memory_space<vmem>>, vector<16xf32>,
    %get3A_1627 = arith.constant 20 : i32
    %get3A_1628 = arith.index_cast %get3A_1627 : i32 to index
    %get3A_1629 = arith.constant 0 : index
    %get3A_1630 = tpu.vector_load %arg21[%get3A_1628, %get3A_1629] {strides = array<i32>} : memref<64x16xf32, #tpu.memory_space<vmem>>, vector<16xf32>,
    %gather3A_1631 = tpu.vector_load_idx %arg22[%add3A_1602, %broadcast_in_dim3A_1391] : memref<128x16xf32, #tpu.memory_space<vmem>>[vector<16xi32>, vector<16xi32>], vector<16xf32>,
    %gather3A_1632 = tpu.vector_load_idx %arg23[%add3A_1602, %broadcast_in_dim3A_1391] : memref<128x16xf32, #tpu.memory_space<vmem>>[vector<16xi32>, vector<16xi32>], vector<16xf32>,
    %mul3A_1633 = arith.mulf %gather3A_1631, %get3A_1626 : vector<16xf32>
    %sub3A_1634 = arith.constant 1.000000e+00 : f32
    %sub3A_1635 = vector.broadcast %sub3A_1634 : f32 to vector<16xf32>
    %sub3A_1636 = arith.subf %sub3A_1635, %mul3A_1633 : vector<16xf32>
    %mul3A_1637 = arith.mulf %gather3A_1632, %get3A_1630 : vector<16xf32>
    %sub3A_1638 = arith.constant 1.000000e+00 : f32
    %sub3A_1639 = vector.broadcast %sub3A_1638 : f32 to vector<16xf32>
    %sub3A_1640 = arith.subf %sub3A_1639, %mul3A_1637 : vector<16xf32>
    %sub3A_1641 = arith.subf %get3A_1606, %get3A_1610 : vector<16xf32>
    %mul3A_1642 = arith.mulf %sub3A_1641, %sub3A_1636 : vector<16xf32>
    %add3A_1643 = arith.addf %mul3A_1642, %get3A_1618 : vector<16xf32>
    %mul3A_1644 = arith.mulf %get3A_1606, %sub3A_1636 : vector<16xf32>
    %mul3A_1645 = arith.mulf %get3A_1614, %sub3A_1640 : vector<16xf32>
    %sub3A_1646 = arith.subf %mul3A_1644, %mul3A_1645 : vector<16xf32>
    %add3A_1647 = arith.addf %sub3A_1646, %get3A_1622 : vector<16xf32>
    %abs3A_1648 = math.absf %add3A_1643 : vector<16xf32>
    %add3A_1649 = arith.addf %add3A_1597, %abs3A_1648 : vector<16xf32>
    %abs3A_1650 = math.absf %add3A_1647 : vector<16xf32>
    %add3A_1651 = arith.addf %add3A_1599, %abs3A_1650 : vector<16xf32>
    %add3A_1652 = arith.constant 80 : i32
    %add3A_1653 = vector.broadcast %add3A_1652 : i32 to vector<16xi32>
    %add3A_1654 = arith.addi %add3A_1653, %iota3A : vector<16xi32>
    %get3A_1655 = arith.constant 2 : i32
    %get3A_1656 = arith.index_cast %get3A_1655 : i32 to index
    %get3A_1657 = arith.constant 80 : index
    %get3A_1658 = tpu.vector_load %arg16[%get3A_1656, %get3A_1657] {strides = array<i32>} : memref<24x128xf32, #tpu.memory_space<vmem>>, vector<16xf32>,
    %get3A_1659 = arith.constant 10 : i32
    %get3A_1660 = arith.index_cast %get3A_1659 : i32 to index
    %get3A_1661 = arith.constant 80 : index
    %get3A_1662 = tpu.vector_load %arg16[%get3A_1660, %get3A_1661] {strides = array<i32>} : memref<24x128xf32, #tpu.memory_space<vmem>>, vector<16xf32>,
    %get3A_1663 = arith.constant 18 : i32
    %get3A_1664 = arith.index_cast %get3A_1663 : i32 to index
    %get3A_1665 = arith.constant 80 : index
    %get3A_1666 = tpu.vector_load %arg16[%get3A_1664, %get3A_1665] {strides = array<i32>} : memref<24x128xf32, #tpu.memory_space<vmem>>, vector<16xf32>,
    %get3A_1667 = arith.constant 2 : i32
    %get3A_1668 = arith.index_cast %get3A_1667 : i32 to index
    %get3A_1669 = arith.constant 80 : index
    %get3A_1670 = tpu.vector_load %arg17[%get3A_1668, %get3A_1669] {strides = array<i32>} : memref<16x128xf32, #tpu.memory_space<vmem>>, vector<16xf32>,
    %get3A_1671 = arith.constant 10 : i32
    %get3A_1672 = arith.index_cast %get3A_1671 : i32 to index
    %get3A_1673 = arith.constant 80 : index
    %get3A_1674 = tpu.vector_load %arg17[%get3A_1672, %get3A_1673] {strides = array<i32>} : memref<16x128xf32, #tpu.memory_space<vmem>>, vector<16xf32>,
    %get3A_1675 = arith.constant 21 : i32
    %get3A_1676 = arith.index_cast %get3A_1675 : i32 to index
    %get3A_1677 = arith.constant 0 : index
    %get3A_1678 = tpu.vector_load %arg20[%get3A_1676, %get3A_1677] {strides = array<i32>} : memref<64x16xf32, #tpu.memory_space<vmem>>, vector<16xf32>,
    %get3A_1679 = arith.constant 21 : i32
    %get3A_1680 = arith.index_cast %get3A_1679 : i32 to index
    %get3A_1681 = arith.constant 0 : index
    %get3A_1682 = tpu.vector_load %arg21[%get3A_1680, %get3A_1681] {strides = array<i32>} : memref<64x16xf32, #tpu.memory_space<vmem>>, vector<16xf32>,
    %gather3A_1683 = tpu.vector_load_idx %arg22[%add3A_1654, %broadcast_in_dim3A_1391] : memref<128x16xf32, #tpu.memory_space<vmem>>[vector<16xi32>, vector<16xi32>], vector<16xf32>,
    %gather3A_1684 = tpu.vector_load_idx %arg23[%add3A_1654, %broadcast_in_dim3A_1391] : memref<128x16xf32, #tpu.memory_space<vmem>>[vector<16xi32>, vector<16xi32>], vector<16xf32>,
    %mul3A_1685 = arith.mulf %gather3A_1683, %get3A_1678 : vector<16xf32>
    %sub3A_1686 = arith.constant 1.000000e+00 : f32
    %sub3A_1687 = vector.broadcast %sub3A_1686 : f32 to vector<16xf32>
    %sub3A_1688 = arith.subf %sub3A_1687, %mul3A_1685 : vector<16xf32>
    %mul3A_1689 = arith.mulf %gather3A_1684, %get3A_1682 : vector<16xf32>
    %sub3A_1690 = arith.constant 1.000000e+00 : f32
    %sub3A_1691 = vector.broadcast %sub3A_1690 : f32 to vector<16xf32>
    %sub3A_1692 = arith.subf %sub3A_1691, %mul3A_1689 : vector<16xf32>
    %sub3A_1693 = arith.subf %get3A_1658, %get3A_1662 : vector<16xf32>
    %mul3A_1694 = arith.mulf %sub3A_1693, %sub3A_1688 : vector<16xf32>
    %add3A_1695 = arith.addf %mul3A_1694, %get3A_1670 : vector<16xf32>
    %mul3A_1696 = arith.mulf %get3A_1658, %sub3A_1688 : vector<16xf32>
    %mul3A_1697 = arith.mulf %get3A_1666, %sub3A_1692 : vector<16xf32>
    %sub3A_1698 = arith.subf %mul3A_1696, %mul3A_1697 : vector<16xf32>
    %add3A_1699 = arith.addf %sub3A_1698, %get3A_1674 : vector<16xf32>
    %abs3A_1700 = math.absf %add3A_1695 : vector<16xf32>
    %add3A_1701 = arith.addf %add3A_1649, %abs3A_1700 : vector<16xf32>
    %abs3A_1702 = math.absf %add3A_1699 : vector<16xf32>
    %add3A_1703 = arith.addf %add3A_1651, %abs3A_1702 : vector<16xf32>
    %add3A_1704 = arith.constant 96 : i32
    %add3A_1705 = vector.broadcast %add3A_1704 : i32 to vector<16xi32>
    %add3A_1706 = arith.addi %add3A_1705, %iota3A : vector<16xi32>
    %get3A_1707 = arith.constant 2 : i32
    %get3A_1708 = arith.index_cast %get3A_1707 : i32 to index
    %get3A_1709 = arith.constant 96 : index
    %get3A_1710 = tpu.vector_load %arg16[%get3A_1708, %get3A_1709] {strides = array<i32>} : memref<24x128xf32, #tpu.memory_space<vmem>>, vector<16xf32>,
    %get3A_1711 = arith.constant 10 : i32
    %get3A_1712 = arith.index_cast %get3A_1711 : i32 to index
    %get3A_1713 = arith.constant 96 : index
    %get3A_1714 = tpu.vector_load %arg16[%get3A_1712, %get3A_1713] {strides = array<i32>} : memref<24x128xf32, #tpu.memory_space<vmem>>, vector<16xf32>,
    %get3A_1715 = arith.constant 18 : i32
    %get3A_1716 = arith.index_cast %get3A_1715 : i32 to index
    %get3A_1717 = arith.constant 96 : index
    %get3A_1718 = tpu.vector_load %arg16[%get3A_1716, %get3A_1717] {strides = array<i32>} : memref<24x128xf32, #tpu.memory_space<vmem>>, vector<16xf32>,
    %get3A_1719 = arith.constant 2 : i32
    %get3A_1720 = arith.index_cast %get3A_1719 : i32 to index
    %get3A_1721 = arith.constant 96 : index
    %get3A_1722 = tpu.vector_load %arg17[%get3A_1720, %get3A_1721] {strides = array<i32>} : memref<16x128xf32, #tpu.memory_space<vmem>>, vector<16xf32>,
    %get3A_1723 = arith.constant 10 : i32
    %get3A_1724 = arith.index_cast %get3A_1723 : i32 to index
    %get3A_1725 = arith.constant 96 : index
    %get3A_1726 = tpu.vector_load %arg17[%get3A_1724, %get3A_1725] {strides = array<i32>} : memref<16x128xf32, #tpu.memory_space<vmem>>, vector<16xf32>,
    %get3A_1727 = arith.constant 22 : i32
    %get3A_1728 = arith.index_cast %get3A_1727 : i32 to index
    %get3A_1729 = arith.constant 0 : index
    %get3A_1730 = tpu.vector_load %arg20[%get3A_1728, %get3A_1729] {strides = array<i32>} : memref<64x16xf32, #tpu.memory_space<vmem>>, vector<16xf32>,
    %get3A_1731 = arith.constant 22 : i32
    %get3A_1732 = arith.index_cast %get3A_1731 : i32 to index
    %get3A_1733 = arith.constant 0 : index
    %get3A_1734 = tpu.vector_load %arg21[%get3A_1732, %get3A_1733] {strides = array<i32>} : memref<64x16xf32, #tpu.memory_space<vmem>>, vector<16xf32>,
    %gather3A_1735 = tpu.vector_load_idx %arg22[%add3A_1706, %broadcast_in_dim3A_1391] : memref<128x16xf32, #tpu.memory_space<vmem>>[vector<16xi32>, vector<16xi32>], vector<16xf32>,
    %gather3A_1736 = tpu.vector_load_idx %arg23[%add3A_1706, %broadcast_in_dim3A_1391] : memref<128x16xf32, #tpu.memory_space<vmem>>[vector<16xi32>, vector<16xi32>], vector<16xf32>,
    %mul3A_1737 = arith.mulf %gather3A_1735, %get3A_1730 : vector<16xf32>
    %sub3A_1738 = arith.constant 1.000000e+00 : f32
    %sub3A_1739 = vector.broadcast %sub3A_1738 : f32 to vector<16xf32>
    %sub3A_1740 = arith.subf %sub3A_1739, %mul3A_1737 : vector<16xf32>
    %mul3A_1741 = arith.mulf %gather3A_1736, %get3A_1734 : vector<16xf32>
    %sub3A_1742 = arith.constant 1.000000e+00 : f32
    %sub3A_1743 = vector.broadcast %sub3A_1742 : f32 to vector<16xf32>
    %sub3A_1744 = arith.subf %sub3A_1743, %mul3A_1741 : vector<16xf32>
    %sub3A_1745 = arith.subf %get3A_1710, %get3A_1714 : vector<16xf32>
    %mul3A_1746 = arith.mulf %sub3A_1745, %sub3A_1740 : vector<16xf32>
    %add3A_1747 = arith.addf %mul3A_1746, %get3A_1722 : vector<16xf32>
    %mul3A_1748 = arith.mulf %get3A_1710, %sub3A_1740 : vector<16xf32>
    %mul3A_1749 = arith.mulf %get3A_1718, %sub3A_1744 : vector<16xf32>
    %sub3A_1750 = arith.subf %mul3A_1748, %mul3A_1749 : vector<16xf32>
    %add3A_1751 = arith.addf %sub3A_1750, %get3A_1726 : vector<16xf32>
    %abs3A_1752 = math.absf %add3A_1747 : vector<16xf32>
    %add3A_1753 = arith.addf %add3A_1701, %abs3A_1752 : vector<16xf32>
    %abs3A_1754 = math.absf %add3A_1751 : vector<16xf32>
    %add3A_1755 = arith.addf %add3A_1703, %abs3A_1754 : vector<16xf32>
    %add3A_1756 = arith.constant 112 : i32
    %add3A_1757 = vector.broadcast %add3A_1756 : i32 to vector<16xi32>
    %add3A_1758 = arith.addi %add3A_1757, %iota3A : vector<16xi32>
    %get3A_1759 = arith.constant 2 : i32
    %get3A_1760 = arith.index_cast %get3A_1759 : i32 to index
    %get3A_1761 = arith.constant 112 : index
    %get3A_1762 = tpu.vector_load %arg16[%get3A_1760, %get3A_1761] {strides = array<i32>} : memref<24x128xf32, #tpu.memory_space<vmem>>, vector<16xf32>,
    %get3A_1763 = arith.constant 10 : i32
    %get3A_1764 = arith.index_cast %get3A_1763 : i32 to index
    %get3A_1765 = arith.constant 112 : index
    %get3A_1766 = tpu.vector_load %arg16[%get3A_1764, %get3A_1765] {strides = array<i32>} : memref<24x128xf32, #tpu.memory_space<vmem>>, vector<16xf32>,
    %get3A_1767 = arith.constant 18 : i32
    %get3A_1768 = arith.index_cast %get3A_1767 : i32 to index
    %get3A_1769 = arith.constant 112 : index
    %get3A_1770 = tpu.vector_load %arg16[%get3A_1768, %get3A_1769] {strides = array<i32>} : memref<24x128xf32, #tpu.memory_space<vmem>>, vector<16xf32>,
    %get3A_1771 = arith.constant 2 : i32
    %get3A_1772 = arith.index_cast %get3A_1771 : i32 to index
    %get3A_1773 = arith.constant 112 : index
    %get3A_1774 = tpu.vector_load %arg17[%get3A_1772, %get3A_1773] {strides = array<i32>} : memref<16x128xf32, #tpu.memory_space<vmem>>, vector<16xf32>,
    %get3A_1775 = arith.constant 10 : i32
    %get3A_1776 = arith.index_cast %get3A_1775 : i32 to index
    %get3A_1777 = arith.constant 112 : index
    %get3A_1778 = tpu.vector_load %arg17[%get3A_1776, %get3A_1777] {strides = array<i32>} : memref<16x128xf32, #tpu.memory_space<vmem>>, vector<16xf32>,
    %get3A_1779 = arith.constant 23 : i32
    %get3A_1780 = arith.index_cast %get3A_1779 : i32 to index
    %get3A_1781 = arith.constant 0 : index
    %get3A_1782 = tpu.vector_load %arg20[%get3A_1780, %get3A_1781] {strides = array<i32>} : memref<64x16xf32, #tpu.memory_space<vmem>>, vector<16xf32>,
    %get3A_1783 = arith.constant 23 : i32
    %get3A_1784 = arith.index_cast %get3A_1783 : i32 to index
    %get3A_1785 = arith.constant 0 : index
    %get3A_1786 = tpu.vector_load %arg21[%get3A_1784, %get3A_1785] {strides = array<i32>} : memref<64x16xf32, #tpu.memory_space<vmem>>, vector<16xf32>,
    %gather3A_1787 = tpu.vector_load_idx %arg22[%add3A_1758, %broadcast_in_dim3A_1391] : memref<128x16xf32, #tpu.memory_space<vmem>>[vector<16xi32>, vector<16xi32>], vector<16xf32>,
    %gather3A_1788 = tpu.vector_load_idx %arg23[%add3A_1758, %broadcast_in_dim3A_1391] : memref<128x16xf32, #tpu.memory_space<vmem>>[vector<16xi32>, vector<16xi32>], vector<16xf32>,
    %mul3A_1789 = arith.mulf %gather3A_1787, %get3A_1782 : vector<16xf32>
    %sub3A_1790 = arith.constant 1.000000e+00 : f32
    %sub3A_1791 = vector.broadcast %sub3A_1790 : f32 to vector<16xf32>
    %sub3A_1792 = arith.subf %sub3A_1791, %mul3A_1789 : vector<16xf32>
    %mul3A_1793 = arith.mulf %gather3A_1788, %get3A_1786 : vector<16xf32>
    %sub3A_1794 = arith.constant 1.000000e+00 : f32
    %sub3A_1795 = vector.broadcast %sub3A_1794 : f32 to vector<16xf32>
    %sub3A_1796 = arith.subf %sub3A_1795, %mul3A_1793 : vector<16xf32>
    %sub3A_1797 = arith.subf %get3A_1762, %get3A_1766 : vector<16xf32>
    %mul3A_1798 = arith.mulf %sub3A_1797, %sub3A_1792 : vector<16xf32>
    %add3A_1799 = arith.addf %mul3A_1798, %get3A_1774 : vector<16xf32>
    %mul3A_1800 = arith.mulf %get3A_1762, %sub3A_1792 : vector<16xf32>
    %mul3A_1801 = arith.mulf %get3A_1770, %sub3A_1796 : vector<16xf32>
    %sub3A_1802 = arith.subf %mul3A_1800, %mul3A_1801 : vector<16xf32>
    %add3A_1803 = arith.addf %sub3A_1802, %get3A_1778 : vector<16xf32>
    %abs3A_1804 = math.absf %add3A_1799 : vector<16xf32>
    %add3A_1805 = arith.addf %add3A_1753, %abs3A_1804 : vector<16xf32>
    %abs3A_1806 = math.absf %add3A_1803 : vector<16xf32>
    %add3A_1807 = arith.addf %add3A_1755, %abs3A_1806 : vector<16xf32>
    %add3A_1808 = arith.constant 3 : i32
    %add3A_1809 = arith.addi %mul3A_31, %add3A_1808 : i32
    %broadcast_in_dim3A_1810 = vector.broadcast %add3A_1809 : i32 to vector<16xi32>
    %add3A_1811 = arith.constant 0 : i32
    %add3A_1812 = vector.broadcast %add3A_1811 : i32 to vector<16xi32>
    %add3A_1813 = arith.addi %add3A_1812, %iota3A : vector<16xi32>
    %get3A_1814 = arith.constant 3 : i32
    %get3A_1815 = arith.index_cast %get3A_1814 : i32 to index
    %get3A_1816 = arith.constant 0 : index
    %get3A_1817 = tpu.vector_load %arg16[%get3A_1815, %get3A_1816] {strides = array<i32>} : memref<24x128xf32, #tpu.memory_space<vmem>>, vector<16xf32>,
    %get3A_1818 = arith.constant 11 : i32
    %get3A_1819 = arith.index_cast %get3A_1818 : i32 to index
    %get3A_1820 = arith.constant 0 : index
    %get3A_1821 = tpu.vector_load %arg16[%get3A_1819, %get3A_1820] {strides = array<i32>} : memref<24x128xf32, #tpu.memory_space<vmem>>, vector<16xf32>,
    %get3A_1822 = arith.constant 19 : i32
    %get3A_1823 = arith.index_cast %get3A_1822 : i32 to index
    %get3A_1824 = arith.constant 0 : index
    %get3A_1825 = tpu.vector_load %arg16[%get3A_1823, %get3A_1824] {strides = array<i32>} : memref<24x128xf32, #tpu.memory_space<vmem>>, vector<16xf32>,
    %get3A_1826 = arith.constant 3 : i32
    %get3A_1827 = arith.index_cast %get3A_1826 : i32 to index
    %get3A_1828 = arith.constant 0 : index
    %get3A_1829 = tpu.vector_load %arg17[%get3A_1827, %get3A_1828] {strides = array<i32>} : memref<16x128xf32, #tpu.memory_space<vmem>>, vector<16xf32>,
    %get3A_1830 = arith.constant 11 : i32
    %get3A_1831 = arith.index_cast %get3A_1830 : i32 to index
    %get3A_1832 = arith.constant 0 : index
    %get3A_1833 = tpu.vector_load %arg17[%get3A_1831, %get3A_1832] {strides = array<i32>} : memref<16x128xf32, #tpu.memory_space<vmem>>, vector<16xf32>,
    %get3A_1834 = arith.constant 24 : i32
    %get3A_1835 = arith.index_cast %get3A_1834 : i32 to index
    %get3A_1836 = arith.constant 0 : index
    %get3A_1837 = tpu.vector_load %arg20[%get3A_1835, %get3A_1836] {strides = array<i32>} : memref<64x16xf32, #tpu.memory_space<vmem>>, vector<16xf32>,
    %get3A_1838 = arith.constant 24 : i32
    %get3A_1839 = arith.index_cast %get3A_1838 : i32 to index
    %get3A_1840 = arith.constant 0 : index
    %get3A_1841 = tpu.vector_load %arg21[%get3A_1839, %get3A_1840] {strides = array<i32>} : memref<64x16xf32, #tpu.memory_space<vmem>>, vector<16xf32>,
    %gather3A_1842 = tpu.vector_load_idx %arg22[%add3A_1813, %broadcast_in_dim3A_1810] : memref<128x16xf32, #tpu.memory_space<vmem>>[vector<16xi32>, vector<16xi32>], vector<16xf32>,
    %gather3A_1843 = tpu.vector_load_idx %arg23[%add3A_1813, %broadcast_in_dim3A_1810] : memref<128x16xf32, #tpu.memory_space<vmem>>[vector<16xi32>, vector<16xi32>], vector<16xf32>,
    %mul3A_1844 = arith.mulf %gather3A_1842, %get3A_1837 : vector<16xf32>
    %sub3A_1845 = arith.constant 1.000000e+00 : f32
    %sub3A_1846 = vector.broadcast %sub3A_1845 : f32 to vector<16xf32>
    %sub3A_1847 = arith.subf %sub3A_1846, %mul3A_1844 : vector<16xf32>
    %mul3A_1848 = arith.mulf %gather3A_1843, %get3A_1841 : vector<16xf32>
    %sub3A_1849 = arith.constant 1.000000e+00 : f32
    %sub3A_1850 = vector.broadcast %sub3A_1849 : f32 to vector<16xf32>
    %sub3A_1851 = arith.subf %sub3A_1850, %mul3A_1848 : vector<16xf32>
    %sub3A_1852 = arith.subf %get3A_1817, %get3A_1821 : vector<16xf32>
    %mul3A_1853 = arith.mulf %sub3A_1852, %sub3A_1847 : vector<16xf32>
    %add3A_1854 = arith.addf %mul3A_1853, %get3A_1829 : vector<16xf32>
    %mul3A_1855 = arith.mulf %get3A_1817, %sub3A_1847 : vector<16xf32>
    %mul3A_1856 = arith.mulf %get3A_1825, %sub3A_1851 : vector<16xf32>
    %sub3A_1857 = arith.subf %mul3A_1855, %mul3A_1856 : vector<16xf32>
    %add3A_1858 = arith.addf %sub3A_1857, %get3A_1833 : vector<16xf32>
    %abs3A_1859 = math.absf %add3A_1854 : vector<16xf32>
    %add3A_1860 = arith.addf %add3A_1805, %abs3A_1859 : vector<16xf32>
    %abs3A_1861 = math.absf %add3A_1858 : vector<16xf32>
    %add3A_1862 = arith.addf %add3A_1807, %abs3A_1861 : vector<16xf32>
    %add3A_1863 = arith.constant 16 : i32
    %add3A_1864 = vector.broadcast %add3A_1863 : i32 to vector<16xi32>
    %add3A_1865 = arith.addi %add3A_1864, %iota3A : vector<16xi32>
    %get3A_1866 = arith.constant 3 : i32
    %get3A_1867 = arith.index_cast %get3A_1866 : i32 to index
    %get3A_1868 = arith.constant 16 : index
    %get3A_1869 = tpu.vector_load %arg16[%get3A_1867, %get3A_1868] {strides = array<i32>} : memref<24x128xf32, #tpu.memory_space<vmem>>, vector<16xf32>,
    %get3A_1870 = arith.constant 11 : i32
    %get3A_1871 = arith.index_cast %get3A_1870 : i32 to index
    %get3A_1872 = arith.constant 16 : index
    %get3A_1873 = tpu.vector_load %arg16[%get3A_1871, %get3A_1872] {strides = array<i32>} : memref<24x128xf32, #tpu.memory_space<vmem>>, vector<16xf32>,
    %get3A_1874 = arith.constant 19 : i32
    %get3A_1875 = arith.index_cast %get3A_1874 : i32 to index
    %get3A_1876 = arith.constant 16 : index
    %get3A_1877 = tpu.vector_load %arg16[%get3A_1875, %get3A_1876] {strides = array<i32>} : memref<24x128xf32, #tpu.memory_space<vmem>>, vector<16xf32>,
    %get3A_1878 = arith.constant 3 : i32
    %get3A_1879 = arith.index_cast %get3A_1878 : i32 to index
    %get3A_1880 = arith.constant 16 : index
    %get3A_1881 = tpu.vector_load %arg17[%get3A_1879, %get3A_1880] {strides = array<i32>} : memref<16x128xf32, #tpu.memory_space<vmem>>, vector<16xf32>,
    %get3A_1882 = arith.constant 11 : i32
    %get3A_1883 = arith.index_cast %get3A_1882 : i32 to index
    %get3A_1884 = arith.constant 16 : index
    %get3A_1885 = tpu.vector_load %arg17[%get3A_1883, %get3A_1884] {strides = array<i32>} : memref<16x128xf32, #tpu.memory_space<vmem>>, vector<16xf32>,
    %get3A_1886 = arith.constant 25 : i32
    %get3A_1887 = arith.index_cast %get3A_1886 : i32 to index
    %get3A_1888 = arith.constant 0 : index
    %get3A_1889 = tpu.vector_load %arg20[%get3A_1887, %get3A_1888] {strides = array<i32>} : memref<64x16xf32, #tpu.memory_space<vmem>>, vector<16xf32>,
    %get3A_1890 = arith.constant 25 : i32
    %get3A_1891 = arith.index_cast %get3A_1890 : i32 to index
    %get3A_1892 = arith.constant 0 : index
    %get3A_1893 = tpu.vector_load %arg21[%get3A_1891, %get3A_1892] {strides = array<i32>} : memref<64x16xf32, #tpu.memory_space<vmem>>, vector<16xf32>,
    %gather3A_1894 = tpu.vector_load_idx %arg22[%add3A_1865, %broadcast_in_dim3A_1810] : memref<128x16xf32, #tpu.memory_space<vmem>>[vector<16xi32>, vector<16xi32>], vector<16xf32>,
    %gather3A_1895 = tpu.vector_load_idx %arg23[%add3A_1865, %broadcast_in_dim3A_1810] : memref<128x16xf32, #tpu.memory_space<vmem>>[vector<16xi32>, vector<16xi32>], vector<16xf32>,
    %mul3A_1896 = arith.mulf %gather3A_1894, %get3A_1889 : vector<16xf32>
    %sub3A_1897 = arith.constant 1.000000e+00 : f32
    %sub3A_1898 = vector.broadcast %sub3A_1897 : f32 to vector<16xf32>
    %sub3A_1899 = arith.subf %sub3A_1898, %mul3A_1896 : vector<16xf32>
    %mul3A_1900 = arith.mulf %gather3A_1895, %get3A_1893 : vector<16xf32>
    %sub3A_1901 = arith.constant 1.000000e+00 : f32
    %sub3A_1902 = vector.broadcast %sub3A_1901 : f32 to vector<16xf32>
    %sub3A_1903 = arith.subf %sub3A_1902, %mul3A_1900 : vector<16xf32>
    %sub3A_1904 = arith.subf %get3A_1869, %get3A_1873 : vector<16xf32>
    %mul3A_1905 = arith.mulf %sub3A_1904, %sub3A_1899 : vector<16xf32>
    %add3A_1906 = arith.addf %mul3A_1905, %get3A_1881 : vector<16xf32>
    %mul3A_1907 = arith.mulf %get3A_1869, %sub3A_1899 : vector<16xf32>
    %mul3A_1908 = arith.mulf %get3A_1877, %sub3A_1903 : vector<16xf32>
    %sub3A_1909 = arith.subf %mul3A_1907, %mul3A_1908 : vector<16xf32>
    %add3A_1910 = arith.addf %sub3A_1909, %get3A_1885 : vector<16xf32>
    %abs3A_1911 = math.absf %add3A_1906 : vector<16xf32>
    %add3A_1912 = arith.addf %add3A_1860, %abs3A_1911 : vector<16xf32>
    %abs3A_1913 = math.absf %add3A_1910 : vector<16xf32>
    %add3A_1914 = arith.addf %add3A_1862, %abs3A_1913 : vector<16xf32>
    %add3A_1915 = arith.constant 32 : i32
    %add3A_1916 = vector.broadcast %add3A_1915 : i32 to vector<16xi32>
    %add3A_1917 = arith.addi %add3A_1916, %iota3A : vector<16xi32>
    %get3A_1918 = arith.constant 3 : i32
    %get3A_1919 = arith.index_cast %get3A_1918 : i32 to index
    %get3A_1920 = arith.constant 32 : index
    %get3A_1921 = tpu.vector_load %arg16[%get3A_1919, %get3A_1920] {strides = array<i32>} : memref<24x128xf32, #tpu.memory_space<vmem>>, vector<16xf32>,
    %get3A_1922 = arith.constant 11 : i32
    %get3A_1923 = arith.index_cast %get3A_1922 : i32 to index
    %get3A_1924 = arith.constant 32 : index
    %get3A_1925 = tpu.vector_load %arg16[%get3A_1923, %get3A_1924] {strides = array<i32>} : memref<24x128xf32, #tpu.memory_space<vmem>>, vector<16xf32>,
    %get3A_1926 = arith.constant 19 : i32
    %get3A_1927 = arith.index_cast %get3A_1926 : i32 to index
    %get3A_1928 = arith.constant 32 : index
    %get3A_1929 = tpu.vector_load %arg16[%get3A_1927, %get3A_1928] {strides = array<i32>} : memref<24x128xf32, #tpu.memory_space<vmem>>, vector<16xf32>,
    %get3A_1930 = arith.constant 3 : i32
    %get3A_1931 = arith.index_cast %get3A_1930 : i32 to index
    %get3A_1932 = arith.constant 32 : index
    %get3A_1933 = tpu.vector_load %arg17[%get3A_1931, %get3A_1932] {strides = array<i32>} : memref<16x128xf32, #tpu.memory_space<vmem>>, vector<16xf32>,
    %get3A_1934 = arith.constant 11 : i32
    %get3A_1935 = arith.index_cast %get3A_1934 : i32 to index
    %get3A_1936 = arith.constant 32 : index
    %get3A_1937 = tpu.vector_load %arg17[%get3A_1935, %get3A_1936] {strides = array<i32>} : memref<16x128xf32, #tpu.memory_space<vmem>>, vector<16xf32>,
    %get3A_1938 = arith.constant 26 : i32
    %get3A_1939 = arith.index_cast %get3A_1938 : i32 to index
    %get3A_1940 = arith.constant 0 : index
    %get3A_1941 = tpu.vector_load %arg20[%get3A_1939, %get3A_1940] {strides = array<i32>} : memref<64x16xf32, #tpu.memory_space<vmem>>, vector<16xf32>,
    %get3A_1942 = arith.constant 26 : i32
    %get3A_1943 = arith.index_cast %get3A_1942 : i32 to index
    %get3A_1944 = arith.constant 0 : index
    %get3A_1945 = tpu.vector_load %arg21[%get3A_1943, %get3A_1944] {strides = array<i32>} : memref<64x16xf32, #tpu.memory_space<vmem>>, vector<16xf32>,
    %gather3A_1946 = tpu.vector_load_idx %arg22[%add3A_1917, %broadcast_in_dim3A_1810] : memref<128x16xf32, #tpu.memory_space<vmem>>[vector<16xi32>, vector<16xi32>], vector<16xf32>,
    %gather3A_1947 = tpu.vector_load_idx %arg23[%add3A_1917, %broadcast_in_dim3A_1810] : memref<128x16xf32, #tpu.memory_space<vmem>>[vector<16xi32>, vector<16xi32>], vector<16xf32>,
    %mul3A_1948 = arith.mulf %gather3A_1946, %get3A_1941 : vector<16xf32>
    %sub3A_1949 = arith.constant 1.000000e+00 : f32
    %sub3A_1950 = vector.broadcast %sub3A_1949 : f32 to vector<16xf32>
    %sub3A_1951 = arith.subf %sub3A_1950, %mul3A_1948 : vector<16xf32>
    %mul3A_1952 = arith.mulf %gather3A_1947, %get3A_1945 : vector<16xf32>
    %sub3A_1953 = arith.constant 1.000000e+00 : f32
    %sub3A_1954 = vector.broadcast %sub3A_1953 : f32 to vector<16xf32>
    %sub3A_1955 = arith.subf %sub3A_1954, %mul3A_1952 : vector<16xf32>
    %sub3A_1956 = arith.subf %get3A_1921, %get3A_1925 : vector<16xf32>
    %mul3A_1957 = arith.mulf %sub3A_1956, %sub3A_1951 : vector<16xf32>
    %add3A_1958 = arith.addf %mul3A_1957, %get3A_1933 : vector<16xf32>
    %mul3A_1959 = arith.mulf %get3A_1921, %sub3A_1951 : vector<16xf32>
    %mul3A_1960 = arith.mulf %get3A_1929, %sub3A_1955 : vector<16xf32>
    %sub3A_1961 = arith.subf %mul3A_1959, %mul3A_1960 : vector<16xf32>
    %add3A_1962 = arith.addf %sub3A_1961, %get3A_1937 : vector<16xf32>
    %abs3A_1963 = math.absf %add3A_1958 : vector<16xf32>
    %add3A_1964 = arith.addf %add3A_1912, %abs3A_1963 : vector<16xf32>
    %abs3A_1965 = math.absf %add3A_1962 : vector<16xf32>
    %add3A_1966 = arith.addf %add3A_1914, %abs3A_1965 : vector<16xf32>
    %add3A_1967 = arith.constant 48 : i32
    %add3A_1968 = vector.broadcast %add3A_1967 : i32 to vector<16xi32>
    %add3A_1969 = arith.addi %add3A_1968, %iota3A : vector<16xi32>
    %get3A_1970 = arith.constant 3 : i32
    %get3A_1971 = arith.index_cast %get3A_1970 : i32 to index
    %get3A_1972 = arith.constant 48 : index
    %get3A_1973 = tpu.vector_load %arg16[%get3A_1971, %get3A_1972] {strides = array<i32>} : memref<24x128xf32, #tpu.memory_space<vmem>>, vector<16xf32>,
    %get3A_1974 = arith.constant 11 : i32
    %get3A_1975 = arith.index_cast %get3A_1974 : i32 to index
    %get3A_1976 = arith.constant 48 : index
    %get3A_1977 = tpu.vector_load %arg16[%get3A_1975, %get3A_1976] {strides = array<i32>} : memref<24x128xf32, #tpu.memory_space<vmem>>, vector<16xf32>,
    %get3A_1978 = arith.constant 19 : i32
    %get3A_1979 = arith.index_cast %get3A_1978 : i32 to index
    %get3A_1980 = arith.constant 48 : index
    %get3A_1981 = tpu.vector_load %arg16[%get3A_1979, %get3A_1980] {strides = array<i32>} : memref<24x128xf32, #tpu.memory_space<vmem>>, vector<16xf32>,
    %get3A_1982 = arith.constant 3 : i32
    %get3A_1983 = arith.index_cast %get3A_1982 : i32 to index
    %get3A_1984 = arith.constant 48 : index
    %get3A_1985 = tpu.vector_load %arg17[%get3A_1983, %get3A_1984] {strides = array<i32>} : memref<16x128xf32, #tpu.memory_space<vmem>>, vector<16xf32>,
    %get3A_1986 = arith.constant 11 : i32
    %get3A_1987 = arith.index_cast %get3A_1986 : i32 to index
    %get3A_1988 = arith.constant 48 : index
    %get3A_1989 = tpu.vector_load %arg17[%get3A_1987, %get3A_1988] {strides = array<i32>} : memref<16x128xf32, #tpu.memory_space<vmem>>, vector<16xf32>,
    %get3A_1990 = arith.constant 27 : i32
    %get3A_1991 = arith.index_cast %get3A_1990 : i32 to index
    %get3A_1992 = arith.constant 0 : index
    %get3A_1993 = tpu.vector_load %arg20[%get3A_1991, %get3A_1992] {strides = array<i32>} : memref<64x16xf32, #tpu.memory_space<vmem>>, vector<16xf32>,
    %get3A_1994 = arith.constant 27 : i32
    %get3A_1995 = arith.index_cast %get3A_1994 : i32 to index
    %get3A_1996 = arith.constant 0 : index
    %get3A_1997 = tpu.vector_load %arg21[%get3A_1995, %get3A_1996] {strides = array<i32>} : memref<64x16xf32, #tpu.memory_space<vmem>>, vector<16xf32>,
    %gather3A_1998 = tpu.vector_load_idx %arg22[%add3A_1969, %broadcast_in_dim3A_1810] : memref<128x16xf32, #tpu.memory_space<vmem>>[vector<16xi32>, vector<16xi32>], vector<16xf32>,
    %gather3A_1999 = tpu.vector_load_idx %arg23[%add3A_1969, %broadcast_in_dim3A_1810] : memref<128x16xf32, #tpu.memory_space<vmem>>[vector<16xi32>, vector<16xi32>], vector<16xf32>,
    %mul3A_2000 = arith.mulf %gather3A_1998, %get3A_1993 : vector<16xf32>
    %sub3A_2001 = arith.constant 1.000000e+00 : f32
    %sub3A_2002 = vector.broadcast %sub3A_2001 : f32 to vector<16xf32>
    %sub3A_2003 = arith.subf %sub3A_2002, %mul3A_2000 : vector<16xf32>
    %mul3A_2004 = arith.mulf %gather3A_1999, %get3A_1997 : vector<16xf32>
    %sub3A_2005 = arith.constant 1.000000e+00 : f32
    %sub3A_2006 = vector.broadcast %sub3A_2005 : f32 to vector<16xf32>
    %sub3A_2007 = arith.subf %sub3A_2006, %mul3A_2004 : vector<16xf32>
    %sub3A_2008 = arith.subf %get3A_1973, %get3A_1977 : vector<16xf32>
    %mul3A_2009 = arith.mulf %sub3A_2008, %sub3A_2003 : vector<16xf32>
    %add3A_2010 = arith.addf %mul3A_2009, %get3A_1985 : vector<16xf32>
    %mul3A_2011 = arith.mulf %get3A_1973, %sub3A_2003 : vector<16xf32>
    %mul3A_2012 = arith.mulf %get3A_1981, %sub3A_2007 : vector<16xf32>
    %sub3A_2013 = arith.subf %mul3A_2011, %mul3A_2012 : vector<16xf32>
    %add3A_2014 = arith.addf %sub3A_2013, %get3A_1989 : vector<16xf32>
    %abs3A_2015 = math.absf %add3A_2010 : vector<16xf32>
    %add3A_2016 = arith.addf %add3A_1964, %abs3A_2015 : vector<16xf32>
    %abs3A_2017 = math.absf %add3A_2014 : vector<16xf32>
    %add3A_2018 = arith.addf %add3A_1966, %abs3A_2017 : vector<16xf32>
    %add3A_2019 = arith.constant 64 : i32
    %add3A_2020 = vector.broadcast %add3A_2019 : i32 to vector<16xi32>
    %add3A_2021 = arith.addi %add3A_2020, %iota3A : vector<16xi32>
    %get3A_2022 = arith.constant 3 : i32
    %get3A_2023 = arith.index_cast %get3A_2022 : i32 to index
    %get3A_2024 = arith.constant 64 : index
    %get3A_2025 = tpu.vector_load %arg16[%get3A_2023, %get3A_2024] {strides = array<i32>} : memref<24x128xf32, #tpu.memory_space<vmem>>, vector<16xf32>,
    %get3A_2026 = arith.constant 11 : i32
    %get3A_2027 = arith.index_cast %get3A_2026 : i32 to index
    %get3A_2028 = arith.constant 64 : index
    %get3A_2029 = tpu.vector_load %arg16[%get3A_2027, %get3A_2028] {strides = array<i32>} : memref<24x128xf32, #tpu.memory_space<vmem>>, vector<16xf32>,
    %get3A_2030 = arith.constant 19 : i32
    %get3A_2031 = arith.index_cast %get3A_2030 : i32 to index
    %get3A_2032 = arith.constant 64 : index
    %get3A_2033 = tpu.vector_load %arg16[%get3A_2031, %get3A_2032] {strides = array<i32>} : memref<24x128xf32, #tpu.memory_space<vmem>>, vector<16xf32>,
    %get3A_2034 = arith.constant 3 : i32
    %get3A_2035 = arith.index_cast %get3A_2034 : i32 to index
    %get3A_2036 = arith.constant 64 : index
    %get3A_2037 = tpu.vector_load %arg17[%get3A_2035, %get3A_2036] {strides = array<i32>} : memref<16x128xf32, #tpu.memory_space<vmem>>, vector<16xf32>,
    %get3A_2038 = arith.constant 11 : i32
    %get3A_2039 = arith.index_cast %get3A_2038 : i32 to index
    %get3A_2040 = arith.constant 64 : index
    %get3A_2041 = tpu.vector_load %arg17[%get3A_2039, %get3A_2040] {strides = array<i32>} : memref<16x128xf32, #tpu.memory_space<vmem>>, vector<16xf32>,
    %get3A_2042 = arith.constant 28 : i32
    %get3A_2043 = arith.index_cast %get3A_2042 : i32 to index
    %get3A_2044 = arith.constant 0 : index
    %get3A_2045 = tpu.vector_load %arg20[%get3A_2043, %get3A_2044] {strides = array<i32>} : memref<64x16xf32, #tpu.memory_space<vmem>>, vector<16xf32>,
    %get3A_2046 = arith.constant 28 : i32
    %get3A_2047 = arith.index_cast %get3A_2046 : i32 to index
    %get3A_2048 = arith.constant 0 : index
    %get3A_2049 = tpu.vector_load %arg21[%get3A_2047, %get3A_2048] {strides = array<i32>} : memref<64x16xf32, #tpu.memory_space<vmem>>, vector<16xf32>,
    %gather3A_2050 = tpu.vector_load_idx %arg22[%add3A_2021, %broadcast_in_dim3A_1810] : memref<128x16xf32, #tpu.memory_space<vmem>>[vector<16xi32>, vector<16xi32>], vector<16xf32>,
    %gather3A_2051 = tpu.vector_load_idx %arg23[%add3A_2021, %broadcast_in_dim3A_1810] : memref<128x16xf32, #tpu.memory_space<vmem>>[vector<16xi32>, vector<16xi32>], vector<16xf32>,
    %mul3A_2052 = arith.mulf %gather3A_2050, %get3A_2045 : vector<16xf32>
    %sub3A_2053 = arith.constant 1.000000e+00 : f32
    %sub3A_2054 = vector.broadcast %sub3A_2053 : f32 to vector<16xf32>
    %sub3A_2055 = arith.subf %sub3A_2054, %mul3A_2052 : vector<16xf32>
    %mul3A_2056 = arith.mulf %gather3A_2051, %get3A_2049 : vector<16xf32>
    %sub3A_2057 = arith.constant 1.000000e+00 : f32
    %sub3A_2058 = vector.broadcast %sub3A_2057 : f32 to vector<16xf32>
    %sub3A_2059 = arith.subf %sub3A_2058, %mul3A_2056 : vector<16xf32>
    %sub3A_2060 = arith.subf %get3A_2025, %get3A_2029 : vector<16xf32>
    %mul3A_2061 = arith.mulf %sub3A_2060, %sub3A_2055 : vector<16xf32>
    %add3A_2062 = arith.addf %mul3A_2061, %get3A_2037 : vector<16xf32>
    %mul3A_2063 = arith.mulf %get3A_2025, %sub3A_2055 : vector<16xf32>
    %mul3A_2064 = arith.mulf %get3A_2033, %sub3A_2059 : vector<16xf32>
    %sub3A_2065 = arith.subf %mul3A_2063, %mul3A_2064 : vector<16xf32>
    %add3A_2066 = arith.addf %sub3A_2065, %get3A_2041 : vector<16xf32>
    %abs3A_2067 = math.absf %add3A_2062 : vector<16xf32>
    %add3A_2068 = arith.addf %add3A_2016, %abs3A_2067 : vector<16xf32>
    %abs3A_2069 = math.absf %add3A_2066 : vector<16xf32>
    %add3A_2070 = arith.addf %add3A_2018, %abs3A_2069 : vector<16xf32>
    %add3A_2071 = arith.constant 80 : i32
    %add3A_2072 = vector.broadcast %add3A_2071 : i32 to vector<16xi32>
    %add3A_2073 = arith.addi %add3A_2072, %iota3A : vector<16xi32>
    %get3A_2074 = arith.constant 3 : i32
    %get3A_2075 = arith.index_cast %get3A_2074 : i32 to index
    %get3A_2076 = arith.constant 80 : index
    %get3A_2077 = tpu.vector_load %arg16[%get3A_2075, %get3A_2076] {strides = array<i32>} : memref<24x128xf32, #tpu.memory_space<vmem>>, vector<16xf32>,
    %get3A_2078 = arith.constant 11 : i32
    %get3A_2079 = arith.index_cast %get3A_2078 : i32 to index
    %get3A_2080 = arith.constant 80 : index
    %get3A_2081 = tpu.vector_load %arg16[%get3A_2079, %get3A_2080] {strides = array<i32>} : memref<24x128xf32, #tpu.memory_space<vmem>>, vector<16xf32>,
    %get3A_2082 = arith.constant 19 : i32
    %get3A_2083 = arith.index_cast %get3A_2082 : i32 to index
    %get3A_2084 = arith.constant 80 : index
    %get3A_2085 = tpu.vector_load %arg16[%get3A_2083, %get3A_2084] {strides = array<i32>} : memref<24x128xf32, #tpu.memory_space<vmem>>, vector<16xf32>,
    %get3A_2086 = arith.constant 3 : i32
    %get3A_2087 = arith.index_cast %get3A_2086 : i32 to index
    %get3A_2088 = arith.constant 80 : index
    %get3A_2089 = tpu.vector_load %arg17[%get3A_2087, %get3A_2088] {strides = array<i32>} : memref<16x128xf32, #tpu.memory_space<vmem>>, vector<16xf32>,
    %get3A_2090 = arith.constant 11 : i32
    %get3A_2091 = arith.index_cast %get3A_2090 : i32 to index
    %get3A_2092 = arith.constant 80 : index
    %get3A_2093 = tpu.vector_load %arg17[%get3A_2091, %get3A_2092] {strides = array<i32>} : memref<16x128xf32, #tpu.memory_space<vmem>>, vector<16xf32>,
    %get3A_2094 = arith.constant 29 : i32
    %get3A_2095 = arith.index_cast %get3A_2094 : i32 to index
    %get3A_2096 = arith.constant 0 : index
    %get3A_2097 = tpu.vector_load %arg20[%get3A_2095, %get3A_2096] {strides = array<i32>} : memref<64x16xf32, #tpu.memory_space<vmem>>, vector<16xf32>,
    %get3A_2098 = arith.constant 29 : i32
    %get3A_2099 = arith.index_cast %get3A_2098 : i32 to index
    %get3A_2100 = arith.constant 0 : index
    %get3A_2101 = tpu.vector_load %arg21[%get3A_2099, %get3A_2100] {strides = array<i32>} : memref<64x16xf32, #tpu.memory_space<vmem>>, vector<16xf32>,
    %gather3A_2102 = tpu.vector_load_idx %arg22[%add3A_2073, %broadcast_in_dim3A_1810] : memref<128x16xf32, #tpu.memory_space<vmem>>[vector<16xi32>, vector<16xi32>], vector<16xf32>,
    %gather3A_2103 = tpu.vector_load_idx %arg23[%add3A_2073, %broadcast_in_dim3A_1810] : memref<128x16xf32, #tpu.memory_space<vmem>>[vector<16xi32>, vector<16xi32>], vector<16xf32>,
    %mul3A_2104 = arith.mulf %gather3A_2102, %get3A_2097 : vector<16xf32>
    %sub3A_2105 = arith.constant 1.000000e+00 : f32
    %sub3A_2106 = vector.broadcast %sub3A_2105 : f32 to vector<16xf32>
    %sub3A_2107 = arith.subf %sub3A_2106, %mul3A_2104 : vector<16xf32>
    %mul3A_2108 = arith.mulf %gather3A_2103, %get3A_2101 : vector<16xf32>
    %sub3A_2109 = arith.constant 1.000000e+00 : f32
    %sub3A_2110 = vector.broadcast %sub3A_2109 : f32 to vector<16xf32>
    %sub3A_2111 = arith.subf %sub3A_2110, %mul3A_2108 : vector<16xf32>
    %sub3A_2112 = arith.subf %get3A_2077, %get3A_2081 : vector<16xf32>
    %mul3A_2113 = arith.mulf %sub3A_2112, %sub3A_2107 : vector<16xf32>
    %add3A_2114 = arith.addf %mul3A_2113, %get3A_2089 : vector<16xf32>
    %mul3A_2115 = arith.mulf %get3A_2077, %sub3A_2107 : vector<16xf32>
    %mul3A_2116 = arith.mulf %get3A_2085, %sub3A_2111 : vector<16xf32>
    %sub3A_2117 = arith.subf %mul3A_2115, %mul3A_2116 : vector<16xf32>
    %add3A_2118 = arith.addf %sub3A_2117, %get3A_2093 : vector<16xf32>
    %abs3A_2119 = math.absf %add3A_2114 : vector<16xf32>
    %add3A_2120 = arith.addf %add3A_2068, %abs3A_2119 : vector<16xf32>
    %abs3A_2121 = math.absf %add3A_2118 : vector<16xf32>
    %add3A_2122 = arith.addf %add3A_2070, %abs3A_2121 : vector<16xf32>
    %add3A_2123 = arith.constant 96 : i32
    %add3A_2124 = vector.broadcast %add3A_2123 : i32 to vector<16xi32>
    %add3A_2125 = arith.addi %add3A_2124, %iota3A : vector<16xi32>
    %get3A_2126 = arith.constant 3 : i32
    %get3A_2127 = arith.index_cast %get3A_2126 : i32 to index
    %get3A_2128 = arith.constant 96 : index
    %get3A_2129 = tpu.vector_load %arg16[%get3A_2127, %get3A_2128] {strides = array<i32>} : memref<24x128xf32, #tpu.memory_space<vmem>>, vector<16xf32>,
    %get3A_2130 = arith.constant 11 : i32
    %get3A_2131 = arith.index_cast %get3A_2130 : i32 to index
    %get3A_2132 = arith.constant 96 : index
    %get3A_2133 = tpu.vector_load %arg16[%get3A_2131, %get3A_2132] {strides = array<i32>} : memref<24x128xf32, #tpu.memory_space<vmem>>, vector<16xf32>,
    %get3A_2134 = arith.constant 19 : i32
    %get3A_2135 = arith.index_cast %get3A_2134 : i32 to index
    %get3A_2136 = arith.constant 96 : index
    %get3A_2137 = tpu.vector_load %arg16[%get3A_2135, %get3A_2136] {strides = array<i32>} : memref<24x128xf32, #tpu.memory_space<vmem>>, vector<16xf32>,
    %get3A_2138 = arith.constant 3 : i32
    %get3A_2139 = arith.index_cast %get3A_2138 : i32 to index
    %get3A_2140 = arith.constant 96 : index
    %get3A_2141 = tpu.vector_load %arg17[%get3A_2139, %get3A_2140] {strides = array<i32>} : memref<16x128xf32, #tpu.memory_space<vmem>>, vector<16xf32>,
    %get3A_2142 = arith.constant 11 : i32
    %get3A_2143 = arith.index_cast %get3A_2142 : i32 to index
    %get3A_2144 = arith.constant 96 : index
    %get3A_2145 = tpu.vector_load %arg17[%get3A_2143, %get3A_2144] {strides = array<i32>} : memref<16x128xf32, #tpu.memory_space<vmem>>, vector<16xf32>,
    %get3A_2146 = arith.constant 30 : i32
    %get3A_2147 = arith.index_cast %get3A_2146 : i32 to index
    %get3A_2148 = arith.constant 0 : index
    %get3A_2149 = tpu.vector_load %arg20[%get3A_2147, %get3A_2148] {strides = array<i32>} : memref<64x16xf32, #tpu.memory_space<vmem>>, vector<16xf32>,
    %get3A_2150 = arith.constant 30 : i32
    %get3A_2151 = arith.index_cast %get3A_2150 : i32 to index
    %get3A_2152 = arith.constant 0 : index
    %get3A_2153 = tpu.vector_load %arg21[%get3A_2151, %get3A_2152] {strides = array<i32>} : memref<64x16xf32, #tpu.memory_space<vmem>>, vector<16xf32>,
    %gather3A_2154 = tpu.vector_load_idx %arg22[%add3A_2125, %broadcast_in_dim3A_1810] : memref<128x16xf32, #tpu.memory_space<vmem>>[vector<16xi32>, vector<16xi32>], vector<16xf32>,
    %gather3A_2155 = tpu.vector_load_idx %arg23[%add3A_2125, %broadcast_in_dim3A_1810] : memref<128x16xf32, #tpu.memory_space<vmem>>[vector<16xi32>, vector<16xi32>], vector<16xf32>,
    %mul3A_2156 = arith.mulf %gather3A_2154, %get3A_2149 : vector<16xf32>
    %sub3A_2157 = arith.constant 1.000000e+00 : f32
    %sub3A_2158 = vector.broadcast %sub3A_2157 : f32 to vector<16xf32>
    %sub3A_2159 = arith.subf %sub3A_2158, %mul3A_2156 : vector<16xf32>
    %mul3A_2160 = arith.mulf %gather3A_2155, %get3A_2153 : vector<16xf32>
    %sub3A_2161 = arith.constant 1.000000e+00 : f32
    %sub3A_2162 = vector.broadcast %sub3A_2161 : f32 to vector<16xf32>
    %sub3A_2163 = arith.subf %sub3A_2162, %mul3A_2160 : vector<16xf32>
    %sub3A_2164 = arith.subf %get3A_2129, %get3A_2133 : vector<16xf32>
    %mul3A_2165 = arith.mulf %sub3A_2164, %sub3A_2159 : vector<16xf32>
    %add3A_2166 = arith.addf %mul3A_2165, %get3A_2141 : vector<16xf32>
    %mul3A_2167 = arith.mulf %get3A_2129, %sub3A_2159 : vector<16xf32>
    %mul3A_2168 = arith.mulf %get3A_2137, %sub3A_2163 : vector<16xf32>
    %sub3A_2169 = arith.subf %mul3A_2167, %mul3A_2168 : vector<16xf32>
    %add3A_2170 = arith.addf %sub3A_2169, %get3A_2145 : vector<16xf32>
    %abs3A_2171 = math.absf %add3A_2166 : vector<16xf32>
    %add3A_2172 = arith.addf %add3A_2120, %abs3A_2171 : vector<16xf32>
    %abs3A_2173 = math.absf %add3A_2170 : vector<16xf32>
    %add3A_2174 = arith.addf %add3A_2122, %abs3A_2173 : vector<16xf32>
    %add3A_2175 = arith.constant 112 : i32
    %add3A_2176 = vector.broadcast %add3A_2175 : i32 to vector<16xi32>
    %add3A_2177 = arith.addi %add3A_2176, %iota3A : vector<16xi32>
    %get3A_2178 = arith.constant 3 : i32
    %get3A_2179 = arith.index_cast %get3A_2178 : i32 to index
    %get3A_2180 = arith.constant 112 : index
    %get3A_2181 = tpu.vector_load %arg16[%get3A_2179, %get3A_2180] {strides = array<i32>} : memref<24x128xf32, #tpu.memory_space<vmem>>, vector<16xf32>,
    %get3A_2182 = arith.constant 11 : i32
    %get3A_2183 = arith.index_cast %get3A_2182 : i32 to index
    %get3A_2184 = arith.constant 112 : index
    %get3A_2185 = tpu.vector_load %arg16[%get3A_2183, %get3A_2184] {strides = array<i32>} : memref<24x128xf32, #tpu.memory_space<vmem>>, vector<16xf32>,
    %get3A_2186 = arith.constant 19 : i32
    %get3A_2187 = arith.index_cast %get3A_2186 : i32 to index
    %get3A_2188 = arith.constant 112 : index
    %get3A_2189 = tpu.vector_load %arg16[%get3A_2187, %get3A_2188] {strides = array<i32>} : memref<24x128xf32, #tpu.memory_space<vmem>>, vector<16xf32>,
    %get3A_2190 = arith.constant 3 : i32
    %get3A_2191 = arith.index_cast %get3A_2190 : i32 to index
    %get3A_2192 = arith.constant 112 : index
    %get3A_2193 = tpu.vector_load %arg17[%get3A_2191, %get3A_2192] {strides = array<i32>} : memref<16x128xf32, #tpu.memory_space<vmem>>, vector<16xf32>,
    %get3A_2194 = arith.constant 11 : i32
    %get3A_2195 = arith.index_cast %get3A_2194 : i32 to index
    %get3A_2196 = arith.constant 112 : index
    %get3A_2197 = tpu.vector_load %arg17[%get3A_2195, %get3A_2196] {strides = array<i32>} : memref<16x128xf32, #tpu.memory_space<vmem>>, vector<16xf32>,
    %get3A_2198 = arith.constant 31 : i32
    %get3A_2199 = arith.index_cast %get3A_2198 : i32 to index
    %get3A_2200 = arith.constant 0 : index
    %get3A_2201 = tpu.vector_load %arg20[%get3A_2199, %get3A_2200] {strides = array<i32>} : memref<64x16xf32, #tpu.memory_space<vmem>>, vector<16xf32>,
    %get3A_2202 = arith.constant 31 : i32
    %get3A_2203 = arith.index_cast %get3A_2202 : i32 to index
    %get3A_2204 = arith.constant 0 : index
    %get3A_2205 = tpu.vector_load %arg21[%get3A_2203, %get3A_2204] {strides = array<i32>} : memref<64x16xf32, #tpu.memory_space<vmem>>, vector<16xf32>,
    %gather3A_2206 = tpu.vector_load_idx %arg22[%add3A_2177, %broadcast_in_dim3A_1810] : memref<128x16xf32, #tpu.memory_space<vmem>>[vector<16xi32>, vector<16xi32>], vector<16xf32>,
    %gather3A_2207 = tpu.vector_load_idx %arg23[%add3A_2177, %broadcast_in_dim3A_1810] : memref<128x16xf32, #tpu.memory_space<vmem>>[vector<16xi32>, vector<16xi32>], vector<16xf32>,
    %mul3A_2208 = arith.mulf %gather3A_2206, %get3A_2201 : vector<16xf32>
    %sub3A_2209 = arith.constant 1.000000e+00 : f32
    %sub3A_2210 = vector.broadcast %sub3A_2209 : f32 to vector<16xf32>
    %sub3A_2211 = arith.subf %sub3A_2210, %mul3A_2208 : vector<16xf32>
    %mul3A_2212 = arith.mulf %gather3A_2207, %get3A_2205 : vector<16xf32>
    %sub3A_2213 = arith.constant 1.000000e+00 : f32
    %sub3A_2214 = vector.broadcast %sub3A_2213 : f32 to vector<16xf32>
    %sub3A_2215 = arith.subf %sub3A_2214, %mul3A_2212 : vector<16xf32>
    %sub3A_2216 = arith.subf %get3A_2181, %get3A_2185 : vector<16xf32>
    %mul3A_2217 = arith.mulf %sub3A_2216, %sub3A_2211 : vector<16xf32>
    %add3A_2218 = arith.addf %mul3A_2217, %get3A_2193 : vector<16xf32>
    %mul3A_2219 = arith.mulf %get3A_2181, %sub3A_2211 : vector<16xf32>
    %mul3A_2220 = arith.mulf %get3A_2189, %sub3A_2215 : vector<16xf32>
    %sub3A_2221 = arith.subf %mul3A_2219, %mul3A_2220 : vector<16xf32>
    %add3A_2222 = arith.addf %sub3A_2221, %get3A_2197 : vector<16xf32>
    %abs3A_2223 = math.absf %add3A_2218 : vector<16xf32>
    %add3A_2224 = arith.addf %add3A_2172, %abs3A_2223 : vector<16xf32>
    %abs3A_2225 = math.absf %add3A_2222 : vector<16xf32>
    %add3A_2226 = arith.addf %add3A_2174, %abs3A_2225 : vector<16xf32>
    %add3A_2227 = arith.constant 4 : i32
    %add3A_2228 = arith.addi %mul3A_31, %add3A_2227 : i32
    %broadcast_in_dim3A_2229 = vector.broadcast %add3A_2228 : i32 to vector<16xi32>
    %add3A_2230 = arith.constant 0 : i32
    %add3A_2231 = vector.broadcast %add3A_2230 : i32 to vector<16xi32>
    %add3A_2232 = arith.addi %add3A_2231, %iota3A : vector<16xi32>
    %get3A_2233 = arith.constant 4 : i32
    %get3A_2234 = arith.index_cast %get3A_2233 : i32 to index
    %get3A_2235 = arith.constant 0 : index
    %get3A_2236 = tpu.vector_load %arg16[%get3A_2234, %get3A_2235] {strides = array<i32>} : memref<24x128xf32, #tpu.memory_space<vmem>>, vector<16xf32>,
    %get3A_2237 = arith.constant 12 : i32
    %get3A_2238 = arith.index_cast %get3A_2237 : i32 to index
    %get3A_2239 = arith.constant 0 : index
    %get3A_2240 = tpu.vector_load %arg16[%get3A_2238, %get3A_2239] {strides = array<i32>} : memref<24x128xf32, #tpu.memory_space<vmem>>, vector<16xf32>,
    %get3A_2241 = arith.constant 20 : i32
    %get3A_2242 = arith.index_cast %get3A_2241 : i32 to index
    %get3A_2243 = arith.constant 0 : index
    %get3A_2244 = tpu.vector_load %arg16[%get3A_2242, %get3A_2243] {strides = array<i32>} : memref<24x128xf32, #tpu.memory_space<vmem>>, vector<16xf32>,
    %get3A_2245 = arith.constant 4 : i32
    %get3A_2246 = arith.index_cast %get3A_2245 : i32 to index
    %get3A_2247 = arith.constant 0 : index
    %get3A_2248 = tpu.vector_load %arg17[%get3A_2246, %get3A_2247] {strides = array<i32>} : memref<16x128xf32, #tpu.memory_space<vmem>>, vector<16xf32>,
    %get3A_2249 = arith.constant 12 : i32
    %get3A_2250 = arith.index_cast %get3A_2249 : i32 to index
    %get3A_2251 = arith.constant 0 : index
    %get3A_2252 = tpu.vector_load %arg17[%get3A_2250, %get3A_2251] {strides = array<i32>} : memref<16x128xf32, #tpu.memory_space<vmem>>, vector<16xf32>,
    %get3A_2253 = arith.constant 32 : i32
    %get3A_2254 = arith.index_cast %get3A_2253 : i32 to index
    %get3A_2255 = arith.constant 0 : index
    %get3A_2256 = tpu.vector_load %arg20[%get3A_2254, %get3A_2255] {strides = array<i32>} : memref<64x16xf32, #tpu.memory_space<vmem>>, vector<16xf32>,
    %get3A_2257 = arith.constant 32 : i32
    %get3A_2258 = arith.index_cast %get3A_2257 : i32 to index
    %get3A_2259 = arith.constant 0 : index
    %get3A_2260 = tpu.vector_load %arg21[%get3A_2258, %get3A_2259] {strides = array<i32>} : memref<64x16xf32, #tpu.memory_space<vmem>>, vector<16xf32>,
    %gather3A_2261 = tpu.vector_load_idx %arg22[%add3A_2232, %broadcast_in_dim3A_2229] : memref<128x16xf32, #tpu.memory_space<vmem>>[vector<16xi32>, vector<16xi32>], vector<16xf32>,
    %gather3A_2262 = tpu.vector_load_idx %arg23[%add3A_2232, %broadcast_in_dim3A_2229] : memref<128x16xf32, #tpu.memory_space<vmem>>[vector<16xi32>, vector<16xi32>], vector<16xf32>,
    %mul3A_2263 = arith.mulf %gather3A_2261, %get3A_2256 : vector<16xf32>
    %sub3A_2264 = arith.constant 1.000000e+00 : f32
    %sub3A_2265 = vector.broadcast %sub3A_2264 : f32 to vector<16xf32>
    %sub3A_2266 = arith.subf %sub3A_2265, %mul3A_2263 : vector<16xf32>
    %mul3A_2267 = arith.mulf %gather3A_2262, %get3A_2260 : vector<16xf32>
    %sub3A_2268 = arith.constant 1.000000e+00 : f32
    %sub3A_2269 = vector.broadcast %sub3A_2268 : f32 to vector<16xf32>
    %sub3A_2270 = arith.subf %sub3A_2269, %mul3A_2267 : vector<16xf32>
    %sub3A_2271 = arith.subf %get3A_2236, %get3A_2240 : vector<16xf32>
    %mul3A_2272 = arith.mulf %sub3A_2271, %sub3A_2266 : vector<16xf32>
    %add3A_2273 = arith.addf %mul3A_2272, %get3A_2248 : vector<16xf32>
    %mul3A_2274 = arith.mulf %get3A_2236, %sub3A_2266 : vector<16xf32>
    %mul3A_2275 = arith.mulf %get3A_2244, %sub3A_2270 : vector<16xf32>
    %sub3A_2276 = arith.subf %mul3A_2274, %mul3A_2275 : vector<16xf32>
    %add3A_2277 = arith.addf %sub3A_2276, %get3A_2252 : vector<16xf32>
    %abs3A_2278 = math.absf %add3A_2273 : vector<16xf32>
    %add3A_2279 = arith.addf %add3A_2224, %abs3A_2278 : vector<16xf32>
    %abs3A_2280 = math.absf %add3A_2277 : vector<16xf32>
    %add3A_2281 = arith.addf %add3A_2226, %abs3A_2280 : vector<16xf32>
    %add3A_2282 = arith.constant 16 : i32
    %add3A_2283 = vector.broadcast %add3A_2282 : i32 to vector<16xi32>
    %add3A_2284 = arith.addi %add3A_2283, %iota3A : vector<16xi32>
    %get3A_2285 = arith.constant 4 : i32
    %get3A_2286 = arith.index_cast %get3A_2285 : i32 to index
    %get3A_2287 = arith.constant 16 : index
    %get3A_2288 = tpu.vector_load %arg16[%get3A_2286, %get3A_2287] {strides = array<i32>} : memref<24x128xf32, #tpu.memory_space<vmem>>, vector<16xf32>,
    %get3A_2289 = arith.constant 12 : i32
    %get3A_2290 = arith.index_cast %get3A_2289 : i32 to index
    %get3A_2291 = arith.constant 16 : index
    %get3A_2292 = tpu.vector_load %arg16[%get3A_2290, %get3A_2291] {strides = array<i32>} : memref<24x128xf32, #tpu.memory_space<vmem>>, vector<16xf32>,
    %get3A_2293 = arith.constant 20 : i32
    %get3A_2294 = arith.index_cast %get3A_2293 : i32 to index
    %get3A_2295 = arith.constant 16 : index
    %get3A_2296 = tpu.vector_load %arg16[%get3A_2294, %get3A_2295] {strides = array<i32>} : memref<24x128xf32, #tpu.memory_space<vmem>>, vector<16xf32>,
    %get3A_2297 = arith.constant 4 : i32
    %get3A_2298 = arith.index_cast %get3A_2297 : i32 to index
    %get3A_2299 = arith.constant 16 : index
    %get3A_2300 = tpu.vector_load %arg17[%get3A_2298, %get3A_2299] {strides = array<i32>} : memref<16x128xf32, #tpu.memory_space<vmem>>, vector<16xf32>,
    %get3A_2301 = arith.constant 12 : i32
    %get3A_2302 = arith.index_cast %get3A_2301 : i32 to index
    %get3A_2303 = arith.constant 16 : index
    %get3A_2304 = tpu.vector_load %arg17[%get3A_2302, %get3A_2303] {strides = array<i32>} : memref<16x128xf32, #tpu.memory_space<vmem>>, vector<16xf32>,
    %get3A_2305 = arith.constant 33 : i32
    %get3A_2306 = arith.index_cast %get3A_2305 : i32 to index
    %get3A_2307 = arith.constant 0 : index
    %get3A_2308 = tpu.vector_load %arg20[%get3A_2306, %get3A_2307] {strides = array<i32>} : memref<64x16xf32, #tpu.memory_space<vmem>>, vector<16xf32>,
    %get3A_2309 = arith.constant 33 : i32
    %get3A_2310 = arith.index_cast %get3A_2309 : i32 to index
    %get3A_2311 = arith.constant 0 : index
    %get3A_2312 = tpu.vector_load %arg21[%get3A_2310, %get3A_2311] {strides = array<i32>} : memref<64x16xf32, #tpu.memory_space<vmem>>, vector<16xf32>,
    %gather3A_2313 = tpu.vector_load_idx %arg22[%add3A_2284, %broadcast_in_dim3A_2229] : memref<128x16xf32, #tpu.memory_space<vmem>>[vector<16xi32>, vector<16xi32>], vector<16xf32>,
    %gather3A_2314 = tpu.vector_load_idx %arg23[%add3A_2284, %broadcast_in_dim3A_2229] : memref<128x16xf32, #tpu.memory_space<vmem>>[vector<16xi32>, vector<16xi32>], vector<16xf32>,
    %mul3A_2315 = arith.mulf %gather3A_2313, %get3A_2308 : vector<16xf32>
    %sub3A_2316 = arith.constant 1.000000e+00 : f32
    %sub3A_2317 = vector.broadcast %sub3A_2316 : f32 to vector<16xf32>
    %sub3A_2318 = arith.subf %sub3A_2317, %mul3A_2315 : vector<16xf32>
    %mul3A_2319 = arith.mulf %gather3A_2314, %get3A_2312 : vector<16xf32>
    %sub3A_2320 = arith.constant 1.000000e+00 : f32
    %sub3A_2321 = vector.broadcast %sub3A_2320 : f32 to vector<16xf32>
    %sub3A_2322 = arith.subf %sub3A_2321, %mul3A_2319 : vector<16xf32>
    %sub3A_2323 = arith.subf %get3A_2288, %get3A_2292 : vector<16xf32>
    %mul3A_2324 = arith.mulf %sub3A_2323, %sub3A_2318 : vector<16xf32>
    %add3A_2325 = arith.addf %mul3A_2324, %get3A_2300 : vector<16xf32>
    %mul3A_2326 = arith.mulf %get3A_2288, %sub3A_2318 : vector<16xf32>
    %mul3A_2327 = arith.mulf %get3A_2296, %sub3A_2322 : vector<16xf32>
    %sub3A_2328 = arith.subf %mul3A_2326, %mul3A_2327 : vector<16xf32>
    %add3A_2329 = arith.addf %sub3A_2328, %get3A_2304 : vector<16xf32>
    %abs3A_2330 = math.absf %add3A_2325 : vector<16xf32>
    %add3A_2331 = arith.addf %add3A_2279, %abs3A_2330 : vector<16xf32>
    %abs3A_2332 = math.absf %add3A_2329 : vector<16xf32>
    %add3A_2333 = arith.addf %add3A_2281, %abs3A_2332 : vector<16xf32>
    %add3A_2334 = arith.constant 32 : i32
    %add3A_2335 = vector.broadcast %add3A_2334 : i32 to vector<16xi32>
    %add3A_2336 = arith.addi %add3A_2335, %iota3A : vector<16xi32>
    %get3A_2337 = arith.constant 4 : i32
    %get3A_2338 = arith.index_cast %get3A_2337 : i32 to index
    %get3A_2339 = arith.constant 32 : index
    %get3A_2340 = tpu.vector_load %arg16[%get3A_2338, %get3A_2339] {strides = array<i32>} : memref<24x128xf32, #tpu.memory_space<vmem>>, vector<16xf32>,
    %get3A_2341 = arith.constant 12 : i32
    %get3A_2342 = arith.index_cast %get3A_2341 : i32 to index
    %get3A_2343 = arith.constant 32 : index
    %get3A_2344 = tpu.vector_load %arg16[%get3A_2342, %get3A_2343] {strides = array<i32>} : memref<24x128xf32, #tpu.memory_space<vmem>>, vector<16xf32>,
    %get3A_2345 = arith.constant 20 : i32
    %get3A_2346 = arith.index_cast %get3A_2345 : i32 to index
    %get3A_2347 = arith.constant 32 : index
    %get3A_2348 = tpu.vector_load %arg16[%get3A_2346, %get3A_2347] {strides = array<i32>} : memref<24x128xf32, #tpu.memory_space<vmem>>, vector<16xf32>,
    %get3A_2349 = arith.constant 4 : i32
    %get3A_2350 = arith.index_cast %get3A_2349 : i32 to index
    %get3A_2351 = arith.constant 32 : index
    %get3A_2352 = tpu.vector_load %arg17[%get3A_2350, %get3A_2351] {strides = array<i32>} : memref<16x128xf32, #tpu.memory_space<vmem>>, vector<16xf32>,
    %get3A_2353 = arith.constant 12 : i32
    %get3A_2354 = arith.index_cast %get3A_2353 : i32 to index
    %get3A_2355 = arith.constant 32 : index
    %get3A_2356 = tpu.vector_load %arg17[%get3A_2354, %get3A_2355] {strides = array<i32>} : memref<16x128xf32, #tpu.memory_space<vmem>>, vector<16xf32>,
    %get3A_2357 = arith.constant 34 : i32
    %get3A_2358 = arith.index_cast %get3A_2357 : i32 to index
    %get3A_2359 = arith.constant 0 : index
    %get3A_2360 = tpu.vector_load %arg20[%get3A_2358, %get3A_2359] {strides = array<i32>} : memref<64x16xf32, #tpu.memory_space<vmem>>, vector<16xf32>,
    %get3A_2361 = arith.constant 34 : i32
    %get3A_2362 = arith.index_cast %get3A_2361 : i32 to index
    %get3A_2363 = arith.constant 0 : index
    %get3A_2364 = tpu.vector_load %arg21[%get3A_2362, %get3A_2363] {strides = array<i32>} : memref<64x16xf32, #tpu.memory_space<vmem>>, vector<16xf32>,
    %gather3A_2365 = tpu.vector_load_idx %arg22[%add3A_2336, %broadcast_in_dim3A_2229] : memref<128x16xf32, #tpu.memory_space<vmem>>[vector<16xi32>, vector<16xi32>], vector<16xf32>,
    %gather3A_2366 = tpu.vector_load_idx %arg23[%add3A_2336, %broadcast_in_dim3A_2229] : memref<128x16xf32, #tpu.memory_space<vmem>>[vector<16xi32>, vector<16xi32>], vector<16xf32>,
    %mul3A_2367 = arith.mulf %gather3A_2365, %get3A_2360 : vector<16xf32>
    %sub3A_2368 = arith.constant 1.000000e+00 : f32
    %sub3A_2369 = vector.broadcast %sub3A_2368 : f32 to vector<16xf32>
    %sub3A_2370 = arith.subf %sub3A_2369, %mul3A_2367 : vector<16xf32>
    %mul3A_2371 = arith.mulf %gather3A_2366, %get3A_2364 : vector<16xf32>
    %sub3A_2372 = arith.constant 1.000000e+00 : f32
    %sub3A_2373 = vector.broadcast %sub3A_2372 : f32 to vector<16xf32>
    %sub3A_2374 = arith.subf %sub3A_2373, %mul3A_2371 : vector<16xf32>
    %sub3A_2375 = arith.subf %get3A_2340, %get3A_2344 : vector<16xf32>
    %mul3A_2376 = arith.mulf %sub3A_2375, %sub3A_2370 : vector<16xf32>
    %add3A_2377 = arith.addf %mul3A_2376, %get3A_2352 : vector<16xf32>
    %mul3A_2378 = arith.mulf %get3A_2340, %sub3A_2370 : vector<16xf32>
    %mul3A_2379 = arith.mulf %get3A_2348, %sub3A_2374 : vector<16xf32>
    %sub3A_2380 = arith.subf %mul3A_2378, %mul3A_2379 : vector<16xf32>
    %add3A_2381 = arith.addf %sub3A_2380, %get3A_2356 : vector<16xf32>
    %abs3A_2382 = math.absf %add3A_2377 : vector<16xf32>
    %add3A_2383 = arith.addf %add3A_2331, %abs3A_2382 : vector<16xf32>
    %abs3A_2384 = math.absf %add3A_2381 : vector<16xf32>
    %add3A_2385 = arith.addf %add3A_2333, %abs3A_2384 : vector<16xf32>
    %add3A_2386 = arith.constant 48 : i32
    %add3A_2387 = vector.broadcast %add3A_2386 : i32 to vector<16xi32>
    %add3A_2388 = arith.addi %add3A_2387, %iota3A : vector<16xi32>
    %get3A_2389 = arith.constant 4 : i32
    %get3A_2390 = arith.index_cast %get3A_2389 : i32 to index
    %get3A_2391 = arith.constant 48 : index
    %get3A_2392 = tpu.vector_load %arg16[%get3A_2390, %get3A_2391] {strides = array<i32>} : memref<24x128xf32, #tpu.memory_space<vmem>>, vector<16xf32>,
    %get3A_2393 = arith.constant 12 : i32
    %get3A_2394 = arith.index_cast %get3A_2393 : i32 to index
    %get3A_2395 = arith.constant 48 : index
    %get3A_2396 = tpu.vector_load %arg16[%get3A_2394, %get3A_2395] {strides = array<i32>} : memref<24x128xf32, #tpu.memory_space<vmem>>, vector<16xf32>,
    %get3A_2397 = arith.constant 20 : i32
    %get3A_2398 = arith.index_cast %get3A_2397 : i32 to index
    %get3A_2399 = arith.constant 48 : index
    %get3A_2400 = tpu.vector_load %arg16[%get3A_2398, %get3A_2399] {strides = array<i32>} : memref<24x128xf32, #tpu.memory_space<vmem>>, vector<16xf32>,
    %get3A_2401 = arith.constant 4 : i32
    %get3A_2402 = arith.index_cast %get3A_2401 : i32 to index
    %get3A_2403 = arith.constant 48 : index
    %get3A_2404 = tpu.vector_load %arg17[%get3A_2402, %get3A_2403] {strides = array<i32>} : memref<16x128xf32, #tpu.memory_space<vmem>>, vector<16xf32>,
    %get3A_2405 = arith.constant 12 : i32
    %get3A_2406 = arith.index_cast %get3A_2405 : i32 to index
    %get3A_2407 = arith.constant 48 : index
    %get3A_2408 = tpu.vector_load %arg17[%get3A_2406, %get3A_2407] {strides = array<i32>} : memref<16x128xf32, #tpu.memory_space<vmem>>, vector<16xf32>,
    %get3A_2409 = arith.constant 35 : i32
    %get3A_2410 = arith.index_cast %get3A_2409 : i32 to index
    %get3A_2411 = arith.constant 0 : index
    %get3A_2412 = tpu.vector_load %arg20[%get3A_2410, %get3A_2411] {strides = array<i32>} : memref<64x16xf32, #tpu.memory_space<vmem>>, vector<16xf32>,
    %get3A_2413 = arith.constant 35 : i32
    %get3A_2414 = arith.index_cast %get3A_2413 : i32 to index
    %get3A_2415 = arith.constant 0 : index
    %get3A_2416 = tpu.vector_load %arg21[%get3A_2414, %get3A_2415] {strides = array<i32>} : memref<64x16xf32, #tpu.memory_space<vmem>>, vector<16xf32>,
    %gather3A_2417 = tpu.vector_load_idx %arg22[%add3A_2388, %broadcast_in_dim3A_2229] : memref<128x16xf32, #tpu.memory_space<vmem>>[vector<16xi32>, vector<16xi32>], vector<16xf32>,
    %gather3A_2418 = tpu.vector_load_idx %arg23[%add3A_2388, %broadcast_in_dim3A_2229] : memref<128x16xf32, #tpu.memory_space<vmem>>[vector<16xi32>, vector<16xi32>], vector<16xf32>,
    %mul3A_2419 = arith.mulf %gather3A_2417, %get3A_2412 : vector<16xf32>
    %sub3A_2420 = arith.constant 1.000000e+00 : f32
    %sub3A_2421 = vector.broadcast %sub3A_2420 : f32 to vector<16xf32>
    %sub3A_2422 = arith.subf %sub3A_2421, %mul3A_2419 : vector<16xf32>
    %mul3A_2423 = arith.mulf %gather3A_2418, %get3A_2416 : vector<16xf32>
    %sub3A_2424 = arith.constant 1.000000e+00 : f32
    %sub3A_2425 = vector.broadcast %sub3A_2424 : f32 to vector<16xf32>
    %sub3A_2426 = arith.subf %sub3A_2425, %mul3A_2423 : vector<16xf32>
    %sub3A_2427 = arith.subf %get3A_2392, %get3A_2396 : vector<16xf32>
    %mul3A_2428 = arith.mulf %sub3A_2427, %sub3A_2422 : vector<16xf32>
    %add3A_2429 = arith.addf %mul3A_2428, %get3A_2404 : vector<16xf32>
    %mul3A_2430 = arith.mulf %get3A_2392, %sub3A_2422 : vector<16xf32>
    %mul3A_2431 = arith.mulf %get3A_2400, %sub3A_2426 : vector<16xf32>
    %sub3A_2432 = arith.subf %mul3A_2430, %mul3A_2431 : vector<16xf32>
    %add3A_2433 = arith.addf %sub3A_2432, %get3A_2408 : vector<16xf32>
    %abs3A_2434 = math.absf %add3A_2429 : vector<16xf32>
    %add3A_2435 = arith.addf %add3A_2383, %abs3A_2434 : vector<16xf32>
    %abs3A_2436 = math.absf %add3A_2433 : vector<16xf32>
    %add3A_2437 = arith.addf %add3A_2385, %abs3A_2436 : vector<16xf32>
    %add3A_2438 = arith.constant 64 : i32
    %add3A_2439 = vector.broadcast %add3A_2438 : i32 to vector<16xi32>
    %add3A_2440 = arith.addi %add3A_2439, %iota3A : vector<16xi32>
    %get3A_2441 = arith.constant 4 : i32
    %get3A_2442 = arith.index_cast %get3A_2441 : i32 to index
    %get3A_2443 = arith.constant 64 : index
    %get3A_2444 = tpu.vector_load %arg16[%get3A_2442, %get3A_2443] {strides = array<i32>} : memref<24x128xf32, #tpu.memory_space<vmem>>, vector<16xf32>,
    %get3A_2445 = arith.constant 12 : i32
    %get3A_2446 = arith.index_cast %get3A_2445 : i32 to index
    %get3A_2447 = arith.constant 64 : index
    %get3A_2448 = tpu.vector_load %arg16[%get3A_2446, %get3A_2447] {strides = array<i32>} : memref<24x128xf32, #tpu.memory_space<vmem>>, vector<16xf32>,
    %get3A_2449 = arith.constant 20 : i32
    %get3A_2450 = arith.index_cast %get3A_2449 : i32 to index
    %get3A_2451 = arith.constant 64 : index
    %get3A_2452 = tpu.vector_load %arg16[%get3A_2450, %get3A_2451] {strides = array<i32>} : memref<24x128xf32, #tpu.memory_space<vmem>>, vector<16xf32>,
    %get3A_2453 = arith.constant 4 : i32
    %get3A_2454 = arith.index_cast %get3A_2453 : i32 to index
    %get3A_2455 = arith.constant 64 : index
    %get3A_2456 = tpu.vector_load %arg17[%get3A_2454, %get3A_2455] {strides = array<i32>} : memref<16x128xf32, #tpu.memory_space<vmem>>, vector<16xf32>,
    %get3A_2457 = arith.constant 12 : i32
    %get3A_2458 = arith.index_cast %get3A_2457 : i32 to index
    %get3A_2459 = arith.constant 64 : index
    %get3A_2460 = tpu.vector_load %arg17[%get3A_2458, %get3A_2459] {strides = array<i32>} : memref<16x128xf32, #tpu.memory_space<vmem>>, vector<16xf32>,
    %get3A_2461 = arith.constant 36 : i32
    %get3A_2462 = arith.index_cast %get3A_2461 : i32 to index
    %get3A_2463 = arith.constant 0 : index
    %get3A_2464 = tpu.vector_load %arg20[%get3A_2462, %get3A_2463] {strides = array<i32>} : memref<64x16xf32, #tpu.memory_space<vmem>>, vector<16xf32>,
    %get3A_2465 = arith.constant 36 : i32
    %get3A_2466 = arith.index_cast %get3A_2465 : i32 to index
    %get3A_2467 = arith.constant 0 : index
    %get3A_2468 = tpu.vector_load %arg21[%get3A_2466, %get3A_2467] {strides = array<i32>} : memref<64x16xf32, #tpu.memory_space<vmem>>, vector<16xf32>,
    %gather3A_2469 = tpu.vector_load_idx %arg22[%add3A_2440, %broadcast_in_dim3A_2229] : memref<128x16xf32, #tpu.memory_space<vmem>>[vector<16xi32>, vector<16xi32>], vector<16xf32>,
    %gather3A_2470 = tpu.vector_load_idx %arg23[%add3A_2440, %broadcast_in_dim3A_2229] : memref<128x16xf32, #tpu.memory_space<vmem>>[vector<16xi32>, vector<16xi32>], vector<16xf32>,
    %mul3A_2471 = arith.mulf %gather3A_2469, %get3A_2464 : vector<16xf32>
    %sub3A_2472 = arith.constant 1.000000e+00 : f32
    %sub3A_2473 = vector.broadcast %sub3A_2472 : f32 to vector<16xf32>
    %sub3A_2474 = arith.subf %sub3A_2473, %mul3A_2471 : vector<16xf32>
    %mul3A_2475 = arith.mulf %gather3A_2470, %get3A_2468 : vector<16xf32>
    %sub3A_2476 = arith.constant 1.000000e+00 : f32
    %sub3A_2477 = vector.broadcast %sub3A_2476 : f32 to vector<16xf32>
    %sub3A_2478 = arith.subf %sub3A_2477, %mul3A_2475 : vector<16xf32>
    %sub3A_2479 = arith.subf %get3A_2444, %get3A_2448 : vector<16xf32>
    %mul3A_2480 = arith.mulf %sub3A_2479, %sub3A_2474 : vector<16xf32>
    %add3A_2481 = arith.addf %mul3A_2480, %get3A_2456 : vector<16xf32>
    %mul3A_2482 = arith.mulf %get3A_2444, %sub3A_2474 : vector<16xf32>
    %mul3A_2483 = arith.mulf %get3A_2452, %sub3A_2478 : vector<16xf32>
    %sub3A_2484 = arith.subf %mul3A_2482, %mul3A_2483 : vector<16xf32>
    %add3A_2485 = arith.addf %sub3A_2484, %get3A_2460 : vector<16xf32>
    %abs3A_2486 = math.absf %add3A_2481 : vector<16xf32>
    %add3A_2487 = arith.addf %add3A_2435, %abs3A_2486 : vector<16xf32>
    %abs3A_2488 = math.absf %add3A_2485 : vector<16xf32>
    %add3A_2489 = arith.addf %add3A_2437, %abs3A_2488 : vector<16xf32>
    %add3A_2490 = arith.constant 80 : i32
    %add3A_2491 = vector.broadcast %add3A_2490 : i32 to vector<16xi32>
    %add3A_2492 = arith.addi %add3A_2491, %iota3A : vector<16xi32>
    %get3A_2493 = arith.constant 4 : i32
    %get3A_2494 = arith.index_cast %get3A_2493 : i32 to index
    %get3A_2495 = arith.constant 80 : index
    %get3A_2496 = tpu.vector_load %arg16[%get3A_2494, %get3A_2495] {strides = array<i32>} : memref<24x128xf32, #tpu.memory_space<vmem>>, vector<16xf32>,
    %get3A_2497 = arith.constant 12 : i32
    %get3A_2498 = arith.index_cast %get3A_2497 : i32 to index
    %get3A_2499 = arith.constant 80 : index
    %get3A_2500 = tpu.vector_load %arg16[%get3A_2498, %get3A_2499] {strides = array<i32>} : memref<24x128xf32, #tpu.memory_space<vmem>>, vector<16xf32>,
    %get3A_2501 = arith.constant 20 : i32
    %get3A_2502 = arith.index_cast %get3A_2501 : i32 to index
    %get3A_2503 = arith.constant 80 : index
    %get3A_2504 = tpu.vector_load %arg16[%get3A_2502, %get3A_2503] {strides = array<i32>} : memref<24x128xf32, #tpu.memory_space<vmem>>, vector<16xf32>,
    %get3A_2505 = arith.constant 4 : i32
    %get3A_2506 = arith.index_cast %get3A_2505 : i32 to index
    %get3A_2507 = arith.constant 80 : index
    %get3A_2508 = tpu.vector_load %arg17[%get3A_2506, %get3A_2507] {strides = array<i32>} : memref<16x128xf32, #tpu.memory_space<vmem>>, vector<16xf32>,
    %get3A_2509 = arith.constant 12 : i32
    %get3A_2510 = arith.index_cast %get3A_2509 : i32 to index
    %get3A_2511 = arith.constant 80 : index
    %get3A_2512 = tpu.vector_load %arg17[%get3A_2510, %get3A_2511] {strides = array<i32>} : memref<16x128xf32, #tpu.memory_space<vmem>>, vector<16xf32>,
    %get3A_2513 = arith.constant 37 : i32
    %get3A_2514 = arith.index_cast %get3A_2513 : i32 to index
    %get3A_2515 = arith.constant 0 : index
    %get3A_2516 = tpu.vector_load %arg20[%get3A_2514, %get3A_2515] {strides = array<i32>} : memref<64x16xf32, #tpu.memory_space<vmem>>, vector<16xf32>,
    %get3A_2517 = arith.constant 37 : i32
    %get3A_2518 = arith.index_cast %get3A_2517 : i32 to index
    %get3A_2519 = arith.constant 0 : index
    %get3A_2520 = tpu.vector_load %arg21[%get3A_2518, %get3A_2519] {strides = array<i32>} : memref<64x16xf32, #tpu.memory_space<vmem>>, vector<16xf32>,
    %gather3A_2521 = tpu.vector_load_idx %arg22[%add3A_2492, %broadcast_in_dim3A_2229] : memref<128x16xf32, #tpu.memory_space<vmem>>[vector<16xi32>, vector<16xi32>], vector<16xf32>,
    %gather3A_2522 = tpu.vector_load_idx %arg23[%add3A_2492, %broadcast_in_dim3A_2229] : memref<128x16xf32, #tpu.memory_space<vmem>>[vector<16xi32>, vector<16xi32>], vector<16xf32>,
    %mul3A_2523 = arith.mulf %gather3A_2521, %get3A_2516 : vector<16xf32>
    %sub3A_2524 = arith.constant 1.000000e+00 : f32
    %sub3A_2525 = vector.broadcast %sub3A_2524 : f32 to vector<16xf32>
    %sub3A_2526 = arith.subf %sub3A_2525, %mul3A_2523 : vector<16xf32>
    %mul3A_2527 = arith.mulf %gather3A_2522, %get3A_2520 : vector<16xf32>
    %sub3A_2528 = arith.constant 1.000000e+00 : f32
    %sub3A_2529 = vector.broadcast %sub3A_2528 : f32 to vector<16xf32>
    %sub3A_2530 = arith.subf %sub3A_2529, %mul3A_2527 : vector<16xf32>
    %sub3A_2531 = arith.subf %get3A_2496, %get3A_2500 : vector<16xf32>
    %mul3A_2532 = arith.mulf %sub3A_2531, %sub3A_2526 : vector<16xf32>
    %add3A_2533 = arith.addf %mul3A_2532, %get3A_2508 : vector<16xf32>
    %mul3A_2534 = arith.mulf %get3A_2496, %sub3A_2526 : vector<16xf32>
    %mul3A_2535 = arith.mulf %get3A_2504, %sub3A_2530 : vector<16xf32>
    %sub3A_2536 = arith.subf %mul3A_2534, %mul3A_2535 : vector<16xf32>
    %add3A_2537 = arith.addf %sub3A_2536, %get3A_2512 : vector<16xf32>
    %abs3A_2538 = math.absf %add3A_2533 : vector<16xf32>
    %add3A_2539 = arith.addf %add3A_2487, %abs3A_2538 : vector<16xf32>
    %abs3A_2540 = math.absf %add3A_2537 : vector<16xf32>
    %add3A_2541 = arith.addf %add3A_2489, %abs3A_2540 : vector<16xf32>
    %add3A_2542 = arith.constant 96 : i32
    %add3A_2543 = vector.broadcast %add3A_2542 : i32 to vector<16xi32>
    %add3A_2544 = arith.addi %add3A_2543, %iota3A : vector<16xi32>
    %get3A_2545 = arith.constant 4 : i32
    %get3A_2546 = arith.index_cast %get3A_2545 : i32 to index
    %get3A_2547 = arith.constant 96 : index
    %get3A_2548 = tpu.vector_load %arg16[%get3A_2546, %get3A_2547] {strides = array<i32>} : memref<24x128xf32, #tpu.memory_space<vmem>>, vector<16xf32>,
    %get3A_2549 = arith.constant 12 : i32
    %get3A_2550 = arith.index_cast %get3A_2549 : i32 to index
    %get3A_2551 = arith.constant 96 : index
    %get3A_2552 = tpu.vector_load %arg16[%get3A_2550, %get3A_2551] {strides = array<i32>} : memref<24x128xf32, #tpu.memory_space<vmem>>, vector<16xf32>,
    %get3A_2553 = arith.constant 20 : i32
    %get3A_2554 = arith.index_cast %get3A_2553 : i32 to index
    %get3A_2555 = arith.constant 96 : index
    %get3A_2556 = tpu.vector_load %arg16[%get3A_2554, %get3A_2555] {strides = array<i32>} : memref<24x128xf32, #tpu.memory_space<vmem>>, vector<16xf32>,
    %get3A_2557 = arith.constant 4 : i32
    %get3A_2558 = arith.index_cast %get3A_2557 : i32 to index
    %get3A_2559 = arith.constant 96 : index
    %get3A_2560 = tpu.vector_load %arg17[%get3A_2558, %get3A_2559] {strides = array<i32>} : memref<16x128xf32, #tpu.memory_space<vmem>>, vector<16xf32>,
    %get3A_2561 = arith.constant 12 : i32
    %get3A_2562 = arith.index_cast %get3A_2561 : i32 to index
    %get3A_2563 = arith.constant 96 : index
    %get3A_2564 = tpu.vector_load %arg17[%get3A_2562, %get3A_2563] {strides = array<i32>} : memref<16x128xf32, #tpu.memory_space<vmem>>, vector<16xf32>,
    %get3A_2565 = arith.constant 38 : i32
    %get3A_2566 = arith.index_cast %get3A_2565 : i32 to index
    %get3A_2567 = arith.constant 0 : index
    %get3A_2568 = tpu.vector_load %arg20[%get3A_2566, %get3A_2567] {strides = array<i32>} : memref<64x16xf32, #tpu.memory_space<vmem>>, vector<16xf32>,
    %get3A_2569 = arith.constant 38 : i32
    %get3A_2570 = arith.index_cast %get3A_2569 : i32 to index
    %get3A_2571 = arith.constant 0 : index
    %get3A_2572 = tpu.vector_load %arg21[%get3A_2570, %get3A_2571] {strides = array<i32>} : memref<64x16xf32, #tpu.memory_space<vmem>>, vector<16xf32>,
    %gather3A_2573 = tpu.vector_load_idx %arg22[%add3A_2544, %broadcast_in_dim3A_2229] : memref<128x16xf32, #tpu.memory_space<vmem>>[vector<16xi32>, vector<16xi32>], vector<16xf32>,
    %gather3A_2574 = tpu.vector_load_idx %arg23[%add3A_2544, %broadcast_in_dim3A_2229] : memref<128x16xf32, #tpu.memory_space<vmem>>[vector<16xi32>, vector<16xi32>], vector<16xf32>,
    %mul3A_2575 = arith.mulf %gather3A_2573, %get3A_2568 : vector<16xf32>
    %sub3A_2576 = arith.constant 1.000000e+00 : f32
    %sub3A_2577 = vector.broadcast %sub3A_2576 : f32 to vector<16xf32>
    %sub3A_2578 = arith.subf %sub3A_2577, %mul3A_2575 : vector<16xf32>
    %mul3A_2579 = arith.mulf %gather3A_2574, %get3A_2572 : vector<16xf32>
    %sub3A_2580 = arith.constant 1.000000e+00 : f32
    %sub3A_2581 = vector.broadcast %sub3A_2580 : f32 to vector<16xf32>
    %sub3A_2582 = arith.subf %sub3A_2581, %mul3A_2579 : vector<16xf32>
    %sub3A_2583 = arith.subf %get3A_2548, %get3A_2552 : vector<16xf32>
    %mul3A_2584 = arith.mulf %sub3A_2583, %sub3A_2578 : vector<16xf32>
    %add3A_2585 = arith.addf %mul3A_2584, %get3A_2560 : vector<16xf32>
    %mul3A_2586 = arith.mulf %get3A_2548, %sub3A_2578 : vector<16xf32>
    %mul3A_2587 = arith.mulf %get3A_2556, %sub3A_2582 : vector<16xf32>
    %sub3A_2588 = arith.subf %mul3A_2586, %mul3A_2587 : vector<16xf32>
    %add3A_2589 = arith.addf %sub3A_2588, %get3A_2564 : vector<16xf32>
    %abs3A_2590 = math.absf %add3A_2585 : vector<16xf32>
    %add3A_2591 = arith.addf %add3A_2539, %abs3A_2590 : vector<16xf32>
    %abs3A_2592 = math.absf %add3A_2589 : vector<16xf32>
    %add3A_2593 = arith.addf %add3A_2541, %abs3A_2592 : vector<16xf32>
    %add3A_2594 = arith.constant 112 : i32
    %add3A_2595 = vector.broadcast %add3A_2594 : i32 to vector<16xi32>
    %add3A_2596 = arith.addi %add3A_2595, %iota3A : vector<16xi32>
    %get3A_2597 = arith.constant 4 : i32
    %get3A_2598 = arith.index_cast %get3A_2597 : i32 to index
    %get3A_2599 = arith.constant 112 : index
    %get3A_2600 = tpu.vector_load %arg16[%get3A_2598, %get3A_2599] {strides = array<i32>} : memref<24x128xf32, #tpu.memory_space<vmem>>, vector<16xf32>,
    %get3A_2601 = arith.constant 12 : i32
    %get3A_2602 = arith.index_cast %get3A_2601 : i32 to index
    %get3A_2603 = arith.constant 112 : index
    %get3A_2604 = tpu.vector_load %arg16[%get3A_2602, %get3A_2603] {strides = array<i32>} : memref<24x128xf32, #tpu.memory_space<vmem>>, vector<16xf32>,
    %get3A_2605 = arith.constant 20 : i32
    %get3A_2606 = arith.index_cast %get3A_2605 : i32 to index
    %get3A_2607 = arith.constant 112 : index
    %get3A_2608 = tpu.vector_load %arg16[%get3A_2606, %get3A_2607] {strides = array<i32>} : memref<24x128xf32, #tpu.memory_space<vmem>>, vector<16xf32>,
    %get3A_2609 = arith.constant 4 : i32
    %get3A_2610 = arith.index_cast %get3A_2609 : i32 to index
    %get3A_2611 = arith.constant 112 : index
    %get3A_2612 = tpu.vector_load %arg17[%get3A_2610, %get3A_2611] {strides = array<i32>} : memref<16x128xf32, #tpu.memory_space<vmem>>, vector<16xf32>,
    %get3A_2613 = arith.constant 12 : i32
    %get3A_2614 = arith.index_cast %get3A_2613 : i32 to index
    %get3A_2615 = arith.constant 112 : index
    %get3A_2616 = tpu.vector_load %arg17[%get3A_2614, %get3A_2615] {strides = array<i32>} : memref<16x128xf32, #tpu.memory_space<vmem>>, vector<16xf32>,
    %get3A_2617 = arith.constant 39 : i32
    %get3A_2618 = arith.index_cast %get3A_2617 : i32 to index
    %get3A_2619 = arith.constant 0 : index
    %get3A_2620 = tpu.vector_load %arg20[%get3A_2618, %get3A_2619] {strides = array<i32>} : memref<64x16xf32, #tpu.memory_space<vmem>>, vector<16xf32>,
    %get3A_2621 = arith.constant 39 : i32
    %get3A_2622 = arith.index_cast %get3A_2621 : i32 to index
    %get3A_2623 = arith.constant 0 : index
    %get3A_2624 = tpu.vector_load %arg21[%get3A_2622, %get3A_2623] {strides = array<i32>} : memref<64x16xf32, #tpu.memory_space<vmem>>, vector<16xf32>,
    %gather3A_2625 = tpu.vector_load_idx %arg22[%add3A_2596, %broadcast_in_dim3A_2229] : memref<128x16xf32, #tpu.memory_space<vmem>>[vector<16xi32>, vector<16xi32>], vector<16xf32>,
    %gather3A_2626 = tpu.vector_load_idx %arg23[%add3A_2596, %broadcast_in_dim3A_2229] : memref<128x16xf32, #tpu.memory_space<vmem>>[vector<16xi32>, vector<16xi32>], vector<16xf32>,
    %mul3A_2627 = arith.mulf %gather3A_2625, %get3A_2620 : vector<16xf32>
    %sub3A_2628 = arith.constant 1.000000e+00 : f32
    %sub3A_2629 = vector.broadcast %sub3A_2628 : f32 to vector<16xf32>
    %sub3A_2630 = arith.subf %sub3A_2629, %mul3A_2627 : vector<16xf32>
    %mul3A_2631 = arith.mulf %gather3A_2626, %get3A_2624 : vector<16xf32>
    %sub3A_2632 = arith.constant 1.000000e+00 : f32
    %sub3A_2633 = vector.broadcast %sub3A_2632 : f32 to vector<16xf32>
    %sub3A_2634 = arith.subf %sub3A_2633, %mul3A_2631 : vector<16xf32>
    %sub3A_2635 = arith.subf %get3A_2600, %get3A_2604 : vector<16xf32>
    %mul3A_2636 = arith.mulf %sub3A_2635, %sub3A_2630 : vector<16xf32>
    %add3A_2637 = arith.addf %mul3A_2636, %get3A_2612 : vector<16xf32>
    %mul3A_2638 = arith.mulf %get3A_2600, %sub3A_2630 : vector<16xf32>
    %mul3A_2639 = arith.mulf %get3A_2608, %sub3A_2634 : vector<16xf32>
    %sub3A_2640 = arith.subf %mul3A_2638, %mul3A_2639 : vector<16xf32>
    %add3A_2641 = arith.addf %sub3A_2640, %get3A_2616 : vector<16xf32>
    %abs3A_2642 = math.absf %add3A_2637 : vector<16xf32>
    %add3A_2643 = arith.addf %add3A_2591, %abs3A_2642 : vector<16xf32>
    %abs3A_2644 = math.absf %add3A_2641 : vector<16xf32>
    %add3A_2645 = arith.addf %add3A_2593, %abs3A_2644 : vector<16xf32>
    %add3A_2646 = arith.constant 5 : i32
    %add3A_2647 = arith.addi %mul3A_31, %add3A_2646 : i32
    %broadcast_in_dim3A_2648 = vector.broadcast %add3A_2647 : i32 to vector<16xi32>
    %add3A_2649 = arith.constant 0 : i32
    %add3A_2650 = vector.broadcast %add3A_2649 : i32 to vector<16xi32>
    %add3A_2651 = arith.addi %add3A_2650, %iota3A : vector<16xi32>
    %get3A_2652 = arith.constant 5 : i32
    %get3A_2653 = arith.index_cast %get3A_2652 : i32 to index
    %get3A_2654 = arith.constant 0 : index
    %get3A_2655 = tpu.vector_load %arg16[%get3A_2653, %get3A_2654] {strides = array<i32>} : memref<24x128xf32, #tpu.memory_space<vmem>>, vector<16xf32>,
    %get3A_2656 = arith.constant 13 : i32
    %get3A_2657 = arith.index_cast %get3A_2656 : i32 to index
    %get3A_2658 = arith.constant 0 : index
    %get3A_2659 = tpu.vector_load %arg16[%get3A_2657, %get3A_2658] {strides = array<i32>} : memref<24x128xf32, #tpu.memory_space<vmem>>, vector<16xf32>,
    %get3A_2660 = arith.constant 21 : i32
    %get3A_2661 = arith.index_cast %get3A_2660 : i32 to index
    %get3A_2662 = arith.constant 0 : index
    %get3A_2663 = tpu.vector_load %arg16[%get3A_2661, %get3A_2662] {strides = array<i32>} : memref<24x128xf32, #tpu.memory_space<vmem>>, vector<16xf32>,
    %get3A_2664 = arith.constant 5 : i32
    %get3A_2665 = arith.index_cast %get3A_2664 : i32 to index
    %get3A_2666 = arith.constant 0 : index
    %get3A_2667 = tpu.vector_load %arg17[%get3A_2665, %get3A_2666] {strides = array<i32>} : memref<16x128xf32, #tpu.memory_space<vmem>>, vector<16xf32>,
    %get3A_2668 = arith.constant 13 : i32
    %get3A_2669 = arith.index_cast %get3A_2668 : i32 to index
    %get3A_2670 = arith.constant 0 : index
    %get3A_2671 = tpu.vector_load %arg17[%get3A_2669, %get3A_2670] {strides = array<i32>} : memref<16x128xf32, #tpu.memory_space<vmem>>, vector<16xf32>,
    %get3A_2672 = arith.constant 40 : i32
    %get3A_2673 = arith.index_cast %get3A_2672 : i32 to index
    %get3A_2674 = arith.constant 0 : index
    %get3A_2675 = tpu.vector_load %arg20[%get3A_2673, %get3A_2674] {strides = array<i32>} : memref<64x16xf32, #tpu.memory_space<vmem>>, vector<16xf32>,
    %get3A_2676 = arith.constant 40 : i32
    %get3A_2677 = arith.index_cast %get3A_2676 : i32 to index
    %get3A_2678 = arith.constant 0 : index
    %get3A_2679 = tpu.vector_load %arg21[%get3A_2677, %get3A_2678] {strides = array<i32>} : memref<64x16xf32, #tpu.memory_space<vmem>>, vector<16xf32>,
    %gather3A_2680 = tpu.vector_load_idx %arg22[%add3A_2651, %broadcast_in_dim3A_2648] : memref<128x16xf32, #tpu.memory_space<vmem>>[vector<16xi32>, vector<16xi32>], vector<16xf32>,
    %gather3A_2681 = tpu.vector_load_idx %arg23[%add3A_2651, %broadcast_in_dim3A_2648] : memref<128x16xf32, #tpu.memory_space<vmem>>[vector<16xi32>, vector<16xi32>], vector<16xf32>,
    %mul3A_2682 = arith.mulf %gather3A_2680, %get3A_2675 : vector<16xf32>
    %sub3A_2683 = arith.constant 1.000000e+00 : f32
    %sub3A_2684 = vector.broadcast %sub3A_2683 : f32 to vector<16xf32>
    %sub3A_2685 = arith.subf %sub3A_2684, %mul3A_2682 : vector<16xf32>
    %mul3A_2686 = arith.mulf %gather3A_2681, %get3A_2679 : vector<16xf32>
    %sub3A_2687 = arith.constant 1.000000e+00 : f32
    %sub3A_2688 = vector.broadcast %sub3A_2687 : f32 to vector<16xf32>
    %sub3A_2689 = arith.subf %sub3A_2688, %mul3A_2686 : vector<16xf32>
    %sub3A_2690 = arith.subf %get3A_2655, %get3A_2659 : vector<16xf32>
    %mul3A_2691 = arith.mulf %sub3A_2690, %sub3A_2685 : vector<16xf32>
    %add3A_2692 = arith.addf %mul3A_2691, %get3A_2667 : vector<16xf32>
    %mul3A_2693 = arith.mulf %get3A_2655, %sub3A_2685 : vector<16xf32>
    %mul3A_2694 = arith.mulf %get3A_2663, %sub3A_2689 : vector<16xf32>
    %sub3A_2695 = arith.subf %mul3A_2693, %mul3A_2694 : vector<16xf32>
    %add3A_2696 = arith.addf %sub3A_2695, %get3A_2671 : vector<16xf32>
    %abs3A_2697 = math.absf %add3A_2692 : vector<16xf32>
    %add3A_2698 = arith.addf %add3A_2643, %abs3A_2697 : vector<16xf32>
    %abs3A_2699 = math.absf %add3A_2696 : vector<16xf32>
    %add3A_2700 = arith.addf %add3A_2645, %abs3A_2699 : vector<16xf32>
    %add3A_2701 = arith.constant 16 : i32
    %add3A_2702 = vector.broadcast %add3A_2701 : i32 to vector<16xi32>
    %add3A_2703 = arith.addi %add3A_2702, %iota3A : vector<16xi32>
    %get3A_2704 = arith.constant 5 : i32
    %get3A_2705 = arith.index_cast %get3A_2704 : i32 to index
    %get3A_2706 = arith.constant 16 : index
    %get3A_2707 = tpu.vector_load %arg16[%get3A_2705, %get3A_2706] {strides = array<i32>} : memref<24x128xf32, #tpu.memory_space<vmem>>, vector<16xf32>,
    %get3A_2708 = arith.constant 13 : i32
    %get3A_2709 = arith.index_cast %get3A_2708 : i32 to index
    %get3A_2710 = arith.constant 16 : index
    %get3A_2711 = tpu.vector_load %arg16[%get3A_2709, %get3A_2710] {strides = array<i32>} : memref<24x128xf32, #tpu.memory_space<vmem>>, vector<16xf32>,
    %get3A_2712 = arith.constant 21 : i32
    %get3A_2713 = arith.index_cast %get3A_2712 : i32 to index
    %get3A_2714 = arith.constant 16 : index
    %get3A_2715 = tpu.vector_load %arg16[%get3A_2713, %get3A_2714] {strides = array<i32>} : memref<24x128xf32, #tpu.memory_space<vmem>>, vector<16xf32>,
    %get3A_2716 = arith.constant 5 : i32
    %get3A_2717 = arith.index_cast %get3A_2716 : i32 to index
    %get3A_2718 = arith.constant 16 : index
    %get3A_2719 = tpu.vector_load %arg17[%get3A_2717, %get3A_2718] {strides = array<i32>} : memref<16x128xf32, #tpu.memory_space<vmem>>, vector<16xf32>,
    %get3A_2720 = arith.constant 13 : i32
    %get3A_2721 = arith.index_cast %get3A_2720 : i32 to index
    %get3A_2722 = arith.constant 16 : index
    %get3A_2723 = tpu.vector_load %arg17[%get3A_2721, %get3A_2722] {strides = array<i32>} : memref<16x128xf32, #tpu.memory_space<vmem>>, vector<16xf32>,
    %get3A_2724 = arith.constant 41 : i32
    %get3A_2725 = arith.index_cast %get3A_2724 : i32 to index
    %get3A_2726 = arith.constant 0 : index
    %get3A_2727 = tpu.vector_load %arg20[%get3A_2725, %get3A_2726] {strides = array<i32>} : memref<64x16xf32, #tpu.memory_space<vmem>>, vector<16xf32>,
    %get3A_2728 = arith.constant 41 : i32
    %get3A_2729 = arith.index_cast %get3A_2728 : i32 to index
    %get3A_2730 = arith.constant 0 : index
    %get3A_2731 = tpu.vector_load %arg21[%get3A_2729, %get3A_2730] {strides = array<i32>} : memref<64x16xf32, #tpu.memory_space<vmem>>, vector<16xf32>,
    %gather3A_2732 = tpu.vector_load_idx %arg22[%add3A_2703, %broadcast_in_dim3A_2648] : memref<128x16xf32, #tpu.memory_space<vmem>>[vector<16xi32>, vector<16xi32>], vector<16xf32>,
    %gather3A_2733 = tpu.vector_load_idx %arg23[%add3A_2703, %broadcast_in_dim3A_2648] : memref<128x16xf32, #tpu.memory_space<vmem>>[vector<16xi32>, vector<16xi32>], vector<16xf32>,
    %mul3A_2734 = arith.mulf %gather3A_2732, %get3A_2727 : vector<16xf32>
    %sub3A_2735 = arith.constant 1.000000e+00 : f32
    %sub3A_2736 = vector.broadcast %sub3A_2735 : f32 to vector<16xf32>
    %sub3A_2737 = arith.subf %sub3A_2736, %mul3A_2734 : vector<16xf32>
    %mul3A_2738 = arith.mulf %gather3A_2733, %get3A_2731 : vector<16xf32>
    %sub3A_2739 = arith.constant 1.000000e+00 : f32
    %sub3A_2740 = vector.broadcast %sub3A_2739 : f32 to vector<16xf32>
    %sub3A_2741 = arith.subf %sub3A_2740, %mul3A_2738 : vector<16xf32>
    %sub3A_2742 = arith.subf %get3A_2707, %get3A_2711 : vector<16xf32>
    %mul3A_2743 = arith.mulf %sub3A_2742, %sub3A_2737 : vector<16xf32>
    %add3A_2744 = arith.addf %mul3A_2743, %get3A_2719 : vector<16xf32>
    %mul3A_2745 = arith.mulf %get3A_2707, %sub3A_2737 : vector<16xf32>
    %mul3A_2746 = arith.mulf %get3A_2715, %sub3A_2741 : vector<16xf32>
    %sub3A_2747 = arith.subf %mul3A_2745, %mul3A_2746 : vector<16xf32>
    %add3A_2748 = arith.addf %sub3A_2747, %get3A_2723 : vector<16xf32>
    %abs3A_2749 = math.absf %add3A_2744 : vector<16xf32>
    %add3A_2750 = arith.addf %add3A_2698, %abs3A_2749 : vector<16xf32>
    %abs3A_2751 = math.absf %add3A_2748 : vector<16xf32>
    %add3A_2752 = arith.addf %add3A_2700, %abs3A_2751 : vector<16xf32>
    %add3A_2753 = arith.constant 32 : i32
    %add3A_2754 = vector.broadcast %add3A_2753 : i32 to vector<16xi32>
    %add3A_2755 = arith.addi %add3A_2754, %iota3A : vector<16xi32>
    %get3A_2756 = arith.constant 5 : i32
    %get3A_2757 = arith.index_cast %get3A_2756 : i32 to index
    %get3A_2758 = arith.constant 32 : index
    %get3A_2759 = tpu.vector_load %arg16[%get3A_2757, %get3A_2758] {strides = array<i32>} : memref<24x128xf32, #tpu.memory_space<vmem>>, vector<16xf32>,
    %get3A_2760 = arith.constant 13 : i32
    %get3A_2761 = arith.index_cast %get3A_2760 : i32 to index
    %get3A_2762 = arith.constant 32 : index
    %get3A_2763 = tpu.vector_load %arg16[%get3A_2761, %get3A_2762] {strides = array<i32>} : memref<24x128xf32, #tpu.memory_space<vmem>>, vector<16xf32>,
    %get3A_2764 = arith.constant 21 : i32
    %get3A_2765 = arith.index_cast %get3A_2764 : i32 to index
    %get3A_2766 = arith.constant 32 : index
    %get3A_2767 = tpu.vector_load %arg16[%get3A_2765, %get3A_2766] {strides = array<i32>} : memref<24x128xf32, #tpu.memory_space<vmem>>, vector<16xf32>,
    %get3A_2768 = arith.constant 5 : i32
    %get3A_2769 = arith.index_cast %get3A_2768 : i32 to index
    %get3A_2770 = arith.constant 32 : index
    %get3A_2771 = tpu.vector_load %arg17[%get3A_2769, %get3A_2770] {strides = array<i32>} : memref<16x128xf32, #tpu.memory_space<vmem>>, vector<16xf32>,
    %get3A_2772 = arith.constant 13 : i32
    %get3A_2773 = arith.index_cast %get3A_2772 : i32 to index
    %get3A_2774 = arith.constant 32 : index
    %get3A_2775 = tpu.vector_load %arg17[%get3A_2773, %get3A_2774] {strides = array<i32>} : memref<16x128xf32, #tpu.memory_space<vmem>>, vector<16xf32>,
    %get3A_2776 = arith.constant 42 : i32
    %get3A_2777 = arith.index_cast %get3A_2776 : i32 to index
    %get3A_2778 = arith.constant 0 : index
    %get3A_2779 = tpu.vector_load %arg20[%get3A_2777, %get3A_2778] {strides = array<i32>} : memref<64x16xf32, #tpu.memory_space<vmem>>, vector<16xf32>,
    %get3A_2780 = arith.constant 42 : i32
    %get3A_2781 = arith.index_cast %get3A_2780 : i32 to index
    %get3A_2782 = arith.constant 0 : index
    %get3A_2783 = tpu.vector_load %arg21[%get3A_2781, %get3A_2782] {strides = array<i32>} : memref<64x16xf32, #tpu.memory_space<vmem>>, vector<16xf32>,
    %gather3A_2784 = tpu.vector_load_idx %arg22[%add3A_2755, %broadcast_in_dim3A_2648] : memref<128x16xf32, #tpu.memory_space<vmem>>[vector<16xi32>, vector<16xi32>], vector<16xf32>,
    %gather3A_2785 = tpu.vector_load_idx %arg23[%add3A_2755, %broadcast_in_dim3A_2648] : memref<128x16xf32, #tpu.memory_space<vmem>>[vector<16xi32>, vector<16xi32>], vector<16xf32>,
    %mul3A_2786 = arith.mulf %gather3A_2784, %get3A_2779 : vector<16xf32>
    %sub3A_2787 = arith.constant 1.000000e+00 : f32
    %sub3A_2788 = vector.broadcast %sub3A_2787 : f32 to vector<16xf32>
    %sub3A_2789 = arith.subf %sub3A_2788, %mul3A_2786 : vector<16xf32>
    %mul3A_2790 = arith.mulf %gather3A_2785, %get3A_2783 : vector<16xf32>
    %sub3A_2791 = arith.constant 1.000000e+00 : f32
    %sub3A_2792 = vector.broadcast %sub3A_2791 : f32 to vector<16xf32>
    %sub3A_2793 = arith.subf %sub3A_2792, %mul3A_2790 : vector<16xf32>
    %sub3A_2794 = arith.subf %get3A_2759, %get3A_2763 : vector<16xf32>
    %mul3A_2795 = arith.mulf %sub3A_2794, %sub3A_2789 : vector<16xf32>
    %add3A_2796 = arith.addf %mul3A_2795, %get3A_2771 : vector<16xf32>
    %mul3A_2797 = arith.mulf %get3A_2759, %sub3A_2789 : vector<16xf32>
    %mul3A_2798 = arith.mulf %get3A_2767, %sub3A_2793 : vector<16xf32>
    %sub3A_2799 = arith.subf %mul3A_2797, %mul3A_2798 : vector<16xf32>
    %add3A_2800 = arith.addf %sub3A_2799, %get3A_2775 : vector<16xf32>
    %abs3A_2801 = math.absf %add3A_2796 : vector<16xf32>
    %add3A_2802 = arith.addf %add3A_2750, %abs3A_2801 : vector<16xf32>
    %abs3A_2803 = math.absf %add3A_2800 : vector<16xf32>
    %add3A_2804 = arith.addf %add3A_2752, %abs3A_2803 : vector<16xf32>
    %add3A_2805 = arith.constant 48 : i32
    %add3A_2806 = vector.broadcast %add3A_2805 : i32 to vector<16xi32>
    %add3A_2807 = arith.addi %add3A_2806, %iota3A : vector<16xi32>
    %get3A_2808 = arith.constant 5 : i32
    %get3A_2809 = arith.index_cast %get3A_2808 : i32 to index
    %get3A_2810 = arith.constant 48 : index
    %get3A_2811 = tpu.vector_load %arg16[%get3A_2809, %get3A_2810] {strides = array<i32>} : memref<24x128xf32, #tpu.memory_space<vmem>>, vector<16xf32>,
    %get3A_2812 = arith.constant 13 : i32
    %get3A_2813 = arith.index_cast %get3A_2812 : i32 to index
    %get3A_2814 = arith.constant 48 : index
    %get3A_2815 = tpu.vector_load %arg16[%get3A_2813, %get3A_2814] {strides = array<i32>} : memref<24x128xf32, #tpu.memory_space<vmem>>, vector<16xf32>,
    %get3A_2816 = arith.constant 21 : i32
    %get3A_2817 = arith.index_cast %get3A_2816 : i32 to index
    %get3A_2818 = arith.constant 48 : index
    %get3A_2819 = tpu.vector_load %arg16[%get3A_2817, %get3A_2818] {strides = array<i32>} : memref<24x128xf32, #tpu.memory_space<vmem>>, vector<16xf32>,
    %get3A_2820 = arith.constant 5 : i32
    %get3A_2821 = arith.index_cast %get3A_2820 : i32 to index
    %get3A_2822 = arith.constant 48 : index
    %get3A_2823 = tpu.vector_load %arg17[%get3A_2821, %get3A_2822] {strides = array<i32>} : memref<16x128xf32, #tpu.memory_space<vmem>>, vector<16xf32>,
    %get3A_2824 = arith.constant 13 : i32
    %get3A_2825 = arith.index_cast %get3A_2824 : i32 to index
    %get3A_2826 = arith.constant 48 : index
    %get3A_2827 = tpu.vector_load %arg17[%get3A_2825, %get3A_2826] {strides = array<i32>} : memref<16x128xf32, #tpu.memory_space<vmem>>, vector<16xf32>,
    %get3A_2828 = arith.constant 43 : i32
    %get3A_2829 = arith.index_cast %get3A_2828 : i32 to index
    %get3A_2830 = arith.constant 0 : index
    %get3A_2831 = tpu.vector_load %arg20[%get3A_2829, %get3A_2830] {strides = array<i32>} : memref<64x16xf32, #tpu.memory_space<vmem>>, vector<16xf32>,
    %get3A_2832 = arith.constant 43 : i32
    %get3A_2833 = arith.index_cast %get3A_2832 : i32 to index
    %get3A_2834 = arith.constant 0 : index
    %get3A_2835 = tpu.vector_load %arg21[%get3A_2833, %get3A_2834] {strides = array<i32>} : memref<64x16xf32, #tpu.memory_space<vmem>>, vector<16xf32>,
    %gather3A_2836 = tpu.vector_load_idx %arg22[%add3A_2807, %broadcast_in_dim3A_2648] : memref<128x16xf32, #tpu.memory_space<vmem>>[vector<16xi32>, vector<16xi32>], vector<16xf32>,
    %gather3A_2837 = tpu.vector_load_idx %arg23[%add3A_2807, %broadcast_in_dim3A_2648] : memref<128x16xf32, #tpu.memory_space<vmem>>[vector<16xi32>, vector<16xi32>], vector<16xf32>,
    %mul3A_2838 = arith.mulf %gather3A_2836, %get3A_2831 : vector<16xf32>
    %sub3A_2839 = arith.constant 1.000000e+00 : f32
    %sub3A_2840 = vector.broadcast %sub3A_2839 : f32 to vector<16xf32>
    %sub3A_2841 = arith.subf %sub3A_2840, %mul3A_2838 : vector<16xf32>
    %mul3A_2842 = arith.mulf %gather3A_2837, %get3A_2835 : vector<16xf32>
    %sub3A_2843 = arith.constant 1.000000e+00 : f32
    %sub3A_2844 = vector.broadcast %sub3A_2843 : f32 to vector<16xf32>
    %sub3A_2845 = arith.subf %sub3A_2844, %mul3A_2842 : vector<16xf32>
    %sub3A_2846 = arith.subf %get3A_2811, %get3A_2815 : vector<16xf32>
    %mul3A_2847 = arith.mulf %sub3A_2846, %sub3A_2841 : vector<16xf32>
    %add3A_2848 = arith.addf %mul3A_2847, %get3A_2823 : vector<16xf32>
    %mul3A_2849 = arith.mulf %get3A_2811, %sub3A_2841 : vector<16xf32>
    %mul3A_2850 = arith.mulf %get3A_2819, %sub3A_2845 : vector<16xf32>
    %sub3A_2851 = arith.subf %mul3A_2849, %mul3A_2850 : vector<16xf32>
    %add3A_2852 = arith.addf %sub3A_2851, %get3A_2827 : vector<16xf32>
    %abs3A_2853 = math.absf %add3A_2848 : vector<16xf32>
    %add3A_2854 = arith.addf %add3A_2802, %abs3A_2853 : vector<16xf32>
    %abs3A_2855 = math.absf %add3A_2852 : vector<16xf32>
    %add3A_2856 = arith.addf %add3A_2804, %abs3A_2855 : vector<16xf32>
    %add3A_2857 = arith.constant 64 : i32
    %add3A_2858 = vector.broadcast %add3A_2857 : i32 to vector<16xi32>
    %add3A_2859 = arith.addi %add3A_2858, %iota3A : vector<16xi32>
    %get3A_2860 = arith.constant 5 : i32
    %get3A_2861 = arith.index_cast %get3A_2860 : i32 to index
    %get3A_2862 = arith.constant 64 : index
    %get3A_2863 = tpu.vector_load %arg16[%get3A_2861, %get3A_2862] {strides = array<i32>} : memref<24x128xf32, #tpu.memory_space<vmem>>, vector<16xf32>,
    %get3A_2864 = arith.constant 13 : i32
    %get3A_2865 = arith.index_cast %get3A_2864 : i32 to index
    %get3A_2866 = arith.constant 64 : index
    %get3A_2867 = tpu.vector_load %arg16[%get3A_2865, %get3A_2866] {strides = array<i32>} : memref<24x128xf32, #tpu.memory_space<vmem>>, vector<16xf32>,
    %get3A_2868 = arith.constant 21 : i32
    %get3A_2869 = arith.index_cast %get3A_2868 : i32 to index
    %get3A_2870 = arith.constant 64 : index
    %get3A_2871 = tpu.vector_load %arg16[%get3A_2869, %get3A_2870] {strides = array<i32>} : memref<24x128xf32, #tpu.memory_space<vmem>>, vector<16xf32>,
    %get3A_2872 = arith.constant 5 : i32
    %get3A_2873 = arith.index_cast %get3A_2872 : i32 to index
    %get3A_2874 = arith.constant 64 : index
    %get3A_2875 = tpu.vector_load %arg17[%get3A_2873, %get3A_2874] {strides = array<i32>} : memref<16x128xf32, #tpu.memory_space<vmem>>, vector<16xf32>,
    %get3A_2876 = arith.constant 13 : i32
    %get3A_2877 = arith.index_cast %get3A_2876 : i32 to index
    %get3A_2878 = arith.constant 64 : index
    %get3A_2879 = tpu.vector_load %arg17[%get3A_2877, %get3A_2878] {strides = array<i32>} : memref<16x128xf32, #tpu.memory_space<vmem>>, vector<16xf32>,
    %get3A_2880 = arith.constant 44 : i32
    %get3A_2881 = arith.index_cast %get3A_2880 : i32 to index
    %get3A_2882 = arith.constant 0 : index
    %get3A_2883 = tpu.vector_load %arg20[%get3A_2881, %get3A_2882] {strides = array<i32>} : memref<64x16xf32, #tpu.memory_space<vmem>>, vector<16xf32>,
    %get3A_2884 = arith.constant 44 : i32
    %get3A_2885 = arith.index_cast %get3A_2884 : i32 to index
    %get3A_2886 = arith.constant 0 : index
    %get3A_2887 = tpu.vector_load %arg21[%get3A_2885, %get3A_2886] {strides = array<i32>} : memref<64x16xf32, #tpu.memory_space<vmem>>, vector<16xf32>,
    %gather3A_2888 = tpu.vector_load_idx %arg22[%add3A_2859, %broadcast_in_dim3A_2648] : memref<128x16xf32, #tpu.memory_space<vmem>>[vector<16xi32>, vector<16xi32>], vector<16xf32>,
    %gather3A_2889 = tpu.vector_load_idx %arg23[%add3A_2859, %broadcast_in_dim3A_2648] : memref<128x16xf32, #tpu.memory_space<vmem>>[vector<16xi32>, vector<16xi32>], vector<16xf32>,
    %mul3A_2890 = arith.mulf %gather3A_2888, %get3A_2883 : vector<16xf32>
    %sub3A_2891 = arith.constant 1.000000e+00 : f32
    %sub3A_2892 = vector.broadcast %sub3A_2891 : f32 to vector<16xf32>
    %sub3A_2893 = arith.subf %sub3A_2892, %mul3A_2890 : vector<16xf32>
    %mul3A_2894 = arith.mulf %gather3A_2889, %get3A_2887 : vector<16xf32>
    %sub3A_2895 = arith.constant 1.000000e+00 : f32
    %sub3A_2896 = vector.broadcast %sub3A_2895 : f32 to vector<16xf32>
    %sub3A_2897 = arith.subf %sub3A_2896, %mul3A_2894 : vector<16xf32>
    %sub3A_2898 = arith.subf %get3A_2863, %get3A_2867 : vector<16xf32>
    %mul3A_2899 = arith.mulf %sub3A_2898, %sub3A_2893 : vector<16xf32>
    %add3A_2900 = arith.addf %mul3A_2899, %get3A_2875 : vector<16xf32>
    %mul3A_2901 = arith.mulf %get3A_2863, %sub3A_2893 : vector<16xf32>
    %mul3A_2902 = arith.mulf %get3A_2871, %sub3A_2897 : vector<16xf32>
    %sub3A_2903 = arith.subf %mul3A_2901, %mul3A_2902 : vector<16xf32>
    %add3A_2904 = arith.addf %sub3A_2903, %get3A_2879 : vector<16xf32>
    %abs3A_2905 = math.absf %add3A_2900 : vector<16xf32>
    %add3A_2906 = arith.addf %add3A_2854, %abs3A_2905 : vector<16xf32>
    %abs3A_2907 = math.absf %add3A_2904 : vector<16xf32>
    %add3A_2908 = arith.addf %add3A_2856, %abs3A_2907 : vector<16xf32>
    %add3A_2909 = arith.constant 80 : i32
    %add3A_2910 = vector.broadcast %add3A_2909 : i32 to vector<16xi32>
    %add3A_2911 = arith.addi %add3A_2910, %iota3A : vector<16xi32>
    %get3A_2912 = arith.constant 5 : i32
    %get3A_2913 = arith.index_cast %get3A_2912 : i32 to index
    %get3A_2914 = arith.constant 80 : index
    %get3A_2915 = tpu.vector_load %arg16[%get3A_2913, %get3A_2914] {strides = array<i32>} : memref<24x128xf32, #tpu.memory_space<vmem>>, vector<16xf32>,
    %get3A_2916 = arith.constant 13 : i32
    %get3A_2917 = arith.index_cast %get3A_2916 : i32 to index
    %get3A_2918 = arith.constant 80 : index
    %get3A_2919 = tpu.vector_load %arg16[%get3A_2917, %get3A_2918] {strides = array<i32>} : memref<24x128xf32, #tpu.memory_space<vmem>>, vector<16xf32>,
    %get3A_2920 = arith.constant 21 : i32
    %get3A_2921 = arith.index_cast %get3A_2920 : i32 to index
    %get3A_2922 = arith.constant 80 : index
    %get3A_2923 = tpu.vector_load %arg16[%get3A_2921, %get3A_2922] {strides = array<i32>} : memref<24x128xf32, #tpu.memory_space<vmem>>, vector<16xf32>,
    %get3A_2924 = arith.constant 5 : i32
    %get3A_2925 = arith.index_cast %get3A_2924 : i32 to index
    %get3A_2926 = arith.constant 80 : index
    %get3A_2927 = tpu.vector_load %arg17[%get3A_2925, %get3A_2926] {strides = array<i32>} : memref<16x128xf32, #tpu.memory_space<vmem>>, vector<16xf32>,
    %get3A_2928 = arith.constant 13 : i32
    %get3A_2929 = arith.index_cast %get3A_2928 : i32 to index
    %get3A_2930 = arith.constant 80 : index
    %get3A_2931 = tpu.vector_load %arg17[%get3A_2929, %get3A_2930] {strides = array<i32>} : memref<16x128xf32, #tpu.memory_space<vmem>>, vector<16xf32>,
    %get3A_2932 = arith.constant 45 : i32
    %get3A_2933 = arith.index_cast %get3A_2932 : i32 to index
    %get3A_2934 = arith.constant 0 : index
    %get3A_2935 = tpu.vector_load %arg20[%get3A_2933, %get3A_2934] {strides = array<i32>} : memref<64x16xf32, #tpu.memory_space<vmem>>, vector<16xf32>,
    %get3A_2936 = arith.constant 45 : i32
    %get3A_2937 = arith.index_cast %get3A_2936 : i32 to index
    %get3A_2938 = arith.constant 0 : index
    %get3A_2939 = tpu.vector_load %arg21[%get3A_2937, %get3A_2938] {strides = array<i32>} : memref<64x16xf32, #tpu.memory_space<vmem>>, vector<16xf32>,
    %gather3A_2940 = tpu.vector_load_idx %arg22[%add3A_2911, %broadcast_in_dim3A_2648] : memref<128x16xf32, #tpu.memory_space<vmem>>[vector<16xi32>, vector<16xi32>], vector<16xf32>,
    %gather3A_2941 = tpu.vector_load_idx %arg23[%add3A_2911, %broadcast_in_dim3A_2648] : memref<128x16xf32, #tpu.memory_space<vmem>>[vector<16xi32>, vector<16xi32>], vector<16xf32>,
    %mul3A_2942 = arith.mulf %gather3A_2940, %get3A_2935 : vector<16xf32>
    %sub3A_2943 = arith.constant 1.000000e+00 : f32
    %sub3A_2944 = vector.broadcast %sub3A_2943 : f32 to vector<16xf32>
    %sub3A_2945 = arith.subf %sub3A_2944, %mul3A_2942 : vector<16xf32>
    %mul3A_2946 = arith.mulf %gather3A_2941, %get3A_2939 : vector<16xf32>
    %sub3A_2947 = arith.constant 1.000000e+00 : f32
    %sub3A_2948 = vector.broadcast %sub3A_2947 : f32 to vector<16xf32>
    %sub3A_2949 = arith.subf %sub3A_2948, %mul3A_2946 : vector<16xf32>
    %sub3A_2950 = arith.subf %get3A_2915, %get3A_2919 : vector<16xf32>
    %mul3A_2951 = arith.mulf %sub3A_2950, %sub3A_2945 : vector<16xf32>
    %add3A_2952 = arith.addf %mul3A_2951, %get3A_2927 : vector<16xf32>
    %mul3A_2953 = arith.mulf %get3A_2915, %sub3A_2945 : vector<16xf32>
    %mul3A_2954 = arith.mulf %get3A_2923, %sub3A_2949 : vector<16xf32>
    %sub3A_2955 = arith.subf %mul3A_2953, %mul3A_2954 : vector<16xf32>
    %add3A_2956 = arith.addf %sub3A_2955, %get3A_2931 : vector<16xf32>
    %abs3A_2957 = math.absf %add3A_2952 : vector<16xf32>
    %add3A_2958 = arith.addf %add3A_2906, %abs3A_2957 : vector<16xf32>
    %abs3A_2959 = math.absf %add3A_2956 : vector<16xf32>
    %add3A_2960 = arith.addf %add3A_2908, %abs3A_2959 : vector<16xf32>
    %add3A_2961 = arith.constant 96 : i32
    %add3A_2962 = vector.broadcast %add3A_2961 : i32 to vector<16xi32>
    %add3A_2963 = arith.addi %add3A_2962, %iota3A : vector<16xi32>
    %get3A_2964 = arith.constant 5 : i32
    %get3A_2965 = arith.index_cast %get3A_2964 : i32 to index
    %get3A_2966 = arith.constant 96 : index
    %get3A_2967 = tpu.vector_load %arg16[%get3A_2965, %get3A_2966] {strides = array<i32>} : memref<24x128xf32, #tpu.memory_space<vmem>>, vector<16xf32>,
    %get3A_2968 = arith.constant 13 : i32
    %get3A_2969 = arith.index_cast %get3A_2968 : i32 to index
    %get3A_2970 = arith.constant 96 : index
    %get3A_2971 = tpu.vector_load %arg16[%get3A_2969, %get3A_2970] {strides = array<i32>} : memref<24x128xf32, #tpu.memory_space<vmem>>, vector<16xf32>,
    %get3A_2972 = arith.constant 21 : i32
    %get3A_2973 = arith.index_cast %get3A_2972 : i32 to index
    %get3A_2974 = arith.constant 96 : index
    %get3A_2975 = tpu.vector_load %arg16[%get3A_2973, %get3A_2974] {strides = array<i32>} : memref<24x128xf32, #tpu.memory_space<vmem>>, vector<16xf32>,
    %get3A_2976 = arith.constant 5 : i32
    %get3A_2977 = arith.index_cast %get3A_2976 : i32 to index
    %get3A_2978 = arith.constant 96 : index
    %get3A_2979 = tpu.vector_load %arg17[%get3A_2977, %get3A_2978] {strides = array<i32>} : memref<16x128xf32, #tpu.memory_space<vmem>>, vector<16xf32>,
    %get3A_2980 = arith.constant 13 : i32
    %get3A_2981 = arith.index_cast %get3A_2980 : i32 to index
    %get3A_2982 = arith.constant 96 : index
    %get3A_2983 = tpu.vector_load %arg17[%get3A_2981, %get3A_2982] {strides = array<i32>} : memref<16x128xf32, #tpu.memory_space<vmem>>, vector<16xf32>,
    %get3A_2984 = arith.constant 46 : i32
    %get3A_2985 = arith.index_cast %get3A_2984 : i32 to index
    %get3A_2986 = arith.constant 0 : index
    %get3A_2987 = tpu.vector_load %arg20[%get3A_2985, %get3A_2986] {strides = array<i32>} : memref<64x16xf32, #tpu.memory_space<vmem>>, vector<16xf32>,
    %get3A_2988 = arith.constant 46 : i32
    %get3A_2989 = arith.index_cast %get3A_2988 : i32 to index
    %get3A_2990 = arith.constant 0 : index
    %get3A_2991 = tpu.vector_load %arg21[%get3A_2989, %get3A_2990] {strides = array<i32>} : memref<64x16xf32, #tpu.memory_space<vmem>>, vector<16xf32>,
    %gather3A_2992 = tpu.vector_load_idx %arg22[%add3A_2963, %broadcast_in_dim3A_2648] : memref<128x16xf32, #tpu.memory_space<vmem>>[vector<16xi32>, vector<16xi32>], vector<16xf32>,
    %gather3A_2993 = tpu.vector_load_idx %arg23[%add3A_2963, %broadcast_in_dim3A_2648] : memref<128x16xf32, #tpu.memory_space<vmem>>[vector<16xi32>, vector<16xi32>], vector<16xf32>,
    %mul3A_2994 = arith.mulf %gather3A_2992, %get3A_2987 : vector<16xf32>
    %sub3A_2995 = arith.constant 1.000000e+00 : f32
    %sub3A_2996 = vector.broadcast %sub3A_2995 : f32 to vector<16xf32>
    %sub3A_2997 = arith.subf %sub3A_2996, %mul3A_2994 : vector<16xf32>
    %mul3A_2998 = arith.mulf %gather3A_2993, %get3A_2991 : vector<16xf32>
    %sub3A_2999 = arith.constant 1.000000e+00 : f32
    %sub3A_3000 = vector.broadcast %sub3A_2999 : f32 to vector<16xf32>
    %sub3A_3001 = arith.subf %sub3A_3000, %mul3A_2998 : vector<16xf32>
    %sub3A_3002 = arith.subf %get3A_2967, %get3A_2971 : vector<16xf32>
    %mul3A_3003 = arith.mulf %sub3A_3002, %sub3A_2997 : vector<16xf32>
    %add3A_3004 = arith.addf %mul3A_3003, %get3A_2979 : vector<16xf32>
    %mul3A_3005 = arith.mulf %get3A_2967, %sub3A_2997 : vector<16xf32>
    %mul3A_3006 = arith.mulf %get3A_2975, %sub3A_3001 : vector<16xf32>
    %sub3A_3007 = arith.subf %mul3A_3005, %mul3A_3006 : vector<16xf32>
    %add3A_3008 = arith.addf %sub3A_3007, %get3A_2983 : vector<16xf32>
    %abs3A_3009 = math.absf %add3A_3004 : vector<16xf32>
    %add3A_3010 = arith.addf %add3A_2958, %abs3A_3009 : vector<16xf32>
    %abs3A_3011 = math.absf %add3A_3008 : vector<16xf32>
    %add3A_3012 = arith.addf %add3A_2960, %abs3A_3011 : vector<16xf32>
    %add3A_3013 = arith.constant 112 : i32
    %add3A_3014 = vector.broadcast %add3A_3013 : i32 to vector<16xi32>
    %add3A_3015 = arith.addi %add3A_3014, %iota3A : vector<16xi32>
    %get3A_3016 = arith.constant 5 : i32
    %get3A_3017 = arith.index_cast %get3A_3016 : i32 to index
    %get3A_3018 = arith.constant 112 : index
    %get3A_3019 = tpu.vector_load %arg16[%get3A_3017, %get3A_3018] {strides = array<i32>} : memref<24x128xf32, #tpu.memory_space<vmem>>, vector<16xf32>,
    %get3A_3020 = arith.constant 13 : i32
    %get3A_3021 = arith.index_cast %get3A_3020 : i32 to index
    %get3A_3022 = arith.constant 112 : index
    %get3A_3023 = tpu.vector_load %arg16[%get3A_3021, %get3A_3022] {strides = array<i32>} : memref<24x128xf32, #tpu.memory_space<vmem>>, vector<16xf32>,
    %get3A_3024 = arith.constant 21 : i32
    %get3A_3025 = arith.index_cast %get3A_3024 : i32 to index
    %get3A_3026 = arith.constant 112 : index
    %get3A_3027 = tpu.vector_load %arg16[%get3A_3025, %get3A_3026] {strides = array<i32>} : memref<24x128xf32, #tpu.memory_space<vmem>>, vector<16xf32>,
    %get3A_3028 = arith.constant 5 : i32
    %get3A_3029 = arith.index_cast %get3A_3028 : i32 to index
    %get3A_3030 = arith.constant 112 : index
    %get3A_3031 = tpu.vector_load %arg17[%get3A_3029, %get3A_3030] {strides = array<i32>} : memref<16x128xf32, #tpu.memory_space<vmem>>, vector<16xf32>,
    %get3A_3032 = arith.constant 13 : i32
    %get3A_3033 = arith.index_cast %get3A_3032 : i32 to index
    %get3A_3034 = arith.constant 112 : index
    %get3A_3035 = tpu.vector_load %arg17[%get3A_3033, %get3A_3034] {strides = array<i32>} : memref<16x128xf32, #tpu.memory_space<vmem>>, vector<16xf32>,
    %get3A_3036 = arith.constant 47 : i32
    %get3A_3037 = arith.index_cast %get3A_3036 : i32 to index
    %get3A_3038 = arith.constant 0 : index
    %get3A_3039 = tpu.vector_load %arg20[%get3A_3037, %get3A_3038] {strides = array<i32>} : memref<64x16xf32, #tpu.memory_space<vmem>>, vector<16xf32>,
    %get3A_3040 = arith.constant 47 : i32
    %get3A_3041 = arith.index_cast %get3A_3040 : i32 to index
    %get3A_3042 = arith.constant 0 : index
    %get3A_3043 = tpu.vector_load %arg21[%get3A_3041, %get3A_3042] {strides = array<i32>} : memref<64x16xf32, #tpu.memory_space<vmem>>, vector<16xf32>,
    %gather3A_3044 = tpu.vector_load_idx %arg22[%add3A_3015, %broadcast_in_dim3A_2648] : memref<128x16xf32, #tpu.memory_space<vmem>>[vector<16xi32>, vector<16xi32>], vector<16xf32>,
    %gather3A_3045 = tpu.vector_load_idx %arg23[%add3A_3015, %broadcast_in_dim3A_2648] : memref<128x16xf32, #tpu.memory_space<vmem>>[vector<16xi32>, vector<16xi32>], vector<16xf32>,
    %mul3A_3046 = arith.mulf %gather3A_3044, %get3A_3039 : vector<16xf32>
    %sub3A_3047 = arith.constant 1.000000e+00 : f32
    %sub3A_3048 = vector.broadcast %sub3A_3047 : f32 to vector<16xf32>
    %sub3A_3049 = arith.subf %sub3A_3048, %mul3A_3046 : vector<16xf32>
    %mul3A_3050 = arith.mulf %gather3A_3045, %get3A_3043 : vector<16xf32>
    %sub3A_3051 = arith.constant 1.000000e+00 : f32
    %sub3A_3052 = vector.broadcast %sub3A_3051 : f32 to vector<16xf32>
    %sub3A_3053 = arith.subf %sub3A_3052, %mul3A_3050 : vector<16xf32>
    %sub3A_3054 = arith.subf %get3A_3019, %get3A_3023 : vector<16xf32>
    %mul3A_3055 = arith.mulf %sub3A_3054, %sub3A_3049 : vector<16xf32>
    %add3A_3056 = arith.addf %mul3A_3055, %get3A_3031 : vector<16xf32>
    %mul3A_3057 = arith.mulf %get3A_3019, %sub3A_3049 : vector<16xf32>
    %mul3A_3058 = arith.mulf %get3A_3027, %sub3A_3053 : vector<16xf32>
    %sub3A_3059 = arith.subf %mul3A_3057, %mul3A_3058 : vector<16xf32>
    %add3A_3060 = arith.addf %sub3A_3059, %get3A_3035 : vector<16xf32>
    %abs3A_3061 = math.absf %add3A_3056 : vector<16xf32>
    %add3A_3062 = arith.addf %add3A_3010, %abs3A_3061 : vector<16xf32>
    %abs3A_3063 = math.absf %add3A_3060 : vector<16xf32>
    %add3A_3064 = arith.addf %add3A_3012, %abs3A_3063 : vector<16xf32>
    %add3A_3065 = arith.constant 6 : i32
    %add3A_3066 = arith.addi %mul3A_31, %add3A_3065 : i32
    %broadcast_in_dim3A_3067 = vector.broadcast %add3A_3066 : i32 to vector<16xi32>
    %add3A_3068 = arith.constant 0 : i32
    %add3A_3069 = vector.broadcast %add3A_3068 : i32 to vector<16xi32>
    %add3A_3070 = arith.addi %add3A_3069, %iota3A : vector<16xi32>
    %get3A_3071 = arith.constant 6 : i32
    %get3A_3072 = arith.index_cast %get3A_3071 : i32 to index
    %get3A_3073 = arith.constant 0 : index
    %get3A_3074 = tpu.vector_load %arg16[%get3A_3072, %get3A_3073] {strides = array<i32>} : memref<24x128xf32, #tpu.memory_space<vmem>>, vector<16xf32>,
    %get3A_3075 = arith.constant 14 : i32
    %get3A_3076 = arith.index_cast %get3A_3075 : i32 to index
    %get3A_3077 = arith.constant 0 : index
    %get3A_3078 = tpu.vector_load %arg16[%get3A_3076, %get3A_3077] {strides = array<i32>} : memref<24x128xf32, #tpu.memory_space<vmem>>, vector<16xf32>,
    %get3A_3079 = arith.constant 22 : i32
    %get3A_3080 = arith.index_cast %get3A_3079 : i32 to index
    %get3A_3081 = arith.constant 0 : index
    %get3A_3082 = tpu.vector_load %arg16[%get3A_3080, %get3A_3081] {strides = array<i32>} : memref<24x128xf32, #tpu.memory_space<vmem>>, vector<16xf32>,
    %get3A_3083 = arith.constant 6 : i32
    %get3A_3084 = arith.index_cast %get3A_3083 : i32 to index
    %get3A_3085 = arith.constant 0 : index
    %get3A_3086 = tpu.vector_load %arg17[%get3A_3084, %get3A_3085] {strides = array<i32>} : memref<16x128xf32, #tpu.memory_space<vmem>>, vector<16xf32>,
    %get3A_3087 = arith.constant 14 : i32
    %get3A_3088 = arith.index_cast %get3A_3087 : i32 to index
    %get3A_3089 = arith.constant 0 : index
    %get3A_3090 = tpu.vector_load %arg17[%get3A_3088, %get3A_3089] {strides = array<i32>} : memref<16x128xf32, #tpu.memory_space<vmem>>, vector<16xf32>,
    %get3A_3091 = arith.constant 48 : i32
    %get3A_3092 = arith.index_cast %get3A_3091 : i32 to index
    %get3A_3093 = arith.constant 0 : index
    %get3A_3094 = tpu.vector_load %arg20[%get3A_3092, %get3A_3093] {strides = array<i32>} : memref<64x16xf32, #tpu.memory_space<vmem>>, vector<16xf32>,
    %get3A_3095 = arith.constant 48 : i32
    %get3A_3096 = arith.index_cast %get3A_3095 : i32 to index
    %get3A_3097 = arith.constant 0 : index
    %get3A_3098 = tpu.vector_load %arg21[%get3A_3096, %get3A_3097] {strides = array<i32>} : memref<64x16xf32, #tpu.memory_space<vmem>>, vector<16xf32>,
    %gather3A_3099 = tpu.vector_load_idx %arg22[%add3A_3070, %broadcast_in_dim3A_3067] : memref<128x16xf32, #tpu.memory_space<vmem>>[vector<16xi32>, vector<16xi32>], vector<16xf32>,
    %gather3A_3100 = tpu.vector_load_idx %arg23[%add3A_3070, %broadcast_in_dim3A_3067] : memref<128x16xf32, #tpu.memory_space<vmem>>[vector<16xi32>, vector<16xi32>], vector<16xf32>,
    %mul3A_3101 = arith.mulf %gather3A_3099, %get3A_3094 : vector<16xf32>
    %sub3A_3102 = arith.constant 1.000000e+00 : f32
    %sub3A_3103 = vector.broadcast %sub3A_3102 : f32 to vector<16xf32>
    %sub3A_3104 = arith.subf %sub3A_3103, %mul3A_3101 : vector<16xf32>
    %mul3A_3105 = arith.mulf %gather3A_3100, %get3A_3098 : vector<16xf32>
    %sub3A_3106 = arith.constant 1.000000e+00 : f32
    %sub3A_3107 = vector.broadcast %sub3A_3106 : f32 to vector<16xf32>
    %sub3A_3108 = arith.subf %sub3A_3107, %mul3A_3105 : vector<16xf32>
    %sub3A_3109 = arith.subf %get3A_3074, %get3A_3078 : vector<16xf32>
    %mul3A_3110 = arith.mulf %sub3A_3109, %sub3A_3104 : vector<16xf32>
    %add3A_3111 = arith.addf %mul3A_3110, %get3A_3086 : vector<16xf32>
    %mul3A_3112 = arith.mulf %get3A_3074, %sub3A_3104 : vector<16xf32>
    %mul3A_3113 = arith.mulf %get3A_3082, %sub3A_3108 : vector<16xf32>
    %sub3A_3114 = arith.subf %mul3A_3112, %mul3A_3113 : vector<16xf32>
    %add3A_3115 = arith.addf %sub3A_3114, %get3A_3090 : vector<16xf32>
    %abs3A_3116 = math.absf %add3A_3111 : vector<16xf32>
    %add3A_3117 = arith.addf %add3A_3062, %abs3A_3116 : vector<16xf32>
    %abs3A_3118 = math.absf %add3A_3115 : vector<16xf32>
    %add3A_3119 = arith.addf %add3A_3064, %abs3A_3118 : vector<16xf32>
    %add3A_3120 = arith.constant 16 : i32
    %add3A_3121 = vector.broadcast %add3A_3120 : i32 to vector<16xi32>
    %add3A_3122 = arith.addi %add3A_3121, %iota3A : vector<16xi32>
    %get3A_3123 = arith.constant 6 : i32
    %get3A_3124 = arith.index_cast %get3A_3123 : i32 to index
    %get3A_3125 = arith.constant 16 : index
    %get3A_3126 = tpu.vector_load %arg16[%get3A_3124, %get3A_3125] {strides = array<i32>} : memref<24x128xf32, #tpu.memory_space<vmem>>, vector<16xf32>,
    %get3A_3127 = arith.constant 14 : i32
    %get3A_3128 = arith.index_cast %get3A_3127 : i32 to index
    %get3A_3129 = arith.constant 16 : index
    %get3A_3130 = tpu.vector_load %arg16[%get3A_3128, %get3A_3129] {strides = array<i32>} : memref<24x128xf32, #tpu.memory_space<vmem>>, vector<16xf32>,
    %get3A_3131 = arith.constant 22 : i32
    %get3A_3132 = arith.index_cast %get3A_3131 : i32 to index
    %get3A_3133 = arith.constant 16 : index
    %get3A_3134 = tpu.vector_load %arg16[%get3A_3132, %get3A_3133] {strides = array<i32>} : memref<24x128xf32, #tpu.memory_space<vmem>>, vector<16xf32>,
    %get3A_3135 = arith.constant 6 : i32
    %get3A_3136 = arith.index_cast %get3A_3135 : i32 to index
    %get3A_3137 = arith.constant 16 : index
    %get3A_3138 = tpu.vector_load %arg17[%get3A_3136, %get3A_3137] {strides = array<i32>} : memref<16x128xf32, #tpu.memory_space<vmem>>, vector<16xf32>,
    %get3A_3139 = arith.constant 14 : i32
    %get3A_3140 = arith.index_cast %get3A_3139 : i32 to index
    %get3A_3141 = arith.constant 16 : index
    %get3A_3142 = tpu.vector_load %arg17[%get3A_3140, %get3A_3141] {strides = array<i32>} : memref<16x128xf32, #tpu.memory_space<vmem>>, vector<16xf32>,
    %get3A_3143 = arith.constant 49 : i32
    %get3A_3144 = arith.index_cast %get3A_3143 : i32 to index
    %get3A_3145 = arith.constant 0 : index
    %get3A_3146 = tpu.vector_load %arg20[%get3A_3144, %get3A_3145] {strides = array<i32>} : memref<64x16xf32, #tpu.memory_space<vmem>>, vector<16xf32>,
    %get3A_3147 = arith.constant 49 : i32
    %get3A_3148 = arith.index_cast %get3A_3147 : i32 to index
    %get3A_3149 = arith.constant 0 : index
    %get3A_3150 = tpu.vector_load %arg21[%get3A_3148, %get3A_3149] {strides = array<i32>} : memref<64x16xf32, #tpu.memory_space<vmem>>, vector<16xf32>,
    %gather3A_3151 = tpu.vector_load_idx %arg22[%add3A_3122, %broadcast_in_dim3A_3067] : memref<128x16xf32, #tpu.memory_space<vmem>>[vector<16xi32>, vector<16xi32>], vector<16xf32>,
    %gather3A_3152 = tpu.vector_load_idx %arg23[%add3A_3122, %broadcast_in_dim3A_3067] : memref<128x16xf32, #tpu.memory_space<vmem>>[vector<16xi32>, vector<16xi32>], vector<16xf32>,
    %mul3A_3153 = arith.mulf %gather3A_3151, %get3A_3146 : vector<16xf32>
    %sub3A_3154 = arith.constant 1.000000e+00 : f32
    %sub3A_3155 = vector.broadcast %sub3A_3154 : f32 to vector<16xf32>
    %sub3A_3156 = arith.subf %sub3A_3155, %mul3A_3153 : vector<16xf32>
    %mul3A_3157 = arith.mulf %gather3A_3152, %get3A_3150 : vector<16xf32>
    %sub3A_3158 = arith.constant 1.000000e+00 : f32
    %sub3A_3159 = vector.broadcast %sub3A_3158 : f32 to vector<16xf32>
    %sub3A_3160 = arith.subf %sub3A_3159, %mul3A_3157 : vector<16xf32>
    %sub3A_3161 = arith.subf %get3A_3126, %get3A_3130 : vector<16xf32>
    %mul3A_3162 = arith.mulf %sub3A_3161, %sub3A_3156 : vector<16xf32>
    %add3A_3163 = arith.addf %mul3A_3162, %get3A_3138 : vector<16xf32>
    %mul3A_3164 = arith.mulf %get3A_3126, %sub3A_3156 : vector<16xf32>
    %mul3A_3165 = arith.mulf %get3A_3134, %sub3A_3160 : vector<16xf32>
    %sub3A_3166 = arith.subf %mul3A_3164, %mul3A_3165 : vector<16xf32>
    %add3A_3167 = arith.addf %sub3A_3166, %get3A_3142 : vector<16xf32>
    %abs3A_3168 = math.absf %add3A_3163 : vector<16xf32>
    %add3A_3169 = arith.addf %add3A_3117, %abs3A_3168 : vector<16xf32>
    %abs3A_3170 = math.absf %add3A_3167 : vector<16xf32>
    %add3A_3171 = arith.addf %add3A_3119, %abs3A_3170 : vector<16xf32>
    %add3A_3172 = arith.constant 32 : i32
    %add3A_3173 = vector.broadcast %add3A_3172 : i32 to vector<16xi32>
    %add3A_3174 = arith.addi %add3A_3173, %iota3A : vector<16xi32>
    %get3A_3175 = arith.constant 6 : i32
    %get3A_3176 = arith.index_cast %get3A_3175 : i32 to index
    %get3A_3177 = arith.constant 32 : index
    %get3A_3178 = tpu.vector_load %arg16[%get3A_3176, %get3A_3177] {strides = array<i32>} : memref<24x128xf32, #tpu.memory_space<vmem>>, vector<16xf32>,
    %get3A_3179 = arith.constant 14 : i32
    %get3A_3180 = arith.index_cast %get3A_3179 : i32 to index
    %get3A_3181 = arith.constant 32 : index
    %get3A_3182 = tpu.vector_load %arg16[%get3A_3180, %get3A_3181] {strides = array<i32>} : memref<24x128xf32, #tpu.memory_space<vmem>>, vector<16xf32>,
    %get3A_3183 = arith.constant 22 : i32
    %get3A_3184 = arith.index_cast %get3A_3183 : i32 to index
    %get3A_3185 = arith.constant 32 : index
    %get3A_3186 = tpu.vector_load %arg16[%get3A_3184, %get3A_3185] {strides = array<i32>} : memref<24x128xf32, #tpu.memory_space<vmem>>, vector<16xf32>,
    %get3A_3187 = arith.constant 6 : i32
    %get3A_3188 = arith.index_cast %get3A_3187 : i32 to index
    %get3A_3189 = arith.constant 32 : index
    %get3A_3190 = tpu.vector_load %arg17[%get3A_3188, %get3A_3189] {strides = array<i32>} : memref<16x128xf32, #tpu.memory_space<vmem>>, vector<16xf32>,
    %get3A_3191 = arith.constant 14 : i32
    %get3A_3192 = arith.index_cast %get3A_3191 : i32 to index
    %get3A_3193 = arith.constant 32 : index
    %get3A_3194 = tpu.vector_load %arg17[%get3A_3192, %get3A_3193] {strides = array<i32>} : memref<16x128xf32, #tpu.memory_space<vmem>>, vector<16xf32>,
    %get3A_3195 = arith.constant 50 : i32
    %get3A_3196 = arith.index_cast %get3A_3195 : i32 to index
    %get3A_3197 = arith.constant 0 : index
    %get3A_3198 = tpu.vector_load %arg20[%get3A_3196, %get3A_3197] {strides = array<i32>} : memref<64x16xf32, #tpu.memory_space<vmem>>, vector<16xf32>,
    %get3A_3199 = arith.constant 50 : i32
    %get3A_3200 = arith.index_cast %get3A_3199 : i32 to index
    %get3A_3201 = arith.constant 0 : index
    %get3A_3202 = tpu.vector_load %arg21[%get3A_3200, %get3A_3201] {strides = array<i32>} : memref<64x16xf32, #tpu.memory_space<vmem>>, vector<16xf32>,
    %gather3A_3203 = tpu.vector_load_idx %arg22[%add3A_3174, %broadcast_in_dim3A_3067] : memref<128x16xf32, #tpu.memory_space<vmem>>[vector<16xi32>, vector<16xi32>], vector<16xf32>,
    %gather3A_3204 = tpu.vector_load_idx %arg23[%add3A_3174, %broadcast_in_dim3A_3067] : memref<128x16xf32, #tpu.memory_space<vmem>>[vector<16xi32>, vector<16xi32>], vector<16xf32>,
    %mul3A_3205 = arith.mulf %gather3A_3203, %get3A_3198 : vector<16xf32>
    %sub3A_3206 = arith.constant 1.000000e+00 : f32
    %sub3A_3207 = vector.broadcast %sub3A_3206 : f32 to vector<16xf32>
    %sub3A_3208 = arith.subf %sub3A_3207, %mul3A_3205 : vector<16xf32>
    %mul3A_3209 = arith.mulf %gather3A_3204, %get3A_3202 : vector<16xf32>
    %sub3A_3210 = arith.constant 1.000000e+00 : f32
    %sub3A_3211 = vector.broadcast %sub3A_3210 : f32 to vector<16xf32>
    %sub3A_3212 = arith.subf %sub3A_3211, %mul3A_3209 : vector<16xf32>
    %sub3A_3213 = arith.subf %get3A_3178, %get3A_3182 : vector<16xf32>
    %mul3A_3214 = arith.mulf %sub3A_3213, %sub3A_3208 : vector<16xf32>
    %add3A_3215 = arith.addf %mul3A_3214, %get3A_3190 : vector<16xf32>
    %mul3A_3216 = arith.mulf %get3A_3178, %sub3A_3208 : vector<16xf32>
    %mul3A_3217 = arith.mulf %get3A_3186, %sub3A_3212 : vector<16xf32>
    %sub3A_3218 = arith.subf %mul3A_3216, %mul3A_3217 : vector<16xf32>
    %add3A_3219 = arith.addf %sub3A_3218, %get3A_3194 : vector<16xf32>
    %abs3A_3220 = math.absf %add3A_3215 : vector<16xf32>
    %add3A_3221 = arith.addf %add3A_3169, %abs3A_3220 : vector<16xf32>
    %abs3A_3222 = math.absf %add3A_3219 : vector<16xf32>
    %add3A_3223 = arith.addf %add3A_3171, %abs3A_3222 : vector<16xf32>
    %add3A_3224 = arith.constant 48 : i32
    %add3A_3225 = vector.broadcast %add3A_3224 : i32 to vector<16xi32>
    %add3A_3226 = arith.addi %add3A_3225, %iota3A : vector<16xi32>
    %get3A_3227 = arith.constant 6 : i32
    %get3A_3228 = arith.index_cast %get3A_3227 : i32 to index
    %get3A_3229 = arith.constant 48 : index
    %get3A_3230 = tpu.vector_load %arg16[%get3A_3228, %get3A_3229] {strides = array<i32>} : memref<24x128xf32, #tpu.memory_space<vmem>>, vector<16xf32>,
    %get3A_3231 = arith.constant 14 : i32
    %get3A_3232 = arith.index_cast %get3A_3231 : i32 to index
    %get3A_3233 = arith.constant 48 : index
    %get3A_3234 = tpu.vector_load %arg16[%get3A_3232, %get3A_3233] {strides = array<i32>} : memref<24x128xf32, #tpu.memory_space<vmem>>, vector<16xf32>,
    %get3A_3235 = arith.constant 22 : i32
    %get3A_3236 = arith.index_cast %get3A_3235 : i32 to index
    %get3A_3237 = arith.constant 48 : index
    %get3A_3238 = tpu.vector_load %arg16[%get3A_3236, %get3A_3237] {strides = array<i32>} : memref<24x128xf32, #tpu.memory_space<vmem>>, vector<16xf32>,
    %get3A_3239 = arith.constant 6 : i32
    %get3A_3240 = arith.index_cast %get3A_3239 : i32 to index
    %get3A_3241 = arith.constant 48 : index
    %get3A_3242 = tpu.vector_load %arg17[%get3A_3240, %get3A_3241] {strides = array<i32>} : memref<16x128xf32, #tpu.memory_space<vmem>>, vector<16xf32>,
    %get3A_3243 = arith.constant 14 : i32
    %get3A_3244 = arith.index_cast %get3A_3243 : i32 to index
    %get3A_3245 = arith.constant 48 : index
    %get3A_3246 = tpu.vector_load %arg17[%get3A_3244, %get3A_3245] {strides = array<i32>} : memref<16x128xf32, #tpu.memory_space<vmem>>, vector<16xf32>,
    %get3A_3247 = arith.constant 51 : i32
    %get3A_3248 = arith.index_cast %get3A_3247 : i32 to index
    %get3A_3249 = arith.constant 0 : index
    %get3A_3250 = tpu.vector_load %arg20[%get3A_3248, %get3A_3249] {strides = array<i32>} : memref<64x16xf32, #tpu.memory_space<vmem>>, vector<16xf32>,
    %get3A_3251 = arith.constant 51 : i32
    %get3A_3252 = arith.index_cast %get3A_3251 : i32 to index
    %get3A_3253 = arith.constant 0 : index
    %get3A_3254 = tpu.vector_load %arg21[%get3A_3252, %get3A_3253] {strides = array<i32>} : memref<64x16xf32, #tpu.memory_space<vmem>>, vector<16xf32>,
    %gather3A_3255 = tpu.vector_load_idx %arg22[%add3A_3226, %broadcast_in_dim3A_3067] : memref<128x16xf32, #tpu.memory_space<vmem>>[vector<16xi32>, vector<16xi32>], vector<16xf32>,
    %gather3A_3256 = tpu.vector_load_idx %arg23[%add3A_3226, %broadcast_in_dim3A_3067] : memref<128x16xf32, #tpu.memory_space<vmem>>[vector<16xi32>, vector<16xi32>], vector<16xf32>,
    %mul3A_3257 = arith.mulf %gather3A_3255, %get3A_3250 : vector<16xf32>
    %sub3A_3258 = arith.constant 1.000000e+00 : f32
    %sub3A_3259 = vector.broadcast %sub3A_3258 : f32 to vector<16xf32>
    %sub3A_3260 = arith.subf %sub3A_3259, %mul3A_3257 : vector<16xf32>
    %mul3A_3261 = arith.mulf %gather3A_3256, %get3A_3254 : vector<16xf32>
    %sub3A_3262 = arith.constant 1.000000e+00 : f32
    %sub3A_3263 = vector.broadcast %sub3A_3262 : f32 to vector<16xf32>
    %sub3A_3264 = arith.subf %sub3A_3263, %mul3A_3261 : vector<16xf32>
    %sub3A_3265 = arith.subf %get3A_3230, %get3A_3234 : vector<16xf32>
    %mul3A_3266 = arith.mulf %sub3A_3265, %sub3A_3260 : vector<16xf32>
    %add3A_3267 = arith.addf %mul3A_3266, %get3A_3242 : vector<16xf32>
    %mul3A_3268 = arith.mulf %get3A_3230, %sub3A_3260 : vector<16xf32>
    %mul3A_3269 = arith.mulf %get3A_3238, %sub3A_3264 : vector<16xf32>
    %sub3A_3270 = arith.subf %mul3A_3268, %mul3A_3269 : vector<16xf32>
    %add3A_3271 = arith.addf %sub3A_3270, %get3A_3246 : vector<16xf32>
    %abs3A_3272 = math.absf %add3A_3267 : vector<16xf32>
    %add3A_3273 = arith.addf %add3A_3221, %abs3A_3272 : vector<16xf32>
    %abs3A_3274 = math.absf %add3A_3271 : vector<16xf32>
    %add3A_3275 = arith.addf %add3A_3223, %abs3A_3274 : vector<16xf32>
    %add3A_3276 = arith.constant 64 : i32
    %add3A_3277 = vector.broadcast %add3A_3276 : i32 to vector<16xi32>
    %add3A_3278 = arith.addi %add3A_3277, %iota3A : vector<16xi32>
    %get3A_3279 = arith.constant 6 : i32
    %get3A_3280 = arith.index_cast %get3A_3279 : i32 to index
    %get3A_3281 = arith.constant 64 : index
    %get3A_3282 = tpu.vector_load %arg16[%get3A_3280, %get3A_3281] {strides = array<i32>} : memref<24x128xf32, #tpu.memory_space<vmem>>, vector<16xf32>,
    %get3A_3283 = arith.constant 14 : i32
    %get3A_3284 = arith.index_cast %get3A_3283 : i32 to index
    %get3A_3285 = arith.constant 64 : index
    %get3A_3286 = tpu.vector_load %arg16[%get3A_3284, %get3A_3285] {strides = array<i32>} : memref<24x128xf32, #tpu.memory_space<vmem>>, vector<16xf32>,
    %get3A_3287 = arith.constant 22 : i32
    %get3A_3288 = arith.index_cast %get3A_3287 : i32 to index
    %get3A_3289 = arith.constant 64 : index
    %get3A_3290 = tpu.vector_load %arg16[%get3A_3288, %get3A_3289] {strides = array<i32>} : memref<24x128xf32, #tpu.memory_space<vmem>>, vector<16xf32>,
    %get3A_3291 = arith.constant 6 : i32
    %get3A_3292 = arith.index_cast %get3A_3291 : i32 to index
    %get3A_3293 = arith.constant 64 : index
    %get3A_3294 = tpu.vector_load %arg17[%get3A_3292, %get3A_3293] {strides = array<i32>} : memref<16x128xf32, #tpu.memory_space<vmem>>, vector<16xf32>,
    %get3A_3295 = arith.constant 14 : i32
    %get3A_3296 = arith.index_cast %get3A_3295 : i32 to index
    %get3A_3297 = arith.constant 64 : index
    %get3A_3298 = tpu.vector_load %arg17[%get3A_3296, %get3A_3297] {strides = array<i32>} : memref<16x128xf32, #tpu.memory_space<vmem>>, vector<16xf32>,
    %get3A_3299 = arith.constant 52 : i32
    %get3A_3300 = arith.index_cast %get3A_3299 : i32 to index
    %get3A_3301 = arith.constant 0 : index
    %get3A_3302 = tpu.vector_load %arg20[%get3A_3300, %get3A_3301] {strides = array<i32>} : memref<64x16xf32, #tpu.memory_space<vmem>>, vector<16xf32>,
    %get3A_3303 = arith.constant 52 : i32
    %get3A_3304 = arith.index_cast %get3A_3303 : i32 to index
    %get3A_3305 = arith.constant 0 : index
    %get3A_3306 = tpu.vector_load %arg21[%get3A_3304, %get3A_3305] {strides = array<i32>} : memref<64x16xf32, #tpu.memory_space<vmem>>, vector<16xf32>,
    %gather3A_3307 = tpu.vector_load_idx %arg22[%add3A_3278, %broadcast_in_dim3A_3067] : memref<128x16xf32, #tpu.memory_space<vmem>>[vector<16xi32>, vector<16xi32>], vector<16xf32>,
    %gather3A_3308 = tpu.vector_load_idx %arg23[%add3A_3278, %broadcast_in_dim3A_3067] : memref<128x16xf32, #tpu.memory_space<vmem>>[vector<16xi32>, vector<16xi32>], vector<16xf32>,
    %mul3A_3309 = arith.mulf %gather3A_3307, %get3A_3302 : vector<16xf32>
    %sub3A_3310 = arith.constant 1.000000e+00 : f32
    %sub3A_3311 = vector.broadcast %sub3A_3310 : f32 to vector<16xf32>
    %sub3A_3312 = arith.subf %sub3A_3311, %mul3A_3309 : vector<16xf32>
    %mul3A_3313 = arith.mulf %gather3A_3308, %get3A_3306 : vector<16xf32>
    %sub3A_3314 = arith.constant 1.000000e+00 : f32
    %sub3A_3315 = vector.broadcast %sub3A_3314 : f32 to vector<16xf32>
    %sub3A_3316 = arith.subf %sub3A_3315, %mul3A_3313 : vector<16xf32>
    %sub3A_3317 = arith.subf %get3A_3282, %get3A_3286 : vector<16xf32>
    %mul3A_3318 = arith.mulf %sub3A_3317, %sub3A_3312 : vector<16xf32>
    %add3A_3319 = arith.addf %mul3A_3318, %get3A_3294 : vector<16xf32>
    %mul3A_3320 = arith.mulf %get3A_3282, %sub3A_3312 : vector<16xf32>
    %mul3A_3321 = arith.mulf %get3A_3290, %sub3A_3316 : vector<16xf32>
    %sub3A_3322 = arith.subf %mul3A_3320, %mul3A_3321 : vector<16xf32>
    %add3A_3323 = arith.addf %sub3A_3322, %get3A_3298 : vector<16xf32>
    %abs3A_3324 = math.absf %add3A_3319 : vector<16xf32>
    %add3A_3325 = arith.addf %add3A_3273, %abs3A_3324 : vector<16xf32>
    %abs3A_3326 = math.absf %add3A_3323 : vector<16xf32>
    %add3A_3327 = arith.addf %add3A_3275, %abs3A_3326 : vector<16xf32>
    %add3A_3328 = arith.constant 80 : i32
    %add3A_3329 = vector.broadcast %add3A_3328 : i32 to vector<16xi32>
    %add3A_3330 = arith.addi %add3A_3329, %iota3A : vector<16xi32>
    %get3A_3331 = arith.constant 6 : i32
    %get3A_3332 = arith.index_cast %get3A_3331 : i32 to index
    %get3A_3333 = arith.constant 80 : index
    %get3A_3334 = tpu.vector_load %arg16[%get3A_3332, %get3A_3333] {strides = array<i32>} : memref<24x128xf32, #tpu.memory_space<vmem>>, vector<16xf32>,
    %get3A_3335 = arith.constant 14 : i32
    %get3A_3336 = arith.index_cast %get3A_3335 : i32 to index
    %get3A_3337 = arith.constant 80 : index
    %get3A_3338 = tpu.vector_load %arg16[%get3A_3336, %get3A_3337] {strides = array<i32>} : memref<24x128xf32, #tpu.memory_space<vmem>>, vector<16xf32>,
    %get3A_3339 = arith.constant 22 : i32
    %get3A_3340 = arith.index_cast %get3A_3339 : i32 to index
    %get3A_3341 = arith.constant 80 : index
    %get3A_3342 = tpu.vector_load %arg16[%get3A_3340, %get3A_3341] {strides = array<i32>} : memref<24x128xf32, #tpu.memory_space<vmem>>, vector<16xf32>,
    %get3A_3343 = arith.constant 6 : i32
    %get3A_3344 = arith.index_cast %get3A_3343 : i32 to index
    %get3A_3345 = arith.constant 80 : index
    %get3A_3346 = tpu.vector_load %arg17[%get3A_3344, %get3A_3345] {strides = array<i32>} : memref<16x128xf32, #tpu.memory_space<vmem>>, vector<16xf32>,
    %get3A_3347 = arith.constant 14 : i32
    %get3A_3348 = arith.index_cast %get3A_3347 : i32 to index
    %get3A_3349 = arith.constant 80 : index
    %get3A_3350 = tpu.vector_load %arg17[%get3A_3348, %get3A_3349] {strides = array<i32>} : memref<16x128xf32, #tpu.memory_space<vmem>>, vector<16xf32>,
    %get3A_3351 = arith.constant 53 : i32
    %get3A_3352 = arith.index_cast %get3A_3351 : i32 to index
    %get3A_3353 = arith.constant 0 : index
    %get3A_3354 = tpu.vector_load %arg20[%get3A_3352, %get3A_3353] {strides = array<i32>} : memref<64x16xf32, #tpu.memory_space<vmem>>, vector<16xf32>,
    %get3A_3355 = arith.constant 53 : i32
    %get3A_3356 = arith.index_cast %get3A_3355 : i32 to index
    %get3A_3357 = arith.constant 0 : index
    %get3A_3358 = tpu.vector_load %arg21[%get3A_3356, %get3A_3357] {strides = array<i32>} : memref<64x16xf32, #tpu.memory_space<vmem>>, vector<16xf32>,
    %gather3A_3359 = tpu.vector_load_idx %arg22[%add3A_3330, %broadcast_in_dim3A_3067] : memref<128x16xf32, #tpu.memory_space<vmem>>[vector<16xi32>, vector<16xi32>], vector<16xf32>,
    %gather3A_3360 = tpu.vector_load_idx %arg23[%add3A_3330, %broadcast_in_dim3A_3067] : memref<128x16xf32, #tpu.memory_space<vmem>>[vector<16xi32>, vector<16xi32>], vector<16xf32>,
    %mul3A_3361 = arith.mulf %gather3A_3359, %get3A_3354 : vector<16xf32>
    %sub3A_3362 = arith.constant 1.000000e+00 : f32
    %sub3A_3363 = vector.broadcast %sub3A_3362 : f32 to vector<16xf32>
    %sub3A_3364 = arith.subf %sub3A_3363, %mul3A_3361 : vector<16xf32>
    %mul3A_3365 = arith.mulf %gather3A_3360, %get3A_3358 : vector<16xf32>
    %sub3A_3366 = arith.constant 1.000000e+00 : f32
    %sub3A_3367 = vector.broadcast %sub3A_3366 : f32 to vector<16xf32>
    %sub3A_3368 = arith.subf %sub3A_3367, %mul3A_3365 : vector<16xf32>
    %sub3A_3369 = arith.subf %get3A_3334, %get3A_3338 : vector<16xf32>
    %mul3A_3370 = arith.mulf %sub3A_3369, %sub3A_3364 : vector<16xf32>
    %add3A_3371 = arith.addf %mul3A_3370, %get3A_3346 : vector<16xf32>
    %mul3A_3372 = arith.mulf %get3A_3334, %sub3A_3364 : vector<16xf32>
    %mul3A_3373 = arith.mulf %get3A_3342, %sub3A_3368 : vector<16xf32>
    %sub3A_3374 = arith.subf %mul3A_3372, %mul3A_3373 : vector<16xf32>
    %add3A_3375 = arith.addf %sub3A_3374, %get3A_3350 : vector<16xf32>
    %abs3A_3376 = math.absf %add3A_3371 : vector<16xf32>
    %add3A_3377 = arith.addf %add3A_3325, %abs3A_3376 : vector<16xf32>
    %abs3A_3378 = math.absf %add3A_3375 : vector<16xf32>
    %add3A_3379 = arith.addf %add3A_3327, %abs3A_3378 : vector<16xf32>
    %add3A_3380 = arith.constant 96 : i32
    %add3A_3381 = vector.broadcast %add3A_3380 : i32 to vector<16xi32>
    %add3A_3382 = arith.addi %add3A_3381, %iota3A : vector<16xi32>
    %get3A_3383 = arith.constant 6 : i32
    %get3A_3384 = arith.index_cast %get3A_3383 : i32 to index
    %get3A_3385 = arith.constant 96 : index
    %get3A_3386 = tpu.vector_load %arg16[%get3A_3384, %get3A_3385] {strides = array<i32>} : memref<24x128xf32, #tpu.memory_space<vmem>>, vector<16xf32>,
    %get3A_3387 = arith.constant 14 : i32
    %get3A_3388 = arith.index_cast %get3A_3387 : i32 to index
    %get3A_3389 = arith.constant 96 : index
    %get3A_3390 = tpu.vector_load %arg16[%get3A_3388, %get3A_3389] {strides = array<i32>} : memref<24x128xf32, #tpu.memory_space<vmem>>, vector<16xf32>,
    %get3A_3391 = arith.constant 22 : i32
    %get3A_3392 = arith.index_cast %get3A_3391 : i32 to index
    %get3A_3393 = arith.constant 96 : index
    %get3A_3394 = tpu.vector_load %arg16[%get3A_3392, %get3A_3393] {strides = array<i32>} : memref<24x128xf32, #tpu.memory_space<vmem>>, vector<16xf32>,
    %get3A_3395 = arith.constant 6 : i32
    %get3A_3396 = arith.index_cast %get3A_3395 : i32 to index
    %get3A_3397 = arith.constant 96 : index
    %get3A_3398 = tpu.vector_load %arg17[%get3A_3396, %get3A_3397] {strides = array<i32>} : memref<16x128xf32, #tpu.memory_space<vmem>>, vector<16xf32>,
    %get3A_3399 = arith.constant 14 : i32
    %get3A_3400 = arith.index_cast %get3A_3399 : i32 to index
    %get3A_3401 = arith.constant 96 : index
    %get3A_3402 = tpu.vector_load %arg17[%get3A_3400, %get3A_3401] {strides = array<i32>} : memref<16x128xf32, #tpu.memory_space<vmem>>, vector<16xf32>,
    %get3A_3403 = arith.constant 54 : i32
    %get3A_3404 = arith.index_cast %get3A_3403 : i32 to index
    %get3A_3405 = arith.constant 0 : index
    %get3A_3406 = tpu.vector_load %arg20[%get3A_3404, %get3A_3405] {strides = array<i32>} : memref<64x16xf32, #tpu.memory_space<vmem>>, vector<16xf32>,
    %get3A_3407 = arith.constant 54 : i32
    %get3A_3408 = arith.index_cast %get3A_3407 : i32 to index
    %get3A_3409 = arith.constant 0 : index
    %get3A_3410 = tpu.vector_load %arg21[%get3A_3408, %get3A_3409] {strides = array<i32>} : memref<64x16xf32, #tpu.memory_space<vmem>>, vector<16xf32>,
    %gather3A_3411 = tpu.vector_load_idx %arg22[%add3A_3382, %broadcast_in_dim3A_3067] : memref<128x16xf32, #tpu.memory_space<vmem>>[vector<16xi32>, vector<16xi32>], vector<16xf32>,
    %gather3A_3412 = tpu.vector_load_idx %arg23[%add3A_3382, %broadcast_in_dim3A_3067] : memref<128x16xf32, #tpu.memory_space<vmem>>[vector<16xi32>, vector<16xi32>], vector<16xf32>,
    %mul3A_3413 = arith.mulf %gather3A_3411, %get3A_3406 : vector<16xf32>
    %sub3A_3414 = arith.constant 1.000000e+00 : f32
    %sub3A_3415 = vector.broadcast %sub3A_3414 : f32 to vector<16xf32>
    %sub3A_3416 = arith.subf %sub3A_3415, %mul3A_3413 : vector<16xf32>
    %mul3A_3417 = arith.mulf %gather3A_3412, %get3A_3410 : vector<16xf32>
    %sub3A_3418 = arith.constant 1.000000e+00 : f32
    %sub3A_3419 = vector.broadcast %sub3A_3418 : f32 to vector<16xf32>
    %sub3A_3420 = arith.subf %sub3A_3419, %mul3A_3417 : vector<16xf32>
    %sub3A_3421 = arith.subf %get3A_3386, %get3A_3390 : vector<16xf32>
    %mul3A_3422 = arith.mulf %sub3A_3421, %sub3A_3416 : vector<16xf32>
    %add3A_3423 = arith.addf %mul3A_3422, %get3A_3398 : vector<16xf32>
    %mul3A_3424 = arith.mulf %get3A_3386, %sub3A_3416 : vector<16xf32>
    %mul3A_3425 = arith.mulf %get3A_3394, %sub3A_3420 : vector<16xf32>
    %sub3A_3426 = arith.subf %mul3A_3424, %mul3A_3425 : vector<16xf32>
    %add3A_3427 = arith.addf %sub3A_3426, %get3A_3402 : vector<16xf32>
    %abs3A_3428 = math.absf %add3A_3423 : vector<16xf32>
    %add3A_3429 = arith.addf %add3A_3377, %abs3A_3428 : vector<16xf32>
    %abs3A_3430 = math.absf %add3A_3427 : vector<16xf32>
    %add3A_3431 = arith.addf %add3A_3379, %abs3A_3430 : vector<16xf32>
    %add3A_3432 = arith.constant 112 : i32
    %add3A_3433 = vector.broadcast %add3A_3432 : i32 to vector<16xi32>
    %add3A_3434 = arith.addi %add3A_3433, %iota3A : vector<16xi32>
    %get3A_3435 = arith.constant 6 : i32
    %get3A_3436 = arith.index_cast %get3A_3435 : i32 to index
    %get3A_3437 = arith.constant 112 : index
    %get3A_3438 = tpu.vector_load %arg16[%get3A_3436, %get3A_3437] {strides = array<i32>} : memref<24x128xf32, #tpu.memory_space<vmem>>, vector<16xf32>,
    %get3A_3439 = arith.constant 14 : i32
    %get3A_3440 = arith.index_cast %get3A_3439 : i32 to index
    %get3A_3441 = arith.constant 112 : index
    %get3A_3442 = tpu.vector_load %arg16[%get3A_3440, %get3A_3441] {strides = array<i32>} : memref<24x128xf32, #tpu.memory_space<vmem>>, vector<16xf32>,
    %get3A_3443 = arith.constant 22 : i32
    %get3A_3444 = arith.index_cast %get3A_3443 : i32 to index
    %get3A_3445 = arith.constant 112 : index
    %get3A_3446 = tpu.vector_load %arg16[%get3A_3444, %get3A_3445] {strides = array<i32>} : memref<24x128xf32, #tpu.memory_space<vmem>>, vector<16xf32>,
    %get3A_3447 = arith.constant 6 : i32
    %get3A_3448 = arith.index_cast %get3A_3447 : i32 to index
    %get3A_3449 = arith.constant 112 : index
    %get3A_3450 = tpu.vector_load %arg17[%get3A_3448, %get3A_3449] {strides = array<i32>} : memref<16x128xf32, #tpu.memory_space<vmem>>, vector<16xf32>,
    %get3A_3451 = arith.constant 14 : i32
    %get3A_3452 = arith.index_cast %get3A_3451 : i32 to index
    %get3A_3453 = arith.constant 112 : index
    %get3A_3454 = tpu.vector_load %arg17[%get3A_3452, %get3A_3453] {strides = array<i32>} : memref<16x128xf32, #tpu.memory_space<vmem>>, vector<16xf32>,
    %get3A_3455 = arith.constant 55 : i32
    %get3A_3456 = arith.index_cast %get3A_3455 : i32 to index
    %get3A_3457 = arith.constant 0 : index
    %get3A_3458 = tpu.vector_load %arg20[%get3A_3456, %get3A_3457] {strides = array<i32>} : memref<64x16xf32, #tpu.memory_space<vmem>>, vector<16xf32>,
    %get3A_3459 = arith.constant 55 : i32
    %get3A_3460 = arith.index_cast %get3A_3459 : i32 to index
    %get3A_3461 = arith.constant 0 : index
    %get3A_3462 = tpu.vector_load %arg21[%get3A_3460, %get3A_3461] {strides = array<i32>} : memref<64x16xf32, #tpu.memory_space<vmem>>, vector<16xf32>,
    %gather3A_3463 = tpu.vector_load_idx %arg22[%add3A_3434, %broadcast_in_dim3A_3067] : memref<128x16xf32, #tpu.memory_space<vmem>>[vector<16xi32>, vector<16xi32>], vector<16xf32>,
    %gather3A_3464 = tpu.vector_load_idx %arg23[%add3A_3434, %broadcast_in_dim3A_3067] : memref<128x16xf32, #tpu.memory_space<vmem>>[vector<16xi32>, vector<16xi32>], vector<16xf32>,
    %mul3A_3465 = arith.mulf %gather3A_3463, %get3A_3458 : vector<16xf32>
    %sub3A_3466 = arith.constant 1.000000e+00 : f32
    %sub3A_3467 = vector.broadcast %sub3A_3466 : f32 to vector<16xf32>
    %sub3A_3468 = arith.subf %sub3A_3467, %mul3A_3465 : vector<16xf32>
    %mul3A_3469 = arith.mulf %gather3A_3464, %get3A_3462 : vector<16xf32>
    %sub3A_3470 = arith.constant 1.000000e+00 : f32
    %sub3A_3471 = vector.broadcast %sub3A_3470 : f32 to vector<16xf32>
    %sub3A_3472 = arith.subf %sub3A_3471, %mul3A_3469 : vector<16xf32>
    %sub3A_3473 = arith.subf %get3A_3438, %get3A_3442 : vector<16xf32>
    %mul3A_3474 = arith.mulf %sub3A_3473, %sub3A_3468 : vector<16xf32>
    %add3A_3475 = arith.addf %mul3A_3474, %get3A_3450 : vector<16xf32>
    %mul3A_3476 = arith.mulf %get3A_3438, %sub3A_3468 : vector<16xf32>
    %mul3A_3477 = arith.mulf %get3A_3446, %sub3A_3472 : vector<16xf32>
    %sub3A_3478 = arith.subf %mul3A_3476, %mul3A_3477 : vector<16xf32>
    %add3A_3479 = arith.addf %sub3A_3478, %get3A_3454 : vector<16xf32>
    %abs3A_3480 = math.absf %add3A_3475 : vector<16xf32>
    %add3A_3481 = arith.addf %add3A_3429, %abs3A_3480 : vector<16xf32>
    %abs3A_3482 = math.absf %add3A_3479 : vector<16xf32>
    %add3A_3483 = arith.addf %add3A_3431, %abs3A_3482 : vector<16xf32>
    %add3A_3484 = arith.constant 7 : i32
    %add3A_3485 = arith.addi %mul3A_31, %add3A_3484 : i32
    %broadcast_in_dim3A_3486 = vector.broadcast %add3A_3485 : i32 to vector<16xi32>
    %add3A_3487 = arith.constant 0 : i32
    %add3A_3488 = vector.broadcast %add3A_3487 : i32 to vector<16xi32>
    %add3A_3489 = arith.addi %add3A_3488, %iota3A : vector<16xi32>
    %get3A_3490 = arith.constant 7 : i32
    %get3A_3491 = arith.index_cast %get3A_3490 : i32 to index
    %get3A_3492 = arith.constant 0 : index
    %get3A_3493 = tpu.vector_load %arg16[%get3A_3491, %get3A_3492] {strides = array<i32>} : memref<24x128xf32, #tpu.memory_space<vmem>>, vector<16xf32>,
    %get3A_3494 = arith.constant 15 : i32
    %get3A_3495 = arith.index_cast %get3A_3494 : i32 to index
    %get3A_3496 = arith.constant 0 : index
    %get3A_3497 = tpu.vector_load %arg16[%get3A_3495, %get3A_3496] {strides = array<i32>} : memref<24x128xf32, #tpu.memory_space<vmem>>, vector<16xf32>,
    %get3A_3498 = arith.constant 23 : i32
    %get3A_3499 = arith.index_cast %get3A_3498 : i32 to index
    %get3A_3500 = arith.constant 0 : index
    %get3A_3501 = tpu.vector_load %arg16[%get3A_3499, %get3A_3500] {strides = array<i32>} : memref<24x128xf32, #tpu.memory_space<vmem>>, vector<16xf32>,
    %get3A_3502 = arith.constant 7 : i32
    %get3A_3503 = arith.index_cast %get3A_3502 : i32 to index
    %get3A_3504 = arith.constant 0 : index
    %get3A_3505 = tpu.vector_load %arg17[%get3A_3503, %get3A_3504] {strides = array<i32>} : memref<16x128xf32, #tpu.memory_space<vmem>>, vector<16xf32>,
    %get3A_3506 = arith.constant 15 : i32
    %get3A_3507 = arith.index_cast %get3A_3506 : i32 to index
    %get3A_3508 = arith.constant 0 : index
    %get3A_3509 = tpu.vector_load %arg17[%get3A_3507, %get3A_3508] {strides = array<i32>} : memref<16x128xf32, #tpu.memory_space<vmem>>, vector<16xf32>,
    %get3A_3510 = arith.constant 56 : i32
    %get3A_3511 = arith.index_cast %get3A_3510 : i32 to index
    %get3A_3512 = arith.constant 0 : index
    %get3A_3513 = tpu.vector_load %arg20[%get3A_3511, %get3A_3512] {strides = array<i32>} : memref<64x16xf32, #tpu.memory_space<vmem>>, vector<16xf32>,
    %get3A_3514 = arith.constant 56 : i32
    %get3A_3515 = arith.index_cast %get3A_3514 : i32 to index
    %get3A_3516 = arith.constant 0 : index
    %get3A_3517 = tpu.vector_load %arg21[%get3A_3515, %get3A_3516] {strides = array<i32>} : memref<64x16xf32, #tpu.memory_space<vmem>>, vector<16xf32>,
    %gather3A_3518 = tpu.vector_load_idx %arg22[%add3A_3489, %broadcast_in_dim3A_3486] : memref<128x16xf32, #tpu.memory_space<vmem>>[vector<16xi32>, vector<16xi32>], vector<16xf32>,
    %gather3A_3519 = tpu.vector_load_idx %arg23[%add3A_3489, %broadcast_in_dim3A_3486] : memref<128x16xf32, #tpu.memory_space<vmem>>[vector<16xi32>, vector<16xi32>], vector<16xf32>,
    %mul3A_3520 = arith.mulf %gather3A_3518, %get3A_3513 : vector<16xf32>
    %sub3A_3521 = arith.constant 1.000000e+00 : f32
    %sub3A_3522 = vector.broadcast %sub3A_3521 : f32 to vector<16xf32>
    %sub3A_3523 = arith.subf %sub3A_3522, %mul3A_3520 : vector<16xf32>
    %mul3A_3524 = arith.mulf %gather3A_3519, %get3A_3517 : vector<16xf32>
    %sub3A_3525 = arith.constant 1.000000e+00 : f32
    %sub3A_3526 = vector.broadcast %sub3A_3525 : f32 to vector<16xf32>
    %sub3A_3527 = arith.subf %sub3A_3526, %mul3A_3524 : vector<16xf32>
    %sub3A_3528 = arith.subf %get3A_3493, %get3A_3497 : vector<16xf32>
    %mul3A_3529 = arith.mulf %sub3A_3528, %sub3A_3523 : vector<16xf32>
    %add3A_3530 = arith.addf %mul3A_3529, %get3A_3505 : vector<16xf32>
    %mul3A_3531 = arith.mulf %get3A_3493, %sub3A_3523 : vector<16xf32>
    %mul3A_3532 = arith.mulf %get3A_3501, %sub3A_3527 : vector<16xf32>
    %sub3A_3533 = arith.subf %mul3A_3531, %mul3A_3532 : vector<16xf32>
    %add3A_3534 = arith.addf %sub3A_3533, %get3A_3509 : vector<16xf32>
    %abs3A_3535 = math.absf %add3A_3530 : vector<16xf32>
    %add3A_3536 = arith.addf %add3A_3481, %abs3A_3535 : vector<16xf32>
    %abs3A_3537 = math.absf %add3A_3534 : vector<16xf32>
    %add3A_3538 = arith.addf %add3A_3483, %abs3A_3537 : vector<16xf32>
    %add3A_3539 = arith.constant 16 : i32
    %add3A_3540 = vector.broadcast %add3A_3539 : i32 to vector<16xi32>
    %add3A_3541 = arith.addi %add3A_3540, %iota3A : vector<16xi32>
    %get3A_3542 = arith.constant 7 : i32
    %get3A_3543 = arith.index_cast %get3A_3542 : i32 to index
    %get3A_3544 = arith.constant 16 : index
    %get3A_3545 = tpu.vector_load %arg16[%get3A_3543, %get3A_3544] {strides = array<i32>} : memref<24x128xf32, #tpu.memory_space<vmem>>, vector<16xf32>,
    %get3A_3546 = arith.constant 15 : i32
    %get3A_3547 = arith.index_cast %get3A_3546 : i32 to index
    %get3A_3548 = arith.constant 16 : index
    %get3A_3549 = tpu.vector_load %arg16[%get3A_3547, %get3A_3548] {strides = array<i32>} : memref<24x128xf32, #tpu.memory_space<vmem>>, vector<16xf32>,
    %get3A_3550 = arith.constant 23 : i32
    %get3A_3551 = arith.index_cast %get3A_3550 : i32 to index
    %get3A_3552 = arith.constant 16 : index
    %get3A_3553 = tpu.vector_load %arg16[%get3A_3551, %get3A_3552] {strides = array<i32>} : memref<24x128xf32, #tpu.memory_space<vmem>>, vector<16xf32>,
    %get3A_3554 = arith.constant 7 : i32
    %get3A_3555 = arith.index_cast %get3A_3554 : i32 to index
    %get3A_3556 = arith.constant 16 : index
    %get3A_3557 = tpu.vector_load %arg17[%get3A_3555, %get3A_3556] {strides = array<i32>} : memref<16x128xf32, #tpu.memory_space<vmem>>, vector<16xf32>,
    %get3A_3558 = arith.constant 15 : i32
    %get3A_3559 = arith.index_cast %get3A_3558 : i32 to index
    %get3A_3560 = arith.constant 16 : index
    %get3A_3561 = tpu.vector_load %arg17[%get3A_3559, %get3A_3560] {strides = array<i32>} : memref<16x128xf32, #tpu.memory_space<vmem>>, vector<16xf32>,
    %get3A_3562 = arith.constant 57 : i32
    %get3A_3563 = arith.index_cast %get3A_3562 : i32 to index
    %get3A_3564 = arith.constant 0 : index
    %get3A_3565 = tpu.vector_load %arg20[%get3A_3563, %get3A_3564] {strides = array<i32>} : memref<64x16xf32, #tpu.memory_space<vmem>>, vector<16xf32>,
    %get3A_3566 = arith.constant 57 : i32
    %get3A_3567 = arith.index_cast %get3A_3566 : i32 to index
    %get3A_3568 = arith.constant 0 : index
    %get3A_3569 = tpu.vector_load %arg21[%get3A_3567, %get3A_3568] {strides = array<i32>} : memref<64x16xf32, #tpu.memory_space<vmem>>, vector<16xf32>,
    %gather3A_3570 = tpu.vector_load_idx %arg22[%add3A_3541, %broadcast_in_dim3A_3486] : memref<128x16xf32, #tpu.memory_space<vmem>>[vector<16xi32>, vector<16xi32>], vector<16xf32>,
    %gather3A_3571 = tpu.vector_load_idx %arg23[%add3A_3541, %broadcast_in_dim3A_3486] : memref<128x16xf32, #tpu.memory_space<vmem>>[vector<16xi32>, vector<16xi32>], vector<16xf32>,
    %mul3A_3572 = arith.mulf %gather3A_3570, %get3A_3565 : vector<16xf32>
    %sub3A_3573 = arith.constant 1.000000e+00 : f32
    %sub3A_3574 = vector.broadcast %sub3A_3573 : f32 to vector<16xf32>
    %sub3A_3575 = arith.subf %sub3A_3574, %mul3A_3572 : vector<16xf32>
    %mul3A_3576 = arith.mulf %gather3A_3571, %get3A_3569 : vector<16xf32>
    %sub3A_3577 = arith.constant 1.000000e+00 : f32
    %sub3A_3578 = vector.broadcast %sub3A_3577 : f32 to vector<16xf32>
    %sub3A_3579 = arith.subf %sub3A_3578, %mul3A_3576 : vector<16xf32>
    %sub3A_3580 = arith.subf %get3A_3545, %get3A_3549 : vector<16xf32>
    %mul3A_3581 = arith.mulf %sub3A_3580, %sub3A_3575 : vector<16xf32>
    %add3A_3582 = arith.addf %mul3A_3581, %get3A_3557 : vector<16xf32>
    %mul3A_3583 = arith.mulf %get3A_3545, %sub3A_3575 : vector<16xf32>
    %mul3A_3584 = arith.mulf %get3A_3553, %sub3A_3579 : vector<16xf32>
    %sub3A_3585 = arith.subf %mul3A_3583, %mul3A_3584 : vector<16xf32>
    %add3A_3586 = arith.addf %sub3A_3585, %get3A_3561 : vector<16xf32>
    %abs3A_3587 = math.absf %add3A_3582 : vector<16xf32>
    %add3A_3588 = arith.addf %add3A_3536, %abs3A_3587 : vector<16xf32>
    %abs3A_3589 = math.absf %add3A_3586 : vector<16xf32>
    %add3A_3590 = arith.addf %add3A_3538, %abs3A_3589 : vector<16xf32>
    %add3A_3591 = arith.constant 32 : i32
    %add3A_3592 = vector.broadcast %add3A_3591 : i32 to vector<16xi32>
    %add3A_3593 = arith.addi %add3A_3592, %iota3A : vector<16xi32>
    %get3A_3594 = arith.constant 7 : i32
    %get3A_3595 = arith.index_cast %get3A_3594 : i32 to index
    %get3A_3596 = arith.constant 32 : index
    %get3A_3597 = tpu.vector_load %arg16[%get3A_3595, %get3A_3596] {strides = array<i32>} : memref<24x128xf32, #tpu.memory_space<vmem>>, vector<16xf32>,
    %get3A_3598 = arith.constant 15 : i32
    %get3A_3599 = arith.index_cast %get3A_3598 : i32 to index
    %get3A_3600 = arith.constant 32 : index
    %get3A_3601 = tpu.vector_load %arg16[%get3A_3599, %get3A_3600] {strides = array<i32>} : memref<24x128xf32, #tpu.memory_space<vmem>>, vector<16xf32>,
    %get3A_3602 = arith.constant 23 : i32
    %get3A_3603 = arith.index_cast %get3A_3602 : i32 to index
    %get3A_3604 = arith.constant 32 : index
    %get3A_3605 = tpu.vector_load %arg16[%get3A_3603, %get3A_3604] {strides = array<i32>} : memref<24x128xf32, #tpu.memory_space<vmem>>, vector<16xf32>,
    %get3A_3606 = arith.constant 7 : i32
    %get3A_3607 = arith.index_cast %get3A_3606 : i32 to index
    %get3A_3608 = arith.constant 32 : index
    %get3A_3609 = tpu.vector_load %arg17[%get3A_3607, %get3A_3608] {strides = array<i32>} : memref<16x128xf32, #tpu.memory_space<vmem>>, vector<16xf32>,
    %get3A_3610 = arith.constant 15 : i32
    %get3A_3611 = arith.index_cast %get3A_3610 : i32 to index
    %get3A_3612 = arith.constant 32 : index
    %get3A_3613 = tpu.vector_load %arg17[%get3A_3611, %get3A_3612] {strides = array<i32>} : memref<16x128xf32, #tpu.memory_space<vmem>>, vector<16xf32>,
    %get3A_3614 = arith.constant 58 : i32
    %get3A_3615 = arith.index_cast %get3A_3614 : i32 to index
    %get3A_3616 = arith.constant 0 : index
    %get3A_3617 = tpu.vector_load %arg20[%get3A_3615, %get3A_3616] {strides = array<i32>} : memref<64x16xf32, #tpu.memory_space<vmem>>, vector<16xf32>,
    %get3A_3618 = arith.constant 58 : i32
    %get3A_3619 = arith.index_cast %get3A_3618 : i32 to index
    %get3A_3620 = arith.constant 0 : index
    %get3A_3621 = tpu.vector_load %arg21[%get3A_3619, %get3A_3620] {strides = array<i32>} : memref<64x16xf32, #tpu.memory_space<vmem>>, vector<16xf32>,
    %gather3A_3622 = tpu.vector_load_idx %arg22[%add3A_3593, %broadcast_in_dim3A_3486] : memref<128x16xf32, #tpu.memory_space<vmem>>[vector<16xi32>, vector<16xi32>], vector<16xf32>,
    %gather3A_3623 = tpu.vector_load_idx %arg23[%add3A_3593, %broadcast_in_dim3A_3486] : memref<128x16xf32, #tpu.memory_space<vmem>>[vector<16xi32>, vector<16xi32>], vector<16xf32>,
    %mul3A_3624 = arith.mulf %gather3A_3622, %get3A_3617 : vector<16xf32>
    %sub3A_3625 = arith.constant 1.000000e+00 : f32
    %sub3A_3626 = vector.broadcast %sub3A_3625 : f32 to vector<16xf32>
    %sub3A_3627 = arith.subf %sub3A_3626, %mul3A_3624 : vector<16xf32>
    %mul3A_3628 = arith.mulf %gather3A_3623, %get3A_3621 : vector<16xf32>
    %sub3A_3629 = arith.constant 1.000000e+00 : f32
    %sub3A_3630 = vector.broadcast %sub3A_3629 : f32 to vector<16xf32>
    %sub3A_3631 = arith.subf %sub3A_3630, %mul3A_3628 : vector<16xf32>
    %sub3A_3632 = arith.subf %get3A_3597, %get3A_3601 : vector<16xf32>
    %mul3A_3633 = arith.mulf %sub3A_3632, %sub3A_3627 : vector<16xf32>
    %add3A_3634 = arith.addf %mul3A_3633, %get3A_3609 : vector<16xf32>
    %mul3A_3635 = arith.mulf %get3A_3597, %sub3A_3627 : vector<16xf32>
    %mul3A_3636 = arith.mulf %get3A_3605, %sub3A_3631 : vector<16xf32>
    %sub3A_3637 = arith.subf %mul3A_3635, %mul3A_3636 : vector<16xf32>
    %add3A_3638 = arith.addf %sub3A_3637, %get3A_3613 : vector<16xf32>
    %abs3A_3639 = math.absf %add3A_3634 : vector<16xf32>
    %add3A_3640 = arith.addf %add3A_3588, %abs3A_3639 : vector<16xf32>
    %abs3A_3641 = math.absf %add3A_3638 : vector<16xf32>
    %add3A_3642 = arith.addf %add3A_3590, %abs3A_3641 : vector<16xf32>
    %add3A_3643 = arith.constant 48 : i32
    %add3A_3644 = vector.broadcast %add3A_3643 : i32 to vector<16xi32>
    %add3A_3645 = arith.addi %add3A_3644, %iota3A : vector<16xi32>
    %get3A_3646 = arith.constant 7 : i32
    %get3A_3647 = arith.index_cast %get3A_3646 : i32 to index
    %get3A_3648 = arith.constant 48 : index
    %get3A_3649 = tpu.vector_load %arg16[%get3A_3647, %get3A_3648] {strides = array<i32>} : memref<24x128xf32, #tpu.memory_space<vmem>>, vector<16xf32>,
    %get3A_3650 = arith.constant 15 : i32
    %get3A_3651 = arith.index_cast %get3A_3650 : i32 to index
    %get3A_3652 = arith.constant 48 : index
    %get3A_3653 = tpu.vector_load %arg16[%get3A_3651, %get3A_3652] {strides = array<i32>} : memref<24x128xf32, #tpu.memory_space<vmem>>, vector<16xf32>,
    %get3A_3654 = arith.constant 23 : i32
    %get3A_3655 = arith.index_cast %get3A_3654 : i32 to index
    %get3A_3656 = arith.constant 48 : index
    %get3A_3657 = tpu.vector_load %arg16[%get3A_3655, %get3A_3656] {strides = array<i32>} : memref<24x128xf32, #tpu.memory_space<vmem>>, vector<16xf32>,
    %get3A_3658 = arith.constant 7 : i32
    %get3A_3659 = arith.index_cast %get3A_3658 : i32 to index
    %get3A_3660 = arith.constant 48 : index
    %get3A_3661 = tpu.vector_load %arg17[%get3A_3659, %get3A_3660] {strides = array<i32>} : memref<16x128xf32, #tpu.memory_space<vmem>>, vector<16xf32>,
    %get3A_3662 = arith.constant 15 : i32
    %get3A_3663 = arith.index_cast %get3A_3662 : i32 to index
    %get3A_3664 = arith.constant 48 : index
    %get3A_3665 = tpu.vector_load %arg17[%get3A_3663, %get3A_3664] {strides = array<i32>} : memref<16x128xf32, #tpu.memory_space<vmem>>, vector<16xf32>,
    %get3A_3666 = arith.constant 59 : i32
    %get3A_3667 = arith.index_cast %get3A_3666 : i32 to index
    %get3A_3668 = arith.constant 0 : index
    %get3A_3669 = tpu.vector_load %arg20[%get3A_3667, %get3A_3668] {strides = array<i32>} : memref<64x16xf32, #tpu.memory_space<vmem>>, vector<16xf32>,
    %get3A_3670 = arith.constant 59 : i32
    %get3A_3671 = arith.index_cast %get3A_3670 : i32 to index
    %get3A_3672 = arith.constant 0 : index
    %get3A_3673 = tpu.vector_load %arg21[%get3A_3671, %get3A_3672] {strides = array<i32>} : memref<64x16xf32, #tpu.memory_space<vmem>>, vector<16xf32>,
    %gather3A_3674 = tpu.vector_load_idx %arg22[%add3A_3645, %broadcast_in_dim3A_3486] : memref<128x16xf32, #tpu.memory_space<vmem>>[vector<16xi32>, vector<16xi32>], vector<16xf32>,
    %gather3A_3675 = tpu.vector_load_idx %arg23[%add3A_3645, %broadcast_in_dim3A_3486] : memref<128x16xf32, #tpu.memory_space<vmem>>[vector<16xi32>, vector<16xi32>], vector<16xf32>,
    %mul3A_3676 = arith.mulf %gather3A_3674, %get3A_3669 : vector<16xf32>
    %sub3A_3677 = arith.constant 1.000000e+00 : f32
    %sub3A_3678 = vector.broadcast %sub3A_3677 : f32 to vector<16xf32>
    %sub3A_3679 = arith.subf %sub3A_3678, %mul3A_3676 : vector<16xf32>
    %mul3A_3680 = arith.mulf %gather3A_3675, %get3A_3673 : vector<16xf32>
    %sub3A_3681 = arith.constant 1.000000e+00 : f32
    %sub3A_3682 = vector.broadcast %sub3A_3681 : f32 to vector<16xf32>
    %sub3A_3683 = arith.subf %sub3A_3682, %mul3A_3680 : vector<16xf32>
    %sub3A_3684 = arith.subf %get3A_3649, %get3A_3653 : vector<16xf32>
    %mul3A_3685 = arith.mulf %sub3A_3684, %sub3A_3679 : vector<16xf32>
    %add3A_3686 = arith.addf %mul3A_3685, %get3A_3661 : vector<16xf32>
    %mul3A_3687 = arith.mulf %get3A_3649, %sub3A_3679 : vector<16xf32>
    %mul3A_3688 = arith.mulf %get3A_3657, %sub3A_3683 : vector<16xf32>
    %sub3A_3689 = arith.subf %mul3A_3687, %mul3A_3688 : vector<16xf32>
    %add3A_3690 = arith.addf %sub3A_3689, %get3A_3665 : vector<16xf32>
    %abs3A_3691 = math.absf %add3A_3686 : vector<16xf32>
    %add3A_3692 = arith.addf %add3A_3640, %abs3A_3691 : vector<16xf32>
    %abs3A_3693 = math.absf %add3A_3690 : vector<16xf32>
    %add3A_3694 = arith.addf %add3A_3642, %abs3A_3693 : vector<16xf32>
    %add3A_3695 = arith.constant 64 : i32
    %add3A_3696 = vector.broadcast %add3A_3695 : i32 to vector<16xi32>
    %add3A_3697 = arith.addi %add3A_3696, %iota3A : vector<16xi32>
    %get3A_3698 = arith.constant 7 : i32
    %get3A_3699 = arith.index_cast %get3A_3698 : i32 to index
    %get3A_3700 = arith.constant 64 : index
    %get3A_3701 = tpu.vector_load %arg16[%get3A_3699, %get3A_3700] {strides = array<i32>} : memref<24x128xf32, #tpu.memory_space<vmem>>, vector<16xf32>,
    %get3A_3702 = arith.constant 15 : i32
    %get3A_3703 = arith.index_cast %get3A_3702 : i32 to index
    %get3A_3704 = arith.constant 64 : index
    %get3A_3705 = tpu.vector_load %arg16[%get3A_3703, %get3A_3704] {strides = array<i32>} : memref<24x128xf32, #tpu.memory_space<vmem>>, vector<16xf32>,
    %get3A_3706 = arith.constant 23 : i32
    %get3A_3707 = arith.index_cast %get3A_3706 : i32 to index
    %get3A_3708 = arith.constant 64 : index
    %get3A_3709 = tpu.vector_load %arg16[%get3A_3707, %get3A_3708] {strides = array<i32>} : memref<24x128xf32, #tpu.memory_space<vmem>>, vector<16xf32>,
    %get3A_3710 = arith.constant 7 : i32
    %get3A_3711 = arith.index_cast %get3A_3710 : i32 to index
    %get3A_3712 = arith.constant 64 : index
    %get3A_3713 = tpu.vector_load %arg17[%get3A_3711, %get3A_3712] {strides = array<i32>} : memref<16x128xf32, #tpu.memory_space<vmem>>, vector<16xf32>,
    %get3A_3714 = arith.constant 15 : i32
    %get3A_3715 = arith.index_cast %get3A_3714 : i32 to index
    %get3A_3716 = arith.constant 64 : index
    %get3A_3717 = tpu.vector_load %arg17[%get3A_3715, %get3A_3716] {strides = array<i32>} : memref<16x128xf32, #tpu.memory_space<vmem>>, vector<16xf32>,
    %get3A_3718 = arith.constant 60 : i32
    %get3A_3719 = arith.index_cast %get3A_3718 : i32 to index
    %get3A_3720 = arith.constant 0 : index
    %get3A_3721 = tpu.vector_load %arg20[%get3A_3719, %get3A_3720] {strides = array<i32>} : memref<64x16xf32, #tpu.memory_space<vmem>>, vector<16xf32>,
    %get3A_3722 = arith.constant 60 : i32
    %get3A_3723 = arith.index_cast %get3A_3722 : i32 to index
    %get3A_3724 = arith.constant 0 : index
    %get3A_3725 = tpu.vector_load %arg21[%get3A_3723, %get3A_3724] {strides = array<i32>} : memref<64x16xf32, #tpu.memory_space<vmem>>, vector<16xf32>,
    %gather3A_3726 = tpu.vector_load_idx %arg22[%add3A_3697, %broadcast_in_dim3A_3486] : memref<128x16xf32, #tpu.memory_space<vmem>>[vector<16xi32>, vector<16xi32>], vector<16xf32>,
    %gather3A_3727 = tpu.vector_load_idx %arg23[%add3A_3697, %broadcast_in_dim3A_3486] : memref<128x16xf32, #tpu.memory_space<vmem>>[vector<16xi32>, vector<16xi32>], vector<16xf32>,
    %mul3A_3728 = arith.mulf %gather3A_3726, %get3A_3721 : vector<16xf32>
    %sub3A_3729 = arith.constant 1.000000e+00 : f32
    %sub3A_3730 = vector.broadcast %sub3A_3729 : f32 to vector<16xf32>
    %sub3A_3731 = arith.subf %sub3A_3730, %mul3A_3728 : vector<16xf32>
    %mul3A_3732 = arith.mulf %gather3A_3727, %get3A_3725 : vector<16xf32>
    %sub3A_3733 = arith.constant 1.000000e+00 : f32
    %sub3A_3734 = vector.broadcast %sub3A_3733 : f32 to vector<16xf32>
    %sub3A_3735 = arith.subf %sub3A_3734, %mul3A_3732 : vector<16xf32>
    %sub3A_3736 = arith.subf %get3A_3701, %get3A_3705 : vector<16xf32>
    %mul3A_3737 = arith.mulf %sub3A_3736, %sub3A_3731 : vector<16xf32>
    %add3A_3738 = arith.addf %mul3A_3737, %get3A_3713 : vector<16xf32>
    %mul3A_3739 = arith.mulf %get3A_3701, %sub3A_3731 : vector<16xf32>
    %mul3A_3740 = arith.mulf %get3A_3709, %sub3A_3735 : vector<16xf32>
    %sub3A_3741 = arith.subf %mul3A_3739, %mul3A_3740 : vector<16xf32>
    %add3A_3742 = arith.addf %sub3A_3741, %get3A_3717 : vector<16xf32>
    %abs3A_3743 = math.absf %add3A_3738 : vector<16xf32>
    %add3A_3744 = arith.addf %add3A_3692, %abs3A_3743 : vector<16xf32>
    %abs3A_3745 = math.absf %add3A_3742 : vector<16xf32>
    %add3A_3746 = arith.addf %add3A_3694, %abs3A_3745 : vector<16xf32>
    %add3A_3747 = arith.constant 80 : i32
    %add3A_3748 = vector.broadcast %add3A_3747 : i32 to vector<16xi32>
    %add3A_3749 = arith.addi %add3A_3748, %iota3A : vector<16xi32>
    %get3A_3750 = arith.constant 7 : i32
    %get3A_3751 = arith.index_cast %get3A_3750 : i32 to index
    %get3A_3752 = arith.constant 80 : index
    %get3A_3753 = tpu.vector_load %arg16[%get3A_3751, %get3A_3752] {strides = array<i32>} : memref<24x128xf32, #tpu.memory_space<vmem>>, vector<16xf32>,
    %get3A_3754 = arith.constant 15 : i32
    %get3A_3755 = arith.index_cast %get3A_3754 : i32 to index
    %get3A_3756 = arith.constant 80 : index
    %get3A_3757 = tpu.vector_load %arg16[%get3A_3755, %get3A_3756] {strides = array<i32>} : memref<24x128xf32, #tpu.memory_space<vmem>>, vector<16xf32>,
    %get3A_3758 = arith.constant 23 : i32
    %get3A_3759 = arith.index_cast %get3A_3758 : i32 to index
    %get3A_3760 = arith.constant 80 : index
    %get3A_3761 = tpu.vector_load %arg16[%get3A_3759, %get3A_3760] {strides = array<i32>} : memref<24x128xf32, #tpu.memory_space<vmem>>, vector<16xf32>,
    %get3A_3762 = arith.constant 7 : i32
    %get3A_3763 = arith.index_cast %get3A_3762 : i32 to index
    %get3A_3764 = arith.constant 80 : index
    %get3A_3765 = tpu.vector_load %arg17[%get3A_3763, %get3A_3764] {strides = array<i32>} : memref<16x128xf32, #tpu.memory_space<vmem>>, vector<16xf32>,
    %get3A_3766 = arith.constant 15 : i32
    %get3A_3767 = arith.index_cast %get3A_3766 : i32 to index
    %get3A_3768 = arith.constant 80 : index
    %get3A_3769 = tpu.vector_load %arg17[%get3A_3767, %get3A_3768] {strides = array<i32>} : memref<16x128xf32, #tpu.memory_space<vmem>>, vector<16xf32>,
    %get3A_3770 = arith.constant 61 : i32
    %get3A_3771 = arith.index_cast %get3A_3770 : i32 to index
    %get3A_3772 = arith.constant 0 : index
    %get3A_3773 = tpu.vector_load %arg20[%get3A_3771, %get3A_3772] {strides = array<i32>} : memref<64x16xf32, #tpu.memory_space<vmem>>, vector<16xf32>,
    %get3A_3774 = arith.constant 61 : i32
    %get3A_3775 = arith.index_cast %get3A_3774 : i32 to index
    %get3A_3776 = arith.constant 0 : index
    %get3A_3777 = tpu.vector_load %arg21[%get3A_3775, %get3A_3776] {strides = array<i32>} : memref<64x16xf32, #tpu.memory_space<vmem>>, vector<16xf32>,
    %gather3A_3778 = tpu.vector_load_idx %arg22[%add3A_3749, %broadcast_in_dim3A_3486] : memref<128x16xf32, #tpu.memory_space<vmem>>[vector<16xi32>, vector<16xi32>], vector<16xf32>,
    %gather3A_3779 = tpu.vector_load_idx %arg23[%add3A_3749, %broadcast_in_dim3A_3486] : memref<128x16xf32, #tpu.memory_space<vmem>>[vector<16xi32>, vector<16xi32>], vector<16xf32>,
    %mul3A_3780 = arith.mulf %gather3A_3778, %get3A_3773 : vector<16xf32>
    %sub3A_3781 = arith.constant 1.000000e+00 : f32
    %sub3A_3782 = vector.broadcast %sub3A_3781 : f32 to vector<16xf32>
    %sub3A_3783 = arith.subf %sub3A_3782, %mul3A_3780 : vector<16xf32>
    %mul3A_3784 = arith.mulf %gather3A_3779, %get3A_3777 : vector<16xf32>
    %sub3A_3785 = arith.constant 1.000000e+00 : f32
    %sub3A_3786 = vector.broadcast %sub3A_3785 : f32 to vector<16xf32>
    %sub3A_3787 = arith.subf %sub3A_3786, %mul3A_3784 : vector<16xf32>
    %sub3A_3788 = arith.subf %get3A_3753, %get3A_3757 : vector<16xf32>
    %mul3A_3789 = arith.mulf %sub3A_3788, %sub3A_3783 : vector<16xf32>
    %add3A_3790 = arith.addf %mul3A_3789, %get3A_3765 : vector<16xf32>
    %mul3A_3791 = arith.mulf %get3A_3753, %sub3A_3783 : vector<16xf32>
    %mul3A_3792 = arith.mulf %get3A_3761, %sub3A_3787 : vector<16xf32>
    %sub3A_3793 = arith.subf %mul3A_3791, %mul3A_3792 : vector<16xf32>
    %add3A_3794 = arith.addf %sub3A_3793, %get3A_3769 : vector<16xf32>
    %abs3A_3795 = math.absf %add3A_3790 : vector<16xf32>
    %add3A_3796 = arith.addf %add3A_3744, %abs3A_3795 : vector<16xf32>
    %abs3A_3797 = math.absf %add3A_3794 : vector<16xf32>
    %add3A_3798 = arith.addf %add3A_3746, %abs3A_3797 : vector<16xf32>
    %add3A_3799 = arith.constant 96 : i32
    %add3A_3800 = vector.broadcast %add3A_3799 : i32 to vector<16xi32>
    %add3A_3801 = arith.addi %add3A_3800, %iota3A : vector<16xi32>
    %get3A_3802 = arith.constant 7 : i32
    %get3A_3803 = arith.index_cast %get3A_3802 : i32 to index
    %get3A_3804 = arith.constant 96 : index
    %get3A_3805 = tpu.vector_load %arg16[%get3A_3803, %get3A_3804] {strides = array<i32>} : memref<24x128xf32, #tpu.memory_space<vmem>>, vector<16xf32>,
    %get3A_3806 = arith.constant 15 : i32
    %get3A_3807 = arith.index_cast %get3A_3806 : i32 to index
    %get3A_3808 = arith.constant 96 : index
    %get3A_3809 = tpu.vector_load %arg16[%get3A_3807, %get3A_3808] {strides = array<i32>} : memref<24x128xf32, #tpu.memory_space<vmem>>, vector<16xf32>,
    %get3A_3810 = arith.constant 23 : i32
    %get3A_3811 = arith.index_cast %get3A_3810 : i32 to index
    %get3A_3812 = arith.constant 96 : index
    %get3A_3813 = tpu.vector_load %arg16[%get3A_3811, %get3A_3812] {strides = array<i32>} : memref<24x128xf32, #tpu.memory_space<vmem>>, vector<16xf32>,
    %get3A_3814 = arith.constant 7 : i32
    %get3A_3815 = arith.index_cast %get3A_3814 : i32 to index
    %get3A_3816 = arith.constant 96 : index
    %get3A_3817 = tpu.vector_load %arg17[%get3A_3815, %get3A_3816] {strides = array<i32>} : memref<16x128xf32, #tpu.memory_space<vmem>>, vector<16xf32>,
    %get3A_3818 = arith.constant 15 : i32
    %get3A_3819 = arith.index_cast %get3A_3818 : i32 to index
    %get3A_3820 = arith.constant 96 : index
    %get3A_3821 = tpu.vector_load %arg17[%get3A_3819, %get3A_3820] {strides = array<i32>} : memref<16x128xf32, #tpu.memory_space<vmem>>, vector<16xf32>,
    %get3A_3822 = arith.constant 62 : i32
    %get3A_3823 = arith.index_cast %get3A_3822 : i32 to index
    %get3A_3824 = arith.constant 0 : index
    %get3A_3825 = tpu.vector_load %arg20[%get3A_3823, %get3A_3824] {strides = array<i32>} : memref<64x16xf32, #tpu.memory_space<vmem>>, vector<16xf32>,
    %get3A_3826 = arith.constant 62 : i32
    %get3A_3827 = arith.index_cast %get3A_3826 : i32 to index
    %get3A_3828 = arith.constant 0 : index
    %get3A_3829 = tpu.vector_load %arg21[%get3A_3827, %get3A_3828] {strides = array<i32>} : memref<64x16xf32, #tpu.memory_space<vmem>>, vector<16xf32>,
    %gather3A_3830 = tpu.vector_load_idx %arg22[%add3A_3801, %broadcast_in_dim3A_3486] : memref<128x16xf32, #tpu.memory_space<vmem>>[vector<16xi32>, vector<16xi32>], vector<16xf32>,
    %gather3A_3831 = tpu.vector_load_idx %arg23[%add3A_3801, %broadcast_in_dim3A_3486] : memref<128x16xf32, #tpu.memory_space<vmem>>[vector<16xi32>, vector<16xi32>], vector<16xf32>,
    %mul3A_3832 = arith.mulf %gather3A_3830, %get3A_3825 : vector<16xf32>
    %sub3A_3833 = arith.constant 1.000000e+00 : f32
    %sub3A_3834 = vector.broadcast %sub3A_3833 : f32 to vector<16xf32>
    %sub3A_3835 = arith.subf %sub3A_3834, %mul3A_3832 : vector<16xf32>
    %mul3A_3836 = arith.mulf %gather3A_3831, %get3A_3829 : vector<16xf32>
    %sub3A_3837 = arith.constant 1.000000e+00 : f32
    %sub3A_3838 = vector.broadcast %sub3A_3837 : f32 to vector<16xf32>
    %sub3A_3839 = arith.subf %sub3A_3838, %mul3A_3836 : vector<16xf32>
    %sub3A_3840 = arith.subf %get3A_3805, %get3A_3809 : vector<16xf32>
    %mul3A_3841 = arith.mulf %sub3A_3840, %sub3A_3835 : vector<16xf32>
    %add3A_3842 = arith.addf %mul3A_3841, %get3A_3817 : vector<16xf32>
    %mul3A_3843 = arith.mulf %get3A_3805, %sub3A_3835 : vector<16xf32>
    %mul3A_3844 = arith.mulf %get3A_3813, %sub3A_3839 : vector<16xf32>
    %sub3A_3845 = arith.subf %mul3A_3843, %mul3A_3844 : vector<16xf32>
    %add3A_3846 = arith.addf %sub3A_3845, %get3A_3821 : vector<16xf32>
    %abs3A_3847 = math.absf %add3A_3842 : vector<16xf32>
    %add3A_3848 = arith.addf %add3A_3796, %abs3A_3847 : vector<16xf32>
    %abs3A_3849 = math.absf %add3A_3846 : vector<16xf32>
    %add3A_3850 = arith.addf %add3A_3798, %abs3A_3849 : vector<16xf32>
    %add3A_3851 = arith.constant 112 : i32
    %add3A_3852 = vector.broadcast %add3A_3851 : i32 to vector<16xi32>
    %add3A_3853 = arith.addi %add3A_3852, %iota3A : vector<16xi32>
    %get3A_3854 = arith.constant 7 : i32
    %get3A_3855 = arith.index_cast %get3A_3854 : i32 to index
    %get3A_3856 = arith.constant 112 : index
    %get3A_3857 = tpu.vector_load %arg16[%get3A_3855, %get3A_3856] {strides = array<i32>} : memref<24x128xf32, #tpu.memory_space<vmem>>, vector<16xf32>,
    %get3A_3858 = arith.constant 15 : i32
    %get3A_3859 = arith.index_cast %get3A_3858 : i32 to index
    %get3A_3860 = arith.constant 112 : index
    %get3A_3861 = tpu.vector_load %arg16[%get3A_3859, %get3A_3860] {strides = array<i32>} : memref<24x128xf32, #tpu.memory_space<vmem>>, vector<16xf32>,
    %get3A_3862 = arith.constant 23 : i32
    %get3A_3863 = arith.index_cast %get3A_3862 : i32 to index
    %get3A_3864 = arith.constant 112 : index
    %get3A_3865 = tpu.vector_load %arg16[%get3A_3863, %get3A_3864] {strides = array<i32>} : memref<24x128xf32, #tpu.memory_space<vmem>>, vector<16xf32>,
    %get3A_3866 = arith.constant 7 : i32
    %get3A_3867 = arith.index_cast %get3A_3866 : i32 to index
    %get3A_3868 = arith.constant 112 : index
    %get3A_3869 = tpu.vector_load %arg17[%get3A_3867, %get3A_3868] {strides = array<i32>} : memref<16x128xf32, #tpu.memory_space<vmem>>, vector<16xf32>,
    %get3A_3870 = arith.constant 15 : i32
    %get3A_3871 = arith.index_cast %get3A_3870 : i32 to index
    %get3A_3872 = arith.constant 112 : index
    %get3A_3873 = tpu.vector_load %arg17[%get3A_3871, %get3A_3872] {strides = array<i32>} : memref<16x128xf32, #tpu.memory_space<vmem>>, vector<16xf32>,
    %get3A_3874 = arith.constant 63 : i32
    %get3A_3875 = arith.index_cast %get3A_3874 : i32 to index
    %get3A_3876 = arith.constant 0 : index
    %get3A_3877 = tpu.vector_load %arg20[%get3A_3875, %get3A_3876] {strides = array<i32>} : memref<64x16xf32, #tpu.memory_space<vmem>>, vector<16xf32>,
    %get3A_3878 = arith.constant 63 : i32
    %get3A_3879 = arith.index_cast %get3A_3878 : i32 to index
    %get3A_3880 = arith.constant 0 : index
    %get3A_3881 = tpu.vector_load %arg21[%get3A_3879, %get3A_3880] {strides = array<i32>} : memref<64x16xf32, #tpu.memory_space<vmem>>, vector<16xf32>,
    %gather3A_3882 = tpu.vector_load_idx %arg22[%add3A_3853, %broadcast_in_dim3A_3486] : memref<128x16xf32, #tpu.memory_space<vmem>>[vector<16xi32>, vector<16xi32>], vector<16xf32>,
    %gather3A_3883 = tpu.vector_load_idx %arg23[%add3A_3853, %broadcast_in_dim3A_3486] : memref<128x16xf32, #tpu.memory_space<vmem>>[vector<16xi32>, vector<16xi32>], vector<16xf32>,
    %mul3A_3884 = arith.mulf %gather3A_3882, %get3A_3877 : vector<16xf32>
    %sub3A_3885 = arith.constant 1.000000e+00 : f32
    %sub3A_3886 = vector.broadcast %sub3A_3885 : f32 to vector<16xf32>
    %sub3A_3887 = arith.subf %sub3A_3886, %mul3A_3884 : vector<16xf32>
    %mul3A_3888 = arith.mulf %gather3A_3883, %get3A_3881 : vector<16xf32>
    %sub3A_3889 = arith.constant 1.000000e+00 : f32
    %sub3A_3890 = vector.broadcast %sub3A_3889 : f32 to vector<16xf32>
    %sub3A_3891 = arith.subf %sub3A_3890, %mul3A_3888 : vector<16xf32>
    %sub3A_3892 = arith.subf %get3A_3857, %get3A_3861 : vector<16xf32>
    %mul3A_3893 = arith.mulf %sub3A_3892, %sub3A_3887 : vector<16xf32>
    %add3A_3894 = arith.addf %mul3A_3893, %get3A_3869 : vector<16xf32>
    %mul3A_3895 = arith.mulf %get3A_3857, %sub3A_3887 : vector<16xf32>
    %mul3A_3896 = arith.mulf %get3A_3865, %sub3A_3891 : vector<16xf32>
    %sub3A_3897 = arith.subf %mul3A_3895, %mul3A_3896 : vector<16xf32>
    %add3A_3898 = arith.addf %sub3A_3897, %get3A_3873 : vector<16xf32>
    %abs3A_3899 = math.absf %add3A_3894 : vector<16xf32>
    %add3A_3900 = arith.addf %add3A_3848, %abs3A_3899 : vector<16xf32>
    %abs3A_3901 = math.absf %add3A_3898 : vector<16xf32>
    %add3A_3902 = arith.addf %add3A_3850, %abs3A_3901 : vector<16xf32>
    %swap3A_3903 = arith.constant 0 : i32
    %swap3A_3904 = arith.index_cast %swap3A_3903 : i32 to index
    %swap3A_3905 = arith.constant 0 : index
    %swap3A_3906 = tpu.vector_load %arg28[%swap3A_3904, %swap3A_3905] {strides = array<i32>} : memref<2x16xf32, #tpu.memory_space<vmem>>, vector<16xf32>,
    tpu.vector_store %arg28[%swap3A_3904, %swap3A_3905], %add3A_3900 {strides = array<i32>} : memref<2x16xf32, #tpu.memory_space<vmem>>, vector<16xf32>,
    %swap3A_3907 = arith.constant 1 : i32
    %swap3A_3908 = arith.index_cast %swap3A_3907 : i32 to index
    %swap3A_3909 = arith.constant 0 : index
    %swap3A_3910 = tpu.vector_load %arg28[%swap3A_3908, %swap3A_3909] {strides = array<i32>} : memref<2x16xf32, #tpu.memory_space<vmem>>, vector<16xf32>,
    tpu.vector_store %arg28[%swap3A_3908, %swap3A_3909], %add3A_3902 {strides = array<i32>} : memref<2x16xf32, #tpu.memory_space<vmem>>, vector<16xf32>,
    "tpu.region"() ({
      %run_scoped3A = tpu.sem_alloc : memref<!tpu.dma_semaphore, #tpu.memory_space<semaphore_mem>>
      %dma_start3A_3917 = arith.constant 0 : i32
      %dma_start3A_3918 = arith.constant 0 : i32
      %dma_start3A_3919 = tpu.memref_slice %arg31[%arg1, %dma_start3A_3917, %dma_start3A_3918] : memref<16x2x16xf32, #tpu.memory_space<vmem_shared>> -> memref<1x2x16xf32, #tpu.memory_space<vmem_shared>>
      %dma_start3A_3920 = tpu.memref_squeeze %dma_start3A_3919 : memref<1x2x16xf32, #tpu.memory_space<vmem_shared>> -> memref<2x16xf32, #tpu.memory_space<vmem_shared>>
      %dma_start3A_3921 = arith.constant 0 : i32
      %dma_start3A_3922 = arith.constant 0 : i32
      %dma_start3A_3923 = tpu.memref_slice %arg31[%arg1, %dma_start3A_3921, %dma_start3A_3922] : memref<16x2x16xf32, #tpu.memory_space<vmem_shared>> -> memref<1x2x16xf32, #tpu.memory_space<vmem_shared>>
      %dma_start3A_3924 = tpu.memref_squeeze %dma_start3A_3923 : memref<1x2x16xf32, #tpu.memory_space<vmem_shared>> -> memref<2x16xf32, #tpu.memory_space<vmem_shared>>
      tpu.enqueue_dma source(%arg28 : memref<2x16xf32, #tpu.memory_space<vmem>>) target(%dma_start3A_3924 : memref<2x16xf32, #tpu.memory_space<vmem_shared>>) target_semaphore(%run_scoped3A : memref<!tpu.dma_semaphore, #tpu.memory_space<semaphore_mem>>)
      %dma_wait3A_3925 = arith.constant 0 : i32
      %dma_wait3A_3926 = arith.constant 0 : i32
      %dma_wait3A_3927 = tpu.memref_slice %arg31[%arg1, %dma_wait3A_3925, %dma_wait3A_3926] : memref<16x2x16xf32, #tpu.memory_space<vmem_shared>> -> memref<1x2x16xf32, #tpu.memory_space<vmem_shared>>
      %dma_wait3A_3928 = tpu.memref_squeeze %dma_wait3A_3927 : memref<1x2x16xf32, #tpu.memory_space<vmem_shared>> -> memref<2x16xf32, #tpu.memory_space<vmem_shared>>
      %dma_wait3A_3929 = arith.constant 0 : i32
      %dma_wait3A_3930 = arith.constant 0 : i32
      %dma_wait3A_3931 = tpu.memref_slice %arg31[%arg1, %dma_wait3A_3929, %dma_wait3A_3930] : memref<16x2x16xf32, #tpu.memory_space<vmem_shared>> -> memref<1x2x16xf32, #tpu.memory_space<vmem_shared>>
      %dma_wait3A_3932 = tpu.memref_squeeze %dma_wait3A_3931 : memref<1x2x16xf32, #tpu.memory_space<vmem_shared>> -> memref<2x16xf32, #tpu.memory_space<vmem_shared>>
      tpu.wait_dma2 semaphore(%run_scoped3A : memref<!tpu.dma_semaphore, #tpu.memory_space<semaphore_mem>>) src(%arg28 : memref<2x16xf32, #tpu.memory_space<vmem>>) dst(%dma_wait3A_3932 : memref<2x16xf32, #tpu.memory_space<vmem_shared>>)
      tpu.yield
    }) : () -> ()
    %barrier3A = arith.constant 0 : index
    tpu.barrier barrier_id(%barrier3A)
    %eq3A_3911 = arith.constant 0 : i32
    %eq3A_3912 = arith.cmpi eq, %arg0, %eq3A_3911 : i32
    %eq3A_3913 = arith.constant 0 : i32
    %eq3A_3914 = arith.cmpi eq, %arg1, %eq3A_3913 : i32
    %and3A_3915 = arith.andi %eq3A_3912, %eq3A_3914 : i1
    %convert_element_type3A = arith.extui %and3A_3915 : i1 to i32
    %cond3A = arith.constant 0 : i32
    %cond3A_3916 = arith.cmpi ne, %convert_element_type3A, %cond3A : i32
    scf.if %cond3A_3916 {
      "tpu.region"() ({
        %run_scoped3A = tpu.sem_alloc : memref<!tpu.dma_semaphore, #tpu.memory_space<semaphore_mem>>
        tpu.enqueue_dma source(%arg31 : memref<16x2x16xf32, #tpu.memory_space<vmem_shared>>) target(%arg29 : memref<16x2x16xf32, #tpu.memory_space<vmem>>) target_semaphore(%run_scoped3A : memref<!tpu.dma_semaphore, #tpu.memory_space<semaphore_mem>>)
        tpu.wait_dma2 semaphore(%run_scoped3A : memref<!tpu.dma_semaphore, #tpu.memory_space<semaphore_mem>>) src(%arg31 : memref<16x2x16xf32, #tpu.memory_space<vmem_shared>>) dst(%arg29 : memref<16x2x16xf32, #tpu.memory_space<vmem>>)
        tpu.yield
      }) : () -> ()
      %get3A_3917 = arith.constant 0 : i32
      %get3A_3918 = arith.constant 0 : i32
      %get3A_3919 = arith.index_cast %get3A_3917 : i32 to index
      %get3A_3920 = arith.index_cast %get3A_3918 : i32 to index
      %get3A_3921 = arith.constant 0 : index
      %get3A_3922 = tpu.vector_load %arg29[%get3A_3919, %get3A_3920, %get3A_3921] {strides = array<i32>} : memref<16x2x16xf32, #tpu.memory_space<vmem>>, vector<16xf32>,
      %add3A_3923 = arith.addf %broadcast_in_dim3A_551, %get3A_3922 : vector<16xf32>
      %get3A_3924 = arith.constant 0 : i32
      %get3A_3925 = arith.constant 1 : i32
      %get3A_3926 = arith.index_cast %get3A_3924 : i32 to index
      %get3A_3927 = arith.index_cast %get3A_3925 : i32 to index
      %get3A_3928 = arith.constant 0 : index
      %get3A_3929 = tpu.vector_load %arg29[%get3A_3926, %get3A_3927, %get3A_3928] {strides = array<i32>} : memref<16x2x16xf32, #tpu.memory_space<vmem>>, vector<16xf32>,
      %add3A_3930 = arith.addf %broadcast_in_dim3A_551, %get3A_3929 : vector<16xf32>
      %get3A_3931 = arith.constant 1 : i32
      %get3A_3932 = arith.constant 0 : i32
      %get3A_3933 = arith.index_cast %get3A_3931 : i32 to index
      %get3A_3934 = arith.index_cast %get3A_3932 : i32 to index
      %get3A_3935 = arith.constant 0 : index
      %get3A_3936 = tpu.vector_load %arg29[%get3A_3933, %get3A_3934, %get3A_3935] {strides = array<i32>} : memref<16x2x16xf32, #tpu.memory_space<vmem>>, vector<16xf32>,
      %add3A_3937 = arith.addf %add3A_3923, %get3A_3936 : vector<16xf32>
      %get3A_3938 = arith.constant 1 : i32
      %get3A_3939 = arith.constant 1 : i32
      %get3A_3940 = arith.index_cast %get3A_3938 : i32 to index
      %get3A_3941 = arith.index_cast %get3A_3939 : i32 to index
      %get3A_3942 = arith.constant 0 : index
      %get3A_3943 = tpu.vector_load %arg29[%get3A_3940, %get3A_3941, %get3A_3942] {strides = array<i32>} : memref<16x2x16xf32, #tpu.memory_space<vmem>>, vector<16xf32>,
      %add3A_3944 = arith.addf %add3A_3930, %get3A_3943 : vector<16xf32>
      %get3A_3945 = arith.constant 2 : i32
      %get3A_3946 = arith.constant 0 : i32
      %get3A_3947 = arith.index_cast %get3A_3945 : i32 to index
      %get3A_3948 = arith.index_cast %get3A_3946 : i32 to index
      %get3A_3949 = arith.constant 0 : index
      %get3A_3950 = tpu.vector_load %arg29[%get3A_3947, %get3A_3948, %get3A_3949] {strides = array<i32>} : memref<16x2x16xf32, #tpu.memory_space<vmem>>, vector<16xf32>,
      %add3A_3951 = arith.addf %add3A_3937, %get3A_3950 : vector<16xf32>
      %get3A_3952 = arith.constant 2 : i32
      %get3A_3953 = arith.constant 1 : i32
      %get3A_3954 = arith.index_cast %get3A_3952 : i32 to index
      %get3A_3955 = arith.index_cast %get3A_3953 : i32 to index
      %get3A_3956 = arith.constant 0 : index
      %get3A_3957 = tpu.vector_load %arg29[%get3A_3954, %get3A_3955, %get3A_3956] {strides = array<i32>} : memref<16x2x16xf32, #tpu.memory_space<vmem>>, vector<16xf32>,
      %add3A_3958 = arith.addf %add3A_3944, %get3A_3957 : vector<16xf32>
      %get3A_3959 = arith.constant 3 : i32
      %get3A_3960 = arith.constant 0 : i32
      %get3A_3961 = arith.index_cast %get3A_3959 : i32 to index
      %get3A_3962 = arith.index_cast %get3A_3960 : i32 to index
      %get3A_3963 = arith.constant 0 : index
      %get3A_3964 = tpu.vector_load %arg29[%get3A_3961, %get3A_3962, %get3A_3963] {strides = array<i32>} : memref<16x2x16xf32, #tpu.memory_space<vmem>>, vector<16xf32>,
      %add3A_3965 = arith.addf %add3A_3951, %get3A_3964 : vector<16xf32>
      %get3A_3966 = arith.constant 3 : i32
      %get3A_3967 = arith.constant 1 : i32
      %get3A_3968 = arith.index_cast %get3A_3966 : i32 to index
      %get3A_3969 = arith.index_cast %get3A_3967 : i32 to index
      %get3A_3970 = arith.constant 0 : index
      %get3A_3971 = tpu.vector_load %arg29[%get3A_3968, %get3A_3969, %get3A_3970] {strides = array<i32>} : memref<16x2x16xf32, #tpu.memory_space<vmem>>, vector<16xf32>,
      %add3A_3972 = arith.addf %add3A_3958, %get3A_3971 : vector<16xf32>
      %get3A_3973 = arith.constant 4 : i32
      %get3A_3974 = arith.constant 0 : i32
      %get3A_3975 = arith.index_cast %get3A_3973 : i32 to index
      %get3A_3976 = arith.index_cast %get3A_3974 : i32 to index
      %get3A_3977 = arith.constant 0 : index
      %get3A_3978 = tpu.vector_load %arg29[%get3A_3975, %get3A_3976, %get3A_3977] {strides = array<i32>} : memref<16x2x16xf32, #tpu.memory_space<vmem>>, vector<16xf32>,
      %add3A_3979 = arith.addf %add3A_3965, %get3A_3978 : vector<16xf32>
      %get3A_3980 = arith.constant 4 : i32
      %get3A_3981 = arith.constant 1 : i32
      %get3A_3982 = arith.index_cast %get3A_3980 : i32 to index
      %get3A_3983 = arith.index_cast %get3A_3981 : i32 to index
      %get3A_3984 = arith.constant 0 : index
      %get3A_3985 = tpu.vector_load %arg29[%get3A_3982, %get3A_3983, %get3A_3984] {strides = array<i32>} : memref<16x2x16xf32, #tpu.memory_space<vmem>>, vector<16xf32>,
      %add3A_3986 = arith.addf %add3A_3972, %get3A_3985 : vector<16xf32>
      %get3A_3987 = arith.constant 5 : i32
      %get3A_3988 = arith.constant 0 : i32
      %get3A_3989 = arith.index_cast %get3A_3987 : i32 to index
      %get3A_3990 = arith.index_cast %get3A_3988 : i32 to index
      %get3A_3991 = arith.constant 0 : index
      %get3A_3992 = tpu.vector_load %arg29[%get3A_3989, %get3A_3990, %get3A_3991] {strides = array<i32>} : memref<16x2x16xf32, #tpu.memory_space<vmem>>, vector<16xf32>,
      %add3A_3993 = arith.addf %add3A_3979, %get3A_3992 : vector<16xf32>
      %get3A_3994 = arith.constant 5 : i32
      %get3A_3995 = arith.constant 1 : i32
      %get3A_3996 = arith.index_cast %get3A_3994 : i32 to index
      %get3A_3997 = arith.index_cast %get3A_3995 : i32 to index
      %get3A_3998 = arith.constant 0 : index
      %get3A_3999 = tpu.vector_load %arg29[%get3A_3996, %get3A_3997, %get3A_3998] {strides = array<i32>} : memref<16x2x16xf32, #tpu.memory_space<vmem>>, vector<16xf32>,
      %add3A_4000 = arith.addf %add3A_3986, %get3A_3999 : vector<16xf32>
      %get3A_4001 = arith.constant 6 : i32
      %get3A_4002 = arith.constant 0 : i32
      %get3A_4003 = arith.index_cast %get3A_4001 : i32 to index
      %get3A_4004 = arith.index_cast %get3A_4002 : i32 to index
      %get3A_4005 = arith.constant 0 : index
      %get3A_4006 = tpu.vector_load %arg29[%get3A_4003, %get3A_4004, %get3A_4005] {strides = array<i32>} : memref<16x2x16xf32, #tpu.memory_space<vmem>>, vector<16xf32>,
      %add3A_4007 = arith.addf %add3A_3993, %get3A_4006 : vector<16xf32>
      %get3A_4008 = arith.constant 6 : i32
      %get3A_4009 = arith.constant 1 : i32
      %get3A_4010 = arith.index_cast %get3A_4008 : i32 to index
      %get3A_4011 = arith.index_cast %get3A_4009 : i32 to index
      %get3A_4012 = arith.constant 0 : index
      %get3A_4013 = tpu.vector_load %arg29[%get3A_4010, %get3A_4011, %get3A_4012] {strides = array<i32>} : memref<16x2x16xf32, #tpu.memory_space<vmem>>, vector<16xf32>,
      %add3A_4014 = arith.addf %add3A_4000, %get3A_4013 : vector<16xf32>
      %get3A_4015 = arith.constant 7 : i32
      %get3A_4016 = arith.constant 0 : i32
      %get3A_4017 = arith.index_cast %get3A_4015 : i32 to index
      %get3A_4018 = arith.index_cast %get3A_4016 : i32 to index
      %get3A_4019 = arith.constant 0 : index
      %get3A_4020 = tpu.vector_load %arg29[%get3A_4017, %get3A_4018, %get3A_4019] {strides = array<i32>} : memref<16x2x16xf32, #tpu.memory_space<vmem>>, vector<16xf32>,
      %add3A_4021 = arith.addf %add3A_4007, %get3A_4020 : vector<16xf32>
      %get3A_4022 = arith.constant 7 : i32
      %get3A_4023 = arith.constant 1 : i32
      %get3A_4024 = arith.index_cast %get3A_4022 : i32 to index
      %get3A_4025 = arith.index_cast %get3A_4023 : i32 to index
      %get3A_4026 = arith.constant 0 : index
      %get3A_4027 = tpu.vector_load %arg29[%get3A_4024, %get3A_4025, %get3A_4026] {strides = array<i32>} : memref<16x2x16xf32, #tpu.memory_space<vmem>>, vector<16xf32>,
      %add3A_4028 = arith.addf %add3A_4014, %get3A_4027 : vector<16xf32>
      %get3A_4029 = arith.constant 8 : i32
      %get3A_4030 = arith.constant 0 : i32
      %get3A_4031 = arith.index_cast %get3A_4029 : i32 to index
      %get3A_4032 = arith.index_cast %get3A_4030 : i32 to index
      %get3A_4033 = arith.constant 0 : index
      %get3A_4034 = tpu.vector_load %arg29[%get3A_4031, %get3A_4032, %get3A_4033] {strides = array<i32>} : memref<16x2x16xf32, #tpu.memory_space<vmem>>, vector<16xf32>,
      %add3A_4035 = arith.addf %add3A_4021, %get3A_4034 : vector<16xf32>
      %get3A_4036 = arith.constant 8 : i32
      %get3A_4037 = arith.constant 1 : i32
      %get3A_4038 = arith.index_cast %get3A_4036 : i32 to index
      %get3A_4039 = arith.index_cast %get3A_4037 : i32 to index
      %get3A_4040 = arith.constant 0 : index
      %get3A_4041 = tpu.vector_load %arg29[%get3A_4038, %get3A_4039, %get3A_4040] {strides = array<i32>} : memref<16x2x16xf32, #tpu.memory_space<vmem>>, vector<16xf32>,
      %add3A_4042 = arith.addf %add3A_4028, %get3A_4041 : vector<16xf32>
      %get3A_4043 = arith.constant 9 : i32
      %get3A_4044 = arith.constant 0 : i32
      %get3A_4045 = arith.index_cast %get3A_4043 : i32 to index
      %get3A_4046 = arith.index_cast %get3A_4044 : i32 to index
      %get3A_4047 = arith.constant 0 : index
      %get3A_4048 = tpu.vector_load %arg29[%get3A_4045, %get3A_4046, %get3A_4047] {strides = array<i32>} : memref<16x2x16xf32, #tpu.memory_space<vmem>>, vector<16xf32>,
      %add3A_4049 = arith.addf %add3A_4035, %get3A_4048 : vector<16xf32>
      %get3A_4050 = arith.constant 9 : i32
      %get3A_4051 = arith.constant 1 : i32
      %get3A_4052 = arith.index_cast %get3A_4050 : i32 to index
      %get3A_4053 = arith.index_cast %get3A_4051 : i32 to index
      %get3A_4054 = arith.constant 0 : index
      %get3A_4055 = tpu.vector_load %arg29[%get3A_4052, %get3A_4053, %get3A_4054] {strides = array<i32>} : memref<16x2x16xf32, #tpu.memory_space<vmem>>, vector<16xf32>,
      %add3A_4056 = arith.addf %add3A_4042, %get3A_4055 : vector<16xf32>
      %get3A_4057 = arith.constant 10 : i32
      %get3A_4058 = arith.constant 0 : i32
      %get3A_4059 = arith.index_cast %get3A_4057 : i32 to index
      %get3A_4060 = arith.index_cast %get3A_4058 : i32 to index
      %get3A_4061 = arith.constant 0 : index
      %get3A_4062 = tpu.vector_load %arg29[%get3A_4059, %get3A_4060, %get3A_4061] {strides = array<i32>} : memref<16x2x16xf32, #tpu.memory_space<vmem>>, vector<16xf32>,
      %add3A_4063 = arith.addf %add3A_4049, %get3A_4062 : vector<16xf32>
      %get3A_4064 = arith.constant 10 : i32
      %get3A_4065 = arith.constant 1 : i32
      %get3A_4066 = arith.index_cast %get3A_4064 : i32 to index
      %get3A_4067 = arith.index_cast %get3A_4065 : i32 to index
      %get3A_4068 = arith.constant 0 : index
      %get3A_4069 = tpu.vector_load %arg29[%get3A_4066, %get3A_4067, %get3A_4068] {strides = array<i32>} : memref<16x2x16xf32, #tpu.memory_space<vmem>>, vector<16xf32>,
      %add3A_4070 = arith.addf %add3A_4056, %get3A_4069 : vector<16xf32>
      %get3A_4071 = arith.constant 11 : i32
      %get3A_4072 = arith.constant 0 : i32
      %get3A_4073 = arith.index_cast %get3A_4071 : i32 to index
      %get3A_4074 = arith.index_cast %get3A_4072 : i32 to index
      %get3A_4075 = arith.constant 0 : index
      %get3A_4076 = tpu.vector_load %arg29[%get3A_4073, %get3A_4074, %get3A_4075] {strides = array<i32>} : memref<16x2x16xf32, #tpu.memory_space<vmem>>, vector<16xf32>,
      %add3A_4077 = arith.addf %add3A_4063, %get3A_4076 : vector<16xf32>
      %get3A_4078 = arith.constant 11 : i32
      %get3A_4079 = arith.constant 1 : i32
      %get3A_4080 = arith.index_cast %get3A_4078 : i32 to index
      %get3A_4081 = arith.index_cast %get3A_4079 : i32 to index
      %get3A_4082 = arith.constant 0 : index
      %get3A_4083 = tpu.vector_load %arg29[%get3A_4080, %get3A_4081, %get3A_4082] {strides = array<i32>} : memref<16x2x16xf32, #tpu.memory_space<vmem>>, vector<16xf32>,
      %add3A_4084 = arith.addf %add3A_4070, %get3A_4083 : vector<16xf32>
      %get3A_4085 = arith.constant 12 : i32
      %get3A_4086 = arith.constant 0 : i32
      %get3A_4087 = arith.index_cast %get3A_4085 : i32 to index
      %get3A_4088 = arith.index_cast %get3A_4086 : i32 to index
      %get3A_4089 = arith.constant 0 : index
      %get3A_4090 = tpu.vector_load %arg29[%get3A_4087, %get3A_4088, %get3A_4089] {strides = array<i32>} : memref<16x2x16xf32, #tpu.memory_space<vmem>>, vector<16xf32>,
      %add3A_4091 = arith.addf %add3A_4077, %get3A_4090 : vector<16xf32>
      %get3A_4092 = arith.constant 12 : i32
      %get3A_4093 = arith.constant 1 : i32
      %get3A_4094 = arith.index_cast %get3A_4092 : i32 to index
      %get3A_4095 = arith.index_cast %get3A_4093 : i32 to index
      %get3A_4096 = arith.constant 0 : index
      %get3A_4097 = tpu.vector_load %arg29[%get3A_4094, %get3A_4095, %get3A_4096] {strides = array<i32>} : memref<16x2x16xf32, #tpu.memory_space<vmem>>, vector<16xf32>,
      %add3A_4098 = arith.addf %add3A_4084, %get3A_4097 : vector<16xf32>
      %get3A_4099 = arith.constant 13 : i32
      %get3A_4100 = arith.constant 0 : i32
      %get3A_4101 = arith.index_cast %get3A_4099 : i32 to index
      %get3A_4102 = arith.index_cast %get3A_4100 : i32 to index
      %get3A_4103 = arith.constant 0 : index
      %get3A_4104 = tpu.vector_load %arg29[%get3A_4101, %get3A_4102, %get3A_4103] {strides = array<i32>} : memref<16x2x16xf32, #tpu.memory_space<vmem>>, vector<16xf32>,
      %add3A_4105 = arith.addf %add3A_4091, %get3A_4104 : vector<16xf32>
      %get3A_4106 = arith.constant 13 : i32
      %get3A_4107 = arith.constant 1 : i32
      %get3A_4108 = arith.index_cast %get3A_4106 : i32 to index
      %get3A_4109 = arith.index_cast %get3A_4107 : i32 to index
      %get3A_4110 = arith.constant 0 : index
      %get3A_4111 = tpu.vector_load %arg29[%get3A_4108, %get3A_4109, %get3A_4110] {strides = array<i32>} : memref<16x2x16xf32, #tpu.memory_space<vmem>>, vector<16xf32>,
      %add3A_4112 = arith.addf %add3A_4098, %get3A_4111 : vector<16xf32>
      %get3A_4113 = arith.constant 14 : i32
      %get3A_4114 = arith.constant 0 : i32
      %get3A_4115 = arith.index_cast %get3A_4113 : i32 to index
      %get3A_4116 = arith.index_cast %get3A_4114 : i32 to index
      %get3A_4117 = arith.constant 0 : index
      %get3A_4118 = tpu.vector_load %arg29[%get3A_4115, %get3A_4116, %get3A_4117] {strides = array<i32>} : memref<16x2x16xf32, #tpu.memory_space<vmem>>, vector<16xf32>,
      %add3A_4119 = arith.addf %add3A_4105, %get3A_4118 : vector<16xf32>
      %get3A_4120 = arith.constant 14 : i32
      %get3A_4121 = arith.constant 1 : i32
      %get3A_4122 = arith.index_cast %get3A_4120 : i32 to index
      %get3A_4123 = arith.index_cast %get3A_4121 : i32 to index
      %get3A_4124 = arith.constant 0 : index
      %get3A_4125 = tpu.vector_load %arg29[%get3A_4122, %get3A_4123, %get3A_4124] {strides = array<i32>} : memref<16x2x16xf32, #tpu.memory_space<vmem>>, vector<16xf32>,
      %add3A_4126 = arith.addf %add3A_4112, %get3A_4125 : vector<16xf32>
      %get3A_4127 = arith.constant 15 : i32
      %get3A_4128 = arith.constant 0 : i32
      %get3A_4129 = arith.index_cast %get3A_4127 : i32 to index
      %get3A_4130 = arith.index_cast %get3A_4128 : i32 to index
      %get3A_4131 = arith.constant 0 : index
      %get3A_4132 = tpu.vector_load %arg29[%get3A_4129, %get3A_4130, %get3A_4131] {strides = array<i32>} : memref<16x2x16xf32, #tpu.memory_space<vmem>>, vector<16xf32>,
      %add3A_4133 = arith.addf %add3A_4119, %get3A_4132 : vector<16xf32>
      %get3A_4134 = arith.constant 15 : i32
      %get3A_4135 = arith.constant 1 : i32
      %get3A_4136 = arith.index_cast %get3A_4134 : i32 to index
      %get3A_4137 = arith.index_cast %get3A_4135 : i32 to index
      %get3A_4138 = arith.constant 0 : index
      %get3A_4139 = tpu.vector_load %arg29[%get3A_4136, %get3A_4137, %get3A_4138] {strides = array<i32>} : memref<16x2x16xf32, #tpu.memory_space<vmem>>, vector<16xf32>,
      %add3A_4140 = arith.addf %add3A_4126, %get3A_4139 : vector<16xf32>
      %reduce_sum3A = arith.constant true
      %reduce_sum3A_4141 = vector.broadcast %reduce_sum3A : i1 to vector<16xi1>
      %reduce_sum3A_4142 = tpu.scan <sum>, %add3A_4133 masked %reduce_sum3A_4141 : vector<16xf32>, vector<16xi1> -> vector<16xf32>
      %reduce_sum3A_4143 = vector.extract %reduce_sum3A_4142[15] : f32 from vector<16xf32>
      %reduce_sum3A_4144 = arith.constant true
      %reduce_sum3A_4145 = vector.broadcast %reduce_sum3A_4144 : i1 to vector<16xi1>
      %reduce_sum3A_4146 = tpu.scan <sum>, %add3A_4140 masked %reduce_sum3A_4145 : vector<16xf32>, vector<16xi1> -> vector<16xf32>
      %reduce_sum3A_4147 = vector.extract %reduce_sum3A_4146[15] : f32 from vector<16xf32>
      %mul3A_4148 = arith.mulf %reduce_sum3A_4147, %reduce_sum3A_4147 : f32
      %mul3A_4149 = arith.mulf %reduce_sum3A_4143, %reduce_sum3A_4143 : f32
      %sub3A_4150 = arith.subf %mul3A_4148, %mul3A_4149 : f32
      %add3A_4151 = arith.constant 1.000000e+00 : f32
      %add3A_4152 = arith.addf %sub3A_4150, %add3A_4151 : f32
      %max3A = arith.constant 0.000000e+00 : f32
      %max3A_4153 = arith.maximumf %max3A, %add3A_4152 : f32
      %broadcast_in_dim3A_4154 = vector.broadcast %max3A_4153 : f32 to vector<16xf32>
      %swap3A_4155 = arith.constant 0 : index
      %swap3A_4156 = tpu.vector_load %arg30[%swap3A_4155] {strides = array<i32>} : memref<16xf32, #tpu.memory_space<vmem>>, vector<16xf32>,
      tpu.vector_store %arg30[%swap3A_4155], %broadcast_in_dim3A_4154 {strides = array<i32>} : memref<16xf32, #tpu.memory_space<vmem>>, vector<16xf32>,
      "tpu.region"() ({
        %run_scoped3A = tpu.sem_alloc : memref<!tpu.dma_semaphore, #tpu.memory_space<semaphore_mem>>
        tpu.enqueue_dma source(%arg30 : memref<16xf32, #tpu.memory_space<vmem>>) target(%arg10 : memref<16xf32, #tpu.memory_space<hbm>>) target_semaphore(%run_scoped3A : memref<!tpu.dma_semaphore, #tpu.memory_space<semaphore_mem>>)
        tpu.wait_dma2 semaphore(%run_scoped3A : memref<!tpu.dma_semaphore, #tpu.memory_space<semaphore_mem>>) src(%arg30 : memref<16xf32, #tpu.memory_space<vmem>>) dst(%arg10 : memref<16xf32, #tpu.memory_space<hbm>>)
        tpu.yield
      }) : () -> ()
    } else {
    }
    return
  }
}

</mosaic_0001>

<sc_bundles>
// kernel: kernel.3.cloned.1.call-start
scs
__scs_entry_jumppad:
0x0: {  	(pc) =	sbr.rel $0x88, $3  }
0x1: {  	(tag) =	ssettag $0x0;
	lr =	simm.s32 $0x1  }
0x2: {  	[smem:$0x3F99] =	sst lr;
	_ =	strace $0xD0000000  }
0x3: {  	_ = 	snop  }
0x4: {  	_ = 	snop  }
0x5: {  	_ = 	snop  }
0x6: {  	_ = 	snop  }
0x7: {  	_ = 	snop  }
__scs_overlays_trampoline_lowered:
0x8: {  	[smem:$0x3FA8] =	sst s0  }
0x9: {  	[smem:$0x3FA9] =	sst s1  }
0xa: {  	[smem:$0x3FAA] =	sst s2  }
0xb: {  	[smem:$0x3FAB] =	sst s3  }
0xc: {  	[smem:$0x3FAC] =	sst s4  }
0xd: {  	[smem:$0x3FAD] =	sst s5  }
0xe: {  	[smem:$0x3FAE] =	sst s6  }
0xf: {  	[smem:$0x3FAF] =	sst s7  }
0x10: {  	[smem:$0x3FB0] =	sst s8  }
0x11: {  	[smem:$0x3FB1] =	sst s9;
	s0 =	simm.s32 @!p0 $0x0  }
0x12: {  	s1 =	sld [smem:$0x3F97];
	s0 =	simm.s32 @p0 $0x1  }
0x13: {  	[smem:$0x3FB2] =	sst s0;
	s0 =	simm.s32 @!p1 $0x0  }
0x14: {  	s2 =	sld [smem:$0x3F96];
	s0 =	simm.s32 @p1 $0x1  }
0x15: {  	[smem:$0x3FB3] =	sst s0;
	s0 =	simm.s32 @!p2 $0x0  }
0x16: {  	s3 =	sld [smem:$0x3FDB];
	s0 =	simm.s32 @p2 $0x1  }
0x17: {  	s4 =	simm.s32 $0x1BF5;
	[smem:$0x3FB5] =	sst s0  }
0x18: {  	s0 =	sld [smem:$0x3F98];
	_ =	swait.ge [sflag:s4], $0x0  }
0x19: {  	s7 =	sld [smem:$0x3F99]  }
0x1a: {  	s8 =	sadd.s32 $0xFFFFE003, lr  }
0x1b: {  	s9 =	sadd.s32 $0xFFFFFEF7, lr;
	s5 =	simm.s32 $0xFFFFFFFF;
	p2 =	slt.u32 s8, $0xFFFFF086  }
0x1c: {  	p1 =	slt.u32 s9, $0xF7A;
	s5 =	simm.s32 @!p2 $0x0  }
0x1d: {  	s5 =	simm.s32 @p1 $0x1;
	p0 =	seq.s32 s7, s2  }
0x1e: {  	s7 =	smul.u32 @!p0 $0xF7A, s2;
	p2 =	seq.s32 @!p0 s5, $0x0  }
0x1f: {  	s9 =	smul.u32 $0xF7A, s1;
	s8 =	simm.s32 @!p0 $0x1BF5;
	p2 =	por !p2, p0  }
0x20: {  	[sflag:s8] =	ssyncset.s32 @!p0 $0xFFFFF086;
	s6 =	sadd.s32 @!p0 s3, s7;
	s7 =	simm.s32 @!p0 $0x108  }
0x21: {  	s3 =	sadd.s32 s3, s9;
	s6 =	sadd.s32 @!p0 $0x88, s6;
	s7 =	simm.s32 @p2 $0x1082  }
0x22: {  	[simem:s7], [sflag:s8] =	dma.local @!p0 [hbm:s6], $0xF7A  }
0x23: {  	s9 =	sor.u32 $0xD0000000, s2;
	s6 =	simm.s32 $0x108;
	_ =	swait.ge @!p0 [sflag:s8], $0x0  }
0x24: {  	s3 =	sadd.s32 $0x88, s3;
	s6 =	simm.s32 @!p1 $0x1082;
	[sflag:s4] =	ssyncset.s32 $0xFFFFF086  }
0x25: {  	[simem:s6], [sflag:s4] =	dma.local [hbm:s3], $0xF7A  }
0x26: {  	[smem:$0x3F99] =	sst s1;
	(tag) =	ssettag s2;
	_ =	strace s9  }
0x27: {  	s1 =	sld [smem:$0x3FA9]  }
0x28: {  	s2 =	sld [smem:$0x3FAA]  }
0x29: {  	s4 =	sld [smem:$0x3FAC]  }
0x2a: {  	p0 =	seq.s32 s5, $0x0;
	s5 =	sld [smem:$0x3FAD]  }
0x2b: {  	s6 =	sld [smem:$0x3FAE]  }
0x2c: {  	s7 =	sld [smem:$0x3FAF]  }
0x2d: {  	s3 =	simm.s32 $0x108;
	s8 =	sld [smem:$0x3FB0]  }
0x2e: {  	s3 =	simm.s32 @!p0 $0x1082;
	s9 =	sld [smem:$0x3FB1]  }
0x2f: {  	lr =	sadd.s32 s0, s3;
	s0 =	sld [smem:$0x3FA8]  }
0x30: {  	s3 =	sld [smem:$0x3FAB]  }
0x31: {  	[smem:$0x3FB4] =	sst s10  }
0x32: {  	s10 =	sld [smem:$0x3FB2];
	_ =	sdelay $0x3  }
0x33: {  	p0 =	seq.s32 s10, $0x1;
	s10 =	sld [smem:$0x3FB4];
	_ =	sdelay $0x3  }
0x34: {  	[smem:$0x3FB4] =	sst s10  }
0x35: {  	s10 =	sld [smem:$0x3FB3];
	_ =	sdelay $0x3  }
0x36: {  	p1 =	seq.s32 s10, $0x1;
	s10 =	sld [smem:$0x3FB4];
	_ =	sdelay $0x3  }
0x37: {  	[smem:$0x3FB4] =	sst s10  }
0x38: {  	s10 =	sld [smem:$0x3FB5]  }
0x39: {  	_ = 	snop;
	(pc) =	sbr.ind lr, $3  }
0x3a: {  	_ = 	snop  }
0x3b: {  	_ = 	snop  }
0x3c: {  	p2 =	seq.s32 s10, $0x1;
	s10 =	sld [smem:$0x3FB4]  }
0x3d: {  	_ =	shalt  }
0x3e: {  	_ =	shalt  }
0x3f: {  	_ =	shalt  }
0x40: {  	_ =	shalt  }
0x41: {  	_ =	shalt  }
0x42: {  	_ =	shalt  }
0x43: {  	_ =	shalt  }
0x44: {  	_ =	shalt  }
0x45: {  	_ =	shalt  }
0x46: {  	_ =	shalt  }
0x47: {  	_ =	shalt  }
0x48: {  	_ =	shalt  }
0x49: {  	_ =	shalt  }
0x4a: {  	_ =	shalt  }
0x4b: {  	_ =	shalt  }
0x4c: {  	_ =	shalt  }
0x4d: {  	_ =	shalt  }
0x4e: {  	_ =	shalt  }
0x4f: {  	_ =	shalt  }
0x50: {  	_ =	shalt  }
0x51: {  	_ =	shalt  }
0x52: {  	_ =	shalt  }
0x53: {  	_ =	shalt  }
0x54: {  	_ =	shalt  }
0x55: {  	_ =	shalt  }
0x56: {  	_ =	shalt  }
0x57: {  	_ =	shalt  }
0x58: {  	_ =	shalt  }
0x59: {  	_ =	shalt  }
0x5a: {  	_ =	shalt  }
0x5b: {  	_ =	shalt  }
0x5c: {  	_ =	shalt  }
0x5d: {  	_ =	shalt  }
0x5e: {  	_ =	shalt  }
0x5f: {  	_ =	shalt  }
0x60: {  	_ =	shalt  }
0x61: {  	_ =	shalt  }
0x62: {  	_ =	shalt  }
0x63: {  	_ =	shalt  }
0x64: {  	_ =	shalt  }
0x65: {  	_ =	shalt  }
0x66: {  	_ =	shalt  }
0x67: {  	_ =	shalt  }
0x68: {  	_ =	shalt  }
0x69: {  	_ =	shalt  }
0x6a: {  	_ =	shalt  }
0x6b: {  	_ =	shalt  }
0x6c: {  	_ =	shalt  }
0x6d: {  	_ =	shalt  }
0x6e: {  	_ =	shalt  }
0x6f: {  	_ =	shalt  }
0x70: {  	_ =	shalt  }
0x71: {  	_ =	shalt  }
0x72: {  	_ =	shalt  }
0x73: {  	_ =	shalt  }
0x74: {  	_ =	shalt  }
0x75: {  	_ =	shalt  }
0x76: {  	_ =	shalt  }
0x77: {  	_ =	shalt  }
0x78: {  	_ =	shalt  }
0x79: {  	_ =	shalt  }
0x7a: {  	_ =	shalt  }
0x7b: {  	_ =	shalt  }
0x7c: {  	_ =	shalt  }
0x7d: {  	_ =	shalt  }
0x7e: {  	_ =	shalt  }
0x7f: {  	_ =	shalt  }
0x80: {  	_ =	shalt  }
0x81: {  	_ =	shalt  }
0x82: {  	_ =	shalt  }
0x83: {  	_ =	shalt  }
0x84: {  	_ =	shalt  }
0x85: {  	_ =	shalt  }
0x86: {  	_ =	shalt  }
0x87: {  	_ =	shalt  }
.Lfunc_end0:
.L_simem_size_0:
called_computation_lowered:
.L_overlay_start_0:
0x88: {  	s0 =	sld [smem:$0x3FD9]  }
0x89: {  	s1 =	sld [smem:$0x3FFE];
	_ =	sdelay $0x3  }
0x8a: {  	s0 =	sadd.s32 s1, s0  }
0x8b: {  	[smem:$0x3FC0] =	sst s0  }
0x8c: {  	_ = 	snop  }
0x8d: {  	s0 =	sld [smem:$0x3FC9]  }
0x8e: {  	s17 =	sld [smem:$0x3FC8]  }
0x8f: {  	s2 =	sld [smem:$0x3FC7]  }
0x90: {  	s3 =	sld [smem:$0x3FC6]  }
0x91: {  	s4 =	sld [smem:$0x3FC5]  }
0x92: {  	s5 =	sld [smem:$0x3FC4]  }
0x93: {  	s6 =	sld [smem:$0x3FC3]  }
0x94: {  	s7 =	sld [smem:$0x3FC2]  }
0x95: {  	s8 =	sld [smem:$0x3FD0];
	(tm) =	ssettm $0x1  }
0x96: {  	s9 =	sld [smem:$0x3FFB];
	_ =	sdelay $0x3  }
0x97: {  	_ =	strace s9  }
0x98: {  	s9 =	sld [smem:$0x3FFC];
	_ =	sdelay $0x3  }
0x99: {  	_ =	strace s9  }
0x9a: {  	s9 =	sld [smem:$0x3FFD];
	_ =	sdelay $0x3  }
0x9b: {  	_ =	strace s9  }
0x9c: {  	_ =	strace $0x8FFFFFFF  }
0x9d: {  	s18 =	sld [smem:$0x3FDB];
	_ =	sdelay $0x1  }
0x9e: {  	s10 =	simm.s32 $_scs_section_size  }
0x9f: {  	s11 =	simm.s32 $_size__tile_overlayer_lowered;
	s12 =	simm.s32 $_tile_overlayer_lowered  }
0xa0: {  	s21 =	simm.s32 $0x1BFF;
	s20 =	sshll.u32 s12, $0x1;
	s9 =	sadd.s32 s10, s18  }
0xa1: {  	s13 =	simm.s32 $0x0;
	s19 =	sshll.u32 s11, $0x1;
	s11 =	sadd.s32 s20, s9  }
0xa2: {  	[timem:s13], [sflag:s21] =	dma.local [hbm:s11], s19  }
0xa3: {  	_ =	swait.ge [sflag:s21], s19  }
0xa4: {  	s10 =	ssub.s32 $0x0, s19;
	[sflag:s21] =	ssyncset.done $0x0  }
0xa5: {  	[sflag:s21] =	ssyncadd.s32 s10;
	_ =	sdelay $0x1  }
0xa6: {  	s22 =	simm.s32 $0x1B8B  }
0xa7: {  	_ =	swait.ge [sflag:s22], $0x1  }
0xa8: {  	[sflag:s22] =	ssyncset.done $0x0  }
0xa9: {  	s23 =	simm.s32 $0x1B8E;
	[sflag:s22] =	ssyncadd.s32 $0xFFFFFFFF  }
0xaa: {  	s24 =	simm.s32 $execute0_lowered;
	[smem:$0x3FD2] =	sst s23  }
0xab: {  	s10 =	sshll.u32 s24, $0x1;
	_ =	strace $0x80000046;
	[dreg:$0x1] =	wrdreg $0xFFFFFFFF  }
0xac: {  	s25 =	simm.s32 $_size_execute0_lowered;
	s9 =	sadd.s32 s9, s10;
	[dreg:$0x0] =	wrdreg $0x0  }
0xad: {  	s10 =	sshll.u32 s25, $0x1;
	[dreg:$0x2] =	wrdreg s9  }
0xae: {  	[dreg:$0x3] =	wrdreg s10  }
0xaf: {  	[dreg:$0x4] =	wrdreg $0xC0  }
0xb0: {  	_ =	task [dreg:s13], $0x5FFFF  }
0xb1: {  	[dreg:$0x1] =	wrdreg $0xFFFFFFFF  }
0xb2: {  	[dreg:$0x0] =	wrdreg $0x60  }
0xb3: {  	[dreg:$0x2] =	wrdreg s0  }
0xb4: {  	[dreg:$0x3] =	wrdreg s17  }
0xb5: {  	[dreg:$0x4] =	wrdreg s2  }
0xb6: {  	[dreg:$0x5] =	wrdreg s3  }
0xb7: {  	[dreg:$0x6] =	wrdreg s4  }
0xb8: {  	[dreg:$0x7] =	wrdreg s5  }
0xb9: {  	[dreg:$0x8] =	wrdreg s6  }
0xba: {  	[dreg:$0x9] =	wrdreg s7  }
0xbb: {  	[dreg:$0xa] =	wrdreg s8  }
0xbc: {  	[dreg:$0xb] =	wrdreg $0x32600  }
0xbd: {  	[dreg:$0xc] =	wrdreg $0x9  }
0xbe: {  	_ =	task.clear_ibuf [dreg:s13], $0xDFFFF;
	_ =	strace $0x90000046  }
0xbf: {  	s26 =	simm.s32 $0x9;
	_ =	strace $0x80000048  }
0xc0: {  	_ =	swait.ge [sflag:s26], $0x1  }
0xc1: {  	[sflag:s26] =	ssyncadd.s32 $0xFFFFFFFF  }
0xc2: {  	_ =	strace $0x90000048  }
0xc3: {  	_ =	sfence  }
0xc4: {  	s28 =	sld [smem:$0x0];
	_ =	sdelay $0x1  }
0xc5: {  	s29 =	srdreg.scid  }
0xc6: {  	s30 =	sshll.u32 s29, $0xD;
	s31 =	sshrl.u32 s29, $0x2  }
0xc7: {  	s1 =	sand.u32 $0x1, s29;
	s2 =	sand.u32 $0x4000, s30;
	s0 =	sadd.s32 s31, s28  }
0xc8: {  	s1 =	sor.u32 s2, s1;
	s0 =	sshll.u32 s0, $0x11  }
0xc9: {  	s0 =	sor.u32 s0, s1  }
0xca: {  	s0 =	sadd.s32 $0x8F2B, s0  }
0xcb: {  	[sflag:s0] =	ssyncadd.remote.s32 $0x1  }
0xcc: {  	_ =	sfence.sel $0xFFFF  }
0xcd: {  	[dreg:$0x0] =	wrdreg $0xFFFFFFFF;
	(pc) =	sbr.abs _section_cstart, $3  }
0xce: {  	[dreg:$0x1] =	wrdreg $0xFFFFFFFF  }
0xcf: {  	_ =	task.clear_ibuf [dreg:s13], $0x2FFFF;
	_ =	strace $0x9FFFFFFF  }
0xd0: {  	(tm) =	ssettm $0x7FFFFFFF  }
0xd1: {  	_ =	shalt  }
tec
execute0_lowered:
.L_overlay_start_1:
0x0: {  	(tag) =	ssettag $0x1  }
0x1: {  	s4 =	rddreg [dreg:$0x0]  }
0x2: {  	s5 =	rddreg [dreg:$0x1]  }
0x3: {  	s6 =	rddreg [dreg:$0x2]  }
0x4: {  	s7 =	rddreg [dreg:$0x3]  }
0x5: {  	s9 =	rddreg [dreg:$0x4]  }
0x6: {  	s11 =	rddreg [dreg:$0x5]  }
0x7: {  	s12 =	rddreg [dreg:$0x6]  }
0x8: {  	s8 =	rddreg [dreg:$0x7]  }
0x9: {  	s1 =	rddreg [dreg:$0x8]  }
0xa: {  	s3 =	rddreg [dreg:$0x9]  }
0xb: {  	s0 =	rddreg [dreg:$0xa];
	_ =	strace $0x80000047;
	s2 =	simm.s32 $0x0  }
0xc: {  	[tilespmem:s2], [sflag:$0x1] =	stream.linear.gather [hbm4b:s4+s2], $0x80, $0x38;
	[tilespmem:$0x3280] =	vst v63  }
0xd: {  	s10 =	simm.s32 $0x80  }
0xe: {  	[tilespmem:s10], [sflag:$0x1] =	stream.linear.gather [hbm4b:s6+s2], $0x80, $0x38;
	[tilespmem:$0x3280] =	vst v63  }
0xf: {  	s13 =	simm.s32 $0x100  }
0x10: {  	[tilespmem:s13], [sflag:$0x1] =	stream.linear.gather [hbm4b:s9+s2], $0x80, $0x38;
	[tilespmem:$0x3280] =	vst v63  }
0x11: {  	s28 =	simm.s32 $0x180  }
0x12: {  	[tilespmem:s28], [sflag:$0x1] =	stream.linear.gather [hbm4b:s5+s2], $0x80, $0x38;
	[tilespmem:$0x3280] =	vst v63  }
0x13: {  	s29 =	simm.s32 $0x200  }
0x14: {  	[tilespmem:s29], [sflag:$0x1] =	stream.linear.gather [hbm4b:s7+s2], $0x80, $0x38;
	[tilespmem:$0x3280] =	vst v63  }
0x15: {  	s7 =	simm.s32 $0x1  }
0x16: {  	_ =	swait.ge [sflag:s7], $0x80  }
0x17: {  	[sflag:s7] =	ssyncset.done $0x0  }
0x18: {  	[sflag:s7] =	ssyncadd.s32 $0xFFFFFF80  }
0x19: {  	_ =	swait.ge [sflag:s7], $0x80  }
0x1a: {  	[sflag:s7] =	ssyncset.done $0x0  }
0x1b: {  	[sflag:s7] =	ssyncadd.s32 $0xFFFFFF80  }
0x1c: {  	_ =	swait.ge [sflag:s7], $0x80  }
0x1d: {  	[sflag:s7] =	ssyncset.done $0x0  }
0x1e: {  	v1 =	vlaneseq.u32;
	s4 =	stileid.u32;
	[sflag:s7] =	ssyncadd.s32 $0xFFFFFF80  }
0x1f: {  	v0 =	vand.u32 $0x7, v1;
	s30 =	sshll.u32 s4, $0x3;
	_ =	swait.ge [sflag:s7], $0x80  }
0x20: {  	v2 =	vor.u32 s30, v0;
	[sflag:s7] =	ssyncset.done $0x0  }
0x21: {  	[sflag:s7] =	ssyncadd.s32 $0xFFFFFF80  }
0x22: {  	_ =	swait.ge [sflag:s7], $0x80  }
0x23: {  	[sflag:s7] =	ssyncset.done $0x0  }
0x24: {  	[sflag:s7] =	ssyncadd.s32 $0xFFFFFF80  }
0x25: {  	v3 =	vld.idx.msk [tilespmem:v2+s2+$0x0], $0xffff  }
0x26: {  	v4 =	vld.idx.msk [tilespmem:v2+s10+$0x0], $0xffff;
	_ =	sdelay $0x3  }
0x27: {  	vm0 =	vmmov $0xff  }
0x28: {  	v3 =	vsel vm0, v3, v4  }
0x29: {  	[tilespmem:$0x1680] =	vst v3  }
0x2a: {  	v3 =	vld.idx.msk [tilespmem:v2+s13+$0x0], $0xffff;
	_ =	sdelay $0x4  }
0x2b: {  	[tilespmem:$0x1690] =	vst v3  }
0x2c: {  	v3 =	vld.idx.msk [tilespmem:v2+s28+$0x0], $0xffff  }
0x2d: {  	v2 =	vld.idx.msk [tilespmem:v2+s29+$0x0], $0xffff;
	_ =	sdelay $0x4  }
0x2e: {  	v2 =	vsel vm0, v3, v2  }
0x2f: {  	s31 =	simm.s32 $0x18;
	s14 =	simm.s32 $0x1680;
	s15 =	simm.s32 $0x280;
	[tilespmem:$0x16A0] =	vst v2  }
0x30: {  	[tilespmem:s15], [sflag:$0x1] =	stream.indirect.gather [hbm4b:s11+s31], $0x80, s14, s31, $0xb8;
	[tilespmem:$0x3280] =	vst v63  }
0x31: {  	s16 =	simm.s32 $0x16A0;
	s17 =	simm.s32 $0xE80;
	s15 =	simm.s32 $0x10  }
0x32: {  	[tilespmem:s17], [sflag:$0x1] =	stream.indirect.gather [hbm4b:s12+s15], $0x80, s16, s15, $0xb8;
	[tilespmem:$0x3280] =	vst v63  }
0x33: {  	v52 =	vld [tilespmem:$0x180]  }
0x34: {  	v53 =	vld [tilespmem:$0x200]  }
0x35: {  	v54 =	vld [tilespmem:$0x190]  }
0x36: {  	v5 =	vld [tilespmem:$0x210]  }
0x37: {  	v6 =	vld [tilespmem:$0x1A0]  }
0x38: {  	s18 =	sshrl.u32 s4, $0x1;
	v7 =	vld [tilespmem:$0x220];
	v2 =	vshll.u32 v52, $0x3  }
0x39: {  	v8 =	vld [tilespmem:$0x1B0];
	v3 =	vshll.u32 v53, $0x3;
	v2 =	vor.u32 s18, v2  }
0x3a: {  	v57 =	vld [tilespmem:$0x230];
	v56 =	vshll.u32 v54, $0x3;
	v55 =	vor.u32 s18, v3;
	[tilespmem:$0x2EB0] =	vst v2  }
0x3b: {  	v60 =	vld [tilespmem:$0x1C0];
	v59 =	vshll.u32 v5, $0x3;
	v58 =	vor.u32 s18, v56;
	[tilespmem:$0x2F30] =	vst v55  }
0x3c: {  	v63 =	vld [tilespmem:$0x240];
	v62 =	vshll.u32 v6, $0x3;
	v61 =	vor.u32 s18, v59;
	[tilespmem:$0x2EC0] =	vst v58  }
0x3d: {  	v13 =	vld [tilespmem:$0x1D0];
	v12 =	vshll.u32 v7, $0x3;
	v11 =	vor.u32 s18, v62;
	[tilespmem:$0x2F40] =	vst v61  }
0x3e: {  	v16 =	vld [tilespmem:$0x250];
	v15 =	vshll.u32 v8, $0x3;
	v14 =	vor.u32 s18, v12;
	[tilespmem:$0x2ED0] =	vst v11  }
0x3f: {  	v19 =	vld [tilespmem:$0x1E0];
	v18 =	vshll.u32 v57, $0x3;
	v17 =	vor.u32 s18, v15;
	[tilespmem:$0x2F50] =	vst v14  }
0x40: {  	v22 =	vld [tilespmem:$0x260];
	v21 =	vshll.u32 v60, $0x3;
	v20 =	vor.u32 s18, v18;
	[tilespmem:$0x2EE0] =	vst v17  }
0x41: {  	v25 =	vld [tilespmem:$0x1F0];
	v24 =	vshll.u32 v63, $0x3;
	v23 =	vor.u32 s18, v21;
	[tilespmem:$0x2F60] =	vst v20  }
0x42: {  	v28 =	vld [tilespmem:$0x270];
	v27 =	vshll.u32 v13, $0x3;
	v26 =	vor.u32 s18, v24;
	[tilespmem:$0x2EF0] =	vst v23  }
0x43: {  	v30 =	vshll.u32 v16, $0x3;
	v29 =	vor.u32 s18, v27;
	[tilespmem:$0x2F70] =	vst v26  }
0x44: {  	v31 =	vshrl.u32 v1, $0x3;
	v33 =	vshll.u32 v19, $0x3;
	v32 =	vor.u32 s18, v30;
	[tilespmem:$0x2F00] =	vst v29  }
0x45: {  	v34 =	vor.u32 s30, v31;
	v36 =	vshll.u32 v22, $0x3;
	v35 =	vor.u32 s18, v33;
	[tilespmem:$0x2F80] =	vst v32  }
0x46: {  	v38 =	vshll.u32 v25, $0x3;
	v37 =	vor.u32 s18, v36;
	[tilespmem:$0x2F10] =	vst v35  }
0x47: {  	v40 =	vshll.u32 v28, $0x3;
	v39 =	vor.u32 s18, v38;
	[tilespmem:$0x2F90] =	vst v37  }
0x48: {  	v41 =	vor.u32 s18, v40;
	[tilespmem:$0x2F20] =	vst v39  }
0x49: {  	[tilespmem:$0x2FA0] =	vst v41  }
0x4a: {  	v2 =	vld.idx.msk [tilespmem:v34+s28+$0x0], $0xffff;
	_ =	sdelay $0x4  }
0x4b: {  	v2 =	vshll.u32 v2, $0x3  }
0x4c: {  	v2 =	vor.u32 v0, v2  }
0x4d: {  	[tilespmem:$0x2FB0] =	vst v2  }
0x4e: {  	v2 =	vld.idx.msk [tilespmem:v34+s29+$0x0], $0xffff;
	_ =	sdelay $0x1  }
0x4f: {  	v42 =	vor.u32 $0x2, v31  }
0x50: {  	v3 =	vor.u32 s30, v42;
	_ =	sdelay $0x1  }
0x51: {  	v2 =	vshll.u32 v2, $0x3  }
0x52: {  	v2 =	vor.u32 v0, v2  }
0x53: {  	[tilespmem:$0x2FF0] =	vst v2  }
0x54: {  	v2 =	vld.idx.msk [tilespmem:v3+s28+$0x0], $0xffff;
	_ =	sdelay $0x4  }
0x55: {  	v2 =	vshll.u32 v2, $0x3  }
0x56: {  	v2 =	vor.u32 v0, v2  }
0x57: {  	[tilespmem:$0x2FC0] =	vst v2  }
0x58: {  	v2 =	vld.idx.msk [tilespmem:v3+s29+$0x0], $0xffff;
	_ =	sdelay $0x1  }
0x59: {  	v43 =	vor.u32 $0x4, v31  }
0x5a: {  	v3 =	vor.u32 s30, v43;
	_ =	sdelay $0x1  }
0x5b: {  	v2 =	vshll.u32 v2, $0x3  }
0x5c: {  	v2 =	vor.u32 v0, v2  }
0x5d: {  	[tilespmem:$0x3000] =	vst v2  }
0x5e: {  	v2 =	vld.idx.msk [tilespmem:v3+s28+$0x0], $0xffff;
	_ =	sdelay $0x4  }
0x5f: {  	v2 =	vshll.u32 v2, $0x3  }
0x60: {  	v2 =	vor.u32 v0, v2  }
0x61: {  	[tilespmem:$0x2FD0] =	vst v2  }
0x62: {  	v2 =	vld.idx.msk [tilespmem:v3+s29+$0x0], $0xffff;
	_ =	sdelay $0x1  }
0x63: {  	v44 =	vor.u32 $0x6, v31  }
0x64: {  	v3 =	vor.u32 s30, v44;
	_ =	sdelay $0x1  }
0x65: {  	v2 =	vshll.u32 v2, $0x3  }
0x66: {  	v2 =	vor.u32 v0, v2  }
0x67: {  	[tilespmem:$0x3010] =	vst v2  }
0x68: {  	v2 =	vld.idx.msk [tilespmem:v3+s28+$0x0], $0xffff;
	_ =	sdelay $0x4  }
0x69: {  	v2 =	vshll.u32 v2, $0x3  }
0x6a: {  	v2 =	vor.u32 v0, v2  }
0x6b: {  	[tilespmem:$0x2FE0] =	vst v2  }
0x6c: {  	v2 =	vld.idx.msk [tilespmem:v3+s29+$0x0], $0xffff;
	_ =	sdelay $0x4  }
0x6d: {  	v2 =	vshll.u32 v2, $0x3  }
0x6e: {  	v0 =	vor.u32 v0, v2  }
0x6f: {  	s19 =	simm.s32 $0x2EB0;
	s20 =	simm.s32 $0x1EB0;
	[tilespmem:$0x3020] =	vst v0  }
0x70: {  	[tilespmem:s20], [sflag:$0x1] =	stream.indirect.gather [hbm4b:s8+s10], $0x10, s19, s10, $0xb8;
	[tilespmem:$0x3280] =	vst v63  }
0x71: {  	s21 =	simm.s32 $0x2F30;
	s22 =	simm.s32 $0x26B0  }
0x72: {  	[tilespmem:s22], [sflag:$0x1] =	stream.indirect.gather [hbm4b:s8+s10], $0x10, s21, s10, $0xb8;
	[tilespmem:$0x3280] =	vst v63  }
0x73: {  	s23 =	simm.s32 $0x40;
	s24 =	simm.s32 $0x2FB0;
	s25 =	simm.s32 $0x16B0  }
0x74: {  	[tilespmem:s25], [sflag:$0x1] =	stream.indirect.gather [hbm4b:s8+s23], $0x10, s24, s23, $0xb8;
	[tilespmem:$0x3280] =	vst v63  }
0x75: {  	s26 =	simm.s32 $0x2FF0;
	s28 =	simm.s32 $0x1AB0  }
0x76: {  	[tilespmem:s28], [sflag:$0x1] =	stream.indirect.gather [hbm4b:s8+s23], $0x10, s26, s23, $0xb8;
	[tilespmem:$0x3280] =	vst v63  }
0x77: {  	_ =	swait.ge [sflag:s7], $0xC00  }
0x78: {  	[sflag:s7] =	ssyncset.done $0x0  }
0x79: {  	[sflag:s7] =	ssyncadd.s32 $0xFFFFF400  }
0x7a: {  	_ =	swait.ge [sflag:s7], $0x800  }
0x7b: {  	[sflag:s7] =	ssyncset.done $0x0  }
0x7c: {  	[sflag:s7] =	ssyncadd.s32 $0xFFFFF800  }
0x7d: {  	_ =	swait.ge [sflag:s7], $0x800  }
0x7e: {  	[sflag:s7] =	ssyncset.done $0x0  }
0x7f: {  	[sflag:s7] =	ssyncadd.s32 $0xFFFFF800  }
0x80: {  	_ =	swait.ge [sflag:s7], $0x800  }
0x81: {  	[sflag:s7] =	ssyncset.done $0x0  }
0x82: {  	[sflag:s7] =	ssyncadd.s32 $0xFFFFF800  }
0x83: {  	_ =	swait.ge [sflag:s7], $0x400  }
0x84: {  	s29 =	sand.u32 $0x8, s30;
	[sflag:s7] =	ssyncset.done $0x0  }
0x85: {  	v45 =	vmov s29;
	[sflag:s7] =	ssyncadd.s32 $0xFFFFFC00  }
0x86: {  	v0 =	vshrl.u32 v45, $0x3;
	_ =	swait.ge [sflag:s7], $0x400  }
0x87: {  	v0 =	vshll.u32 v0, $0x3;
	[sflag:s7] =	ssyncset.done $0x0  }
0x88: {  	v7 =	vmul.u32 $0x10, v1;
	v26 =	vbroadcast v0, $0x0;
	[sflag:s7] =	ssyncadd.s32 $0xFFFFFC00  }
0x89: {  	v23 =	vld [tilespmem:$0x280]  }
0x8a: {  	v47 =	vor.u32 v7, v26;
	v46 =	vld [tilespmem:$0x680]  }
0x8b: {  	v50 =	vld [tilespmem:$0xA80]  }
0x8c: {  	v51 =	vld [tilespmem:$0xE80]  }
0x8d: {  	v52 =	vld [tilespmem:$0x1280]  }
0x8e: {  	v58 =	vld [tilespmem:$0x1AB0]  }
0x8f: {  	v14 =	vld.idx.msk [tilespmem:v47+s20+$0x0], $0xffff  }
0x90: {  	v39 =	vld.idx.msk [tilespmem:v47+s22+$0x0], $0xffff  }
0x91: {  	v53 =	vor.u32 $0x100, v7;
	v16 =	vld [tilespmem:$0x290]  }
0x92: {  	v2 =	vor.u32 v53, v26;
	v54 =	vld [tilespmem:$0x690]  }
0x93: {  	v55 =	vld [tilespmem:$0xA90]  }
0x94: {  	v56 =	vld [tilespmem:$0xE90]  }
0x95: {  	v57 =	vld [tilespmem:$0x1290]  }
0x96: {  	v32 =	vld [tilespmem:$0x16C0]  }
0x97: {  	v12 =	vld.idx.msk [tilespmem:v2+s20+$0x0], $0xffff  }
0x98: {  	v62 =	vld.idx.msk [tilespmem:v2+s22+$0x0], $0xffff  }
0x99: {  	v60 =	vld [tilespmem:$0x6A0]  }
0x9a: {  	v61 =	vld [tilespmem:$0xAA0]  }
0x9b: {  	v4 =	vld [tilespmem:$0xEA0];
	[tilespmem:$0x1EFA0] =	vst v46  }
0x9c: {  	v5 =	vld [tilespmem:$0x12A0];
	[tilespmem:$0x1EFB0] =	vst v50  }
0x9d: {  	v6 =	vld [tilespmem:$0x1AD0];
	[tilespmem:$0x1EFD0] =	vst v51  }
0x9e: {  	v10 =	vld [tilespmem:$0x6B0];
	[tilespmem:$0x1EFE0] =	vst v52  }
0x9f: {  	v11 =	vld [tilespmem:$0xAB0];
	[tilespmem:$0x1EFC0] =	vst v54  }
0xa0: {  	v13 =	vld [tilespmem:$0xEB0];
	[tilespmem:$0x1F010] =	vst v55  }
0xa1: {  	v15 =	vld [tilespmem:$0x12B0];
	[tilespmem:$0x1F030] =	vst v56  }
0xa2: {  	v59 =	vor.u32 $0x200, v7;
	v17 =	vld [tilespmem:$0x16E0];
	[tilespmem:$0x1F050] =	vst v57  }
0xa3: {  	v2 =	vor.u32 v59, v26;
	v18 =	vld [tilespmem:$0x1AE0];
	[tilespmem:$0x1F020] =	vst v60  }
0xa4: {  	v27 =	vld [tilespmem:$0x6C0];
	[tilespmem:$0x1F040] =	vst v61  }
0xa5: {  	v28 =	vld [tilespmem:$0xAC0];
	[tilespmem:$0x1F060] =	vst v4  }
0xa6: {  	v29 =	vld [tilespmem:$0xEC0];
	[tilespmem:$0x1F0B0] =	vst v5  }
0xa7: {  	v30 =	vld [tilespmem:$0x12C0];
	[tilespmem:$0x1EFF0] =	vst v6  }
0xa8: {  	v9 =	vor.u32 $0x300, v7;
	v19 =	vld.idx.msk [tilespmem:v2+s20+$0x0], $0xffff;
	[tilespmem:$0x1F0D0] =	vst v10  }
0xa9: {  	v8 =	vld.idx.msk [tilespmem:v2+s22+$0x0], $0xffff;
	v2 =	vor.u32 v9, v26;
	[tilespmem:$0x1F0C0] =	vst v11  }
0xaa: {  	v31 =	vld [tilespmem:$0x16F0];
	[tilespmem:$0x1F120] =	vst v13  }
0xab: {  	v33 =	vld [tilespmem:$0x1AF0];
	[tilespmem:$0x1F130] =	vst v15  }
0xac: {  	v38 =	vld [tilespmem:$0x6D0];
	[tilespmem:$0x1F090] =	vst v17  }
0xad: {  	v40 =	vld [tilespmem:$0xAD0];
	[tilespmem:$0x1F070] =	vst v18  }
0xae: {  	v24 =	vor.u32 $0x400, v7;
	[tilespmem:$0x1F150] =	vst v27;
	v20 =	vld.idx.msk [tilespmem:v2+s20+$0x0], $0xffff  }
0xaf: {  	[tilespmem:$0x1F140] =	vst v28;
	v21 =	vld.idx.msk [tilespmem:v2+s22+$0x0], $0xffff;
	v2 =	vor.u32 v24, v26  }
0xb0: {  	v42 =	vor.u32 $0x600, v7;
	v41 =	vld [tilespmem:$0x12D0];
	[tilespmem:$0x1F1A0] =	vst v29  }
0xb1: {  	v3 =	vor.u32 v42, v26;
	v43 =	vld [tilespmem:$0x1700];
	[tilespmem:$0x1F1B0] =	vst v30  }
0xb2: {  	v45 =	vor.u32 $0x700, v7;
	v44 =	vld [tilespmem:$0x1B00];
	[tilespmem:$0x1F100] =	vst v31  }
0xb3: {  	v49 =	vld [tilespmem:$0x6E0];
	[tilespmem:$0x1F0E0] =	vst v33;
	v4 =	vor.u32 v45, v26  }
0xb4: {  	v37 =	vor.u32 $0x500, v7;
	[tilespmem:$0x1F1D0] =	vst v38;
	v34 =	vld.idx.msk [tilespmem:v2+s20+$0x0], $0xffff  }
0xb5: {  	[tilespmem:$0x1F1C0] =	vst v40;
	v35 =	vld.idx.msk [tilespmem:v2+s22+$0x0], $0xffff;
	v2 =	vor.u32 v37, v26  }
0xb6: {  	[tilespmem:$0x1F220] =	vst v41;
	v51 =	vld.idx.msk [tilespmem:v3+s20+$0x0], $0xffff  }
0xb7: {  	[tilespmem:$0x1F180] =	vst v43;
	v52 =	vld.idx.msk [tilespmem:v3+s22+$0x0], $0xffff  }
0xb8: {  	[tilespmem:$0x1F160] =	vst v44;
	v53 =	vld.idx.msk [tilespmem:v4+s20+$0x0], $0xffff  }
0xb9: {  	[tilespmem:$0x1F280] =	vst v49;
	v54 =	vld.idx.msk [tilespmem:v4+s22+$0x0], $0xffff  }
0xba: {  	v48 =	vor.u32 $0x1, v7;
	[tilespmem:$0x1F000] =	vst v8;
	v46 =	vld.idx.msk [tilespmem:v2+s20+$0x0], $0xffff  }
0xbb: {  	[tilespmem:$0x1F200] =	vst v51;
	v47 =	vld.idx.msk [tilespmem:v2+s22+$0x0], $0xffff;
	v2 =	vor.u32 v48, v26  }
0xbc: {  	v63 =	vld [tilespmem:$0x1AC0];
	[tilespmem:$0x1F1E0] =	vst v52  }
0xbd: {  	v25 =	vld [tilespmem:$0x2A0];
	[tilespmem:$0x1F0A0] =	vst v20  }
0xbe: {  	v22 =	vld [tilespmem:$0x2B0];
	[tilespmem:$0x1F080] =	vst v21  }
0xbf: {  	v36 =	vld [tilespmem:$0x2C0];
	[tilespmem:$0x1F240] =	vst v53  }
0xc0: {  	[tilespmem:$0x1F260] =	vst v54;
	v55 =	vld.idx.msk [tilespmem:v2+s20+$0x0], $0xffff  }
0xc1: {  	[tilespmem:$0x1F110] =	vst v34;
	v56 =	vld.idx.msk [tilespmem:v2+s22+$0x0], $0xffff  }
0xc2: {  	v1 =	vld [tilespmem:$0xED0];
	[tilespmem:$0x1F0F0] =	vst v35  }
0xc3: {  	v50 =	vld [tilespmem:$0x16B0];
	[tilespmem:$0x1F190] =	vst v46  }
0xc4: {  	v57 =	vld [tilespmem:$0x16D0];
	[tilespmem:$0x1F170] =	vst v47  }
0xc5: {  	v18 =	vld [tilespmem:$0x2D0];
	[tilespmem:$0x1F300] =	vst v55  }
0xc6: {  	v27 =	vld [tilespmem:$0x2E0];
	[tilespmem:$0x1F2E0] =	vst v56  }
0xc7: {  	v0 =	vld [tilespmem:$0xAE0]  }
0xc8: {  	v59 =	vld [tilespmem:$0xEE0]  }
0xc9: {  	v60 =	vld [tilespmem:$0x12E0]  }
0xca: {  	v61 =	vld [tilespmem:$0x1710]  }
0xcb: {  	v4 =	vld [tilespmem:$0x1B10]  }
0xcc: {  	v29 =	vld [tilespmem:$0x2F0]  }
0xcd: {  	v5 =	vld [tilespmem:$0x6F0]  }
0xce: {  	v6 =	vld [tilespmem:$0xAF0]  }
0xcf: {  	v8 =	vld [tilespmem:$0xEF0]  }
0xd0: {  	v9 =	vld [tilespmem:$0x12F0]  }
0xd1: {  	v10 =	vld [tilespmem:$0x1720]  }
0xd2: {  	v11 =	vld [tilespmem:$0x1B20]  }
0xd3: {  	v41 =	vld [tilespmem:$0x300]  }
0xd4: {  	v13 =	vld [tilespmem:$0x700]  }
0xd5: {  	v15 =	vor.u32 $0x101, v7;
	v17 =	vld [tilespmem:$0xB00]  }
0xd6: {  	v2 =	vor.u32 v15, v26;
	v20 =	vld [tilespmem:$0xF00]  }
0xd7: {  	v21 =	vor.u32 $0x201, v7;
	v24 =	vld [tilespmem:$0x1300]  }
0xd8: {  	v3 =	vor.u32 v21, v26;
	v28 =	vld [tilespmem:$0x1730]  }
0xd9: {  	v31 =	vld [tilespmem:$0x1B30]  }
0xda: {  	v40 =	vld [tilespmem:$0x310]  }
0xdb: {  	v34 =	vld.idx.msk [tilespmem:v2+s20+$0x0], $0xffff  }
0xdc: {  	v37 =	vor.u32 $0x501, v7;
	v35 =	vld.idx.msk [tilespmem:v2+s22+$0x0], $0xffff  }
0xdd: {  	v38 =	vld.idx.msk [tilespmem:v3+s20+$0x0], $0xffff;
	v2 =	vor.u32 v37, v26  }
0xde: {  	v43 =	vor.u32 $0x601, v7;
	v42 =	vld.idx.msk [tilespmem:v3+s22+$0x0], $0xffff  }
0xdf: {  	v14 =	vmul.f32 v14, v50;
	v3 =	vor.u32 v43, v26;
	v50 =	vld [tilespmem:$0x17C0]  }
0xe0: {  	v39 =	vmul.f32 v39, v58;
	v58 =	vld [tilespmem:$0x1BC0]  }
0xe1: {  	v19 =	vmul.f32 v19, v57;
	v57 =	vld [tilespmem:$0x1BD0]  }
0xe2: {  	v51 =	vld.idx.msk [tilespmem:v2+s20+$0x0], $0xffff  }
0xe3: {  	v30 =	vor.u32 $0x301, v7;
	v52 =	vld.idx.msk [tilespmem:v2+s22+$0x0], $0xffff  }
0xe4: {  	[tilespmem:$0x1F1F0] =	vst v4;
	v4 =	vor.u32 v30, v26;
	v54 =	vld.idx.msk [tilespmem:v3+s20+$0x0], $0xffff  }
0xe5: {  	v33 =	vor.u32 $0x401, v7;
	[tilespmem:$0x1F230] =	vst v0;
	v55 =	vld.idx.msk [tilespmem:v3+s22+$0x0], $0xffff  }
0xe6: {  	[tilespmem:$0x1F290] =	vst v5;
	v5 =	vor.u32 v33, v26;
	v0 =	vld [tilespmem:$0x790]  }
0xe7: {  	v53 =	vor.u32 $0x102, v7;
	[tilespmem:$0x1F580] =	vst v50;
	v50 =	vsub.f32 $1.000000000e+00, v14;
	v14 =	vld [tilespmem:$0x1EFA0]  }
0xe8: {  	v2 =	vor.u32 v53, v26;
	[tilespmem:$0x1F5F0] =	vst v57;
	v57 =	vld [tilespmem:$0x1F010]  }
0xe9: {  	v56 =	vor.u32 $0x202, v7;
	v44 =	vld.idx.msk [tilespmem:v4+s20+$0x0], $0xffff  }
0xea: {  	v3 =	vor.u32 v56, v26;
	v45 =	vld.idx.msk [tilespmem:v4+s22+$0x0], $0xffff  }
0xeb: {  	v47 =	vld.idx.msk [tilespmem:v5+s20+$0x0], $0xffff  }
0xec: {  	[tilespmem:$0x1F2B0] =	vst v59;
	v48 =	vld.idx.msk [tilespmem:v5+s22+$0x0], $0xffff  }
0xed: {  	[tilespmem:$0x1F250] =	vst v10;
	v10 =	vld.idx.msk [tilespmem:v2+s20+$0x0], $0xffff  }
0xee: {  	[tilespmem:$0x1F270] =	vst v11;
	v11 =	vld.idx.msk [tilespmem:v2+s22+$0x0], $0xffff  }
0xef: {  	v46 =	vor.u32 $0x701, v7;
	[tilespmem:$0x1F340] =	vst v17;
	v15 =	vld.idx.msk [tilespmem:v3+s20+$0x0], $0xffff  }
0xf0: {  	[tilespmem:$0x1F560] =	vst v58;
	v4 =	vor.u32 v46, v26;
	v17 =	vld.idx.msk [tilespmem:v3+s22+$0x0], $0xffff  }
0xf1: {  	v49 =	vor.u32 $0x2, v7;
	[tilespmem:$0x1F600] =	vst v0;
	v0 =	vld [tilespmem:$0xB90];
	v58 =	vsub.f32 v23, v14  }
0xf2: {  	[tilespmem:$0x1F2C0] =	vst v60;
	v5 =	vor.u32 v49, v26;
	v14 =	vld [tilespmem:$0x3A0]  }
0xf3: {  	v12 =	vmul.f32 v12, v32;
	[tilespmem:$0x1F360] =	vst v13;
	v13 =	vor.u32 $0x502, v7;
	v32 =	vmul.f32 v50, v58;
	v58 =	vld [tilespmem:$0xBA0]  }
0xf4: {  	[tilespmem:$0x1F210] =	vst v61;
	v2 =	vor.u32 v13, v26;
	v23 =	vmul.f32 v50, v23;
	v50 =	vld [tilespmem:$0xFA0]  }
0xf5: {  	[tilespmem:$0x1F370] =	vst v20;
	v20 =	vor.u32 $0x602, v7;
	v59 =	vld.idx.msk [tilespmem:v4+s20+$0x0], $0xffff  }
0xf6: {  	[tilespmem:$0x1F2A0] =	vst v6;
	v3 =	vor.u32 v20, v26;
	v60 =	vld.idx.msk [tilespmem:v4+s22+$0x0], $0xffff  }
0xf7: {  	[tilespmem:$0x1F2D0] =	vst v8;
	v6 =	vld.idx.msk [tilespmem:v5+s20+$0x0], $0xffff  }
0xf8: {  	[tilespmem:$0x1F320] =	vst v9;
	v8 =	vld.idx.msk [tilespmem:v5+s22+$0x0], $0xffff  }
0xf9: {  	[tilespmem:$0x1F350] =	vst v34;
	v34 =	vld.idx.msk [tilespmem:v2+s20+$0x0], $0xffff  }
0xfa: {  	[tilespmem:$0x1F330] =	vst v35;
	v35 =	vld.idx.msk [tilespmem:v2+s22+$0x0], $0xffff  }
0xfb: {  	[tilespmem:$0x1F3A0] =	vst v38;
	v61 =	vor.u32 $0x302, v7;
	v38 =	vld.idx.msk [tilespmem:v3+s20+$0x0], $0xffff  }
0xfc: {  	[tilespmem:$0x1F380] =	vst v42;
	v4 =	vor.u32 v61, v26;
	v42 =	vld.idx.msk [tilespmem:v3+s22+$0x0], $0xffff  }
0xfd: {  	v9 =	vor.u32 $0x402, v7;
	[tilespmem:$0x1F5B0] =	vst v0;
	v0 =	vld [tilespmem:$0xF90]  }
0xfe: {  	v5 =	vor.u32 v9, v26;
	[tilespmem:$0x1F620] =	vst v58;
	v58 =	vld [tilespmem:$0x1EFB0]  }
0xff: {  	v37 =	vor.u32 $0x103, v7;
	[tilespmem:$0x1F650] =	vst v50;
	v50 =	vmul.f32 v62, v63;
	v62 =	vld [tilespmem:$0x13A0]  }
0x100: {  	v2 =	vor.u32 v37, v26;
	v63 =	vld [tilespmem:$0x1EFD0]  }
0x101: {  	v43 =	vor.u32 $0x203, v7;
	v21 =	vld.idx.msk [tilespmem:v4+s20+$0x0], $0xffff  }
0x102: {  	[tilespmem:$0x1F390] =	vst v24;
	v3 =	vor.u32 v43, v26;
	v24 =	vld.idx.msk [tilespmem:v4+s22+$0x0], $0xffff  }
0x103: {  	[tilespmem:$0x1F310] =	vst v28;
	v30 =	vld.idx.msk [tilespmem:v5+s20+$0x0], $0xffff  }
0x104: {  	[tilespmem:$0x1F2F0] =	vst v31;
	v31 =	vld.idx.msk [tilespmem:v5+s22+$0x0], $0xffff  }
0x105: {  	[tilespmem:$0x1F3F0] =	vst v51;
	v51 =	vld.idx.msk [tilespmem:v2+s20+$0x0], $0xffff  }
0x106: {  	[tilespmem:$0x1F400] =	vst v52;
	v52 =	vld.idx.msk [tilespmem:v2+s22+$0x0], $0xffff  }
0x107: {  	[tilespmem:$0x1F420] =	vst v54;
	v54 =	vld.idx.msk [tilespmem:v3+s20+$0x0], $0xffff  }
0x108: {  	v39 =	vsub.f32 $1.000000000e+00, v39;
	v28 =	vor.u32 $0x702, v7;
	[tilespmem:$0x1F410] =	vst v55;
	v55 =	vld.idx.msk [tilespmem:v3+s22+$0x0], $0xffff  }
0x109: {  	v4 =	vor.u32 v28, v26;
	[tilespmem:$0x1F630] =	vst v0;
	v0 =	vld [tilespmem:$0x1390]  }
0x10a: {  	v33 =	vor.u32 $0x3, v7;
	v39 =	vmul.f32 v39, v58;
	v58 =	vld [tilespmem:$0x1EFC0]  }
0x10b: {  	v5 =	vor.u32 v33, v26;
	[tilespmem:$0x1F6A0] =	vst v62;
	v62 =	vadd.f32 v32, v63;
	v63 =	vld [tilespmem:$0x1EFF0]  }
0x10c: {  	v53 =	vor.u32 $0x503, v7;
	v32 =	vld [tilespmem:$0x1F000]  }
0x10d: {  	v2 =	vor.u32 v53, v26;
	v23 =	vsub.f32 v23, v39;
	v39 =	vld [tilespmem:$0x17D0]  }
0x10e: {  	v56 =	vor.u32 $0x603, v7;
	[tilespmem:$0x1F3B0] =	vst v44;
	v44 =	vld.idx.msk [tilespmem:v4+s20+$0x0], $0xffff  }
0x10f: {  	[tilespmem:$0x1F3C0] =	vst v45;
	v3 =	vor.u32 v56, v26;
	v45 =	vld.idx.msk [tilespmem:v4+s22+$0x0], $0xffff  }
0x110: {  	[tilespmem:$0x1F3E0] =	vst v47;
	v47 =	vld.idx.msk [tilespmem:v5+s20+$0x0], $0xffff  }
0x111: {  	[tilespmem:$0x1F3D0] =	vst v48;
	v48 =	vld.idx.msk [tilespmem:v5+s22+$0x0], $0xffff  }
0x112: {  	[tilespmem:$0x1F570] =	vst v10;
	v10 =	vld.idx.msk [tilespmem:v2+s20+$0x0], $0xffff  }
0x113: {  	[tilespmem:$0x1F550] =	vst v11;
	v11 =	vld.idx.msk [tilespmem:v2+s22+$0x0], $0xffff  }
0x114: {  	v46 =	vor.u32 $0x303, v7;
	[tilespmem:$0x1F5C0] =	vst v15;
	v15 =	vld.idx.msk [tilespmem:v3+s20+$0x0], $0xffff  }
0x115: {  	v12 =	vsub.f32 $1.000000000e+00, v12;
	[tilespmem:$0x1F5E0] =	vst v17;
	v4 =	vor.u32 v46, v26;
	v17 =	vld.idx.msk [tilespmem:v3+s22+$0x0], $0xffff;
	v58 =	vsub.f32 v16, v58  }
0x116: {  	v49 =	vor.u32 $0x403, v7;
	[tilespmem:$0x1F640] =	vst v0;
	v0 =	vld [tilespmem:$0x7A0]  }
0x117: {  	v5 =	vor.u32 v49, v26;
	[tilespmem:$0x1F5D0] =	vst v39;
	v39 =	vsub.f32 $1.000000000e+00, v50;
	v50 =	vmul.f32 v12, v58;
	v58 =	vld [tilespmem:$0x1EFE0]  }
0x118: {  	v13 =	vor.u32 $0x104, v7;
	v12 =	vmul.f32 v12, v16;
	v16 =	vmul.f32 v32, v63;
	v32 =	vld [tilespmem:$0x3B0]  }
0x119: {  	v2 =	vor.u32 v13, v26;
	v63 =	vld [tilespmem:$0x7B0]  }
0x11a: {  	v20 =	vor.u32 $0x204, v7;
	[tilespmem:$0x1F470] =	vst v59;
	v59 =	vld.idx.msk [tilespmem:v4+s20+$0x0], $0xffff  }
0x11b: {  	[tilespmem:$0x1F460] =	vst v60;
	v3 =	vor.u32 v20, v26;
	v60 =	vld.idx.msk [tilespmem:v4+s22+$0x0], $0xffff  }
0x11c: {  	[tilespmem:$0x1F4F0] =	vst v6;
	v6 =	vld.idx.msk [tilespmem:v5+s20+$0x0], $0xffff  }
0x11d: {  	[tilespmem:$0x1F4D0] =	vst v8;
	v8 =	vld.idx.msk [tilespmem:v5+s22+$0x0], $0xffff  }
0x11e: {  	v61 =	vor.u32 $0x703, v7;
	[tilespmem:$0x1F750] =	vst v34;
	v34 =	vld.idx.msk [tilespmem:v2+s20+$0x0], $0xffff  }
0x11f: {  	[tilespmem:$0x1F730] =	vst v35;
	v4 =	vor.u32 v61, v26;
	v35 =	vld.idx.msk [tilespmem:v2+s22+$0x0], $0xffff  }
0x120: {  	v9 =	vor.u32 $0x4, v7;
	[tilespmem:$0x1F7B0] =	vst v38;
	v38 =	vld.idx.msk [tilespmem:v3+s20+$0x0], $0xffff  }
0x121: {  	[tilespmem:$0x1F7F0] =	vst v42;
	v5 =	vor.u32 v9, v26;
	v42 =	vld.idx.msk [tilespmem:v3+s22+$0x0], $0xffff  }
0x122: {  	v37 =	vor.u32 $0x504, v7;
	v23 =	vadd.f32 v23, v58;
	v58 =	vld [tilespmem:$0x1F020]  }
0x123: {  	v2 =	vor.u32 v37, v26;
	[tilespmem:$0x1F6F0] =	vst v63;
	v63 =	vld [tilespmem:$0xBB0]  }
0x124: {  	v43 =	vor.u32 $0x604, v7;
	[tilespmem:$0x1F680] =	vst v21;
	v21 =	vld.idx.msk [tilespmem:v4+s20+$0x0], $0xffff  }
0x125: {  	[tilespmem:$0x1F660] =	vst v24;
	v3 =	vor.u32 v43, v26;
	v24 =	vld.idx.msk [tilespmem:v4+s22+$0x0], $0xffff  }
0x126: {  	[tilespmem:$0x1F6D0] =	vst v30;
	v30 =	vld.idx.msk [tilespmem:v5+s20+$0x0], $0xffff  }
0x127: {  	[tilespmem:$0x1F6B0] =	vst v31;
	v31 =	vld.idx.msk [tilespmem:v5+s22+$0x0], $0xffff  }
0x128: {  	v28 =	vor.u32 $0x304, v7;
	[tilespmem:$0x1F940] =	vst v51;
	v51 =	vld.idx.msk [tilespmem:v2+s20+$0x0], $0xffff  }
0x129: {  	[tilespmem:$0x1F930] =	vst v52;
	v4 =	vor.u32 v28, v26;
	v52 =	vld.idx.msk [tilespmem:v2+s22+$0x0], $0xffff  }
0x12a: {  	v33 =	vor.u32 $0x404, v7;
	[tilespmem:$0x1F990] =	vst v54;
	v54 =	vld.idx.msk [tilespmem:v3+s20+$0x0], $0xffff  }
0x12b: {  	[tilespmem:$0x1F980] =	vst v55;
	v5 =	vor.u32 v33, v26;
	v55 =	vld.idx.msk [tilespmem:v3+s22+$0x0], $0xffff  }
0x12c: {  	v53 =	vor.u32 $0x105, v7;
	v39 =	vmul.f32 v39, v57;
	v57 =	vsub.f32 v25, v58;
	v58 =	vld [tilespmem:$0x1F030]  }
0x12d: {  	v2 =	vor.u32 v53, v26;
	[tilespmem:$0x1F6C0] =	vst v63;
	v63 =	vand.u32 $0x7FFFFFFF, v62;
	v62 =	vld [tilespmem:$0x17E0]  }
0x12e: {  	v56 =	vor.u32 $0x205, v7;
	[tilespmem:$0x1F830] =	vst v44;
	v44 =	vld.idx.msk [tilespmem:v4+s20+$0x0], $0xffff  }
0x12f: {  	[tilespmem:$0x1F820] =	vst v45;
	v3 =	vor.u32 v56, v26;
	v45 =	vld.idx.msk [tilespmem:v4+s22+$0x0], $0xffff  }
0x130: {  	[tilespmem:$0x1F8A0] =	vst v47;
	v47 =	vld.idx.msk [tilespmem:v5+s20+$0x0], $0xffff  }
0x131: {  	[tilespmem:$0x1F8C0] =	vst v48;
	v48 =	vld.idx.msk [tilespmem:v5+s22+$0x0], $0xffff  }
0x132: {  	[tilespmem:$0x1FA80] =	vst v11;
	v11 =	vld.idx.msk [tilespmem:v2+s20+$0x0], $0xffff  }
0x133: {  	v13 =	vld.idx.msk [tilespmem:v2+s22+$0x0], $0xffff  }
0x134: {  	[tilespmem:$0x1FAE0] =	vst v17;
	v17 =	vld.idx.msk [tilespmem:v3+s20+$0x0], $0xffff  }
0x135: {  	v19 =	vsub.f32 $1.000000000e+00, v19;
	v46 =	vor.u32 $0x704, v7;
	[tilespmem:$0x1FAF0] =	vst v15;
	v15 =	vor.u32 $0x505, v7;
	v20 =	vld.idx.msk [tilespmem:v3+s22+$0x0], $0xffff  }
0x136: {  	[tilespmem:$0x1FB30] =	vst v21;
	v4 =	vor.u32 v46, v26;
	v2 =	vor.u32 v15, v26;
	v21 =	vor.u32 $0x605, v7;
	v15 =	vld [tilespmem:$0xB60]  }
0x137: {  	v49 =	vor.u32 $0x5, v7;
	v3 =	vor.u32 v21, v26;
	v21 =	vld [tilespmem:$0xB20]  }
0x138: {  	v12 =	vsub.f32 v12, v39;
	v5 =	vor.u32 v49, v26;
	v39 =	vmul.f32 v19, v57;
	v57 =	vld [tilespmem:$0xFB0]  }
0x139: {  	v50 =	vadd.f32 v50, v58;
	v58 =	vld [tilespmem:$0x1F040]  }
0x13a: {  	[tilespmem:$0x1F690] =	vst v62;
	v62 =	vld [tilespmem:$0x1F090]  }
0x13b: {  	[tilespmem:$0x1F9E0] =	vst v59;
	v59 =	vld.idx.msk [tilespmem:v4+s20+$0x0], $0xffff  }
0x13c: {  	[tilespmem:$0x1F9D0] =	vst v60;
	v60 =	vld.idx.msk [tilespmem:v4+s22+$0x0], $0xffff  }
0x13d: {  	[tilespmem:$0x1FA30] =	vst v8;
	v8 =	vld.idx.msk [tilespmem:v5+s20+$0x0], $0xffff  }
0x13e: {  	v9 =	vld.idx.msk [tilespmem:v5+s22+$0x0], $0xffff  }
0x13f: {  	[tilespmem:$0x1FC00] =	vst v35;
	v35 =	vld.idx.msk [tilespmem:v2+s20+$0x0], $0xffff  }
0x140: {  	[tilespmem:$0x1FA70] =	vst v10;
	v37 =	vld.idx.msk [tilespmem:v2+s22+$0x0], $0xffff  }
0x141: {  	[tilespmem:$0x1FE40] =	vst v20;
	v20 =	vld [tilespmem:$0x710]  }
0x142: {  	v10 =	vor.u32 $0x405, v7;
	[tilespmem:$0x1FE50] =	vst v17;
	v17 =	vld [tilespmem:$0xB10]  }
0x143: {  	[tilespmem:$0x1FC20] =	vst v38;
	v38 =	vor.u32 $0x106, v7;
	v5 =	vor.u32 v10, v26;
	v10 =	vld [tilespmem:$0x1B40]  }
0x144: {  	v2 =	vor.u32 v38, v26;
	v38 =	vld [tilespmem:$0xF20]  }
0x145: {  	[tilespmem:$0x1FE10] =	vst v13;
	v13 =	vld [tilespmem:$0x1750]  }
0x146: {  	[tilespmem:$0x1FE20] =	vst v11;
	v11 =	vld [tilespmem:$0x1B50]  }
0x147: {  	[tilespmem:$0x1F440] =	vst v15;
	v15 =	vld [tilespmem:$0xF70]  }
0x148: {  	[tilespmem:$0x1FC10] =	vst v42;
	v42 =	vld.idx.msk [tilespmem:v3+s20+$0x0], $0xffff  }
0x149: {  	v61 =	vor.u32 $0x305, v7;
	[tilespmem:$0x1FC70] =	vst v44;
	v44 =	vor.u32 $0x206, v7;
	v43 =	vld.idx.msk [tilespmem:v3+s22+$0x0], $0xffff  }
0x14a: {  	v4 =	vor.u32 v61, v26;
	v3 =	vor.u32 v44, v26;
	v44 =	vld [tilespmem:$0xB40]  }
0x14b: {  	[tilespmem:$0x1F720] =	vst v57;
	v50 =	vand.u32 $0x7FFFFFFF, v50;
	v57 =	vld [tilespmem:$0x13B0]  }
0x14c: {  	v16 =	vsub.f32 $1.000000000e+00, v16;
	v19 =	vmul.f32 v19, v25;
	v25 =	vadd.f32 v50, v63;
	v63 =	vld [tilespmem:$0x1F060]  }
0x14d: {  	v50 =	vld [tilespmem:$0x1F070]  }
0x14e: {  	v16 =	vmul.f32 v16, v58;
	v58 =	vld [tilespmem:$0x1F050]  }
0x14f: {  	[tilespmem:$0x1FB10] =	vst v24;
	v24 =	vld.idx.msk [tilespmem:v4+s20+$0x0], $0xffff  }
0x150: {  	v28 =	vld.idx.msk [tilespmem:v4+s22+$0x0], $0xffff  }
0x151: {  	[tilespmem:$0x1FB80] =	vst v31;
	v31 =	vld.idx.msk [tilespmem:v5+s20+$0x0], $0xffff  }
0x152: {  	v33 =	vld.idx.msk [tilespmem:v5+s22+$0x0], $0xffff  }
0x153: {  	[tilespmem:$0x1FD00] =	vst v52;
	v52 =	vld.idx.msk [tilespmem:v2+s20+$0x0], $0xffff  }
0x154: {  	[tilespmem:$0x1FBA0] =	vst v30;
	v53 =	vld.idx.msk [tilespmem:v2+s22+$0x0], $0xffff  }
0x155: {  	v30 =	vor.u32 $0x705, v7;
	[tilespmem:$0x1FED0] =	vst v37;
	v37 =	vld [tilespmem:$0x730]  }
0x156: {  	v4 =	vor.u32 v30, v26;
	v30 =	vld [tilespmem:$0x1760]  }
0x157: {  	[tilespmem:$0x1FEE0] =	vst v35;
	v35 =	vld [tilespmem:$0x340]  }
0x158: {  	[tilespmem:$0x1F740] =	vst v57;
	v57 =	vld [tilespmem:$0x1F080]  }
0x159: {  	[tilespmem:$0x1FBD0] =	vst v34;
	v34 =	vor.u32 $0x6, v7;
	v39 =	vadd.f32 v39, v63;
	v63 =	vld [tilespmem:$0x1F0A0]  }
0x15a: {  	v5 =	vor.u32 v34, v26;
	v34 =	vld [tilespmem:$0x1770]  }
0x15b: {  	[tilespmem:$0x1FD50] =	vst v54;
	v54 =	vor.u32 $0x506, v7;
	v12 =	vadd.f32 v12, v58;
	v58 =	vld [tilespmem:$0x1BE0]  }
0x15c: {  	v2 =	vor.u32 v54, v26;
	v54 =	vld [tilespmem:$0xB50]  }
0x15d: {  	[tilespmem:$0x1FDC0] =	vst v8;
	v8 =	vld [tilespmem:$0x1350]  }
0x15e: {  	v16 =	vsub.f32 v19, v16;
	v19 =	vmul.f32 v57, v50;
	v50 =	vmul.f32 v63, v62;
	v62 =	vld [tilespmem:$0x1F0B0]  }
0x15f: {  	[tilespmem:$0x1FDD0] =	vst v9;
	v9 =	vld [tilespmem:$0x760]  }
0x160: {  	[tilespmem:$0x1F670] =	vst v58;
	v58 =	vld [tilespmem:$0x7C0]  }
0x161: {  	[tilespmem:$0x1F510] =	vst v15;
	v15 =	vld [tilespmem:$0x780]  }
0x162: {  	v63 =	vld [tilespmem:$0xBC0]  }
0x163: {  	v16 =	vadd.f32 v16, v62;
	v62 =	vld [tilespmem:$0xFC0]  }
0x164: {  	[tilespmem:$0x1FD40] =	vst v55;
	v55 =	vld.idx.msk [tilespmem:v3+s20+$0x0], $0xffff  }
0x165: {  	[tilespmem:$0x1F710] =	vst v58;
	v58 =	vld [tilespmem:$0x1F0D0]  }
0x166: {  	[tilespmem:$0x1F610] =	vst v0;
	v57 =	vld [tilespmem:$0x1F0C0]  }
0x167: {  	[tilespmem:$0x1F700] =	vst v63;
	v63 =	vld [tilespmem:$0x1F0E0]  }
0x168: {  	v23 =	vand.u32 $0x7FFFFFFF, v23;
	v39 =	vand.u32 $0x7FFFFFFF, v39;
	v0 =	vand.u32 $0x7FFFFFFF, v12;
	[tilespmem:$0x1F770] =	vst v62;
	v62 =	vld [tilespmem:$0x1F0F0]  }
0x169: {  	v56 =	vld.idx.msk [tilespmem:v3+s22+$0x0], $0xffff;
	v25 =	vadd.f32 v39, v25;
	v23 =	vadd.f32 v0, v23  }
0x16a: {  	v3 =	vld [tilespmem:$0x330];
	v50 =	vsub.f32 $1.000000000e+00, v50;
	v39 =	vsub.f32 v22, v58  }
0x16b: {  	[tilespmem:$0x1FF00] =	vst v42;
	v42 =	vld [tilespmem:$0xB30];
	v19 =	vsub.f32 $1.000000000e+00, v19;
	v16 =	vand.u32 $0x7FFFFFFF, v16  }
0x16c: {  	v22 =	vmul.f32 v50, v22;
	v58 =	vadd.f32 v16, v23;
	v23 =	vmul.f32 v50, v39;
	v50 =	vld [tilespmem:$0x1F100]  }
0x16d: {  	v19 =	vmul.f32 v19, v57;
	v57 =	vmul.f32 v62, v63;
	v63 =	vld [tilespmem:$0x13C0]  }
0x16e: {  	v62 =	vld [tilespmem:$0x1F110]  }
0x16f: {  	[tilespmem:$0x1FF10] =	vst v43;
	v43 =	vld [tilespmem:$0xF30]  }
0x170: {  	[tilespmem:$0x1FC80] =	vst v45;
	v45 =	vld.idx.msk [tilespmem:v4+s20+$0x0], $0xffff  }
0x171: {  	v46 =	vld.idx.msk [tilespmem:v4+s22+$0x0], $0xffff  }
0x172: {  	[tilespmem:$0x1FCC0] =	vst v48;
	v48 =	vld.idx.msk [tilespmem:v5+s20+$0x0], $0xffff  }
0x173: {  	[tilespmem:$0x1F780] =	vst v63;
	v63 =	vmul.f32 v62, v50;
	v50 =	vld [tilespmem:$0x17F0]  }
0x174: {  	v49 =	vld.idx.msk [tilespmem:v5+s22+$0x0], $0xffff  }
0x175: {  	[tilespmem:$0x1FA40] =	vst v6;
	v6 =	vld.idx.msk [tilespmem:v2+s22+$0x0], $0xffff  }
0x176: {  	[tilespmem:$0x1FE90] =	vst v24;
	v24 =	vld [tilespmem:$0xF10]  }
0x177: {  	[tilespmem:$0x1FE70] =	vst v28;
	v28 =	vld [tilespmem:$0x1310]  }
0x178: {  	[tilespmem:$0x1F6E0] =	vst v50;
	v50 =	vsub.f32 $1.000000000e+00, v57;
	v57 =	vld [tilespmem:$0x1F120]  }
0x179: {  	v39 =	vsub.f32 $1.000000000e+00, v63;
	v63 =	vld [tilespmem:$0x1F140]  }
0x17a: {  	[tilespmem:$0x1FEC0] =	vst v33;
	v33 =	vld [tilespmem:$0x1B60]  }
0x17b: {  	[tilespmem:$0x1FF60] =	vst v52;
	v52 =	vld [tilespmem:$0xF40]  }
0x17c: {  	[tilespmem:$0x1FEA0] =	vst v31;
	v31 =	vld [tilespmem:$0x1B70]  }
0x17d: {  	v23 =	vadd.f32 v23, v57;
	v57 =	vld [tilespmem:$0x1F150]  }
0x17e: {  	[tilespmem:$0x1FCD0] =	vst v47;
	v47 =	vor.u32 $0x306, v7;
	v50 =	vmul.f32 v50, v63;
	v63 =	vld [tilespmem:$0xBD0]  }
0x17f: {  	v4 =	vor.u32 v47, v26;
	v47 =	vld [tilespmem:$0x750]  }
0x180: {  	[tilespmem:$0x1FD10] =	vst v51;
	v51 =	vor.u32 $0x406, v7;
	v62 =	vld [tilespmem:$0x1F130]  }
0x181: {  	v5 =	vor.u32 v51, v26;
	v51 =	vld [tilespmem:$0xF60]  }
0x182: {  	[tilespmem:$0x1FF70] =	vst v53;
	v53 =	vld [tilespmem:$0x1360];
	v57 =	vsub.f32 v36, v57  }
0x183: {  	v22 =	vsub.f32 v22, v19;
	v23 =	vand.u32 $0x7FFFFFFF, v23;
	[tilespmem:$0x1F790] =	vst v63;
	v63 =	vld [tilespmem:$0x1F190]  }
0x184: {  	v25 =	vadd.f32 v23, v25;
	v23 =	vmul.f32 v39, v57;
	v57 =	vld [tilespmem:$0x1F180]  }
0x185: {  	v22 =	vadd.f32 v22, v62;
	v62 =	vld [tilespmem:$0x7D0]  }
0x186: {  	[tilespmem:$0x1F430] =	vst v8;
	v8 =	vld [tilespmem:$0x370]  }
0x187: {  	[tilespmem:$0x1F450] =	vst v9;
	v9 =	vld [tilespmem:$0xB70]  }
0x188: {  	v0 =	vld [tilespmem:$0x1F160]  }
0x189: {  	v36 =	vmul.f32 v39, v36;
	v39 =	vmul.f32 v63, v57;
	v57 =	vld [tilespmem:$0xFD0]  }
0x18a: {  	[tilespmem:$0x1F7A0] =	vst v62;
	v62 =	vld [tilespmem:$0x1F170]  }
0x18b: {  	[tilespmem:$0x1F540] =	vst v15;
	v15 =	vld [tilespmem:$0xB80]  }
0x18c: {  	[tilespmem:$0x1FF80] =	vst v55;
	v55 =	vld [tilespmem:$0x1340]  }
0x18d: {  	[tilespmem:$0x1FF90] =	vst v56;
	v56 =	vld [tilespmem:$0xF50]  }
0x18e: {  	[tilespmem:$0x1F7D0] =	vst v57;
	v57 =	vld [tilespmem:$0x1F1A0]  }
0x18f: {  	v12 =	vld [tilespmem:$0x3C0];
	v62 =	vmul.f32 v62, v0  }
0x190: {  	[tilespmem:$0x1FD90] =	vst v59;
	v59 =	vld.idx.msk [tilespmem:v4+s20+$0x0], $0xffff  }
0x191: {  	v36 =	vsub.f32 v36, v50;
	v50 =	vsub.f32 $1.000000000e+00, v62;
	v62 =	vld [tilespmem:$0x1800]  }
0x192: {  	v63 =	vld [tilespmem:$0x13D0]  }
0x193: {  	v57 =	vadd.f32 v23, v57;
	v23 =	vld [tilespmem:$0x1F1C0]  }
0x194: {  	[tilespmem:$0x1FD80] =	vst v60;
	v60 =	vld.idx.msk [tilespmem:v4+s22+$0x0], $0xffff  }
0x195: {  	v61 =	vld.idx.msk [tilespmem:v5+s20+$0x0], $0xffff  }
0x196: {  	v4 =	vld.idx.msk [tilespmem:v5+s22+$0x0], $0xffff  }
0x197: {  	[tilespmem:$0x1F7E0] =	vst v63;
	v63 =	vld [tilespmem:$0x1F1B0]  }
0x198: {  	[tilespmem:$0x1F760] =	vst v62;
	v62 =	vmul.f32 v50, v23;
	v50 =	vld [tilespmem:$0x1F1D0]  }
0x199: {  	v5 =	vld.idx.msk [tilespmem:v2+s20+$0x0], $0xffff  }
0x19a: {  	v2 =	vld [tilespmem:$0x320]  }
0x19b: {  	[tilespmem:$0x1FFF0] =	vst v6;
	v6 =	vld [tilespmem:$0x720];
	v22 =	vand.u32 $0x7FFFFFFF, v22  }
0x19c: {  	v22 =	vadd.f32 v22, v58;
	v58 =	vld [tilespmem:$0x7E0];
	v39 =	vsub.f32 $1.000000000e+00, v39  }
0x19d: {  	[tilespmem:$0x1FF50] =	vst v48;
	v48 =	vld [tilespmem:$0x1330];
	v36 =	vadd.f32 v36, v63;
	v63 =	vsub.f32 v18, v50  }
0x19e: {  	[tilespmem:$0x1FF20] =	vst v46;
	v46 =	vld [tilespmem:$0x740]  }
0x19f: {  	v18 =	vmul.f32 v39, v18;
	v39 =	vmul.f32 v39, v63;
	v63 =	vld [tilespmem:$0xBE0]  }
0x1a0: {  	[tilespmem:$0x1FF40] =	vst v49;
	v49 =	vld [tilespmem:$0x1780]  }
0x1a1: {  	[tilespmem:$0x1F810] =	vst v58;
	v58 =	vld [tilespmem:$0x1F200]  }
0x1a2: {  	v18 =	vsub.f32 v18, v62;
	v62 =	vld [tilespmem:$0x1F210]  }
0x1a3: {  	v0 =	vld [tilespmem:$0x1F1E0]  }
0x1a4: {  	v57 =	vand.u32 $0x7FFFFFFF, v57;
	[tilespmem:$0x1F850] =	vst v63;
	v63 =	vld [tilespmem:$0xFE0]  }
0x1a5: {  	v25 =	vadd.f32 v57, v25;
	v57 =	vld [tilespmem:$0x1F1F0]  }
0x1a6: {  	[tilespmem:$0x1FF30] =	vst v45;
	v45 =	vld [tilespmem:$0x1B80];
	v36 =	vand.u32 $0x7FFFFFFF, v36  }
0x1a7: {  	v36 =	vadd.f32 v36, v22;
	v22 =	vmul.f32 v58, v62;
	v58 =	vld [tilespmem:$0x1F220]  }
0x1a8: {  	v62 =	vld [tilespmem:$0x13E0]  }
0x1a9: {  	[tilespmem:$0x1F860] =	vst v63;
	v63 =	vld [tilespmem:$0x1F230]  }
0x1aa: {  	[tilespmem:$0x1F4A0] =	vst v53;
	v53 =	vld [tilespmem:$0x1790];
	v57 =	vmul.f32 v0, v57  }
0x1ab: {  	[tilespmem:$0x1F490] =	vst v51;
	v51 =	vld [tilespmem:$0x1B90]  }
0x1ac: {  	v57 =	vsub.f32 $1.000000000e+00, v57;
	v18 =	vadd.f32 v18, v58;
	v58 =	vld [tilespmem:$0x1F240]  }
0x1ad: {  	[tilespmem:$0x1F890] =	vst v62;
	v62 =	vld [tilespmem:$0x1F250]  }
0x1ae: {  	v57 =	vmul.f32 v57, v63;
	v63 =	vld [tilespmem:$0x1810]  }
0x1af: {  	[tilespmem:$0x1F4B0] =	vst v9;
	v9 =	vld [tilespmem:$0x17A0]  }
0x1b0: {  	[tilespmem:$0x1F530] =	vst v15;
	v15 =	vld [tilespmem:$0xF80]  }
0x1b1: {  	[tilespmem:$0x1FFC0] =	vst v61;
	v61 =	vld [tilespmem:$0x1740]  }
0x1b2: {  	v58 =	vmul.f32 v58, v62;
	v62 =	vsub.f32 $1.000000000e+00, v22;
	v22 =	vld [tilespmem:$0x1F260]  }
0x1b3: {  	[tilespmem:$0x1F7C0] =	vst v63;
	v63 =	vld [tilespmem:$0x1F270]  }
0x1b4: {  	[tilespmem:$0x1FFB0] =	vst v60;
	v60 =	vld [tilespmem:$0x1320]  }
0x1b5: {  	[tilespmem:$0x1FFD0] =	vst v4;
	v4 =	vld [tilespmem:$0x350]  }
0x1b6: {  	[tilespmem:$0x1FFE0] =	vst v5;
	v5 =	vld [tilespmem:$0x360]  }
0x1b7: {  	v0 =	vld [tilespmem:$0x1C10]  }
0x1b8: {  	v39 =	vadd.f32 v39, v1;
	v63 =	vmul.f32 v22, v63;
	v22 =	vld [tilespmem:$0x1F280]  }
0x1b9: {  	[tilespmem:$0x1FFA0] =	vst v59;
	v59 =	vld [tilespmem:$0x770]  }
0x1ba: {  	[tilespmem:$0x1F480] =	vst v9;
	v9 =	vld [tilespmem:$0x380];
	v39 =	vand.u32 $0x7FFFFFFF, v39  }
0x1bb: {  	v25 =	vadd.f32 v39, v25;
	v39 =	vsub.f32 $1.000000000e+00, v63;
	v63 =	vld [tilespmem:$0xBF0]  }
0x1bc: {  	[tilespmem:$0x1F590] =	vst v15;
	v15 =	vld [tilespmem:$0x1380]  }
0x1bd: {  	[tilespmem:$0x1F800] =	vst v0;
	v0 =	vmul.f32 v62, v27;
	v22 =	vsub.f32 v27, v22;
	v27 =	vld [tilespmem:$0x1F290]  }
0x1be: {  	v16 =	vld [tilespmem:$0x1BF0]  }
0x1bf: {  	[tilespmem:$0x1F4C0] =	vst v59;
	v59 =	vld [tilespmem:$0x1370]  }
0x1c0: {  	[tilespmem:$0x1F870] =	vst v63;
	v63 =	vld [tilespmem:$0x1F2B0]  }
0x1c1: {  	[tilespmem:$0x1F5A0] =	vst v15;
	v15 =	vld [tilespmem:$0x17B0]  }
0x1c2: {  	v19 =	vld [tilespmem:$0x3D0];
	v58 =	vsub.f32 $1.000000000e+00, v58;
	v1 =	vsub.f32 v29, v27  }
0x1c3: {  	v22 =	vmul.f32 v62, v22;
	v62 =	vld [tilespmem:$0x7F0]  }
0x1c4: {  	v29 =	vmul.f32 v58, v29;
	v1 =	vmul.f32 v58, v1;
	v58 =	vld [tilespmem:$0x1F2A0]  }
0x1c5: {  	v22 =	vadd.f32 v22, v63;
	v63 =	vld [tilespmem:$0x1820]  }
0x1c6: {  	[tilespmem:$0x1F500] =	vst v15;
	v15 =	vld [tilespmem:$0x1BB0]  }
0x1c7: {  	v0 =	vsub.f32 v0, v57;
	v57 =	vld [tilespmem:$0x1F2C0]  }
0x1c8: {  	v18 =	vand.u32 $0x7FFFFFFF, v18;
	[tilespmem:$0x1F880] =	vst v62;
	v62 =	vld [tilespmem:$0xFF0]  }
0x1c9: {  	v18 =	vadd.f32 v18, v36;
	v36 =	vmul.f32 v39, v58;
	v58 =	vld [tilespmem:$0x13F0]  }
0x1ca: {  	[tilespmem:$0x1F840] =	vst v63;
	v63 =	vld [tilespmem:$0x1F300]  }
0x1cb: {  	v39 =	vld [tilespmem:$0x1F310]  }
0x1cc: {  	v0 =	vadd.f32 v0, v57;
	v57 =	vld [tilespmem:$0x1F2E0]  }
0x1cd: {  	[tilespmem:$0x1F8F0] =	vst v62;
	v62 =	vld [tilespmem:$0x1F2D0]  }
0x1ce: {  	[tilespmem:$0x1F900] =	vst v58;
	v58 =	vld [tilespmem:$0x1F2F0]  }
0x1cf: {  	[tilespmem:$0x1F520] =	vst v59;
	v59 =	vld [tilespmem:$0x1BA0];
	v0 =	vand.u32 $0x7FFFFFFF, v0  }
0x1d0: {  	v0 =	vadd.f32 v0, v18;
	v18 =	vmul.f32 v63, v39;
	v63 =	vld [tilespmem:$0x1F330]  }
0x1d1: {  	[tilespmem:$0x1F4E0] =	vst v15;
	v15 =	vld [tilespmem:$0x390]  }
0x1d2: {  	v23 =	vld [tilespmem:$0x1C00]  }
0x1d3: {  	v1 =	vadd.f32 v1, v62;
	v62 =	vmul.f32 v57, v58;
	v58 =	vld [tilespmem:$0x1F320]  }
0x1d4: {  	v57 =	vld [tilespmem:$0xC00]  }
0x1d5: {  	v10 =	vmul.f32 v63, v10;
	v63 =	vld [tilespmem:$0x1F360]  }
0x1d6: {  	v50 =	vld [tilespmem:$0x3E0]  }
0x1d7: {  	v27 =	vld [tilespmem:$0x3F0];
	v22 =	vand.u32 $0x7FFFFFFF, v22;
	v29 =	vsub.f32 v29, v36  }
0x1d8: {  	v22 =	vadd.f32 v22, v25;
	v36 =	vld [tilespmem:$0x1C20]  }
0x1d9: {  	v25 =	vadd.f32 v29, v58;
	v29 =	vsub.f32 $1.000000000e+00, v62;
	v62 =	vld [tilespmem:$0x800]  }
0x1da: {  	v18 =	vsub.f32 $1.000000000e+00, v18;
	[tilespmem:$0x1F910] =	vst v57;
	v58 =	vld [tilespmem:$0x1F340];
	v57 =	vsub.f32 v41, v63  }
0x1db: {  	v63 =	vld [tilespmem:$0x1830]  }
0x1dc: {  	v41 =	vmul.f32 v18, v41;
	v18 =	vmul.f32 v18, v57;
	v57 =	vld [tilespmem:$0x1C30]  }
0x1dd: {  	v39 =	vld [tilespmem:$0x400]  }
0x1de: {  	v1 =	vand.u32 $0x7FFFFFFF, v1;
	[tilespmem:$0x1F8E0] =	vst v62;
	v62 =	vld [tilespmem:$0x1F350]  }
0x1df: {  	v1 =	vadd.f32 v1, v22;
	v22 =	vmul.f32 v29, v58;
	v58 =	vld [tilespmem:$0x1F370]  }
0x1e0: {  	[tilespmem:$0x1F8B0] =	vst v63;
	v63 =	vld [tilespmem:$0x1F390]  }
0x1e1: {  	[tilespmem:$0x1F8D0] =	vst v57;
	v57 =	vld [tilespmem:$0x1F3A0]  }
0x1e2: {  	v22 =	vsub.f32 v41, v22;
	v41 =	vld [tilespmem:$0x1010]  }
0x1e3: {  	v10 =	vsub.f32 $1.000000000e+00, v10;
	v29 =	vmul.f32 v62, v61;
	v61 =	vld [tilespmem:$0x1000]  }
0x1e4: {  	v62 =	vld [tilespmem:$0x1400]  }
0x1e5: {  	v10 =	vmul.f32 v10, v17;
	v18 =	vadd.f32 v18, v58;
	v58 =	vld [tilespmem:$0x810]  }
0x1e6: {  	v17 =	vsub.f32 v40, v20;
	v25 =	vand.u32 $0x7FFFFFFF, v25;
	v22 =	vadd.f32 v22, v63;
	v63 =	vld [tilespmem:$0x1410]  }
0x1e7: {  	v0 =	vadd.f32 v25, v0;
	v25 =	vsub.f32 $1.000000000e+00, v29;
	v13 =	vmul.f32 v57, v13;
	v57 =	vld [tilespmem:$0x1840]  }
0x1e8: {  	v29 =	vld [tilespmem:$0x1F3C0];
	[tilespmem:$0x1F920] =	vst v61  }
0x1e9: {  	v17 =	vmul.f32 v25, v17;
	[tilespmem:$0x1F950] =	vst v62;
	v61 =	vld [tilespmem:$0x1F380]  }
0x1ea: {  	v62 =	vmul.f32 v25, v40;
	[tilespmem:$0x1F970] =	vst v58;
	v58 =	vld [tilespmem:$0x420]  }
0x1eb: {  	v13 =	vsub.f32 $1.000000000e+00, v13;
	v17 =	vadd.f32 v17, v24;
	v24 =	vld [tilespmem:$0x1F3B0]  }
0x1ec: {  	v40 =	vld [tilespmem:$0x1F3D0];
	v10 =	vsub.f32 v62, v10;
	v62 =	vsub.f32 v2, v6  }
0x1ed: {  	[tilespmem:$0x1F9A0] =	vst v63;
	v63 =	vld [tilespmem:$0x1F3E0]  }
0x1ee: {  	v37 =	vsub.f32 v3, v37;
	v2 =	vmul.f32 v13, v2;
	v13 =	vmul.f32 v13, v62;
	v62 =	vld [tilespmem:$0x1C40]  }
0x1ef: {  	v22 =	vand.u32 $0x7FFFFFFF, v22;
	v10 =	vadd.f32 v10, v28;
	v28 =	vld [tilespmem:$0x820];
	v20 =	vmul.f32 v61, v11  }
0x1f0: {  	v18 =	vand.u32 $0x7FFFFFFF, v18;
	v0 =	vadd.f32 v22, v0;
	v11 =	vld [tilespmem:$0x410];
	v25 =	vmul.f32 v24, v30  }
0x1f1: {  	v1 =	vadd.f32 v18, v1;
	v61 =	vld [tilespmem:$0xC10];
	v10 =	vand.u32 $0x7FFFFFFF, v10;
	v20 =	vsub.f32 $1.000000000e+00, v20  }
0x1f2: {  	v6 =	vmul.f32 v63, v34;
	v34 =	vld [tilespmem:$0x1F3F0];
	v0 =	vadd.f32 v10, v0;
	v10 =	vsub.f32 $1.000000000e+00, v25  }
0x1f3: {  	v17 =	vand.u32 $0x7FFFFFFF, v17;
	v63 =	vld [tilespmem:$0x1040];
	v30 =	vmul.f32 v29, v33;
	v20 =	vmul.f32 v20, v21  }
0x1f4: {  	v1 =	vadd.f32 v17, v1;
	v13 =	vadd.f32 v13, v38;
	v33 =	vld [tilespmem:$0xC20];
	v18 =	vmul.f32 v10, v37  }
0x1f5: {  	v38 =	vld [tilespmem:$0x1020];
	v17 =	vsub.f32 $1.000000000e+00, v30;
	v2 =	vsub.f32 v2, v20  }
0x1f6: {  	v29 =	vld [tilespmem:$0x1850];
	v13 =	vand.u32 $0x7FFFFFFF, v13;
	v30 =	vsub.f32 v35, v46;
	v18 =	vadd.f32 v18, v43  }
0x1f7: {  	v46 =	vld [tilespmem:$0x1030];
	v1 =	vadd.f32 v13, v1;
	v2 =	vadd.f32 v2, v60;
	v60 =	vmul.f32 v40, v31  }
0x1f8: {  	[tilespmem:$0x1F9C0] =	vst v28;
	v13 =	vsub.f32 $1.000000000e+00, v6;
	v28 =	vld [tilespmem:$0x830];
	v10 =	vmul.f32 v10, v3;
	v18 =	vand.u32 $0x7FFFFFFF, v18  }
0x1f9: {  	[tilespmem:$0x1F960] =	vst v61;
	v61 =	vld [tilespmem:$0x1420];
	v20 =	vsub.f32 $1.000000000e+00, v60;
	v18 =	vadd.f32 v18, v1;
	v1 =	vmul.f32 v34, v49  }
0x1fa: {  	v17 =	vmul.f32 v17, v42;
	v31 =	vmul.f32 v13, v35;
	v35 =	vld [tilespmem:$0x1F400]  }
0x1fb: {  	v3 =	vld [tilespmem:$0x1C50];
	v42 =	vsub.f32 v4, v47;
	v25 =	vmul.f32 v20, v44;
	v40 =	vsub.f32 $1.000000000e+00, v1  }
0x1fc: {  	[tilespmem:$0x1F9B0] =	vst v33;
	v33 =	vld [tilespmem:$0xC30];
	v13 =	vmul.f32 v13, v30  }
0x1fd: {  	[tilespmem:$0x1F9F0] =	vst v38;
	v38 =	vld [tilespmem:$0x1430];
	v10 =	vsub.f32 v10, v17;
	v17 =	vsub.f32 v31, v25;
	v47 =	vmul.f32 v40, v42  }
0x1fe: {  	v43 =	vadd.f32 v13, v52;
	v52 =	vld [tilespmem:$0x840]  }
0x1ff: {  	[tilespmem:$0x1FA20] =	vst v28;
	v37 =	vmul.f32 v35, v45;
	v45 =	vadd.f32 v17, v55;
	v17 =	vadd.f32 v47, v56;
	v56 =	vld [tilespmem:$0xC40]  }
0x200: {  	[tilespmem:$0x1FA00] =	vst v61;
	v24 =	vand.u32 $0x7FFFFFFF, v2;
	v2 =	vld [tilespmem:$0x430]  }
0x201: {  	v13 =	vld [tilespmem:$0x440];
	[tilespmem:$0x1FA10] =	vst v33  }
0x202: {  	v60 =	vld [tilespmem:$0x1F420];
	[tilespmem:$0x1FA50] =	vst v38  }
0x203: {  	v10 =	vadd.f32 v10, v48;
	v1 =	vld [tilespmem:$0x1860];
	v44 =	vsub.f32 $1.000000000e+00, v37;
	[tilespmem:$0x1FA90] =	vst v52  }
0x204: {  	v0 =	vadd.f32 v24, v0;
	v20 =	vld [tilespmem:$0x1C60];
	[tilespmem:$0x1FA60] =	vst v56  }
0x205: {  	v10 =	vand.u32 $0x7FFFFFFF, v10;
	v48 =	vmul.f32 v44, v54;
	v54 =	vld [tilespmem:$0x1F410];
	[tilespmem:$0x1FAB0] =	vst v63  }
0x206: {  	v0 =	vadd.f32 v10, v0;
	v6 =	vld [tilespmem:$0x1440]  }
0x207: {  	v10 =	vand.u32 $0x7FFFFFFF, v45;
	v24 =	vld [tilespmem:$0x1F430]  }
0x208: {  	v10 =	vadd.f32 v10, v0;
	v0 =	vld [tilespmem:$0x1870]  }
0x209: {  	v49 =	vand.u32 $0x7FFFFFFF, v43;
	v25 =	vld [tilespmem:$0x1F450]  }
0x20a: {  	v18 =	vadd.f32 v49, v18;
	v38 =	vld [tilespmem:$0x1C70]  }
0x20b: {  	v17 =	vand.u32 $0x7FFFFFFF, v17;
	v30 =	vld [tilespmem:$0x1F460]  }
0x20c: {  	v17 =	vadd.f32 v17, v18;
	v18 =	vld [tilespmem:$0x450]  }
0x20d: {  	v34 =	vld [tilespmem:$0x1F470]  }
0x20e: {  	v35 =	vld [tilespmem:$0x1F480]  }
0x20f: {  	v42 =	vld [tilespmem:$0x850]  }
0x210: {  	v4 =	vmul.f32 v40, v4;
	v40 =	vld [tilespmem:$0xC50]  }
0x211: {  	v43 =	vld [tilespmem:$0x1F490]  }
0x212: {  	v44 =	vld [tilespmem:$0x1050]  }
0x213: {  	v45 =	vld [tilespmem:$0x1F4A0]  }
0x214: {  	v47 =	vld [tilespmem:$0x1F4B0]  }
0x215: {  	v4 =	vsub.f32 v4, v48;
	v48 =	vld [tilespmem:$0x1F4C0]  }
0x216: {  	v56 =	vld [tilespmem:$0x1450]  }
0x217: {  	v61 =	vmul.f32 v60, v53;
	v60 =	vld [tilespmem:$0x1F4E0]  }
0x218: {  	v53 =	vld [tilespmem:$0x1880]  }
0x219: {  	v63 =	vld [tilespmem:$0x1F4F0]  }
0x21a: {  	v55 =	vmul.f32 v54, v51;
	v54 =	vld [tilespmem:$0x1C80]  }
0x21b: {  	v52 =	vld [tilespmem:$0x1F570]  }
0x21c: {  	v22 =	vsub.f32 $1.000000000e+00, v55;
	v55 =	vld [tilespmem:$0x1F580]  }
0x21d: {  	[tilespmem:$0x1FAC0] =	vst v6;
	v6 =	vld [tilespmem:$0x1F440]  }
0x21e: {  	v31 =	vmul.f32 v30, v59;
	v59 =	vld [tilespmem:$0x1F4D0]  }
0x21f: {  	v4 =	vadd.f32 v4, v24;
	v24 =	vld [tilespmem:$0x1F500]  }
0x220: {  	[tilespmem:$0x1FAA0] =	vst v40;
	v40 =	vld [tilespmem:$0xC60]  }
0x221: {  	v49 =	vsub.f32 v8, v48;
	v48 =	vld [tilespmem:$0x1F560]  }
0x222: {  	v21 =	vsub.f32 $1.000000000e+00, v61;
	v28 =	vsub.f32 v5, v25;
	[tilespmem:$0x1FB00] =	vst v56;
	v56 =	vld [tilespmem:$0x1F590]  }
0x223: {  	v30 =	vld [tilespmem:$0x1F600]  }
0x224: {  	v33 =	vmul.f32 v21, v28;
	v28 =	vld [tilespmem:$0x460]  }
0x225: {  	v5 =	vmul.f32 v21, v5;
	v21 =	vmul.f32 v34, v35;
	v34 =	vld [tilespmem:$0x860]  }
0x226: {  	v4 =	vand.u32 $0x7FFFFFFF, v4;
	v35 =	vld [tilespmem:$0x1F520]  }
0x227: {  	v4 =	vadd.f32 v4, v10;
	v10 =	vadd.f32 v33, v43;
	v33 =	vld [tilespmem:$0x1F510]  }
0x228: {  	v43 =	vld [tilespmem:$0x1F540]  }
0x229: {  	v25 =	vmul.f32 v59, v60;
	v59 =	vld [tilespmem:$0x1F5A0]  }
0x22a: {  	[tilespmem:$0x1FB20] =	vst v40;
	v40 =	vld [tilespmem:$0x470]  }
0x22b: {  	v37 =	vsub.f32 $1.000000000e+00, v31;
	v60 =	vld [tilespmem:$0x1F5B0]  }
0x22c: {  	v21 =	vsub.f32 $1.000000000e+00, v21;
	v31 =	vsub.f32 v15, v30;
	v30 =	vld [tilespmem:$0x1480]  }
0x22d: {  	v22 =	vmul.f32 v22, v6;
	v6 =	vld [tilespmem:$0x18C0]  }
0x22e: {  	v61 =	vmul.f32 v21, v49;
	v49 =	vld [tilespmem:$0x1460]  }
0x22f: {  	v8 =	vmul.f32 v21, v8;
	v21 =	vmul.f32 v63, v24;
	v63 =	vld [tilespmem:$0x1F5D0]  }
0x230: {  	v24 =	vld [tilespmem:$0x1F5E0]  }
0x231: {  	v5 =	vsub.f32 v5, v22;
	v22 =	vmul.f32 v37, v47;
	v37 =	vld [tilespmem:$0x1F530]  }
0x232: {  	v47 =	vld [tilespmem:$0x1F550]  }
0x233: {  	[tilespmem:$0x1FB40] =	vst v34;
	v34 =	vld [tilespmem:$0xC70]  }
0x234: {  	v10 =	vand.u32 $0x7FFFFFFF, v10;
	v5 =	vadd.f32 v5, v45;
	v45 =	vld [tilespmem:$0x1060]  }
0x235: {  	v10 =	vadd.f32 v10, v17;
	v17 =	vadd.f32 v61, v33;
	v33 =	vld [tilespmem:$0x1890]  }
0x236: {  	v61 =	vld [tilespmem:$0x1F5C0]  }
0x237: {  	[tilespmem:$0x1FAD0] =	vst v44;
	v21 =	vsub.f32 $1.000000000e+00, v21;
	v44 =	vsub.f32 v9, v43;
	v43 =	vld [tilespmem:$0x1070]  }
0x238: {  	v8 =	vsub.f32 v8, v22;
	[tilespmem:$0x1FBF0] =	vst v30;
	v30 =	vld [tilespmem:$0x1F730]  }
0x239: {  	v25 =	vsub.f32 $1.000000000e+00, v25;
	v51 =	vmul.f32 v21, v44;
	v44 =	vld [tilespmem:$0x1C90]  }
0x23a: {  	v8 =	vadd.f32 v8, v35;
	v35 =	vld [tilespmem:$0x1F610]  }
0x23b: {  	v5 =	vand.u32 $0x7FFFFFFF, v5;
	v17 =	vand.u32 $0x7FFFFFFF, v17;
	v22 =	vmul.f32 v25, v37;
	v25 =	vld [tilespmem:$0x1F5F0]  }
0x23c: {  	v4 =	vadd.f32 v5, v4;
	v5 =	vadd.f32 v17, v10;
	v10 =	vmul.f32 v47, v48;
	v47 =	vld [tilespmem:$0x1470]  }
0x23d: {  	[tilespmem:$0x1FB50] =	vst v34;
	v34 =	vld [tilespmem:$0x1F6C0]  }
0x23e: {  	v9 =	vmul.f32 v21, v9;
	v17 =	vadd.f32 v51, v56;
	v51 =	vld [tilespmem:$0x1F620]  }
0x23f: {  	v56 =	vld [tilespmem:$0x1F640]  }
0x240: {  	v8 =	vand.u32 $0x7FFFFFFF, v8;
	v9 =	vsub.f32 v9, v22;
	v22 =	vld [tilespmem:$0x870]  }
0x241: {  	v4 =	vadd.f32 v8, v4;
	v8 =	vmul.f32 v52, v55;
	v55 =	vld [tilespmem:$0x1F630]  }
0x242: {  	v21 =	vmul.f32 v61, v63;
	v63 =	vld [tilespmem:$0x880]  }
0x243: {  	v61 =	vld [tilespmem:$0x1F670]  }
0x244: {  	v10 =	vsub.f32 $1.000000000e+00, v10;
	[tilespmem:$0x1FBB0] =	vst v43;
	v43 =	vld [tilespmem:$0x1F6E0]  }
0x245: {  	v9 =	vadd.f32 v9, v59;
	v59 =	vld [tilespmem:$0x1F650]  }
0x246: {  	v10 =	vmul.f32 v10, v60;
	v8 =	vsub.f32 $1.000000000e+00, v8;
	v60 =	vld [tilespmem:$0x1F660]  }
0x247: {  	v21 =	vsub.f32 $1.000000000e+00, v21;
	v37 =	vsub.f32 v14, v35;
	v35 =	vld [tilespmem:$0x1F6D0]  }
0x248: {  	[tilespmem:$0x1FB70] =	vst v45;
	v15 =	vmul.f32 v8, v15;
	v45 =	vmul.f32 v8, v31;
	v8 =	vld [tilespmem:$0x18A0]  }
0x249: {  	v48 =	vmul.f32 v21, v37;
	v37 =	vld [tilespmem:$0xC80]  }
0x24a: {  	[tilespmem:$0x1FB90] =	vst v49;
	v49 =	vmul.f32 v21, v14;
	v21 =	vld [tilespmem:$0x1F690]  }
0x24b: {  	v31 =	vld [tilespmem:$0x1F6B0]  }
0x24c: {  	[tilespmem:$0x1FB60] =	vst v22;
	v22 =	vmul.f32 v24, v25;
	v24 =	vld [tilespmem:$0x1CA0]  }
0x24d: {  	v17 =	vand.u32 $0x7FFFFFFF, v17;
	v25 =	vld [tilespmem:$0x1F6A0]  }
0x24e: {  	v5 =	vadd.f32 v17, v5;
	v17 =	vadd.f32 v45, v55;
	v45 =	vld [tilespmem:$0x480]  }
0x24f: {  	v10 =	vsub.f32 v15, v10;
	v15 =	vadd.f32 v48, v59;
	v48 =	vld [tilespmem:$0x1F6F0]  }
0x250: {  	v14 =	vmul.f32 v60, v61;
	v60 =	vld [tilespmem:$0x890]  }
0x251: {  	v59 =	vld [tilespmem:$0x1F710]  }
0x252: {  	[tilespmem:$0x1FBC0] =	vst v47;
	v47 =	vmul.f32 v35, v43;
	v35 =	vld [tilespmem:$0x1090]  }
0x253: {  	v43 =	vld [tilespmem:$0x1F740]  }
0x254: {  	v22 =	vsub.f32 $1.000000000e+00, v22;
	v10 =	vadd.f32 v10, v56;
	v17 =	vand.u32 $0x7FFFFFFF, v17;
	v56 =	vld [tilespmem:$0x1F700]  }
0x255: {  	v5 =	vadd.f32 v17, v5;
	v17 =	vld [tilespmem:$0x1F680]  }
0x256: {  	v52 =	vmul.f32 v22, v51;
	v22 =	vld [tilespmem:$0x1080]  }
0x257: {  	v16 =	vmul.f32 v31, v16;
	v31 =	vld [tilespmem:$0x18B0]  }
0x258: {  	v15 =	vand.u32 $0x7FFFFFFF, v15;
	v14 =	vsub.f32 $1.000000000e+00, v14;
	v55 =	vsub.f32 $1.000000000e+00, v47;
	v47 =	vld [tilespmem:$0x1F750]  }
0x259: {  	v9 =	vand.u32 $0x7FFFFFFF, v9;
	v5 =	vadd.f32 v15, v5;
	v15 =	vld [tilespmem:$0x1CB0]  }
0x25a: {  	v4 =	vadd.f32 v9, v4;
	v14 =	vmul.f32 v14, v34;
	v34 =	vmul.f32 v30, v23;
	v30 =	vld [tilespmem:$0x1CC0]  }
0x25b: {  	v9 =	vsub.f32 v49, v52;
	v49 =	vsub.f32 v32, v48;
	v48 =	vld [tilespmem:$0x1F760]  }
0x25c: {  	v61 =	vsub.f32 v12, v59;
	v59 =	vld [tilespmem:$0x1F7A0]  }
0x25d: {  	v16 =	vsub.f32 $1.000000000e+00, v16;
	[tilespmem:$0x1FC40] =	vst v35;
	v35 =	vld [tilespmem:$0x1F7B0]  }
0x25e: {  	v9 =	vadd.f32 v9, v25;
	v25 =	vld [tilespmem:$0x1F720]  }
0x25f: {  	v10 =	vand.u32 $0x7FFFFFFF, v10;
	v16 =	vmul.f32 v16, v56;
	v56 =	vld [tilespmem:$0x1F790]  }
0x260: {  	v4 =	vadd.f32 v10, v4;
	v10 =	vmul.f32 v17, v21;
	[tilespmem:$0x1FBE0] =	vst v22;
	v22 =	vld [tilespmem:$0xC90]  }
0x261: {  	v21 =	vsub.f32 v19, v59;
	v59 =	vld [tilespmem:$0x4A0]  }
0x262: {  	v10 =	vsub.f32 $1.000000000e+00, v10;
	v17 =	vmul.f32 v47, v48;
	v47 =	vld [tilespmem:$0x14A0]  }
0x263: {  	v48 =	vld [tilespmem:$0x1F7D0]  }
0x264: {  	v51 =	vmul.f32 v10, v32;
	v32 =	vld [tilespmem:$0x490]  }
0x265: {  	v52 =	vmul.f32 v10, v49;
	v49 =	vld [tilespmem:$0x1490]  }
0x266: {  	v12 =	vmul.f32 v55, v12;
	v10 =	vmul.f32 v55, v61;
	v55 =	vld [tilespmem:$0x1F780]  }
0x267: {  	v9 =	vand.u32 $0x7FFFFFFF, v9;
	v61 =	vld [tilespmem:$0x8A0]  }
0x268: {  	v4 =	vadd.f32 v9, v4;
	[tilespmem:$0x1FC30] =	vst v22;
	v22 =	vld [tilespmem:$0x4C0]  }
0x269: {  	v17 =	vsub.f32 $1.000000000e+00, v17;
	v9 =	vadd.f32 v52, v25;
	v52 =	vld [tilespmem:$0x1F770]  }
0x26a: {  	v14 =	vsub.f32 v51, v14;
	v51 =	vsub.f32 $1.000000000e+00, v34;
	v34 =	vld [tilespmem:$0x10A0]  }
0x26b: {  	v19 =	vmul.f32 v17, v19;
	v23 =	vmul.f32 v17, v21;
	v17 =	vld [tilespmem:$0x4B0]  }
0x26c: {  	v12 =	vsub.f32 v12, v16;
	v16 =	vmul.f32 v51, v56;
	v51 =	vld [tilespmem:$0xCA0]  }
0x26d: {  	v14 =	vadd.f32 v14, v43;
	v43 =	vld [tilespmem:$0x1F7C0]  }
0x26e: {  	v56 =	vld [tilespmem:$0x1F810]  }
0x26f: {  	[tilespmem:$0x1FCA0] =	vst v47;
	v47 =	vld [tilespmem:$0xCB0]  }
0x270: {  	[tilespmem:$0x1FC60] =	vst v49;
	v49 =	vld [tilespmem:$0x1F7E0]  }
0x271: {  	v9 =	vand.u32 $0x7FFFFFFF, v9;
	v12 =	vadd.f32 v12, v55;
	v55 =	vld [tilespmem:$0x1F800]  }
0x272: {  	v5 =	vadd.f32 v9, v5;
	v9 =	vadd.f32 v23, v48;
	v23 =	vld [tilespmem:$0x1F820];
	v14 =	vand.u32 $0x7FFFFFFF, v14  }
0x273: {  	v48 =	vld [tilespmem:$0x1F860];
	v4 =	vadd.f32 v14, v4  }
0x274: {  	v10 =	vadd.f32 v10, v52;
	v12 =	vand.u32 $0x7FFFFFFF, v12;
	v52 =	vld [tilespmem:$0x1F7F0]  }
0x275: {  	v4 =	vadd.f32 v12, v4;
	v12 =	vld [tilespmem:$0x1CD0]  }
0x276: {  	[tilespmem:$0x1FC50] =	vst v61;
	v25 =	vsub.f32 v19, v16;
	v61 =	vsub.f32 v50, v56;
	v56 =	vld [tilespmem:$0x8B0]  }
0x277: {  	[tilespmem:$0x1FCB0] =	vst v47;
	v47 =	vld [tilespmem:$0x1F8B0]  }
0x278: {  	v10 =	vand.u32 $0x7FFFFFFF, v10;
	v14 =	vadd.f32 v25, v49;
	v25 =	vld [tilespmem:$0x18D0]  }
0x279: {  	v5 =	vadd.f32 v10, v5;
	v10 =	vmul.f32 v35, v43;
	v35 =	vld [tilespmem:$0x1F830]  }
0x27a: {  	[tilespmem:$0x1FC90] =	vst v34;
	v34 =	vmul.f32 v23, v36;
	v36 =	vld [tilespmem:$0x1F840]  }
0x27b: {  	v43 =	vld [tilespmem:$0x1F850]  }
0x27c: {  	v23 =	vld [tilespmem:$0x1F880]  }
0x27d: {  	v16 =	vmul.f32 v52, v55;
	v10 =	vsub.f32 $1.000000000e+00, v10;
	v14 =	vand.u32 $0x7FFFFFFF, v14;
	v52 =	vld [tilespmem:$0x14B0]  }
0x27e: {  	v14 =	vadd.f32 v14, v4;
	v4 =	vld [tilespmem:$0x1CE0]  }
0x27f: {  	v19 =	vmul.f32 v10, v61;
	v61 =	vld [tilespmem:$0x10B0]  }
0x280: {  	v9 =	vand.u32 $0x7FFFFFFF, v9;
	v16 =	vsub.f32 $1.000000000e+00, v16;
	v10 =	vmul.f32 v10, v50;
	v50 =	vld [tilespmem:$0x1F870]  }
0x281: {  	v5 =	vadd.f32 v9, v5;
	v9 =	vmul.f32 v35, v36;
	v36 =	vld [tilespmem:$0x1F890]  }
0x282: {  	v16 =	vmul.f32 v16, v43;
	v43 =	vld [tilespmem:$0x1F8A0]  }
0x283: {  	v19 =	vadd.f32 v19, v48;
	v48 =	vld [tilespmem:$0x1F8C0]  }
0x284: {  	v21 =	vsub.f32 $1.000000000e+00, v34;
	[tilespmem:$0x1FCE0] =	vst v52;
	v52 =	vld [tilespmem:$0x8C0]  }
0x285: {  	v34 =	vsub.f32 v27, v23;
	v55 =	vand.u32 $0x7FFFFFFF, v19;
	v19 =	vld [tilespmem:$0x18E0]  }
0x286: {  	v9 =	vsub.f32 $1.000000000e+00, v9;
	v49 =	vsub.f32 v10, v16;
	v10 =	vmul.f32 v21, v50;
	v50 =	vld [tilespmem:$0x1F8E0]  }
0x287: {  	v5 =	vadd.f32 v55, v5;
	v55 =	vld [tilespmem:$0x1F8F0]  }
0x288: {  	v35 =	vmul.f32 v9, v27;
	v9 =	vmul.f32 v9, v34;
	v34 =	vld [tilespmem:$0x1F900]  }
0x289: {  	v23 =	vadd.f32 v49, v36;
	v49 =	vld [tilespmem:$0x1F8D0];
	v16 =	vmul.f32 v43, v47  }
0x28a: {  	v36 =	vld [tilespmem:$0x10C0]  }
0x28b: {  	v43 =	vld [tilespmem:$0x14C0];
	v16 =	vsub.f32 $1.000000000e+00, v16;
	v27 =	vsub.f32 v39, v50  }
0x28c: {  	v47 =	vld [tilespmem:$0x1F920]  }
0x28d: {  	v10 =	vsub.f32 v35, v10;
	v35 =	vmul.f32 v16, v27;
	v16 =	vmul.f32 v16, v39;
	v39 =	vld [tilespmem:$0x1F910]  }
0x28e: {  	[tilespmem:$0x1FCF0] =	vst v52;
	v52 =	vld [tilespmem:$0x1F940];
	v21 =	vmul.f32 v48, v49  }
0x28f: {  	v10 =	vadd.f32 v10, v34;
	v34 =	vld [tilespmem:$0x1F980]  }
0x290: {  	v48 =	vld [tilespmem:$0xCC0];
	v21 =	vsub.f32 $1.000000000e+00, v21  }
0x291: {  	v9 =	vadd.f32 v9, v55;
	v49 =	vld [tilespmem:$0x1F930]  }
0x292: {  	v23 =	vand.u32 $0x7FFFFFFF, v23;
	v27 =	vld [tilespmem:$0x1F970];
	v21 =	vmul.f32 v21, v39  }
0x293: {  	v14 =	vadd.f32 v23, v14;
	v9 =	vand.u32 $0x7FFFFFFF, v9;
	[tilespmem:$0x1FD30] =	vst v43;
	v43 =	vld [tilespmem:$0x1900]  }
0x294: {  	v23 =	vadd.f32 v35, v47;
	v47 =	vld [tilespmem:$0x1F990];
	v16 =	vsub.f32 v16, v21;
	v21 =	vmul.f32 v52, v57  }
0x295: {  	v9 =	vadd.f32 v9, v5;
	v57 =	vld [tilespmem:$0x1F950]  }
0x296: {  	v3 =	vmul.f32 v34, v3;
	v34 =	vld [tilespmem:$0x1F9B0];
	v23 =	vand.u32 $0x7FFFFFFF, v23;
	v21 =	vsub.f32 $1.000000000e+00, v21  }
0x297: {  	v5 =	vld [tilespmem:$0x18F0];
	v9 =	vadd.f32 v23, v9;
	v23 =	vsub.f32 v11, v27  }
0x298: {  	v10 =	vand.u32 $0x7FFFFFFF, v10;
	v35 =	vld [tilespmem:$0x10D0];
	v50 =	vmul.f32 v49, v62;
	v11 =	vmul.f32 v21, v11  }
0x299: {  	[tilespmem:$0x1FD20] =	vst v36;
	v62 =	vld [tilespmem:$0x1F960];
	v3 =	vsub.f32 $1.000000000e+00, v3;
	v36 =	vmul.f32 v21, v23;
	v21 =	vmul.f32 v47, v29  }
0x29a: {  	v10 =	vadd.f32 v10, v14;
	v49 =	vld [tilespmem:$0x14D0];
	v16 =	vadd.f32 v16, v57  }
0x29b: {  	v55 =	vsub.f32 $1.000000000e+00, v50;
	v3 =	vmul.f32 v3, v34;
	v34 =	vld [tilespmem:$0x10E0];
	v50 =	vsub.f32 $1.000000000e+00, v21  }
0x29c: {  	v23 =	vld [tilespmem:$0x1F9E0];
	v16 =	vand.u32 $0x7FFFFFFF, v16  }
0x29d: {  	v16 =	vadd.f32 v16, v10;
	v10 =	vadd.f32 v36, v41;
	v41 =	vld [tilespmem:$0x1F9D0];
	v47 =	vmul.f32 v50, v58  }
0x29e: {  	v36 =	vld [tilespmem:$0x1F9C0]  }
0x29f: {  	v3 =	vsub.f32 v47, v3;
	v47 =	vld [tilespmem:$0x1FA00]  }
0x2a0: {  	v29 =	vld [tilespmem:$0x1F9A0]  }
0x2a1: {  	[tilespmem:$0x1FDA0] =	vst v34;
	v34 =	vld [tilespmem:$0x1FA20]  }
0x2a2: {  	v14 =	vmul.f32 v55, v62;
	v20 =	vmul.f32 v41, v20;
	v41 =	vld [tilespmem:$0x14E0]  }
0x2a3: {  	v39 =	vld [tilespmem:$0x4D0];
	v21 =	vsub.f32 v58, v36  }
0x2a4: {  	v11 =	vsub.f32 v11, v14;
	v1 =	vmul.f32 v23, v1;
	v3 =	vadd.f32 v3, v47;
	v47 =	vld [tilespmem:$0x1FA30]  }
0x2a5: {  	v58 =	vmul.f32 v50, v21;
	v50 =	vld [tilespmem:$0x1FA10]  }
0x2a6: {  	v52 =	vld [tilespmem:$0x1CF0];
	[tilespmem:$0x1FD60] =	vst v35;
	v11 =	vadd.f32 v11, v29;
	v1 =	vsub.f32 $1.000000000e+00, v1  }
0x2a7: {  	v35 =	vld [tilespmem:$0x1D00];
	[tilespmem:$0x1FDB0] =	vst v41;
	v41 =	vsub.f32 v2, v34  }
0x2a8: {  	v11 =	vand.u32 $0x7FFFFFFF, v11;
	v36 =	vld [tilespmem:$0x1F9F0];
	v27 =	vsub.f32 $1.000000000e+00, v20;
	v2 =	vmul.f32 v1, v2  }
0x2a9: {  	v11 =	vadd.f32 v11, v16;
	v16 =	vmul.f32 v47, v38;
	v1 =	vmul.f32 v1, v41;
	v38 =	vld [tilespmem:$0x1FA70]  }
0x2aa: {  	v14 =	vmul.f32 v27, v50;
	v50 =	vld [tilespmem:$0x8F0]  }
0x2ab: {  	v1 =	vadd.f32 v1, v46;
	v46 =	vld [tilespmem:$0x1FA80]  }
0x2ac: {  	v20 =	vld [tilespmem:$0x1FA40]  }
0x2ad: {  	v62 =	vld [tilespmem:$0xCD0]  }
0x2ae: {  	v55 =	vld [tilespmem:$0x8E0];
	v2 =	vsub.f32 v2, v14;
	v14 =	vmul.f32 v38, v53  }
0x2af: {  	[tilespmem:$0x1FD70] =	vst v49;
	v49 =	vld [tilespmem:$0xCE0];
	v10 =	vand.u32 $0x7FFFFFFF, v10;
	v21 =	vsub.f32 $1.000000000e+00, v16  }
0x2b0: {  	v34 =	vld [tilespmem:$0x1FA60];
	v16 =	vsub.f32 v18, v42;
	[tilespmem:$0x1FDE0] =	vst v50;
	v50 =	vmul.f32 v46, v54;
	v14 =	vsub.f32 $1.000000000e+00, v14  }
0x2b1: {  	v9 =	vadd.f32 v10, v9;
	v10 =	vadd.f32 v58, v36;
	v0 =	vmul.f32 v20, v0;
	v53 =	vld [tilespmem:$0x1FA90]  }
0x2b2: {  	v46 =	vsub.f32 $1.000000000e+00, v50;
	v50 =	vmul.f32 v14, v16;
	v16 =	vmul.f32 v14, v18;
	v18 =	vld [tilespmem:$0x1FAA0]  }
0x2b3: {  	v38 =	vld [tilespmem:$0x1FAD0]  }
0x2b4: {  	v23 =	vld [tilespmem:$0x1FA50];
	v3 =	vand.u32 $0x7FFFFFFF, v3;
	v58 =	vand.u32 $0x7FFFFFFF, v10;
	v0 =	vsub.f32 $1.000000000e+00, v0  }
0x2b5: {  	v3 =	vadd.f32 v3, v11;
	v41 =	vld [tilespmem:$0x14F0];
	v9 =	vadd.f32 v58, v9;
	v11 =	vmul.f32 v21, v34  }
0x2b6: {  	v20 =	vld [tilespmem:$0x1FAB0];
	v1 =	vand.u32 $0x7FFFFFFF, v1;
	v54 =	vsub.f32 v13, v53;
	v13 =	vmul.f32 v0, v13  }
0x2b7: {  	v21 =	vld [tilespmem:$0x1FAC0];
	v1 =	vadd.f32 v1, v9;
	v9 =	vmul.f32 v46, v18  }
0x2b8: {  	v11 =	vsub.f32 v13, v11;
	v13 =	vadd.f32 v50, v38;
	v50 =	vld [tilespmem:$0x1FAE0]  }
0x2b9: {  	v9 =	vsub.f32 v16, v9;
	v16 =	vld [tilespmem:$0x1FB00]  }
0x2ba: {  	v2 =	vadd.f32 v2, v23;
	v14 =	vld [tilespmem:$0x1FAF0];
	v0 =	vmul.f32 v0, v54  }
0x2bb: {  	v57 =	vld [tilespmem:$0x8D0]  }
0x2bc: {  	[tilespmem:$0x1FE00] =	vst v41;
	v41 =	vld [tilespmem:$0x1500];
	v2 =	vand.u32 $0x7FFFFFFF, v2;
	v0 =	vadd.f32 v0, v20;
	v11 =	vadd.f32 v11, v21  }
0x2bd: {  	v2 =	vadd.f32 v2, v3;
	v53 =	vmul.f32 v50, v44;
	v44 =	vld [tilespmem:$0x1FB20]  }
0x2be: {  	v0 =	vand.u32 $0x7FFFFFFF, v0;
	v11 =	vand.u32 $0x7FFFFFFF, v11;
	v9 =	vadd.f32 v9, v16;
	v16 =	vld [tilespmem:$0x1FB40]  }
0x2bf: {  	v29 =	vld [tilespmem:$0x4E0];
	v0 =	vadd.f32 v0, v1;
	v1 =	vadd.f32 v11, v2;
	v2 =	vmul.f32 v14, v33  }
0x2c0: {  	v36 =	vld [tilespmem:$0x1910]  }
0x2c1: {  	[tilespmem:$0x1FE30] =	vst v41;
	v41 =	vld [tilespmem:$0x1FB10];
	v18 =	vand.u32 $0x7FFFFFFF, v13;
	v38 =	vsub.f32 $1.000000000e+00, v53;
	v2 =	vsub.f32 $1.000000000e+00, v2  }
0x2c2: {  	v10 =	vld [tilespmem:$0x1D10];
	v3 =	vadd.f32 v18, v0  }
0x2c3: {  	v47 =	vld [tilespmem:$0xCF0];
	v50 =	vmul.f32 v38, v44;
	v18 =	vsub.f32 v28, v16;
	v28 =	vmul.f32 v2, v28  }
0x2c4: {  	v27 =	vld [tilespmem:$0x10F0];
	v9 =	vand.u32 $0x7FFFFFFF, v9  }
0x2c5: {  	v1 =	vadd.f32 v9, v1;
	v9 =	vsub.f32 v28, v50;
	v50 =	vld [tilespmem:$0x1FB50]  }
0x2c6: {  	v58 =	vld [tilespmem:$0x4F0];
	v11 =	vmul.f32 v41, v24  }
0x2c7: {  	v42 =	vld [tilespmem:$0x500]  }
0x2c8: {  	v34 =	vld [tilespmem:$0x1920];
	v11 =	vsub.f32 $1.000000000e+00, v11  }
0x2c9: {  	v14 =	vld [tilespmem:$0x1FB30]  }
0x2ca: {  	v28 =	vmul.f32 v11, v50;
	v11 =	vld [tilespmem:$0x1FB60]  }
0x2cb: {  	v23 =	vld [tilespmem:$0x1D20]  }
0x2cc: {  	[tilespmem:$0x1FDF0] =	vst v27;
	v27 =	vld [tilespmem:$0x900]  }
0x2cd: {  	v54 =	vld [tilespmem:$0xD00]  }
0x2ce: {  	v2 =	vmul.f32 v2, v18;
	v18 =	vld [tilespmem:$0x1FB80]  }
0x2cf: {  	v8 =	vmul.f32 v14, v8;
	v14 =	vsub.f32 v40, v11;
	v11 =	vld [tilespmem:$0x1FBA0]  }
0x2d0: {  	v50 =	vld [tilespmem:$0x1FB90]  }
0x2d1: {  	v46 =	vld [tilespmem:$0x1100]  }
0x2d2: {  	v16 =	vld [tilespmem:$0x1FB70]  }
0x2d3: {  	v21 =	vld [tilespmem:$0x1930];
	v8 =	vsub.f32 $1.000000000e+00, v8  }
0x2d4: {  	v20 =	vld [tilespmem:$0x1D30];
	v24 =	vmul.f32 v18, v15;
	v31 =	vmul.f32 v11, v31  }
0x2d5: {  	v13 =	vld [tilespmem:$0x510];
	v40 =	vmul.f32 v8, v40;
	v9 =	vadd.f32 v9, v50  }
0x2d6: {  	v50 =	vld [tilespmem:$0x1FBC0];
	v8 =	vmul.f32 v8, v14;
	v14 =	vsub.f32 $1.000000000e+00, v24;
	v24 =	vsub.f32 $1.000000000e+00, v31  }
0x2d7: {  	v2 =	vadd.f32 v2, v16;
	v16 =	vld [tilespmem:$0x1FBB0]  }
0x2d8: {  	v63 =	vsub.f32 v45, v63;
	v33 =	vld [tilespmem:$0x1110];
	v14 =	vmul.f32 v14, v37;
	v45 =	vmul.f32 v24, v45  }
0x2d9: {  	v53 =	vld [tilespmem:$0x910];
	v28 =	vsub.f32 v40, v28  }
0x2da: {  	v31 =	vsub.f32 v45, v14;
	v45 =	vld [tilespmem:$0x1FBD0]  }
0x2db: {  	v38 =	vld [tilespmem:$0xD10];
	v9 =	vand.u32 $0x7FFFFFFF, v9;
	v28 =	vadd.f32 v28, v50  }
0x2dc: {  	v44 =	vld [tilespmem:$0x1510];
	v2 =	vand.u32 $0x7FFFFFFF, v2;
	v0 =	vadd.f32 v8, v16;
	v16 =	vadd.f32 v9, v1  }
0x2dd: {  	[tilespmem:$0x1FE60] =	vst v33;
	v33 =	vld [tilespmem:$0x1940];
	v2 =	vadd.f32 v2, v3;
	v28 =	vand.u32 $0x7FFFFFFF, v28  }
0x2de: {  	v0 =	vand.u32 $0x7FFFFFFF, v0;
	v1 =	vadd.f32 v28, v16;
	v16 =	vld [tilespmem:$0x1FC10]  }
0x2df: {  	v0 =	vadd.f32 v0, v2;
	v2 =	vmul.f32 v45, v6;
	v6 =	vld [tilespmem:$0x1FBF0]  }
0x2e0: {  	v11 =	vld [tilespmem:$0x1FC00]  }
0x2e1: {  	[tilespmem:$0x1FE80] =	vst v44;
	v44 =	vld [tilespmem:$0xD20]  }
0x2e2: {  	v18 =	vld [tilespmem:$0x1D40];
	v2 =	vsub.f32 $1.000000000e+00, v2  }
0x2e3: {  	v12 =	vmul.f32 v16, v12;
	v45 =	vld [tilespmem:$0x1FC20]  }
0x2e4: {  	v16 =	vmul.f32 v2, v32;
	v28 =	vadd.f32 v31, v6;
	v31 =	vsub.f32 v32, v60;
	v32 =	vld [tilespmem:$0x1FC30]  }
0x2e5: {  	v41 =	vmul.f32 v24, v63;
	v63 =	vld [tilespmem:$0x1FBE0];
	v30 =	vmul.f32 v11, v30  }
0x2e6: {  	v15 =	vld [tilespmem:$0x520]  }
0x2e7: {  	v40 =	vld [tilespmem:$0x920];
	v30 =	vsub.f32 $1.000000000e+00, v30  }
0x2e8: {  	v6 =	vmul.f32 v45, v25;
	v45 =	vld [tilespmem:$0x1FC40]  }
0x2e9: {  	v37 =	vld [tilespmem:$0x1520];
	v30 =	vmul.f32 v30, v32  }
0x2ea: {  	v8 =	vld [tilespmem:$0x530];
	v9 =	vadd.f32 v41, v63  }
0x2eb: {  	v12 =	vsub.f32 $1.000000000e+00, v12;
	v11 =	vmul.f32 v2, v31;
	v30 =	vsub.f32 v16, v30;
	v16 =	vld [tilespmem:$0x1FC70]  }
0x2ec: {  	v50 =	vld [tilespmem:$0x1120];
	v9 =	vand.u32 $0x7FFFFFFF, v9  }
0x2ed: {  	v3 =	vadd.f32 v9, v0;
	v0 =	vadd.f32 v11, v45;
	v32 =	vmul.f32 v12, v51;
	v51 =	vld [tilespmem:$0x1FC50]  }
0x2ee: {  	v28 =	vand.u32 $0x7FFFFFFF, v28;
	v9 =	vsub.f32 $1.000000000e+00, v6;
	v6 =	vld [tilespmem:$0x1FC60]  }
0x2ef: {  	v2 =	vadd.f32 v28, v1;
	v28 =	vsub.f32 v17, v56;
	v56 =	vld [tilespmem:$0x1540];
	v0 =	vand.u32 $0x7FFFFFFF, v0  }
0x2f0: {  	v0 =	vadd.f32 v0, v3;
	v3 =	vmul.f32 v16, v19;
	v19 =	vld [tilespmem:$0x1FC80]  }
0x2f1: {  	v16 =	vld [tilespmem:$0x1FCA0]  }
0x2f2: {  	v24 =	vld [tilespmem:$0x1950];
	v51 =	vsub.f32 v59, v51;
	v59 =	vmul.f32 v9, v59  }
0x2f3: {  	v41 =	vld [tilespmem:$0x1130];
	v1 =	vadd.f32 v30, v6;
	v3 =	vsub.f32 $1.000000000e+00, v3  }
0x2f4: {  	v9 =	vmul.f32 v9, v51;
	v32 =	vsub.f32 v59, v32;
	v51 =	vld [tilespmem:$0x1FCB0]  }
0x2f5: {  	v1 =	vand.u32 $0x7FFFFFFF, v1;
	v59 =	vld [tilespmem:$0x1FC90];
	v28 =	vmul.f32 v3, v28;
	v4 =	vmul.f32 v19, v4  }
0x2f6: {  	[tilespmem:$0x1FEF0] =	vst v56;
	v56 =	vld [tilespmem:$0x1FCD0];
	v1 =	vadd.f32 v1, v2;
	v2 =	vadd.f32 v32, v16  }
0x2f7: {  	v32 =	vadd.f32 v28, v61;
	v61 =	vld [tilespmem:$0x1FCC0];
	v4 =	vsub.f32 $1.000000000e+00, v4  }
0x2f8: {  	v14 =	vld [tilespmem:$0x1D50]  }
0x2f9: {  	v63 =	vld [tilespmem:$0x930];
	v3 =	vmul.f32 v3, v17;
	v4 =	vmul.f32 v4, v51  }
0x2fa: {  	[tilespmem:$0x1FEB0] =	vst v41;
	v41 =	vld [tilespmem:$0x1530];
	v9 =	vadd.f32 v9, v59  }
0x2fb: {  	v3 =	vsub.f32 v3, v4;
	v4 =	vmul.f32 v56, v5;
	v56 =	vld [tilespmem:$0x1FCF0]  }
0x2fc: {  	v60 =	vld [tilespmem:$0xD30];
	v59 =	vand.u32 $0x7FFFFFFF, v9;
	v9 =	vmul.f32 v61, v52  }
0x2fd: {  	v25 =	vld [tilespmem:$0x1960]  }
0x2fe: {  	v31 =	vld [tilespmem:$0x940];
	v2 =	vand.u32 $0x7FFFFFFF, v2;
	v0 =	vadd.f32 v59, v0;
	v59 =	vsub.f32 $1.000000000e+00, v9  }
0x2ff: {  	v11 =	vld [tilespmem:$0x1D60];
	v6 =	vadd.f32 v2, v1  }
0x300: {  	v12 =	vld [tilespmem:$0x540];
	v51 =	vsub.f32 $1.000000000e+00, v4;
	v2 =	vmul.f32 v59, v48;
	v59 =	vsub.f32 v22, v56  }
0x301: {  	v5 =	vld [tilespmem:$0x1FCE0]  }
0x302: {  	v56 =	vmul.f32 v51, v22;
	v59 =	vmul.f32 v51, v59;
	v51 =	vld [tilespmem:$0x1FD10]  }
0x303: {  	v45 =	vld [tilespmem:$0xD40]  }
0x304: {  	v30 =	vld [tilespmem:$0x1140]  }
0x305: {  	v17 =	vld [tilespmem:$0x550]  }
0x306: {  	v19 =	vld [tilespmem:$0x1970];
	v3 =	vadd.f32 v3, v5  }
0x307: {  	v9 =	vand.u32 $0x7FFFFFFF, v32;
	v5 =	vld [tilespmem:$0x1FD00];
	v43 =	vmul.f32 v51, v43  }
0x308: {  	v4 =	vadd.f32 v9, v0;
	v3 =	vand.u32 $0x7FFFFFFF, v3;
	v0 =	vsub.f32 v56, v2;
	v56 =	vld [tilespmem:$0x1FD20]  }
0x309: {  	v16 =	vld [tilespmem:$0x1D70];
	v3 =	vadd.f32 v3, v6;
	v6 =	vsub.f32 $1.000000000e+00, v43  }
0x30a: {  	v28 =	vld [tilespmem:$0x950]  }
0x30b: {  	v43 =	vsub.f32 v39, v57;
	v57 =	vmul.f32 v6, v39;
	v39 =	vld [tilespmem:$0x1FD50]  }
0x30c: {  	v52 =	vld [tilespmem:$0xD50]  }
0x30d: {  	v61 =	vld [tilespmem:$0x1150];
	v1 =	vmul.f32 v5, v35;
	v2 =	vadd.f32 v59, v56  }
0x30e: {  	v32 =	vld [tilespmem:$0x1550]  }
0x30f: {  	v1 =	vsub.f32 $1.000000000e+00, v1;
	v59 =	vld [tilespmem:$0x1FD30];
	v2 =	vand.u32 $0x7FFFFFFF, v2  }
0x310: {  	v9 =	vld [tilespmem:$0x1980];
	v2 =	vadd.f32 v2, v4;
	v4 =	vmul.f32 v6, v43;
	v43 =	vmul.f32 v39, v36  }
0x311: {  	v1 =	vmul.f32 v1, v62;
	v62 =	vld [tilespmem:$0x1FD40]  }
0x312: {  	v6 =	vsub.f32 $1.000000000e+00, v43;
	v43 =	vld [tilespmem:$0x1FD70]  }
0x313: {  	v55 =	vsub.f32 v29, v55;
	v39 =	vld [tilespmem:$0x1FD60]  }
0x314: {  	v48 =	vld [tilespmem:$0x960];
	v0 =	vadd.f32 v0, v59  }
0x315: {  	v1 =	vsub.f32 v57, v1;
	v29 =	vmul.f32 v6, v29;
	v6 =	vmul.f32 v6, v55;
	v55 =	vld [tilespmem:$0x1FD90]  }
0x316: {  	v22 =	vld [tilespmem:$0x1D80]  }
0x317: {  	v35 =	vld [tilespmem:$0x560];
	v10 =	vmul.f32 v62, v10;
	v0 =	vand.u32 $0x7FFFFFFF, v0;
	v1 =	vadd.f32 v1, v43  }
0x318: {  	v3 =	vadd.f32 v0, v3;
	v4 =	vadd.f32 v4, v39;
	v39 =	vld [tilespmem:$0x1FD80]  }
0x319: {  	v56 =	vld [tilespmem:$0xD60];
	v36 =	vsub.f32 $1.000000000e+00, v10;
	v1 =	vand.u32 $0x7FFFFFFF, v1  }
0x31a: {  	v5 =	vadd.f32 v1, v3;
	v3 =	vmul.f32 v55, v34;
	v55 =	vld [tilespmem:$0x1FDB0]  }
0x31b: {  	v51 =	vld [tilespmem:$0x1160];
	v36 =	vmul.f32 v36, v49  }
0x31c: {  	v4 =	vand.u32 $0x7FFFFFFF, v4;
	v34 =	vld [tilespmem:$0x1FDA0]  }
0x31d: {  	v59 =	vld [tilespmem:$0x1560];
	v2 =	vadd.f32 v4, v2;
	v4 =	vmul.f32 v39, v23;
	v23 =	vsub.f32 v29, v36  }
0x31e: {  	v57 =	vld [tilespmem:$0x1D90]  }
0x31f: {  	v1 =	vadd.f32 v23, v55;
	v23 =	vld [tilespmem:$0x1FDC0]  }
0x320: {  	v62 =	vld [tilespmem:$0x1990]  }
0x321: {  	v6 =	vadd.f32 v6, v34;
	v34 =	vld [tilespmem:$0x1FDD0]  }
0x322: {  	v10 =	vld [tilespmem:$0x570]  }
0x323: {  	v49 =	vld [tilespmem:$0x970]  }
0x324: {  	v21 =	vmul.f32 v23, v21;
	v23 =	vld [tilespmem:$0x1FDE0]  }
0x325: {  	v43 =	vld [tilespmem:$0xD70]  }
0x326: {  	v27 =	vsub.f32 v42, v27;
	v39 =	vld [tilespmem:$0x1170];
	v20 =	vmul.f32 v34, v20;
	v21 =	vsub.f32 $1.000000000e+00, v21  }
0x327: {  	v29 =	vld [tilespmem:$0x1570];
	v4 =	vsub.f32 $1.000000000e+00, v4;
	v6 =	vand.u32 $0x7FFFFFFF, v6  }
0x328: {  	v2 =	vadd.f32 v6, v2;
	v6 =	vsub.f32 $1.000000000e+00, v20;
	v20 =	vmul.f32 v21, v27;
	v27 =	vld [tilespmem:$0x1FDF0]  }
0x329: {  	v36 =	vld [tilespmem:$0x19A0];
	v4 =	vmul.f32 v4, v47;
	v47 =	vsub.f32 $1.000000000e+00, v3;
	v0 =	vsub.f32 v58, v23  }
0x32a: {  	v3 =	vld [tilespmem:$0x580];
	v1 =	vand.u32 $0x7FFFFFFF, v1  }
0x32b: {  	v1 =	vadd.f32 v1, v5;
	v5 =	vmul.f32 v21, v42;
	v21 =	vld [tilespmem:$0x1FE20];
	v0 =	vmul.f32 v47, v0  }
0x32c: {  	v55 =	vld [tilespmem:$0x1DA0]  }
0x32d: {  	v34 =	vld [tilespmem:$0xD80];
	v0 =	vadd.f32 v0, v27  }
0x32e: {  	v42 =	vld [tilespmem:$0x19B0]  }
0x32f: {  	v6 =	vmul.f32 v6, v54;
	v54 =	vld [tilespmem:$0x1FE00];
	v58 =	vmul.f32 v47, v58;
	v0 =	vand.u32 $0x7FFFFFFF, v0  }
0x330: {  	v23 =	vld [tilespmem:$0x980];
	v46 =	vadd.f32 v20, v46;
	v0 =	vadd.f32 v0, v2;
	v2 =	vmul.f32 v21, v33  }
0x331: {  	v53 =	vsub.f32 v13, v53;
	v27 =	vld [tilespmem:$0x1FE10]  }
0x332: {  	v4 =	vsub.f32 v58, v4;
	v46 =	vand.u32 $0x7FFFFFFF, v46;
	v33 =	vld [tilespmem:$0x1FE30];
	v2 =	vsub.f32 $1.000000000e+00, v2  }
0x333: {  	v0 =	vadd.f32 v46, v0;
	v46 =	vld [tilespmem:$0x1FE40]  }
0x334: {  	v4 =	vadd.f32 v4, v54;
	v13 =	vmul.f32 v2, v13;
	v2 =	vmul.f32 v2, v53;
	v53 =	vld [tilespmem:$0x1FE60]  }
0x335: {  	v20 =	vld [tilespmem:$0x590]  }
0x336: {  	v5 =	vsub.f32 v5, v6;
	v47 =	vld [tilespmem:$0x1180];
	v4 =	vand.u32 $0x7FFFFFFF, v4;
	v6 =	vmul.f32 v27, v18  }
0x337: {  	v58 =	vld [tilespmem:$0x1580];
	v1 =	vadd.f32 v4, v1  }
0x338: {  	v4 =	vadd.f32 v5, v33;
	v33 =	vsub.f32 $1.000000000e+00, v6;
	v5 =	vmul.f32 v46, v14;
	v46 =	vld [tilespmem:$0x1FE50]  }
0x339: {  	v2 =	vadd.f32 v2, v53;
	v53 =	vld [tilespmem:$0x1FE80]  }
0x33a: {  	v54 =	vld [tilespmem:$0x1DB0];
	v14 =	vmul.f32 v33, v38  }
0x33b: {  	v21 =	vld [tilespmem:$0xD90];
	v5 =	vsub.f32 $1.000000000e+00, v5  }
0x33c: {  	v27 =	vld [tilespmem:$0x990];
	v13 =	vsub.f32 v13, v14  }
0x33d: {  	v5 =	vmul.f32 v5, v44;
	v44 =	vld [tilespmem:$0x1FE70]  }
0x33e: {  	v24 =	vmul.f32 v46, v24;
	v13 =	vadd.f32 v13, v53;
	v53 =	vld [tilespmem:$0x1FE90]  }
0x33f: {  	v18 =	vld [tilespmem:$0x1190];
	v4 =	vand.u32 $0x7FFFFFFF, v4  }
0x340: {  	v6 =	vld [tilespmem:$0x1590];
	v1 =	vadd.f32 v4, v1;
	v4 =	vsub.f32 $1.000000000e+00, v24  }
0x341: {  	v33 =	vld [tilespmem:$0x19C0];
	v14 =	vsub.f32 v15, v40  }
0x342: {  	v38 =	vld [tilespmem:$0x9A0];
	v11 =	vmul.f32 v44, v11;
	v15 =	vmul.f32 v4, v15  }
0x343: {  	v40 =	vld [tilespmem:$0xDA0];
	v4 =	vmul.f32 v4, v14;
	v14 =	vmul.f32 v53, v25  }
0x344: {  	v46 =	vld [tilespmem:$0x1DC0]  }
0x345: {  	v24 =	vld [tilespmem:$0x5A0];
	v11 =	vsub.f32 $1.000000000e+00, v11;
	v14 =	vsub.f32 $1.000000000e+00, v14  }
0x346: {  	v44 =	vand.u32 $0x7FFFFFFF, v2;
	v13 =	vand.u32 $0x7FFFFFFF, v13;
	v2 =	vld [tilespmem:$0x5B0]  }
0x347: {  	v0 =	vadd.f32 v44, v0;
	v44 =	vld [tilespmem:$0x1FEA0];
	v11 =	vmul.f32 v11, v60;
	v60 =	vmul.f32 v14, v8  }
0x348: {  	v1 =	vadd.f32 v13, v1;
	v13 =	vld [tilespmem:$0x15B0];
	v5 =	vsub.f32 v15, v5  }
0x349: {  	v4 =	vadd.f32 v4, v50;
	v11 =	vsub.f32 v60, v11;
	v60 =	vld [tilespmem:$0x1FEB0]  }
0x34a: {  	v15 =	vld [tilespmem:$0x15A0];
	v5 =	vadd.f32 v5, v37;
	v37 =	vsub.f32 v8, v63  }
0x34b: {  	v50 =	vld [tilespmem:$0x19D0]  }
0x34c: {  	v25 =	vld [tilespmem:$0x11A0];
	v4 =	vand.u32 $0x7FFFFFFF, v4;
	v63 =	vmul.f32 v14, v37  }
0x34d: {  	v53 =	vld [tilespmem:$0x1DD0];
	v0 =	vadd.f32 v4, v0;
	v5 =	vand.u32 $0x7FFFFFFF, v5  }
0x34e: {  	v4 =	vadd.f32 v5, v1;
	v5 =	vadd.f32 v63, v60;
	v63 =	vld [tilespmem:$0x1FEC0]  }
0x34f: {  	v8 =	vld [tilespmem:$0x9B0]  }
0x350: {  	v37 =	vld [tilespmem:$0xDB0]  }
0x351: {  	v11 =	vadd.f32 v11, v41;
	v60 =	vld [tilespmem:$0x1FED0]  }
0x352: {  	v1 =	vmul.f32 v44, v19;
	v19 =	vld [tilespmem:$0x11B0]  }
0x353: {  	v11 =	vand.u32 $0x7FFFFFFF, v11;
	v41 =	vmul.f32 v63, v16;
	v63 =	vld [tilespmem:$0x1FEE0]  }
0x354: {  	v44 =	vld [tilespmem:$0x19E0];
	v11 =	vadd.f32 v11, v4  }
0x355: {  	v4 =	vld [tilespmem:$0x11C0];
	v16 =	vsub.f32 $1.000000000e+00, v1;
	v1 =	vsub.f32 v12, v31  }
0x356: {  	v5 =	vand.u32 $0x7FFFFFFF, v5;
	v22 =	vmul.f32 v60, v22;
	v60 =	vld [tilespmem:$0x9C0];
	v14 =	vsub.f32 $1.000000000e+00, v41  }
0x357: {  	v0 =	vadd.f32 v5, v0;
	v41 =	vld [tilespmem:$0x1DE0];
	v31 =	vmul.f32 v16, v1  }
0x358: {  	v1 =	vld [tilespmem:$0x5C0];
	v14 =	vmul.f32 v14, v45;
	v45 =	vsub.f32 $1.000000000e+00, v22;
	v5 =	vmul.f32 v63, v9  }
0x359: {  	v12 =	vmul.f32 v16, v12;
	v9 =	vadd.f32 v31, v30;
	v31 =	vld [tilespmem:$0xDC0]  }
0x35a: {  	v63 =	vld [tilespmem:$0x1FEF0];
	v16 =	vmul.f32 v45, v52;
	v52 =	vsub.f32 v17, v28;
	v5 =	vsub.f32 $1.000000000e+00, v5  }
0x35b: {  	v45 =	vld [tilespmem:$0x1FF00]  }
0x35c: {  	v17 =	vmul.f32 v5, v17;
	v5 =	vmul.f32 v5, v52;
	v52 =	vld [tilespmem:$0x1FF10]  }
0x35d: {  	v30 =	vld [tilespmem:$0x5D0]  }
0x35e: {  	v14 =	vsub.f32 v12, v14;
	v12 =	vld [tilespmem:$0x15C0]  }
0x35f: {  	v28 =	vld [tilespmem:$0x11D0];
	v9 =	vand.u32 $0x7FFFFFFF, v9;
	v16 =	vsub.f32 v17, v16  }
0x360: {  	v0 =	vadd.f32 v9, v0;
	v9 =	vmul.f32 v45, v62;
	v45 =	vld [tilespmem:$0x19F0]  }
0x361: {  	v16 =	vadd.f32 v16, v32;
	v32 =	vld [tilespmem:$0xDD0];
	v17 =	vmul.f32 v52, v57  }
0x362: {  	v62 =	vsub.f32 v35, v48;
	v52 =	vld [tilespmem:$0x1DF0];
	v57 =	vsub.f32 $1.000000000e+00, v9  }
0x363: {  	v14 =	vadd.f32 v14, v63;
	v9 =	vld [tilespmem:$0x9D0];
	v63 =	vsub.f32 $1.000000000e+00, v17  }
0x364: {  	v5 =	vadd.f32 v5, v61;
	v48 =	vmul.f32 v57, v62;
	v22 =	vmul.f32 v57, v35;
	v57 =	vld [tilespmem:$0x1FF30]  }
0x365: {  	v35 =	vld [tilespmem:$0x1FF20];
	v56 =	vmul.f32 v63, v56  }
0x366: {  	v5 =	vand.u32 $0x7FFFFFFF, v5;
	v17 =	vld [tilespmem:$0x15D0]  }
0x367: {  	v0 =	vadd.f32 v5, v0;
	v5 =	vsub.f32 v22, v56;
	v22 =	vld [tilespmem:$0x9E0]  }
0x368: {  	v14 =	vand.u32 $0x7FFFFFFF, v14;
	v56 =	vld [tilespmem:$0x1FF60]  }
0x369: {  	v11 =	vadd.f32 v14, v11;
	v14 =	vmul.f32 v57, v36;
	v36 =	vadd.f32 v48, v51;
	v48 =	vld [tilespmem:$0x1A00]  }
0x36a: {  	v55 =	vmul.f32 v35, v55;
	v57 =	vld [tilespmem:$0x1FF40]  }
0x36b: {  	v63 =	vadd.f32 v5, v59;
	v5 =	vld [tilespmem:$0x11E0]  }
0x36c: {  	v35 =	vsub.f32 $1.000000000e+00, v55;
	v55 =	vld [tilespmem:$0x1E00]  }
0x36d: {  	v51 =	vsub.f32 $1.000000000e+00, v14;
	v14 =	vld [tilespmem:$0x5E0];
	v36 =	vand.u32 $0x7FFFFFFF, v36  }
0x36e: {  	v61 =	vor.u32 $0x606, v7;
	v36 =	vadd.f32 v36, v0;
	v0 =	vld [tilespmem:$0x15E0];
	v35 =	vmul.f32 v35, v43  }
0x36f: {  	v43 =	vsub.f32 v10, v49;
	v49 =	vor.u32 v61, v26;
	v62 =	vmul.f32 v51, v10;
	v10 =	vld [tilespmem:$0xDE0]  }
0x370: {  	v61 =	vld [tilespmem:$0x1FF50];
	v59 =	vmul.f32 v57, v54  }
0x371: {  	v54 =	vsub.f32 v3, v23;
	v23 =	vld [tilespmem:$0x5F0];
	v43 =	vmul.f32 v51, v43  }
0x372: {  	v35 =	vsub.f32 v62, v35;
	v62 =	vsub.f32 $1.000000000e+00, v59;
	v59 =	vld [tilespmem:$0x1FF70]  }
0x373: {  	v16 =	vand.u32 $0x7FFFFFFF, v16;
	v39 =	vadd.f32 v43, v39;
	v43 =	vld [tilespmem:$0x1A10]  }
0x374: {  	v11 =	vadd.f32 v16, v11;
	v51 =	vld.idx.msk [tilespmem:v49+s20+$0x0], $0xffff  }
0x375: {  	v16 =	vand.u32 $0x7FFFFFFF, v63;
	v33 =	vmul.f32 v56, v33;
	v63 =	vmul.f32 v62, v34;
	v34 =	vld.idx.msk [tilespmem:v49+s22+$0x0], $0xffff  }
0x376: {  	v29 =	vadd.f32 v35, v29;
	v42 =	vmul.f32 v61, v42;
	v61 =	vsub.f32 v20, v27;
	v27 =	vld [tilespmem:$0xDF0]  }
0x377: {  	v11 =	vadd.f32 v16, v11;
	v33 =	vsub.f32 $1.000000000e+00, v33;
	v49 =	vld [tilespmem:$0x1FFA0];
	v39 =	vand.u32 $0x7FFFFFFF, v39  }
0x378: {  	v29 =	vand.u32 $0x7FFFFFFF, v29;
	v42 =	vsub.f32 $1.000000000e+00, v42;
	v36 =	vadd.f32 v39, v36;
	v39 =	vld [tilespmem:$0x1E10]  }
0x379: {  	v11 =	vadd.f32 v29, v11;
	v29 =	vld [tilespmem:$0x9F0];
	v16 =	vmul.f32 v59, v46  }
0x37a: {  	v57 =	vor.u32 $0x706, v7;
	v46 =	vmul.f32 v33, v61;
	v35 =	vmul.f32 v42, v54;
	v54 =	vld [tilespmem:$0x1FF80]  }
0x37b: {  	v3 =	vmul.f32 v42, v3;
	v42 =	vor.u32 v57, v26;
	v57 =	vld [tilespmem:$0x1FF90]  }
0x37c: {  	v46 =	vadd.f32 v46, v18;
	v18 =	vld [tilespmem:$0x600]  }
0x37d: {  	v3 =	vsub.f32 v3, v63;
	v63 =	vsub.f32 $1.000000000e+00, v16;
	v16 =	vld [tilespmem:$0x15F0]  }
0x37e: {  	v35 =	vadd.f32 v35, v47;
	v47 =	vld [tilespmem:$0x1E40]  }
0x37f: {  	v62 =	vadd.f32 v3, v58;
	v3 =	vld [tilespmem:$0x11F0]  }
0x380: {  	v56 =	vand.u32 $0x7FFFFFFF, v35;
	v35 =	vmul.f32 v57, v53;
	v53 =	vld [tilespmem:$0x1A20]  }
0x381: {  	v20 =	vmul.f32 v33, v20;
	v44 =	vmul.f32 v49, v44;
	v33 =	vadd.f32 v56, v36;
	v36 =	vld.idx.msk [tilespmem:v42+s20+$0x0], $0xffff  }
0x382: {  	v21 =	vmul.f32 v63, v21;
	v57 =	vld [tilespmem:$0x1FFB0]  }
0x383: {  	v50 =	vmul.f32 v54, v50;
	v56 =	vsub.f32 $1.000000000e+00, v44;
	v44 =	vld [tilespmem:$0x1A30]  }
0x384: {  	v20 =	vsub.f32 v20, v21;
	v21 =	vld [tilespmem:$0xE00]  }
0x385: {  	v62 =	vand.u32 $0x7FFFFFFF, v62;
	v58 =	vsub.f32 $1.000000000e+00, v50;
	v50 =	vld [tilespmem:$0x1E20]  }
0x386: {  	v8 =	vsub.f32 v2, v8;
	v46 =	vand.u32 $0x7FFFFFFF, v46;
	v63 =	vadd.f32 v62, v11;
	v11 =	vld [tilespmem:$0x1600]  }
0x387: {  	v33 =	vadd.f32 v46, v33;
	v46 =	vld [tilespmem:$0xE10]  }
0x388: {  	v38 =	vsub.f32 v24, v38;
	v8 =	vmul.f32 v56, v8;
	v2 =	vmul.f32 v56, v2;
	v56 =	vld [tilespmem:$0x1FFF0]  }
0x389: {  	v6 =	vadd.f32 v20, v6;
	v20 =	vld [tilespmem:$0x1200]  }
0x38a: {  	v35 =	vsub.f32 $1.000000000e+00, v35;
	v59 =	vmul.f32 v58, v38;
	v38 =	vld.idx.msk [tilespmem:v42+s22+$0x0], $0xffff  }
0x38b: {  	v61 =	vor.u32 $0x7, v7;
	v24 =	vmul.f32 v58, v24;
	v42 =	vld [tilespmem:$0xA00]  }
0x38c: {  	v35 =	vmul.f32 v35, v40;
	v40 =	vor.u32 v61, v26;
	v61 =	vld [tilespmem:$0x1FFD0];
	v6 =	vand.u32 $0x7FFFFFFF, v6  }
0x38d: {  	v25 =	vadd.f32 v59, v25;
	v6 =	vadd.f32 v6, v63;
	v59 =	vld [tilespmem:$0x1FFC0];
	v63 =	vor.u32 $0x107, v7  }
0x38e: {  	v24 =	vsub.f32 v24, v35;
	v35 =	vor.u32 v63, v26;
	v63 =	vmul.f32 v34, v39;
	v34 =	vld [tilespmem:$0x1A50]  }
0x38f: {  	v41 =	vmul.f32 v57, v41;
	v54 =	vand.u32 $0x7FFFFFFF, v25;
	v25 =	vld [tilespmem:$0x610]  }
0x390: {  	v15 =	vadd.f32 v24, v15;
	v24 =	vadd.f32 v54, v33;
	v33 =	vld [tilespmem:$0x1E30]  }
0x391: {  	v58 =	vsub.f32 $1.000000000e+00, v41;
	v41 =	vld.idx.msk [tilespmem:v40+s20+$0x0], $0xffff  }
0x392: {  	v8 =	vadd.f32 v8, v19;
	v40 =	vld.idx.msk [tilespmem:v40+s22+$0x0], $0xffff  }
0x393: {  	v62 =	vmul.f32 v58, v37;
	v54 =	vld [tilespmem:$0x1FFE0];
	v15 =	vand.u32 $0x7FFFFFFF, v15  }
0x394: {  	v8 =	vand.u32 $0x7FFFFFFF, v8;
	v37 =	vld [tilespmem:$0x1A40];
	v6 =	vadd.f32 v15, v6  }
0x395: {  	v15 =	vmul.f32 v59, v45;
	v45 =	vmul.f32 v61, v52;
	v19 =	vsub.f32 v2, v62;
	v2 =	vld [tilespmem:$0x1210]  }
0x396: {  	v52 =	vsub.f32 v1, v60;
	v8 =	vadd.f32 v8, v24;
	v24 =	vld [tilespmem:$0x1610];
	v60 =	vmul.f32 v51, v43  }
0x397: {  	v43 =	vmul.f32 v36, v53;
	v36 =	vld [tilespmem:$0x1E50];
	v15 =	vsub.f32 $1.000000000e+00, v15;
	v49 =	vsub.f32 $1.000000000e+00, v45  }
0x398: {  	v9 =	vsub.f32 v30, v9;
	v45 =	vld [tilespmem:$0xA10];
	v53 =	vmul.f32 v41, v44  }
0x399: {  	v22 =	vsub.f32 v14, v22;
	v41 =	vld [tilespmem:$0x1240];
	v1 =	vmul.f32 v15, v1;
	v31 =	vmul.f32 v49, v31  }
0x39a: {  	v29 =	vsub.f32 v23, v29;
	v13 =	vadd.f32 v19, v13;
	v19 =	vmul.f32 v54, v48;
	v44 =	vld [tilespmem:$0x1A70]  }
0x39b: {  	v39 =	vor.u32 $0x407, v7;
	v1 =	vsub.f32 v1, v31;
	v31 =	vmul.f32 v56, v55;
	v56 =	vld [tilespmem:$0x1A60]  }
0x39c: {  	v48 =	vmul.f32 v38, v50;
	v19 =	vsub.f32 $1.000000000e+00, v19;
	v55 =	vmul.f32 v40, v33;
	v40 =	vld [tilespmem:$0xE40]  }
0x39d: {  	v59 =	vor.u32 $0x207, v7;
	v61 =	vsub.f32 $1.000000000e+00, v60;
	v15 =	vmul.f32 v15, v52;
	v33 =	vld [tilespmem:$0x1E90]  }
0x39e: {  	v50 =	vsub.f32 $1.000000000e+00, v48;
	v9 =	vmul.f32 v19, v9;
	v58 =	vmul.f32 v19, v30;
	v19 =	vld [tilespmem:$0x620]  }
0x39f: {  	v51 =	vor.u32 $0x307, v7;
	v13 =	vand.u32 $0x7FFFFFFF, v13;
	v22 =	vmul.f32 v61, v22;
	v30 =	vld [tilespmem:$0x1220]  }
0x3a0: {  	v52 =	vor.u32 v51, v26;
	v4 =	vadd.f32 v15, v4;
	v27 =	vmul.f32 v50, v27;
	v50 =	vld [tilespmem:$0xA50]  }
0x3a1: {  	v14 =	vmul.f32 v61, v14;
	v5 =	vadd.f32 v22, v5;
	v57 =	vsub.f32 $1.000000000e+00, v31;
	v31 =	vld.idx.msk [tilespmem:v35+s20+$0x0], $0xffff  }
0x3a2: {  	v6 =	vadd.f32 v13, v6;
	v1 =	vadd.f32 v1, v12;
	v12 =	vld.idx.msk [tilespmem:v35+s22+$0x0], $0xffff;
	v4 =	vand.u32 $0x7FFFFFFF, v4  }
0x3a3: {  	v5 =	vand.u32 $0x7FFFFFFF, v5;
	v60 =	vsub.f32 $1.000000000e+00, v55;
	v55 =	vld [tilespmem:$0x1650];
	v4 =	vadd.f32 v4, v8  }
0x3a4: {  	v8 =	vor.u32 v59, v26;
	v9 =	vadd.f32 v9, v28;
	v28 =	vld [tilespmem:$0xA30];
	v15 =	vmul.f32 v57, v32  }
0x3a5: {  	v61 =	vld.idx.msk [tilespmem:v52+s20+$0x0], $0xffff;
	v1 =	vand.u32 $0x7FFFFFFF, v1;
	v57 =	vsub.f32 v18, v42;
	v42 =	vsub.f32 v25, v45  }
0x3a6: {  	v32 =	vld [tilespmem:$0xA20];
	v1 =	vadd.f32 v1, v6;
	v9 =	vand.u32 $0x7FFFFFFF, v9;
	v13 =	vsub.f32 v58, v15  }
0x3a7: {  	v45 =	vor.u32 $0x507, v7;
	v15 =	vld [tilespmem:$0xE20];
	v4 =	vadd.f32 v9, v4;
	v9 =	vsub.f32 $1.000000000e+00, v43  }
0x3a8: {  	v58 =	vld [tilespmem:$0x1E60];
	v38 =	vmul.f32 v31, v37;
	v12 =	vmul.f32 v12, v47;
	v47 =	vor.u32 $0x607, v7  }
0x3a9: {  	v43 =	vld [tilespmem:$0x1640];
	v7 =	vor.u32 $0x707, v7;
	v62 =	vadd.f32 v13, v17;
	v17 =	vsub.f32 $1.000000000e+00, v63  }
0x3aa: {  	v13 =	vld [tilespmem:$0x1620];
	v23 =	vmul.f32 v9, v23;
	v9 =	vmul.f32 v9, v29;
	v4 =	vadd.f32 v5, v4  }
0x3ab: {  	v49 =	vld.idx.msk [tilespmem:v8+s20+$0x0], $0xffff;
	v5 =	vsub.f32 $1.000000000e+00, v53;
	v7 =	vor.u32 v7, v26;
	v12 =	vsub.f32 $1.000000000e+00, v12  }
0x3ac: {  	v8 =	vld.idx.msk [tilespmem:v8+s22+$0x0], $0xffff;
	v32 =	vsub.f32 v19, v32;
	v6 =	vand.u32 $0x7FFFFFFF, v62;
	v10 =	vmul.f32 v17, v10  }
0x3ad: {  	v29 =	vld [tilespmem:$0xA40];
	v23 =	vsub.f32 v23, v27;
	v3 =	vadd.f32 v9, v3;
	v63 =	vmul.f32 v5, v57  }
0x3ae: {  	v53 =	vld [tilespmem:$0x1250];
	v35 =	vmul.f32 v5, v18;
	v18 =	vsub.f32 $1.000000000e+00, v38;
	v1 =	vadd.f32 v6, v1  }
0x3af: {  	v17 =	vld [tilespmem:$0x630];
	v12 =	vmul.f32 v12, v46;
	v10 =	vsub.f32 v14, v10;
	v54 =	vadd.f32 v23, v16  }
0x3b0: {  	v27 =	vld [tilespmem:$0x1230];
	v59 =	vand.u32 $0x7FFFFFFF, v3;
	v3 =	vmul.f32 v60, v21;
	v21 =	vor.u32 v39, v26  }
0x3b1: {  	v6 =	vld.idx.msk [tilespmem:v52+s22+$0x0], $0xffff;
	v9 =	vadd.f32 v63, v20;
	v25 =	vmul.f32 v18, v25;
	v22 =	vmul.f32 v49, v34  }
0x3b2: {  	v5 =	vld [tilespmem:$0x640];
	v8 =	vmul.f32 v8, v36;
	v0 =	vadd.f32 v10, v0;
	v62 =	vand.u32 $0x7FFFFFFF, v54  }
0x3b3: {  	v57 =	vld [tilespmem:$0x1A80];
	v3 =	vsub.f32 v35, v3;
	v9 =	vand.u32 $0x7FFFFFFF, v9;
	v12 =	vsub.f32 v25, v12  }
0x3b4: {  	v46 =	vld [tilespmem:$0x1E70];
	v25 =	vor.u32 v47, v26;
	v54 =	vmul.f32 v61, v56;
	v22 =	vsub.f32 $1.000000000e+00, v22  }
0x3b5: {  	v49 =	vld [tilespmem:$0x650];
	v8 =	vsub.f32 $1.000000000e+00, v8;
	v0 =	vand.u32 $0x7FFFFFFF, v0;
	v3 =	vadd.f32 v3, v11  }
0x3b6: {  	v52 =	vld [tilespmem:$0xE50];
	v11 =	vmul.f32 v18, v42;
	v12 =	vadd.f32 v12, v24;
	v6 =	vmul.f32 v6, v58  }
0x3b7: {  	v14 =	vld [tilespmem:$0xE30];
	v58 =	vsub.f32 v17, v28;
	v0 =	vadd.f32 v0, v1;
	v51 =	vmul.f32 v22, v32  }
0x3b8: {  	v63 =	vld [tilespmem:$0x660];
	v1 =	vadd.f32 v59, v4;
	v19 =	vmul.f32 v22, v19;
	v8 =	vmul.f32 v8, v15  }
0x3b9: {  	v48 =	vld.idx.msk [tilespmem:v21+s20+$0x0], $0xffff;
	v2 =	vadd.f32 v11, v2;
	v3 =	vand.u32 $0x7FFFFFFF, v3;
	v6 =	vsub.f32 $1.000000000e+00, v6  }
0x3ba: {  	v21 =	vld.idx.msk [tilespmem:v21+s22+$0x0], $0xffff;
	v12 =	vand.u32 $0x7FFFFFFF, v12;
	v11 =	vsub.f32 v49, v50;
	v0 =	vadd.f32 v62, v0  }
0x3bb: {  	v10 =	vld [tilespmem:$0x1630];
	v1 =	vadd.f32 v9, v1;
	v9 =	vor.u32 v45, v26;
	v56 =	vadd.f32 v51, v30  }
0x3bc: {  	v28 =	vld [tilespmem:$0xA60];
	v8 =	vsub.f32 v19, v8;
	v26 =	vsub.f32 v5, v29;
	v2 =	vand.u32 $0x7FFFFFFF, v2  }
0x3bd: {  	v38 =	vld.idx.msk [tilespmem:v25+s22+$0x0], $0xffff;
	v6 =	vmul.f32 v6, v14;
	v0 =	vadd.f32 v3, v0;
	v1 =	vadd.f32 v2, v1  }
0x3be: {  	v42 =	vld.idx.msk [tilespmem:v7+s20+$0x0], $0xffff;
	v2 =	vsub.f32 $1.000000000e+00, v54;
	v8 =	vadd.f32 v8, v13;
	v16 =	vand.u32 $0x7FFFFFFF, v56  }
0x3bf: {  	v59 =	vld [tilespmem:$0x1E80];
	v60 =	vmul.f32 v48, v44;
	v62 =	vmul.f32 v21, v46;
	v0 =	vadd.f32 v12, v0  }
0x3c0: {  	v23 =	vmul.f32 v2, v58;
	v1 =	vadd.f32 v16, v1;
	v2 =	vmul.f32 v2, v17;
	v61 =	vld.idx.msk [tilespmem:v9+s20+$0x0], $0xffff  }
0x3c1: {  	v8 =	vand.u32 $0x7FFFFFFF, v8;
	v9 =	vld.idx.msk [tilespmem:v9+s22+$0x0], $0xffff;
	v12 =	vsub.f32 $1.000000000e+00, v60;
	v16 =	vsub.f32 $1.000000000e+00, v62  }
0x3c2: {  	v50 =	vld [tilespmem:$0xE70];
	v0 =	vadd.f32 v8, v0;
	v2 =	vsub.f32 v2, v6;
	v8 =	vmul.f32 v38, v33  }
0x3c3: {  	v30 =	vld [tilespmem:$0x1A90];
	v29 =	vadd.f32 v23, v27;
	v5 =	vmul.f32 v12, v5;
	v4 =	vmul.f32 v16, v40  }
0x3c4: {  	v35 =	vld.idx.msk [tilespmem:v25+s20+$0x0], $0xffff;
	v54 =	vsub.f32 v63, v28;
	v32 =	vmul.f32 v12, v26;
	v2 =	vadd.f32 v2, v10  }
0x3c5: {  	v44 =	vld.idx.msk [tilespmem:v7+s22+$0x0], $0xffff;
	v34 =	vand.u32 $0x7FFFFFFF, v29;
	v8 =	vsub.f32 $1.000000000e+00, v8;
	v4 =	vsub.f32 v5, v4  }
0x3c6: {  	v6 =	vadd.f32 v32, v41;
	v41 =	vld [tilespmem:$0x1EA0];
	v37 =	vmul.f32 v61, v57;
	v39 =	vmul.f32 v9, v59  }
0x3c7: {  	v40 =	vld [tilespmem:$0x1AA0];
	v1 =	vadd.f32 v34, v1;
	v2 =	vand.u32 $0x7FFFFFFF, v2;
	v4 =	vadd.f32 v4, v43  }
0x3c8: {  	v46 =	vld [tilespmem:$0xE60];
	v6 =	vand.u32 $0x7FFFFFFF, v6;
	v10 =	vsub.f32 $1.000000000e+00, v37;
	v5 =	vsub.f32 $1.000000000e+00, v39  }
0x3c9: {  	v48 =	vld [tilespmem:$0x670];
	v47 =	vmul.f32 v35, v30;
	v0 =	vadd.f32 v2, v0;
	v1 =	vadd.f32 v6, v1  }
0x3ca: {  	v4 =	vand.u32 $0x7FFFFFFF, v4;
	v45 =	vmul.f32 v10, v49;
	v5 =	vmul.f32 v5, v52;
	v49 =	vld [tilespmem:$0xA70]  }
0x3cb: {  	v43 =	vmul.f32 v10, v11;
	v0 =	vadd.f32 v4, v0;
	v6 =	vmul.f32 v44, v41  }
0x3cc: {  	v51 =	vmul.f32 v42, v40;
	v4 =	vsub.f32 $1.000000000e+00, v47;
	v52 =	vld [tilespmem:$0x1260];
	v5 =	vsub.f32 v45, v5  }
0x3cd: {  	v8 =	vmul.f32 v8, v46;
	v2 =	vadd.f32 v43, v53;
	v53 =	vld [tilespmem:$0x1660];
	v6 =	vsub.f32 $1.000000000e+00, v6  }
0x3ce: {  	v56 =	vld [tilespmem:$0x1270];
	v3 =	vadd.f32 v5, v55;
	v55 =	vmul.f32 v4, v63;
	v5 =	vsub.f32 $1.000000000e+00, v51  }
0x3cf: {  	v57 =	vld [tilespmem:$0x1670];
	v4 =	vmul.f32 v4, v54;
	v6 =	vmul.f32 v6, v50;
	v7 =	vsub.f32 v48, v49  }
0x3d0: {  	v2 =	vand.u32 $0x7FFFFFFF, v2;
	v8 =	vsub.f32 v55, v8;
	v11 =	vmul.f32 v5, v48  }
0x3d1: {  	v1 =	vadd.f32 v2, v1;
	v58 =	vadd.f32 v4, v52;
	v59 =	vmul.f32 v5, v7  }
0x3d2: {  	v3 =	vand.u32 $0x7FFFFFFF, v3;
	v60 =	vadd.f32 v8, v53;
	v6 =	vsub.f32 v11, v6  }
0x3d3: {  	v0 =	vadd.f32 v3, v0;
	v2 =	vand.u32 $0x7FFFFFFF, v58;
	v61 =	vadd.f32 v59, v56  }
0x3d4: {  	v1 =	vadd.f32 v2, v1;
	v62 =	vadd.f32 v6, v57;
	v63 =	vand.u32 $0x7FFFFFFF, v60  }
0x3d5: {  	v0 =	vadd.f32 v63, v0;
	v3 =	vand.u32 $0x7FFFFFFF, v61  }
0x3d6: {  	v1 =	vadd.f32 v3, v1;
	v2 =	vand.u32 $0x7FFFFFFF, v62  }
0x3d7: {  	v0 =	vadd.f32 v2, v0  }
0x3d8: {  	s30 =	sshll.u32 s4, $0x5;
	[tilespmem:$0x3030] =	vst v1  }
0x3d9: {  	s31 =	simm.s32 $0x3030;
	s5 =	sadd.s32 s30, s3;
	[tilespmem:$0x3040] =	vst v0  }
0x3da: {  	[spmem:s5] =	stream.linear.scatter [tilespmem:s31], [sflag:$0x2], $0x20, $0x38;
	[tilespmem:$0x3280] =	vst v63  }
0x3db: {  	s5 =	simm.s32 $0x2  }
0x3dc: {  	_ =	swait.ge [sflag:s5], $0x20  }
0x3dd: {  	[sflag:s5] =	ssyncset.done $0x0  }
0x3de: {  	[sflag:s5] =	ssyncadd.s32 $0xFFFFFFE0  }
0x3df: {  	p0 =	sne.s32 s4, $0x0;
	[bflag:$0x0] =	sbarrier.arrive $0xFFFF  }
0x3e0: {  	_ =	sfence.sel @p0 $0x180000  }
0x3e1: {  	[bflag:$0x0] =	sbarrier.arrive @p0 $0xFFFF  }
0x3e2: {  	_ =	strace @p0 $0x90000047  }
0x3e3: {  	[bflag:$0x2] =	sbarrier.arrive @p0 $0xFFFF  }
0x3e4: {  	_ =	shalt @p0  }
.LBB2_1:
0x3e5: {  	s4 =	simm.s32 $0x3050  }
0x3e6: {  	[tilespmem:s4], [sflag:$0x2] =	stream.linear.gather [spmem:s3], $0x200, $0x38;
	[tilespmem:$0x3280] =	vst v63  }
0x3e7: {  	_ =	swait.ge [sflag:s5], $0x200  }
0x3e8: {  	[sflag:s5] =	ssyncset.done $0x0  }
0x3e9: {  	[sflag:s5] =	ssyncadd.s32 $0xFFFFFE00  }
0x3ea: {  	v0 =	vld [tilespmem:$0x3050]  }
0x3eb: {  	v1 =	vld [tilespmem:$0x3060]  }
0x3ec: {  	v2 =	vld [tilespmem:$0x3070]  }
0x3ed: {  	v3 =	vld [tilespmem:$0x3080]  }
0x3ee: {  	v4 =	vld [tilespmem:$0x3090]  }
0x3ef: {  	v5 =	vld [tilespmem:$0x30A0];
	v0 =	vadd.f32 $0.0e+00, v0  }
0x3f0: {  	v6 =	vld [tilespmem:$0x30B0];
	v1 =	vadd.f32 $0.0e+00, v1  }
0x3f1: {  	v37 =	vld [tilespmem:$0x30C0];
	v0 =	vadd.f32 v2, v0  }
0x3f2: {  	v38 =	vld [tilespmem:$0x30D0];
	v1 =	vadd.f32 v3, v1  }
0x3f3: {  	v39 =	vld [tilespmem:$0x30E0];
	v0 =	vadd.f32 v4, v0  }
0x3f4: {  	v40 =	vld [tilespmem:$0x30F0];
	v1 =	vadd.f32 v5, v1  }
0x3f5: {  	v41 =	vld [tilespmem:$0x3100];
	v0 =	vadd.f32 v6, v0  }
0x3f6: {  	v42 =	vld [tilespmem:$0x3110];
	v1 =	vadd.f32 v37, v1  }
0x3f7: {  	v43 =	vld [tilespmem:$0x3120];
	v0 =	vadd.f32 v38, v0  }
0x3f8: {  	v44 =	vld [tilespmem:$0x3130];
	v1 =	vadd.f32 v39, v1  }
0x3f9: {  	v45 =	vld [tilespmem:$0x3140];
	v0 =	vadd.f32 v40, v0  }
0x3fa: {  	v46 =	vld [tilespmem:$0x3150];
	v1 =	vadd.f32 v41, v1  }
0x3fb: {  	v47 =	vld [tilespmem:$0x3160];
	v0 =	vadd.f32 v42, v0  }
0x3fc: {  	v48 =	vld [tilespmem:$0x3170];
	v1 =	vadd.f32 v43, v1  }
0x3fd: {  	v49 =	vld [tilespmem:$0x3180];
	v0 =	vadd.f32 v44, v0  }
0x3fe: {  	v50 =	vld [tilespmem:$0x3190];
	v1 =	vadd.f32 v45, v1  }
0x3ff: {  	v51 =	vld [tilespmem:$0x31A0];
	v0 =	vadd.f32 v46, v0  }
0x400: {  	v52 =	vld [tilespmem:$0x31B0];
	v1 =	vadd.f32 v47, v1  }
0x401: {  	v53 =	vld [tilespmem:$0x31C0];
	v0 =	vadd.f32 v48, v0  }
0x402: {  	v54 =	vld [tilespmem:$0x31D0];
	v1 =	vadd.f32 v49, v1  }
0x403: {  	v55 =	vld [tilespmem:$0x31E0];
	v0 =	vadd.f32 v50, v0  }
0x404: {  	v56 =	vld [tilespmem:$0x31F0];
	v1 =	vadd.f32 v51, v1  }
0x405: {  	v57 =	vld [tilespmem:$0x3200];
	v0 =	vadd.f32 v52, v0  }
0x406: {  	v58 =	vld [tilespmem:$0x3210];
	v1 =	vadd.f32 v53, v1  }
0x407: {  	v59 =	vld [tilespmem:$0x3220];
	v0 =	vadd.f32 v54, v0  }
0x408: {  	v60 =	vld [tilespmem:$0x3230];
	v1 =	vadd.f32 v55, v1  }
0x409: {  	v61 =	vld [tilespmem:$0x3240];
	v0 =	vadd.f32 v56, v0  }
0x40a: {  	v1 =	vadd.f32 v57, v1  }
0x40b: {  	v0 =	vadd.f32 v58, v0  }
0x40c: {  	v1 =	vadd.f32 v59, v1  }
0x40d: {  	v0 =	vadd.f32 v60, v0  }
0x40e: {  	v1 =	vadd.f32 v61, v1  }
0x40f: {  	(xrf2) =	vadd.scan.msk.f32 $0xffff, v0  }
0x410: {  	(xrf2) =	vadd.scan.msk.f32 $0xffff, v1;
	_ =	sdelay $0x8  }
0x411: {  	v0, _, _ =	vpop (xrf2)  }
0x412: {  	(v2sf) =	vpush v0, $0xF;
	v62, _, _ =	vpop (xrf2)  }
0x413: {  	(v2sf) =	vpush v62, $0xF;
	_ =	sdelay $0xd  }
0x414: {  	s29 =	spop (v2sf)  }
0x415: {  	s30 =	spop (v2sf);
	s3 =	smul.f32 s29, s29  }
0x416: {  	s4 =	smul.f32 s30, s30;
	_ =	sdelay $0x1  }
0x417: {  	s3 =	ssub.f32 s4, s3;
	_ =	sdelay $0x1  }
0x418: {  	s3 =	sadd.f32 $1.000000000e+00, s3;
	_ =	sdelay $0x1  }
0x419: {  	s3 =	smax.f32 s3, $0.0e+00  }
0x41a: {  	v63 =	vmov s3  }
0x41b: {  	s31 =	simm.s32 $0x3250;
	[tilespmem:$0x3250] =	vst v63  }
0x41c: {  	[hbm4b:s1+s2] =	stream.linear.scatter [tilespmem:s31], [sflag:$0x2], $0x10, $0x38;
	[tilespmem:$0x3280] =	vst v63  }
0x41d: {  	_ =	swait.ge [sflag:s5], $0x10  }
0x41e: {  	[sflag:s5] =	ssyncset.done $0x0  }
0x41f: {  	[sflag:s5] =	ssyncadd.s32 $0xFFFFFFF0  }
0x420: {  	_ =	sfence.sel $0x180000  }
0x421: {  	[bflag:$0x0] =	sbarrier.arrive $0xFFFF  }
0x422: {  	_ =	strace $0x90000047  }
0x423: {  	s0 =	sadd.s32 $0x100000, s0;
	[bflag:$0x2] =	sbarrier.arrive $0xFFFF  }
0x424: {  	[sflag:s0] =	ssyncadd.tile.s32 $0x1;
	_ =	shalt  }
.Lfunc_end2:
_tile_overlayer_lowered:
.L_overlay_start_2:
0x425: {  	(tag) =	ssettag $0x2  }
0x426: {  	s0 =	rddreg [dreg:$0x0];
	s2 =	stileid.u32  }
0x427: {  	s1 =	rddreg [dreg:$0x1];
	p0 =	sne.s32 s2, $0x0  }
0x428: {  	s3 =	rddreg [dreg:$0x2];
	[bflag:$0x3] =	sbarrier.arrive $0xFFFF;
	s2 =	simm.s32 @!p0 $0x1C02  }
0x429: {  	[timem:s3], [sflag:s2] =	dma.local @!p0 [hbm:s0], s1  }
0x42a: {  	s0 =	simm.s32 @!p0 $0x2  }
0x42b: {  	_ =	swait.ge @!p0 [sflag:s0], s1  }
0x42c: {  	s1 =	ssub.s32 @!p0 $0x0, s1;
	[sflag:s0] =	ssyncset.done @!p0 $0x0  }
0x42d: {  	[sflag:s0] =	ssyncadd.s32 @!p0 s1  }
0x42e: {  	[bflag:$0x3] =	sbarrier.arrive $0xFFFF  }
0x42f: {  	_ =	shalt  }

</sc_bundles>
